<compile_context>
chip_gen: v7x
topology: tpu7x:2x2x1
jax: 0.10.2.dev20260603
libtpu: 0.0.44.dev20260713+nightly
codegen_flags: <defaults>
</compile_context>

<pallas_src>
import functools

import jax
import jax.numpy as jnp
from jax import lax
from jax.experimental import pallas as pl
from jax.experimental.pallas import tpu as pltpu, tpu_sc as plsc

VOCAB = 1000000
D = 32
MAX_LEN = 200
BATCH = 16384
SEQ = 200
TOTAL = BATCH * SEQ

NC, NS = 2, 16
NW = NC * NS
G = 128
C = 1024
NG = C // G
PER_W = TOTAL // NW
CHUNKS = PER_W // C
GU_PER_W = PER_W // G


def _emb_kernel(tok_hbm, pos_hbm, item_hbm, ptab_hbm, out_hbm,
                idx_t0, idx_t1, idx_p0, idx_p1, rows0, rows1, ptab_v,
                gsem0, gsem1, wsem0, wsem1):
    wid = lax.axis_index("c") * NS + lax.axis_index("s")
    gu_base = wid * GU_PER_W
    el_base = wid * PER_W

    idx_t = (idx_t0, idx_t1)
    idx_p = (idx_p0, idx_p1)
    rows = (rows0, rows1)
    gsem = (gsem0, gsem1)
    wsem = (wsem0, wsem1)

    pltpu.sync_copy(ptab_hbm, ptab_v)

    def stage_and_fire(i, b):
        pltpu.sync_copy(tok_hbm.at[pl.ds(gu_base + i * NG, NG)], idx_t[b])
        pltpu.sync_copy(pos_hbm.at[pl.ds(el_base + i * C, C)], idx_p[b])
        for j in range(NG):
            pltpu.async_copy(item_hbm.at[idx_t[b].at[j]],
                             rows[b].at[pl.ds(j * G, G)], gsem[b])

    def wait_gathers(b):
        for j in range(NG):
            pltpu.make_async_copy(item_hbm.at[idx_t[b].at[j]],
                                  rows[b].at[pl.ds(j * G, G)],
                                  gsem[b]).wait()

    def wb_descr(i, b):
        return pltpu.make_async_copy(
            rows[b], out_hbm.at[pl.ds(el_base + i * C, C)], wsem[b])

    def add_pos(b):
        rbuf, pbuf = rows[b], idx_p[b]

        @plsc.parallel_loop(0, C // 16, unroll=4)
        def add_body(g):
            p16 = pbuf[pl.ds(g * 16, 16)] * D
            for k in range(16):
                e = g * 16 + k
                bofs = p16[k]
                for d0 in (0, 16):
                    pv = ptab_v[pl.ds(bofs + d0, 16)]
                    plsc.addupdate(rbuf.at[e, pl.ds(d0, 16)], pv)

    def step(i, b):
        wait_gathers(b)
        add_pos(b)
        wb_descr(i, b).start()
        nb = 1 - b

        @pl.when(i + 1 < CHUNKS)
        def _prefetch():
            stage_and_fire(i + 1, nb)

        @pl.when(i >= 1)
        def _drain_prev_wb():
            wb_descr(i - 1, nb).wait()

    stage_and_fire(0, 0)

    def pair_body(ii, carry):
        step(2 * ii, 0)
        step(2 * ii + 1, 1)
        return carry

    lax.fori_loop(0, CHUNKS // 2, pair_body, 0)
    wb_descr(CHUNKS - 1, (CHUNKS - 1) % 2).wait()


def _tc_item_linearize_kernel(x_ref, o_ref):
    y = x_ref[...].T.reshape(2048, 4, D)
    for c in range(4):
        o_ref[:, pl.ds(c * D, D)] = y[:, c, :]


def _tc_transpose_kernel(x_ref, o_ref):
    y = x_ref[...].reshape(128, SEQ * D // 128, 128).transpose(1, 2, 0)
    o_ref[:, :, 0, :, :] = y.reshape(SEQ, D // 8, 8, 128)


@jax.jit
def kernel(tokens, positions, item_table, pos_table):
    tok2d = tokens.reshape(TOTAL // G, G)
    pos1d = positions.reshape(TOTAL)

    item_lin = pl.pallas_call(
        _tc_item_linearize_kernel,
        grid=(VOCAB // 8192 + 1,),
        in_specs=[pl.BlockSpec((D, 8192), lambda i: (0, i))],
        out_specs=pl.BlockSpec((2048, 128), lambda i: (i, 0)),
        out_shape=jax.ShapeDtypeStruct((VOCAB // 4, 128), jnp.float32),
    )(item_table.T)

    mesh = plsc.VectorSubcoreMesh(core_axis_name="c", subcore_axis_name="s")
    run = functools.partial(
        pl.kernel,
        out_type=jax.ShapeDtypeStruct((TOTAL, D), jnp.float32),
        mesh=mesh,
        scratch_types=[
            pltpu.VMEM((NG, G), jnp.int32),
            pltpu.VMEM((NG, G), jnp.int32),
            pltpu.VMEM((C,), jnp.int32),
            pltpu.VMEM((C,), jnp.int32),
            pltpu.VMEM((C, D), jnp.float32),
            pltpu.VMEM((C, D), jnp.float32),
            pltpu.VMEM((MAX_LEN * D,), jnp.float32),
            pltpu.SemaphoreType.DMA,
            pltpu.SemaphoreType.DMA,
            pltpu.SemaphoreType.DMA,
            pltpu.SemaphoreType.DMA,
        ],
        compiler_params=pltpu.CompilerParams(use_tc_tiling_on_sc=False),
    )(_emb_kernel)
    flat = run(tok2d, pos1d, item_lin.reshape(VOCAB, D),
               pos_table.reshape(MAX_LEN * D))

    x3 = flat.reshape(TOTAL * D // 128, 128)
    out5 = pl.pallas_call(
        _tc_transpose_kernel,
        grid=(BATCH // 128,),
        in_specs=[pl.BlockSpec((SEQ * D, 128),
                               lambda bt: (bt, 0))],
        out_specs=pl.BlockSpec((SEQ, D // 8, 1, 8, 128),
                               lambda bt: (0, 0, bt, 0, 0)),
        out_shape=jax.ShapeDtypeStruct((SEQ, D // 8, BATCH // 128, 8, 128),
                                       jnp.float32),
    )(x3)
    return out5.transpose(2, 4, 0, 1, 3).reshape(BATCH, SEQ, D)

# --- scband reference (transcript-rebuilt; emitter-appended) ---
"""Pipeline reference for scband-emb-79182017069324 (READ-ONLY COPY).

The authoritative reference and input builder live on the scoring server;
editing this copy changes nothing except your own understanding.
"""

import jax, jax.numpy as jnp
import numpy as np

VOCAB = 1000000
D_MODEL = 32
MAX_LEN = 200
BATCH = 16384
SEQ = 200


def setup_inputs(seed: int = 0) -> dict:
    key = jax.random.key(seed)
    k1, k2, k3, k4 = jax.random.split(key, 4)
    tokens = jax.random.randint(k1, (BATCH, SEQ), 0, VOCAB, dtype=jnp.int64 if jax.config.jax_enable_x64 else jnp.int32)
    positions = jax.random.randint(k2, (BATCH, SEQ), 0, MAX_LEN, dtype=jnp.int64 if jax.config.jax_enable_x64 else jnp.int32)
    item_table = jax.random.normal(k3, (VOCAB, D_MODEL), dtype=jnp.float32)
    pos_table = jax.random.normal(k4, (MAX_LEN, D_MODEL), dtype=jnp.float32)
    return {"tokens": tokens, "positions": positions, "item_table": item_table, "pos_table": pos_table}


def reference(tokens, positions, item_table, pos_table):
    input_emb = jnp.take(item_table, tokens, axis=0) + jnp.take(pos_table, positions, axis=0)
    return input_emb

if __name__ == "__main__":
    import jax
    _d = setup_inputs()
    print(jax.jit(kernel)(*tuple(_d.values())))

</pallas_src>

<mosaic_0001>
#map = affine_map<(d0, d1) -> (0, 0)>
#map1 = affine_map<(d0, d1) -> (0)>
module attributes {stable_mosaic.version = 14 : i64} {
  func.func @_emb_kernel(%arg0: i32, %arg1: i32, %arg2: memref<25600x128xi32, #tpu.memory_space<hbm>>, %arg3: memref<3276800xi32, #tpu.memory_space<hbm>>, %arg4: memref<1000000x32xf32, #tpu.memory_space<hbm>>, %arg5: memref<6400xf32, #tpu.memory_space<hbm>>, %arg6: memref<3276800x32xf32, #tpu.memory_space<hbm>>, %arg7: memref<8x128xi32, #tpu.memory_space<vmem>>, %arg8: memref<8x128xi32, #tpu.memory_space<vmem>>, %arg9: memref<1024xi32, #tpu.memory_space<vmem>>, %arg10: memref<1024xi32, #tpu.memory_space<vmem>>, %arg11: memref<1024x32xf32, #tpu.memory_space<vmem>>, %arg12: memref<1024x32xf32, #tpu.memory_space<vmem>>, %arg13: memref<6400xf32, #tpu.memory_space<vmem>>, %arg14: memref<!tpu.dma_semaphore, #tpu.memory_space<semaphore_mem>>, %arg15: memref<!tpu.dma_semaphore, #tpu.memory_space<semaphore_mem>>, %arg16: memref<!tpu.dma_semaphore, #tpu.memory_space<semaphore_mem>>, %arg17: memref<!tpu.dma_semaphore, #tpu.memory_space<semaphore_mem>>) attributes {dimension_semantics = [#tpu.dimension_semantics<core_parallel>, #tpu.dimension_semantics<subcore_parallel>], iteration_bounds = array<i64: 2, 16>, scalar_prefetch = 0 : i64, scratch_operands = 11 : i64, tpu.core_type = #tpu.core_type<sc_vector_subcore>, window_params = [{transform_indices = #map}, {transform_indices = #map1}, {transform_indices = #map}, {transform_indices = #map1}, {transform_indices = #map}]} {
    %mul3A = arith.constant 16 : i32
    %mul3A_0 = arith.muli %arg0, %mul3A : i32
    %add3A = arith.addi %mul3A_0, %arg1 : i32
    %mul3A_1 = arith.constant 800 : i32
    %mul3A_2 = arith.muli %add3A, %mul3A_1 : i32
    %mul3A_3 = arith.constant 102400 : i32
    %mul3A_4 = arith.muli %add3A, %mul3A_3 : i32
    "tpu.region"() ({
      %run_scoped3A = tpu.sem_alloc : memref<!tpu.dma_semaphore, #tpu.memory_space<semaphore_mem>>
      tpu.enqueue_dma source(%arg5 : memref<6400xf32, #tpu.memory_space<hbm>>) target(%arg13 : memref<6400xf32, #tpu.memory_space<vmem>>) target_semaphore(%run_scoped3A : memref<!tpu.dma_semaphore, #tpu.memory_space<semaphore_mem>>)
      tpu.wait_dma2 semaphore(%run_scoped3A : memref<!tpu.dma_semaphore, #tpu.memory_space<semaphore_mem>>) src(%arg5 : memref<6400xf32, #tpu.memory_space<hbm>>) dst(%arg13 : memref<6400xf32, #tpu.memory_space<vmem>>)
      tpu.yield
    }) : () -> ()
    %add3A_5 = arith.constant 0 : i32
    %add3A_6 = arith.addi %mul3A_2, %add3A_5 : i32
    "tpu.region"() ({
      %run_scoped3A = tpu.sem_alloc : memref<!tpu.dma_semaphore, #tpu.memory_space<semaphore_mem>>
      %dma_start3A_98 = arith.constant 0 : i32
      %dma_start3A_99 = tpu.memref_slice %arg2[%add3A_6, %dma_start3A_98] : memref<25600x128xi32, #tpu.memory_space<hbm>> -> memref<8x128xi32, #tpu.memory_space<hbm>>
      %dma_start3A_100 = arith.constant 0 : i32
      %dma_start3A_101 = tpu.memref_slice %arg2[%add3A_6, %dma_start3A_100] : memref<25600x128xi32, #tpu.memory_space<hbm>> -> memref<8x128xi32, #tpu.memory_space<hbm>>
      tpu.enqueue_dma source(%dma_start3A_101 : memref<8x128xi32, #tpu.memory_space<hbm>>) target(%arg7 : memref<8x128xi32, #tpu.memory_space<vmem>>) target_semaphore(%run_scoped3A : memref<!tpu.dma_semaphore, #tpu.memory_space<semaphore_mem>>)
      %dma_wait3A_102 = arith.constant 0 : i32
      %dma_wait3A_103 = tpu.memref_slice %arg2[%add3A_6, %dma_wait3A_102] : memref<25600x128xi32, #tpu.memory_space<hbm>> -> memref<8x128xi32, #tpu.memory_space<hbm>>
      %dma_wait3A_104 = arith.constant 0 : i32
      %dma_wait3A_105 = tpu.memref_slice %arg2[%add3A_6, %dma_wait3A_104] : memref<25600x128xi32, #tpu.memory_space<hbm>> -> memref<8x128xi32, #tpu.memory_space<hbm>>
      tpu.wait_dma2 semaphore(%run_scoped3A : memref<!tpu.dma_semaphore, #tpu.memory_space<semaphore_mem>>) src(%dma_wait3A_105 : memref<8x128xi32, #tpu.memory_space<hbm>>) dst(%arg7 : memref<8x128xi32, #tpu.memory_space<vmem>>)
      tpu.yield
    }) : () -> ()
    %add3A_7 = arith.constant 0 : i32
    %add3A_8 = arith.addi %mul3A_4, %add3A_7 : i32
    "tpu.region"() ({
      %run_scoped3A = tpu.sem_alloc : memref<!tpu.dma_semaphore, #tpu.memory_space<semaphore_mem>>
      %dma_start3A_98 = tpu.memref_slice %arg3[%add3A_8] : memref<3276800xi32, #tpu.memory_space<hbm>> -> memref<1024xi32, #tpu.memory_space<hbm>>
      %dma_start3A_99 = tpu.memref_slice %arg3[%add3A_8] : memref<3276800xi32, #tpu.memory_space<hbm>> -> memref<1024xi32, #tpu.memory_space<hbm>>
      tpu.enqueue_dma source(%dma_start3A_99 : memref<1024xi32, #tpu.memory_space<hbm>>) target(%arg9 : memref<1024xi32, #tpu.memory_space<vmem>>) target_semaphore(%run_scoped3A : memref<!tpu.dma_semaphore, #tpu.memory_space<semaphore_mem>>)
      %dma_wait3A_100 = tpu.memref_slice %arg3[%add3A_8] : memref<3276800xi32, #tpu.memory_space<hbm>> -> memref<1024xi32, #tpu.memory_space<hbm>>
      %dma_wait3A_101 = tpu.memref_slice %arg3[%add3A_8] : memref<3276800xi32, #tpu.memory_space<hbm>> -> memref<1024xi32, #tpu.memory_space<hbm>>
      tpu.wait_dma2 semaphore(%run_scoped3A : memref<!tpu.dma_semaphore, #tpu.memory_space<semaphore_mem>>) src(%dma_wait3A_101 : memref<1024xi32, #tpu.memory_space<hbm>>) dst(%arg9 : memref<1024xi32, #tpu.memory_space<vmem>>)
      tpu.yield
    }) : () -> ()
    %dma_start3A = arith.constant 0 : i32
    %dma_start3A_9 = arith.constant 0 : i32
    %dma_start3A_10 = arith.constant 0 : i32
    %dma_start3A_11 = tpu.memref_slice %arg11[%dma_start3A_9, %dma_start3A_10] : memref<1024x32xf32, #tpu.memory_space<vmem>> -> memref<128x32xf32, #tpu.memory_space<vmem>>
    %dma_start3A_12 = arith.constant 0 : i32
    %dma_start3A_13 = tpu.memref_slice %arg7[%dma_start3A, %dma_start3A_12] : memref<8x128xi32, #tpu.memory_space<vmem>> -> memref<1x128xi32, #tpu.memory_space<vmem>>
    %dma_start3A_14 = tpu.memref_squeeze %dma_start3A_13 : memref<1x128xi32, #tpu.memory_space<vmem>> -> memref<128xi32, #tpu.memory_space<vmem>>
    %dma_start3A_15 = arith.constant 0 : i32
    %dma_start3A_16 = arith.constant 0 : i32
    %dma_start3A_17 = tpu.memref_slice %arg4[%dma_start3A_15, %dma_start3A_16] : memref<1000000x32xf32, #tpu.memory_space<hbm>> -> memref<1000000x32xf32, #tpu.memory_space<hbm>>
    tpu.enqueue_indirect_dma source(%dma_start3A_17 : memref<1000000x32xf32, #tpu.memory_space<hbm>>) target(%dma_start3A_11 : memref<128x32xf32, #tpu.memory_space<vmem>>) offsets(%dma_start3A_14 : memref<128xi32, #tpu.memory_space<vmem>>) semaphore(%arg14 : memref<!tpu.dma_semaphore, #tpu.memory_space<semaphore_mem>>)
    %dma_start3A_18 = arith.constant 1 : i32
    %dma_start3A_19 = arith.constant 128 : i32
    %dma_start3A_20 = arith.constant 0 : i32
    %dma_start3A_21 = tpu.memref_slice %arg11[%dma_start3A_19, %dma_start3A_20] : memref<1024x32xf32, #tpu.memory_space<vmem>> -> memref<128x32xf32, #tpu.memory_space<vmem>>
    %dma_start3A_22 = arith.constant 0 : i32
    %dma_start3A_23 = tpu.memref_slice %arg7[%dma_start3A_18, %dma_start3A_22] : memref<8x128xi32, #tpu.memory_space<vmem>> -> memref<1x128xi32, #tpu.memory_space<vmem>>
    %dma_start3A_24 = tpu.memref_squeeze %dma_start3A_23 : memref<1x128xi32, #tpu.memory_space<vmem>> -> memref<128xi32, #tpu.memory_space<vmem>>
    %dma_start3A_25 = arith.constant 0 : i32
    %dma_start3A_26 = arith.constant 0 : i32
    %dma_start3A_27 = tpu.memref_slice %arg4[%dma_start3A_25, %dma_start3A_26] : memref<1000000x32xf32, #tpu.memory_space<hbm>> -> memref<1000000x32xf32, #tpu.memory_space<hbm>>
    tpu.enqueue_indirect_dma source(%dma_start3A_27 : memref<1000000x32xf32, #tpu.memory_space<hbm>>) target(%dma_start3A_21 : memref<128x32xf32, #tpu.memory_space<vmem>>) offsets(%dma_start3A_24 : memref<128xi32, #tpu.memory_space<vmem>>) semaphore(%arg14 : memref<!tpu.dma_semaphore, #tpu.memory_space<semaphore_mem>>)
    %dma_start3A_28 = arith.constant 2 : i32
    %dma_start3A_29 = arith.constant 256 : i32
    %dma_start3A_30 = arith.constant 0 : i32
    %dma_start3A_31 = tpu.memref_slice %arg11[%dma_start3A_29, %dma_start3A_30] : memref<1024x32xf32, #tpu.memory_space<vmem>> -> memref<128x32xf32, #tpu.memory_space<vmem>>
    %dma_start3A_32 = arith.constant 0 : i32
    %dma_start3A_33 = tpu.memref_slice %arg7[%dma_start3A_28, %dma_start3A_32] : memref<8x128xi32, #tpu.memory_space<vmem>> -> memref<1x128xi32, #tpu.memory_space<vmem>>
    %dma_start3A_34 = tpu.memref_squeeze %dma_start3A_33 : memref<1x128xi32, #tpu.memory_space<vmem>> -> memref<128xi32, #tpu.memory_space<vmem>>
    %dma_start3A_35 = arith.constant 0 : i32
    %dma_start3A_36 = arith.constant 0 : i32
    %dma_start3A_37 = tpu.memref_slice %arg4[%dma_start3A_35, %dma_start3A_36] : memref<1000000x32xf32, #tpu.memory_space<hbm>> -> memref<1000000x32xf32, #tpu.memory_space<hbm>>
    tpu.enqueue_indirect_dma source(%dma_start3A_37 : memref<1000000x32xf32, #tpu.memory_space<hbm>>) target(%dma_start3A_31 : memref<128x32xf32, #tpu.memory_space<vmem>>) offsets(%dma_start3A_34 : memref<128xi32, #tpu.memory_space<vmem>>) semaphore(%arg14 : memref<!tpu.dma_semaphore, #tpu.memory_space<semaphore_mem>>)
    %dma_start3A_38 = arith.constant 3 : i32
    %dma_start3A_39 = arith.constant 384 : i32
    %dma_start3A_40 = arith.constant 0 : i32
    %dma_start3A_41 = tpu.memref_slice %arg11[%dma_start3A_39, %dma_start3A_40] : memref<1024x32xf32, #tpu.memory_space<vmem>> -> memref<128x32xf32, #tpu.memory_space<vmem>>
    %dma_start3A_42 = arith.constant 0 : i32
    %dma_start3A_43 = tpu.memref_slice %arg7[%dma_start3A_38, %dma_start3A_42] : memref<8x128xi32, #tpu.memory_space<vmem>> -> memref<1x128xi32, #tpu.memory_space<vmem>>
    %dma_start3A_44 = tpu.memref_squeeze %dma_start3A_43 : memref<1x128xi32, #tpu.memory_space<vmem>> -> memref<128xi32, #tpu.memory_space<vmem>>
    %dma_start3A_45 = arith.constant 0 : i32
    %dma_start3A_46 = arith.constant 0 : i32
    %dma_start3A_47 = tpu.memref_slice %arg4[%dma_start3A_45, %dma_start3A_46] : memref<1000000x32xf32, #tpu.memory_space<hbm>> -> memref<1000000x32xf32, #tpu.memory_space<hbm>>
    tpu.enqueue_indirect_dma source(%dma_start3A_47 : memref<1000000x32xf32, #tpu.memory_space<hbm>>) target(%dma_start3A_41 : memref<128x32xf32, #tpu.memory_space<vmem>>) offsets(%dma_start3A_44 : memref<128xi32, #tpu.memory_space<vmem>>) semaphore(%arg14 : memref<!tpu.dma_semaphore, #tpu.memory_space<semaphore_mem>>)
    %dma_start3A_48 = arith.constant 4 : i32
    %dma_start3A_49 = arith.constant 512 : i32
    %dma_start3A_50 = arith.constant 0 : i32
    %dma_start3A_51 = tpu.memref_slice %arg11[%dma_start3A_49, %dma_start3A_50] : memref<1024x32xf32, #tpu.memory_space<vmem>> -> memref<128x32xf32, #tpu.memory_space<vmem>>
    %dma_start3A_52 = arith.constant 0 : i32
    %dma_start3A_53 = tpu.memref_slice %arg7[%dma_start3A_48, %dma_start3A_52] : memref<8x128xi32, #tpu.memory_space<vmem>> -> memref<1x128xi32, #tpu.memory_space<vmem>>
    %dma_start3A_54 = tpu.memref_squeeze %dma_start3A_53 : memref<1x128xi32, #tpu.memory_space<vmem>> -> memref<128xi32, #tpu.memory_space<vmem>>
    %dma_start3A_55 = arith.constant 0 : i32
    %dma_start3A_56 = arith.constant 0 : i32
    %dma_start3A_57 = tpu.memref_slice %arg4[%dma_start3A_55, %dma_start3A_56] : memref<1000000x32xf32, #tpu.memory_space<hbm>> -> memref<1000000x32xf32, #tpu.memory_space<hbm>>
    tpu.enqueue_indirect_dma source(%dma_start3A_57 : memref<1000000x32xf32, #tpu.memory_space<hbm>>) target(%dma_start3A_51 : memref<128x32xf32, #tpu.memory_space<vmem>>) offsets(%dma_start3A_54 : memref<128xi32, #tpu.memory_space<vmem>>) semaphore(%arg14 : memref<!tpu.dma_semaphore, #tpu.memory_space<semaphore_mem>>)
    %dma_start3A_58 = arith.constant 5 : i32
    %dma_start3A_59 = arith.constant 640 : i32
    %dma_start3A_60 = arith.constant 0 : i32
    %dma_start3A_61 = tpu.memref_slice %arg11[%dma_start3A_59, %dma_start3A_60] : memref<1024x32xf32, #tpu.memory_space<vmem>> -> memref<128x32xf32, #tpu.memory_space<vmem>>
    %dma_start3A_62 = arith.constant 0 : i32
    %dma_start3A_63 = tpu.memref_slice %arg7[%dma_start3A_58, %dma_start3A_62] : memref<8x128xi32, #tpu.memory_space<vmem>> -> memref<1x128xi32, #tpu.memory_space<vmem>>
    %dma_start3A_64 = tpu.memref_squeeze %dma_start3A_63 : memref<1x128xi32, #tpu.memory_space<vmem>> -> memref<128xi32, #tpu.memory_space<vmem>>
    %dma_start3A_65 = arith.constant 0 : i32
    %dma_start3A_66 = arith.constant 0 : i32
    %dma_start3A_67 = tpu.memref_slice %arg4[%dma_start3A_65, %dma_start3A_66] : memref<1000000x32xf32, #tpu.memory_space<hbm>> -> memref<1000000x32xf32, #tpu.memory_space<hbm>>
    tpu.enqueue_indirect_dma source(%dma_start3A_67 : memref<1000000x32xf32, #tpu.memory_space<hbm>>) target(%dma_start3A_61 : memref<128x32xf32, #tpu.memory_space<vmem>>) offsets(%dma_start3A_64 : memref<128xi32, #tpu.memory_space<vmem>>) semaphore(%arg14 : memref<!tpu.dma_semaphore, #tpu.memory_space<semaphore_mem>>)
    %dma_start3A_68 = arith.constant 6 : i32
    %dma_start3A_69 = arith.constant 768 : i32
    %dma_start3A_70 = arith.constant 0 : i32
    %dma_start3A_71 = tpu.memref_slice %arg11[%dma_start3A_69, %dma_start3A_70] : memref<1024x32xf32, #tpu.memory_space<vmem>> -> memref<128x32xf32, #tpu.memory_space<vmem>>
    %dma_start3A_72 = arith.constant 0 : i32
    %dma_start3A_73 = tpu.memref_slice %arg7[%dma_start3A_68, %dma_start3A_72] : memref<8x128xi32, #tpu.memory_space<vmem>> -> memref<1x128xi32, #tpu.memory_space<vmem>>
    %dma_start3A_74 = tpu.memref_squeeze %dma_start3A_73 : memref<1x128xi32, #tpu.memory_space<vmem>> -> memref<128xi32, #tpu.memory_space<vmem>>
    %dma_start3A_75 = arith.constant 0 : i32
    %dma_start3A_76 = arith.constant 0 : i32
    %dma_start3A_77 = tpu.memref_slice %arg4[%dma_start3A_75, %dma_start3A_76] : memref<1000000x32xf32, #tpu.memory_space<hbm>> -> memref<1000000x32xf32, #tpu.memory_space<hbm>>
    tpu.enqueue_indirect_dma source(%dma_start3A_77 : memref<1000000x32xf32, #tpu.memory_space<hbm>>) target(%dma_start3A_71 : memref<128x32xf32, #tpu.memory_space<vmem>>) offsets(%dma_start3A_74 : memref<128xi32, #tpu.memory_space<vmem>>) semaphore(%arg14 : memref<!tpu.dma_semaphore, #tpu.memory_space<semaphore_mem>>)
    %dma_start3A_78 = arith.constant 7 : i32
    %dma_start3A_79 = arith.constant 896 : i32
    %dma_start3A_80 = arith.constant 0 : i32
    %dma_start3A_81 = tpu.memref_slice %arg11[%dma_start3A_79, %dma_start3A_80] : memref<1024x32xf32, #tpu.memory_space<vmem>> -> memref<128x32xf32, #tpu.memory_space<vmem>>
    %dma_start3A_82 = arith.constant 0 : i32
    %dma_start3A_83 = tpu.memref_slice %arg7[%dma_start3A_78, %dma_start3A_82] : memref<8x128xi32, #tpu.memory_space<vmem>> -> memref<1x128xi32, #tpu.memory_space<vmem>>
    %dma_start3A_84 = tpu.memref_squeeze %dma_start3A_83 : memref<1x128xi32, #tpu.memory_space<vmem>> -> memref<128xi32, #tpu.memory_space<vmem>>
    %dma_start3A_85 = arith.constant 0 : i32
    %dma_start3A_86 = arith.constant 0 : i32
    %dma_start3A_87 = tpu.memref_slice %arg4[%dma_start3A_85, %dma_start3A_86] : memref<1000000x32xf32, #tpu.memory_space<hbm>> -> memref<1000000x32xf32, #tpu.memory_space<hbm>>
    tpu.enqueue_indirect_dma source(%dma_start3A_87 : memref<1000000x32xf32, #tpu.memory_space<hbm>>) target(%dma_start3A_81 : memref<128x32xf32, #tpu.memory_space<vmem>>) offsets(%dma_start3A_84 : memref<128xi32, #tpu.memory_space<vmem>>) semaphore(%arg14 : memref<!tpu.dma_semaphore, #tpu.memory_space<semaphore_mem>>)
    %scan3A = arith.constant 0 : i32
    %scan3A_88 = arith.constant 0 : i32
    %scan3A_89 = arith.constant 50 : i32
    %scan3A_90 = arith.addi %scan3A_88, %scan3A_89 : i32
    %scan3A_91 = arith.constant 1 : i32
    scf.for %scan3A_98 = %scan3A_88 to %scan3A_90 step %scan3A_91  : i32 {
      %mul3A_99 = arith.constant 2 : i32
      %mul3A_100 = arith.muli %mul3A_99, %scan3A_98 : i32
      %dma_wait3A_101 = arith.constant 0 : i32
      %dma_wait3A_102 = arith.constant 0 : i32
      %dma_wait3A_103 = arith.constant 0 : i32
      %dma_wait3A_104 = tpu.memref_slice %arg11[%dma_wait3A_102, %dma_wait3A_103] : memref<1024x32xf32, #tpu.memory_space<vmem>> -> memref<128x32xf32, #tpu.memory_space<vmem>>
      %dma_wait3A_105 = arith.constant 0 : i32
      %dma_wait3A_106 = tpu.memref_slice %arg7[%dma_wait3A_101, %dma_wait3A_105] : memref<8x128xi32, #tpu.memory_space<vmem>> -> memref<1x128xi32, #tpu.memory_space<vmem>>
      %dma_wait3A_107 = tpu.memref_squeeze %dma_wait3A_106 : memref<1x128xi32, #tpu.memory_space<vmem>> -> memref<128xi32, #tpu.memory_space<vmem>>
      %dma_wait3A_108 = arith.constant 0 : i32
      %dma_wait3A_109 = arith.constant 0 : i32
      %dma_wait3A_110 = tpu.memref_slice %arg4[%dma_wait3A_108, %dma_wait3A_109] : memref<1000000x32xf32, #tpu.memory_space<hbm>> -> memref<1000000x32xf32, #tpu.memory_space<hbm>>
      tpu.wait_indirect_dma semaphore(%arg14 : memref<!tpu.dma_semaphore, #tpu.memory_space<semaphore_mem>>) src(%dma_wait3A_110 : memref<1000000x32xf32, #tpu.memory_space<hbm>>) dst(%dma_wait3A_104 : memref<128x32xf32, #tpu.memory_space<vmem>>)
      %dma_wait3A_111 = arith.constant 1 : i32
      %dma_wait3A_112 = arith.constant 128 : i32
      %dma_wait3A_113 = arith.constant 0 : i32
      %dma_wait3A_114 = tpu.memref_slice %arg11[%dma_wait3A_112, %dma_wait3A_113] : memref<1024x32xf32, #tpu.memory_space<vmem>> -> memref<128x32xf32, #tpu.memory_space<vmem>>
      %dma_wait3A_115 = arith.constant 0 : i32
      %dma_wait3A_116 = tpu.memref_slice %arg7[%dma_wait3A_111, %dma_wait3A_115] : memref<8x128xi32, #tpu.memory_space<vmem>> -> memref<1x128xi32, #tpu.memory_space<vmem>>
      %dma_wait3A_117 = tpu.memref_squeeze %dma_wait3A_116 : memref<1x128xi32, #tpu.memory_space<vmem>> -> memref<128xi32, #tpu.memory_space<vmem>>
      %dma_wait3A_118 = arith.constant 0 : i32
      %dma_wait3A_119 = arith.constant 0 : i32
      %dma_wait3A_120 = tpu.memref_slice %arg4[%dma_wait3A_118, %dma_wait3A_119] : memref<1000000x32xf32, #tpu.memory_space<hbm>> -> memref<1000000x32xf32, #tpu.memory_space<hbm>>
      tpu.wait_indirect_dma semaphore(%arg14 : memref<!tpu.dma_semaphore, #tpu.memory_space<semaphore_mem>>) src(%dma_wait3A_120 : memref<1000000x32xf32, #tpu.memory_space<hbm>>) dst(%dma_wait3A_114 : memref<128x32xf32, #tpu.memory_space<vmem>>)
      %dma_wait3A_121 = arith.constant 2 : i32
      %dma_wait3A_122 = arith.constant 256 : i32
      %dma_wait3A_123 = arith.constant 0 : i32
      %dma_wait3A_124 = tpu.memref_slice %arg11[%dma_wait3A_122, %dma_wait3A_123] : memref<1024x32xf32, #tpu.memory_space<vmem>> -> memref<128x32xf32, #tpu.memory_space<vmem>>
      %dma_wait3A_125 = arith.constant 0 : i32
      %dma_wait3A_126 = tpu.memref_slice %arg7[%dma_wait3A_121, %dma_wait3A_125] : memref<8x128xi32, #tpu.memory_space<vmem>> -> memref<1x128xi32, #tpu.memory_space<vmem>>
      %dma_wait3A_127 = tpu.memref_squeeze %dma_wait3A_126 : memref<1x128xi32, #tpu.memory_space<vmem>> -> memref<128xi32, #tpu.memory_space<vmem>>
      %dma_wait3A_128 = arith.constant 0 : i32
      %dma_wait3A_129 = arith.constant 0 : i32
      %dma_wait3A_130 = tpu.memref_slice %arg4[%dma_wait3A_128, %dma_wait3A_129] : memref<1000000x32xf32, #tpu.memory_space<hbm>> -> memref<1000000x32xf32, #tpu.memory_space<hbm>>
      tpu.wait_indirect_dma semaphore(%arg14 : memref<!tpu.dma_semaphore, #tpu.memory_space<semaphore_mem>>) src(%dma_wait3A_130 : memref<1000000x32xf32, #tpu.memory_space<hbm>>) dst(%dma_wait3A_124 : memref<128x32xf32, #tpu.memory_space<vmem>>)
      %dma_wait3A_131 = arith.constant 3 : i32
      %dma_wait3A_132 = arith.constant 384 : i32
      %dma_wait3A_133 = arith.constant 0 : i32
      %dma_wait3A_134 = tpu.memref_slice %arg11[%dma_wait3A_132, %dma_wait3A_133] : memref<1024x32xf32, #tpu.memory_space<vmem>> -> memref<128x32xf32, #tpu.memory_space<vmem>>
      %dma_wait3A_135 = arith.constant 0 : i32
      %dma_wait3A_136 = tpu.memref_slice %arg7[%dma_wait3A_131, %dma_wait3A_135] : memref<8x128xi32, #tpu.memory_space<vmem>> -> memref<1x128xi32, #tpu.memory_space<vmem>>
      %dma_wait3A_137 = tpu.memref_squeeze %dma_wait3A_136 : memref<1x128xi32, #tpu.memory_space<vmem>> -> memref<128xi32, #tpu.memory_space<vmem>>
      %dma_wait3A_138 = arith.constant 0 : i32
      %dma_wait3A_139 = arith.constant 0 : i32
      %dma_wait3A_140 = tpu.memref_slice %arg4[%dma_wait3A_138, %dma_wait3A_139] : memref<1000000x32xf32, #tpu.memory_space<hbm>> -> memref<1000000x32xf32, #tpu.memory_space<hbm>>
      tpu.wait_indirect_dma semaphore(%arg14 : memref<!tpu.dma_semaphore, #tpu.memory_space<semaphore_mem>>) src(%dma_wait3A_140 : memref<1000000x32xf32, #tpu.memory_space<hbm>>) dst(%dma_wait3A_134 : memref<128x32xf32, #tpu.memory_space<vmem>>)
      %dma_wait3A_141 = arith.constant 4 : i32
      %dma_wait3A_142 = arith.constant 512 : i32
      %dma_wait3A_143 = arith.constant 0 : i32
      %dma_wait3A_144 = tpu.memref_slice %arg11[%dma_wait3A_142, %dma_wait3A_143] : memref<1024x32xf32, #tpu.memory_space<vmem>> -> memref<128x32xf32, #tpu.memory_space<vmem>>
      %dma_wait3A_145 = arith.constant 0 : i32
      %dma_wait3A_146 = tpu.memref_slice %arg7[%dma_wait3A_141, %dma_wait3A_145] : memref<8x128xi32, #tpu.memory_space<vmem>> -> memref<1x128xi32, #tpu.memory_space<vmem>>
      %dma_wait3A_147 = tpu.memref_squeeze %dma_wait3A_146 : memref<1x128xi32, #tpu.memory_space<vmem>> -> memref<128xi32, #tpu.memory_space<vmem>>
      %dma_wait3A_148 = arith.constant 0 : i32
      %dma_wait3A_149 = arith.constant 0 : i32
      %dma_wait3A_150 = tpu.memref_slice %arg4[%dma_wait3A_148, %dma_wait3A_149] : memref<1000000x32xf32, #tpu.memory_space<hbm>> -> memref<1000000x32xf32, #tpu.memory_space<hbm>>
      tpu.wait_indirect_dma semaphore(%arg14 : memref<!tpu.dma_semaphore, #tpu.memory_space<semaphore_mem>>) src(%dma_wait3A_150 : memref<1000000x32xf32, #tpu.memory_space<hbm>>) dst(%dma_wait3A_144 : memref<128x32xf32, #tpu.memory_space<vmem>>)
      %dma_wait3A_151 = arith.constant 5 : i32
      %dma_wait3A_152 = arith.constant 640 : i32
      %dma_wait3A_153 = arith.constant 0 : i32
      %dma_wait3A_154 = tpu.memref_slice %arg11[%dma_wait3A_152, %dma_wait3A_153] : memref<1024x32xf32, #tpu.memory_space<vmem>> -> memref<128x32xf32, #tpu.memory_space<vmem>>
      %dma_wait3A_155 = arith.constant 0 : i32
      %dma_wait3A_156 = tpu.memref_slice %arg7[%dma_wait3A_151, %dma_wait3A_155] : memref<8x128xi32, #tpu.memory_space<vmem>> -> memref<1x128xi32, #tpu.memory_space<vmem>>
      %dma_wait3A_157 = tpu.memref_squeeze %dma_wait3A_156 : memref<1x128xi32, #tpu.memory_space<vmem>> -> memref<128xi32, #tpu.memory_space<vmem>>
      %dma_wait3A_158 = arith.constant 0 : i32
      %dma_wait3A_159 = arith.constant 0 : i32
      %dma_wait3A_160 = tpu.memref_slice %arg4[%dma_wait3A_158, %dma_wait3A_159] : memref<1000000x32xf32, #tpu.memory_space<hbm>> -> memref<1000000x32xf32, #tpu.memory_space<hbm>>
      tpu.wait_indirect_dma semaphore(%arg14 : memref<!tpu.dma_semaphore, #tpu.memory_space<semaphore_mem>>) src(%dma_wait3A_160 : memref<1000000x32xf32, #tpu.memory_space<hbm>>) dst(%dma_wait3A_154 : memref<128x32xf32, #tpu.memory_space<vmem>>)
      %dma_wait3A_161 = arith.constant 6 : i32
      %dma_wait3A_162 = arith.constant 768 : i32
      %dma_wait3A_163 = arith.constant 0 : i32
      %dma_wait3A_164 = tpu.memref_slice %arg11[%dma_wait3A_162, %dma_wait3A_163] : memref<1024x32xf32, #tpu.memory_space<vmem>> -> memref<128x32xf32, #tpu.memory_space<vmem>>
      %dma_wait3A_165 = arith.constant 0 : i32
      %dma_wait3A_166 = tpu.memref_slice %arg7[%dma_wait3A_161, %dma_wait3A_165] : memref<8x128xi32, #tpu.memory_space<vmem>> -> memref<1x128xi32, #tpu.memory_space<vmem>>
      %dma_wait3A_167 = tpu.memref_squeeze %dma_wait3A_166 : memref<1x128xi32, #tpu.memory_space<vmem>> -> memref<128xi32, #tpu.memory_space<vmem>>
      %dma_wait3A_168 = arith.constant 0 : i32
      %dma_wait3A_169 = arith.constant 0 : i32
      %dma_wait3A_170 = tpu.memref_slice %arg4[%dma_wait3A_168, %dma_wait3A_169] : memref<1000000x32xf32, #tpu.memory_space<hbm>> -> memref<1000000x32xf32, #tpu.memory_space<hbm>>
      tpu.wait_indirect_dma semaphore(%arg14 : memref<!tpu.dma_semaphore, #tpu.memory_space<semaphore_mem>>) src(%dma_wait3A_170 : memref<1000000x32xf32, #tpu.memory_space<hbm>>) dst(%dma_wait3A_164 : memref<128x32xf32, #tpu.memory_space<vmem>>)
      %dma_wait3A_171 = arith.constant 7 : i32
      %dma_wait3A_172 = arith.constant 896 : i32
      %dma_wait3A_173 = arith.constant 0 : i32
      %dma_wait3A_174 = tpu.memref_slice %arg11[%dma_wait3A_172, %dma_wait3A_173] : memref<1024x32xf32, #tpu.memory_space<vmem>> -> memref<128x32xf32, #tpu.memory_space<vmem>>
      %dma_wait3A_175 = arith.constant 0 : i32
      %dma_wait3A_176 = tpu.memref_slice %arg7[%dma_wait3A_171, %dma_wait3A_175] : memref<8x128xi32, #tpu.memory_space<vmem>> -> memref<1x128xi32, #tpu.memory_space<vmem>>
      %dma_wait3A_177 = tpu.memref_squeeze %dma_wait3A_176 : memref<1x128xi32, #tpu.memory_space<vmem>> -> memref<128xi32, #tpu.memory_space<vmem>>
      %dma_wait3A_178 = arith.constant 0 : i32
      %dma_wait3A_179 = arith.constant 0 : i32
      %dma_wait3A_180 = tpu.memref_slice %arg4[%dma_wait3A_178, %dma_wait3A_179] : memref<1000000x32xf32, #tpu.memory_space<hbm>> -> memref<1000000x32xf32, #tpu.memory_space<hbm>>
      tpu.wait_indirect_dma semaphore(%arg14 : memref<!tpu.dma_semaphore, #tpu.memory_space<semaphore_mem>>) src(%dma_wait3A_180 : memref<1000000x32xf32, #tpu.memory_space<hbm>>) dst(%dma_wait3A_174 : memref<128x32xf32, #tpu.memory_space<vmem>>)
      %parallel_loop3A = arith.constant 0 : i32
      %parallel_loop3A_181 = arith.constant 64 : i32
      %parallel_loop3A_182 = arith.constant 1 : i32
      scf.for %parallel_loop3A_304 = %parallel_loop3A to %parallel_loop3A_181 step %parallel_loop3A_182  : i32 {
        %parallel_loop3A_305 = arith.constant 16 : i32
        %parallel_loop3A_306 = arith.muli %parallel_loop3A_304, %parallel_loop3A_305 : i32
        %parallel_loop3A_307 = arith.index_cast %parallel_loop3A_306 : i32 to index
        %parallel_loop3A_308 = tpu.vector_load %arg9[%parallel_loop3A_307] {strides = array<i32>} : memref<1024xi32, #tpu.memory_space<vmem>>, vector<16xi32>,
        %parallel_loop3A_309 = vector.shape_cast %parallel_loop3A_308 : vector<16xi32> to vector<16xi32>
        %parallel_loop3A_310 = arith.constant 32 : i32
        %parallel_loop3A_311 = vector.broadcast %parallel_loop3A_310 : i32 to vector<16xi32>
        %parallel_loop3A_312 = arith.muli %parallel_loop3A_309, %parallel_loop3A_311 : vector<16xi32>
        %parallel_loop3A_313 = arith.constant 16 : i32
        %parallel_loop3A_314 = arith.muli %parallel_loop3A_304, %parallel_loop3A_313 : i32
        %parallel_loop3A_315 = arith.constant 0 : i32
        %parallel_loop3A_316 = arith.addi %parallel_loop3A_314, %parallel_loop3A_315 : i32
        %parallel_loop3A_317 = vector.extract_strided_slice %parallel_loop3A_312 {offsets = [0], sizes = [1], strides = [1]} : vector<16xi32> to vector<1xi32>
        %parallel_loop3A_318 = vector.extract %parallel_loop3A_317[0] : i32 from vector<1xi32>
        %parallel_loop3A_319 = arith.constant 0 : i32
        %parallel_loop3A_320 = arith.addi %parallel_loop3A_318, %parallel_loop3A_319 : i32
        %parallel_loop3A_321 = arith.index_cast %parallel_loop3A_320 : i32 to index
        %parallel_loop3A_322 = tpu.vector_load %arg13[%parallel_loop3A_321] {strides = array<i32>} : memref<6400xf32, #tpu.memory_space<vmem>>, vector<16xf32>,
        %parallel_loop3A_323 = vector.shape_cast %parallel_loop3A_322 : vector<16xf32> to vector<16xf32>
        %parallel_loop3A_324 = arith.index_cast %parallel_loop3A_316 : i32 to index
        %parallel_loop3A_325 = arith.constant 0 : index
        %parallel_loop3A_326 = tpu.vector_load %arg11[%parallel_loop3A_324, %parallel_loop3A_325] {strides = array<i32>} : memref<1024x32xf32, #tpu.memory_space<vmem>>, vector<1x16xf32>,
        %parallel_loop3A_327 = vector.shape_cast %parallel_loop3A_326 : vector<1x16xf32> to vector<16xf32>
        %parallel_loop3A_328 = vector.shape_cast %parallel_loop3A_323 : vector<16xf32> to vector<1x16xf32>
        tpu.vector_store %arg11[%parallel_loop3A_324, %parallel_loop3A_325], %parallel_loop3A_328 {add = true, strides = array<i32>} : memref<1024x32xf32, #tpu.memory_space<vmem>>, vector<1x16xf32>,
        %parallel_loop3A_329 = arith.constant 16 : i32
        %parallel_loop3A_330 = arith.addi %parallel_loop3A_318, %parallel_loop3A_329 : i32
        %parallel_loop3A_331 = arith.index_cast %parallel_loop3A_330 : i32 to index
        %parallel_loop3A_332 = tpu.vector_load %arg13[%parallel_loop3A_331] {strides = array<i32>} : memref<6400xf32, #tpu.memory_space<vmem>>, vector<16xf32>,
        %parallel_loop3A_333 = vector.shape_cast %parallel_loop3A_332 : vector<16xf32> to vector<16xf32>
        %parallel_loop3A_334 = arith.index_cast %parallel_loop3A_316 : i32 to index
        %parallel_loop3A_335 = arith.constant 16 : index
        %parallel_loop3A_336 = tpu.vector_load %arg11[%parallel_loop3A_334, %parallel_loop3A_335] {strides = array<i32>} : memref<1024x32xf32, #tpu.memory_space<vmem>>, vector<1x16xf32>,
        %parallel_loop3A_337 = vector.shape_cast %parallel_loop3A_336 : vector<1x16xf32> to vector<16xf32>
        %parallel_loop3A_338 = vector.shape_cast %parallel_loop3A_333 : vector<16xf32> to vector<1x16xf32>
        tpu.vector_store %arg11[%parallel_loop3A_334, %parallel_loop3A_335], %parallel_loop3A_338 {add = true, strides = array<i32>} : memref<1024x32xf32, #tpu.memory_space<vmem>>, vector<1x16xf32>,
        %parallel_loop3A_339 = arith.constant 16 : i32
        %parallel_loop3A_340 = arith.muli %parallel_loop3A_304, %parallel_loop3A_339 : i32
        %parallel_loop3A_341 = arith.constant 1 : i32
        %parallel_loop3A_342 = arith.addi %parallel_loop3A_340, %parallel_loop3A_341 : i32
        %parallel_loop3A_343 = vector.extract_strided_slice %parallel_loop3A_312 {offsets = [1], sizes = [1], strides = [1]} : vector<16xi32> to vector<1xi32>
        %parallel_loop3A_344 = vector.extract %parallel_loop3A_343[0] : i32 from vector<1xi32>
        %parallel_loop3A_345 = arith.constant 0 : i32
        %parallel_loop3A_346 = arith.addi %parallel_loop3A_344, %parallel_loop3A_345 : i32
        %parallel_loop3A_347 = arith.index_cast %parallel_loop3A_346 : i32 to index
        %parallel_loop3A_348 = tpu.vector_load %arg13[%parallel_loop3A_347] {strides = array<i32>} : memref<6400xf32, #tpu.memory_space<vmem>>, vector<16xf32>,
        %parallel_loop3A_349 = vector.shape_cast %parallel_loop3A_348 : vector<16xf32> to vector<16xf32>
        %parallel_loop3A_350 = arith.index_cast %parallel_loop3A_342 : i32 to index
        %parallel_loop3A_351 = arith.constant 0 : index
        %parallel_loop3A_352 = tpu.vector_load %arg11[%parallel_loop3A_350, %parallel_loop3A_351] {strides = array<i32>} : memref<1024x32xf32, #tpu.memory_space<vmem>>, vector<1x16xf32>,
        %parallel_loop3A_353 = vector.shape_cast %parallel_loop3A_352 : vector<1x16xf32> to vector<16xf32>
        %parallel_loop3A_354 = vector.shape_cast %parallel_loop3A_349 : vector<16xf32> to vector<1x16xf32>
        tpu.vector_store %arg11[%parallel_loop3A_350, %parallel_loop3A_351], %parallel_loop3A_354 {add = true, strides = array<i32>} : memref<1024x32xf32, #tpu.memory_space<vmem>>, vector<1x16xf32>,
        %parallel_loop3A_355 = arith.constant 16 : i32
        %parallel_loop3A_356 = arith.addi %parallel_loop3A_344, %parallel_loop3A_355 : i32
        %parallel_loop3A_357 = arith.index_cast %parallel_loop3A_356 : i32 to index
        %parallel_loop3A_358 = tpu.vector_load %arg13[%parallel_loop3A_357] {strides = array<i32>} : memref<6400xf32, #tpu.memory_space<vmem>>, vector<16xf32>,
        %parallel_loop3A_359 = vector.shape_cast %parallel_loop3A_358 : vector<16xf32> to vector<16xf32>
        %parallel_loop3A_360 = arith.index_cast %parallel_loop3A_342 : i32 to index
        %parallel_loop3A_361 = arith.constant 16 : index
        %parallel_loop3A_362 = tpu.vector_load %arg11[%parallel_loop3A_360, %parallel_loop3A_361] {strides = array<i32>} : memref<1024x32xf32, #tpu.memory_space<vmem>>, vector<1x16xf32>,
        %parallel_loop3A_363 = vector.shape_cast %parallel_loop3A_362 : vector<1x16xf32> to vector<16xf32>
        %parallel_loop3A_364 = vector.shape_cast %parallel_loop3A_359 : vector<16xf32> to vector<1x16xf32>
        tpu.vector_store %arg11[%parallel_loop3A_360, %parallel_loop3A_361], %parallel_loop3A_364 {add = true, strides = array<i32>} : memref<1024x32xf32, #tpu.memory_space<vmem>>, vector<1x16xf32>,
        %parallel_loop3A_365 = arith.constant 16 : i32
        %parallel_loop3A_366 = arith.muli %parallel_loop3A_304, %parallel_loop3A_365 : i32
        %parallel_loop3A_367 = arith.constant 2 : i32
        %parallel_loop3A_368 = arith.addi %parallel_loop3A_366, %parallel_loop3A_367 : i32
        %parallel_loop3A_369 = vector.extract_strided_slice %parallel_loop3A_312 {offsets = [2], sizes = [1], strides = [1]} : vector<16xi32> to vector<1xi32>
        %parallel_loop3A_370 = vector.extract %parallel_loop3A_369[0] : i32 from vector<1xi32>
        %parallel_loop3A_371 = arith.constant 0 : i32
        %parallel_loop3A_372 = arith.addi %parallel_loop3A_370, %parallel_loop3A_371 : i32
        %parallel_loop3A_373 = arith.index_cast %parallel_loop3A_372 : i32 to index
        %parallel_loop3A_374 = tpu.vector_load %arg13[%parallel_loop3A_373] {strides = array<i32>} : memref<6400xf32, #tpu.memory_space<vmem>>, vector<16xf32>,
        %parallel_loop3A_375 = vector.shape_cast %parallel_loop3A_374 : vector<16xf32> to vector<16xf32>
        %parallel_loop3A_376 = arith.index_cast %parallel_loop3A_368 : i32 to index
        %parallel_loop3A_377 = arith.constant 0 : index
        %parallel_loop3A_378 = tpu.vector_load %arg11[%parallel_loop3A_376, %parallel_loop3A_377] {strides = array<i32>} : memref<1024x32xf32, #tpu.memory_space<vmem>>, vector<1x16xf32>,
        %parallel_loop3A_379 = vector.shape_cast %parallel_loop3A_378 : vector<1x16xf32> to vector<16xf32>
        %parallel_loop3A_380 = vector.shape_cast %parallel_loop3A_375 : vector<16xf32> to vector<1x16xf32>
        tpu.vector_store %arg11[%parallel_loop3A_376, %parallel_loop3A_377], %parallel_loop3A_380 {add = true, strides = array<i32>} : memref<1024x32xf32, #tpu.memory_space<vmem>>, vector<1x16xf32>,
        %parallel_loop3A_381 = arith.constant 16 : i32
        %parallel_loop3A_382 = arith.addi %parallel_loop3A_370, %parallel_loop3A_381 : i32
        %parallel_loop3A_383 = arith.index_cast %parallel_loop3A_382 : i32 to index
        %parallel_loop3A_384 = tpu.vector_load %arg13[%parallel_loop3A_383] {strides = array<i32>} : memref<6400xf32, #tpu.memory_space<vmem>>, vector<16xf32>,
        %parallel_loop3A_385 = vector.shape_cast %parallel_loop3A_384 : vector<16xf32> to vector<16xf32>
        %parallel_loop3A_386 = arith.index_cast %parallel_loop3A_368 : i32 to index
        %parallel_loop3A_387 = arith.constant 16 : index
        %parallel_loop3A_388 = tpu.vector_load %arg11[%parallel_loop3A_386, %parallel_loop3A_387] {strides = array<i32>} : memref<1024x32xf32, #tpu.memory_space<vmem>>, vector<1x16xf32>,
        %parallel_loop3A_389 = vector.shape_cast %parallel_loop3A_388 : vector<1x16xf32> to vector<16xf32>
        %parallel_loop3A_390 = vector.shape_cast %parallel_loop3A_385 : vector<16xf32> to vector<1x16xf32>
        tpu.vector_store %arg11[%parallel_loop3A_386, %parallel_loop3A_387], %parallel_loop3A_390 {add = true, strides = array<i32>} : memref<1024x32xf32, #tpu.memory_space<vmem>>, vector<1x16xf32>,
        %parallel_loop3A_391 = arith.constant 16 : i32
        %parallel_loop3A_392 = arith.muli %parallel_loop3A_304, %parallel_loop3A_391 : i32
        %parallel_loop3A_393 = arith.constant 3 : i32
        %parallel_loop3A_394 = arith.addi %parallel_loop3A_392, %parallel_loop3A_393 : i32
        %parallel_loop3A_395 = vector.extract_strided_slice %parallel_loop3A_312 {offsets = [3], sizes = [1], strides = [1]} : vector<16xi32> to vector<1xi32>
        %parallel_loop3A_396 = vector.extract %parallel_loop3A_395[0] : i32 from vector<1xi32>
        %parallel_loop3A_397 = arith.constant 0 : i32
        %parallel_loop3A_398 = arith.addi %parallel_loop3A_396, %parallel_loop3A_397 : i32
        %parallel_loop3A_399 = arith.index_cast %parallel_loop3A_398 : i32 to index
        %parallel_loop3A_400 = tpu.vector_load %arg13[%parallel_loop3A_399] {strides = array<i32>} : memref<6400xf32, #tpu.memory_space<vmem>>, vector<16xf32>,
        %parallel_loop3A_401 = vector.shape_cast %parallel_loop3A_400 : vector<16xf32> to vector<16xf32>
        %parallel_loop3A_402 = arith.index_cast %parallel_loop3A_394 : i32 to index
        %parallel_loop3A_403 = arith.constant 0 : index
        %parallel_loop3A_404 = tpu.vector_load %arg11[%parallel_loop3A_402, %parallel_loop3A_403] {strides = array<i32>} : memref<1024x32xf32, #tpu.memory_space<vmem>>, vector<1x16xf32>,
        %parallel_loop3A_405 = vector.shape_cast %parallel_loop3A_404 : vector<1x16xf32> to vector<16xf32>
        %parallel_loop3A_406 = vector.shape_cast %parallel_loop3A_401 : vector<16xf32> to vector<1x16xf32>
        tpu.vector_store %arg11[%parallel_loop3A_402, %parallel_loop3A_403], %parallel_loop3A_406 {add = true, strides = array<i32>} : memref<1024x32xf32, #tpu.memory_space<vmem>>, vector<1x16xf32>,
        %parallel_loop3A_407 = arith.constant 16 : i32
        %parallel_loop3A_408 = arith.addi %parallel_loop3A_396, %parallel_loop3A_407 : i32
        %parallel_loop3A_409 = arith.index_cast %parallel_loop3A_408 : i32 to index
        %parallel_loop3A_410 = tpu.vector_load %arg13[%parallel_loop3A_409] {strides = array<i32>} : memref<6400xf32, #tpu.memory_space<vmem>>, vector<16xf32>,
        %parallel_loop3A_411 = vector.shape_cast %parallel_loop3A_410 : vector<16xf32> to vector<16xf32>
        %parallel_loop3A_412 = arith.index_cast %parallel_loop3A_394 : i32 to index
        %parallel_loop3A_413 = arith.constant 16 : index
        %parallel_loop3A_414 = tpu.vector_load %arg11[%parallel_loop3A_412, %parallel_loop3A_413] {strides = array<i32>} : memref<1024x32xf32, #tpu.memory_space<vmem>>, vector<1x16xf32>,
        %parallel_loop3A_415 = vector.shape_cast %parallel_loop3A_414 : vector<1x16xf32> to vector<16xf32>
        %parallel_loop3A_416 = vector.shape_cast %parallel_loop3A_411 : vector<16xf32> to vector<1x16xf32>
        tpu.vector_store %arg11[%parallel_loop3A_412, %parallel_loop3A_413], %parallel_loop3A_416 {add = true, strides = array<i32>} : memref<1024x32xf32, #tpu.memory_space<vmem>>, vector<1x16xf32>,
        %parallel_loop3A_417 = arith.constant 16 : i32
        %parallel_loop3A_418 = arith.muli %parallel_loop3A_304, %parallel_loop3A_417 : i32
        %parallel_loop3A_419 = arith.constant 4 : i32
        %parallel_loop3A_420 = arith.addi %parallel_loop3A_418, %parallel_loop3A_419 : i32
        %parallel_loop3A_421 = vector.extract_strided_slice %parallel_loop3A_312 {offsets = [4], sizes = [1], strides = [1]} : vector<16xi32> to vector<1xi32>
        %parallel_loop3A_422 = vector.extract %parallel_loop3A_421[0] : i32 from vector<1xi32>
        %parallel_loop3A_423 = arith.constant 0 : i32
        %parallel_loop3A_424 = arith.addi %parallel_loop3A_422, %parallel_loop3A_423 : i32
        %parallel_loop3A_425 = arith.index_cast %parallel_loop3A_424 : i32 to index
        %parallel_loop3A_426 = tpu.vector_load %arg13[%parallel_loop3A_425] {strides = array<i32>} : memref<6400xf32, #tpu.memory_space<vmem>>, vector<16xf32>,
        %parallel_loop3A_427 = vector.shape_cast %parallel_loop3A_426 : vector<16xf32> to vector<16xf32>
        %parallel_loop3A_428 = arith.index_cast %parallel_loop3A_420 : i32 to index
        %parallel_loop3A_429 = arith.constant 0 : index
        %parallel_loop3A_430 = tpu.vector_load %arg11[%parallel_loop3A_428, %parallel_loop3A_429] {strides = array<i32>} : memref<1024x32xf32, #tpu.memory_space<vmem>>, vector<1x16xf32>,
        %parallel_loop3A_431 = vector.shape_cast %parallel_loop3A_430 : vector<1x16xf32> to vector<16xf32>
        %parallel_loop3A_432 = vector.shape_cast %parallel_loop3A_427 : vector<16xf32> to vector<1x16xf32>
        tpu.vector_store %arg11[%parallel_loop3A_428, %parallel_loop3A_429], %parallel_loop3A_432 {add = true, strides = array<i32>} : memref<1024x32xf32, #tpu.memory_space<vmem>>, vector<1x16xf32>,
        %parallel_loop3A_433 = arith.constant 16 : i32
        %parallel_loop3A_434 = arith.addi %parallel_loop3A_422, %parallel_loop3A_433 : i32
        %parallel_loop3A_435 = arith.index_cast %parallel_loop3A_434 : i32 to index
        %parallel_loop3A_436 = tpu.vector_load %arg13[%parallel_loop3A_435] {strides = array<i32>} : memref<6400xf32, #tpu.memory_space<vmem>>, vector<16xf32>,
        %parallel_loop3A_437 = vector.shape_cast %parallel_loop3A_436 : vector<16xf32> to vector<16xf32>
        %parallel_loop3A_438 = arith.index_cast %parallel_loop3A_420 : i32 to index
        %parallel_loop3A_439 = arith.constant 16 : index
        %parallel_loop3A_440 = tpu.vector_load %arg11[%parallel_loop3A_438, %parallel_loop3A_439] {strides = array<i32>} : memref<1024x32xf32, #tpu.memory_space<vmem>>, vector<1x16xf32>,
        %parallel_loop3A_441 = vector.shape_cast %parallel_loop3A_440 : vector<1x16xf32> to vector<16xf32>
        %parallel_loop3A_442 = vector.shape_cast %parallel_loop3A_437 : vector<16xf32> to vector<1x16xf32>
        tpu.vector_store %arg11[%parallel_loop3A_438, %parallel_loop3A_439], %parallel_loop3A_442 {add = true, strides = array<i32>} : memref<1024x32xf32, #tpu.memory_space<vmem>>, vector<1x16xf32>,
        %parallel_loop3A_443 = arith.constant 16 : i32
        %parallel_loop3A_444 = arith.muli %parallel_loop3A_304, %parallel_loop3A_443 : i32
        %parallel_loop3A_445 = arith.constant 5 : i32
        %parallel_loop3A_446 = arith.addi %parallel_loop3A_444, %parallel_loop3A_445 : i32
        %parallel_loop3A_447 = vector.extract_strided_slice %parallel_loop3A_312 {offsets = [5], sizes = [1], strides = [1]} : vector<16xi32> to vector<1xi32>
        %parallel_loop3A_448 = vector.extract %parallel_loop3A_447[0] : i32 from vector<1xi32>
        %parallel_loop3A_449 = arith.constant 0 : i32
        %parallel_loop3A_450 = arith.addi %parallel_loop3A_448, %parallel_loop3A_449 : i32
        %parallel_loop3A_451 = arith.index_cast %parallel_loop3A_450 : i32 to index
        %parallel_loop3A_452 = tpu.vector_load %arg13[%parallel_loop3A_451] {strides = array<i32>} : memref<6400xf32, #tpu.memory_space<vmem>>, vector<16xf32>,
        %parallel_loop3A_453 = vector.shape_cast %parallel_loop3A_452 : vector<16xf32> to vector<16xf32>
        %parallel_loop3A_454 = arith.index_cast %parallel_loop3A_446 : i32 to index
        %parallel_loop3A_455 = arith.constant 0 : index
        %parallel_loop3A_456 = tpu.vector_load %arg11[%parallel_loop3A_454, %parallel_loop3A_455] {strides = array<i32>} : memref<1024x32xf32, #tpu.memory_space<vmem>>, vector<1x16xf32>,
        %parallel_loop3A_457 = vector.shape_cast %parallel_loop3A_456 : vector<1x16xf32> to vector<16xf32>
        %parallel_loop3A_458 = vector.shape_cast %parallel_loop3A_453 : vector<16xf32> to vector<1x16xf32>
        tpu.vector_store %arg11[%parallel_loop3A_454, %parallel_loop3A_455], %parallel_loop3A_458 {add = true, strides = array<i32>} : memref<1024x32xf32, #tpu.memory_space<vmem>>, vector<1x16xf32>,
        %parallel_loop3A_459 = arith.constant 16 : i32
        %parallel_loop3A_460 = arith.addi %parallel_loop3A_448, %parallel_loop3A_459 : i32
        %parallel_loop3A_461 = arith.index_cast %parallel_loop3A_460 : i32 to index
        %parallel_loop3A_462 = tpu.vector_load %arg13[%parallel_loop3A_461] {strides = array<i32>} : memref<6400xf32, #tpu.memory_space<vmem>>, vector<16xf32>,
        %parallel_loop3A_463 = vector.shape_cast %parallel_loop3A_462 : vector<16xf32> to vector<16xf32>
        %parallel_loop3A_464 = arith.index_cast %parallel_loop3A_446 : i32 to index
        %parallel_loop3A_465 = arith.constant 16 : index
        %parallel_loop3A_466 = tpu.vector_load %arg11[%parallel_loop3A_464, %parallel_loop3A_465] {strides = array<i32>} : memref<1024x32xf32, #tpu.memory_space<vmem>>, vector<1x16xf32>,
        %parallel_loop3A_467 = vector.shape_cast %parallel_loop3A_466 : vector<1x16xf32> to vector<16xf32>
        %parallel_loop3A_468 = vector.shape_cast %parallel_loop3A_463 : vector<16xf32> to vector<1x16xf32>
        tpu.vector_store %arg11[%parallel_loop3A_464, %parallel_loop3A_465], %parallel_loop3A_468 {add = true, strides = array<i32>} : memref<1024x32xf32, #tpu.memory_space<vmem>>, vector<1x16xf32>,
        %parallel_loop3A_469 = arith.constant 16 : i32
        %parallel_loop3A_470 = arith.muli %parallel_loop3A_304, %parallel_loop3A_469 : i32
        %parallel_loop3A_471 = arith.constant 6 : i32
        %parallel_loop3A_472 = arith.addi %parallel_loop3A_470, %parallel_loop3A_471 : i32
        %parallel_loop3A_473 = vector.extract_strided_slice %parallel_loop3A_312 {offsets = [6], sizes = [1], strides = [1]} : vector<16xi32> to vector<1xi32>
        %parallel_loop3A_474 = vector.extract %parallel_loop3A_473[0] : i32 from vector<1xi32>
        %parallel_loop3A_475 = arith.constant 0 : i32
        %parallel_loop3A_476 = arith.addi %parallel_loop3A_474, %parallel_loop3A_475 : i32
        %parallel_loop3A_477 = arith.index_cast %parallel_loop3A_476 : i32 to index
        %parallel_loop3A_478 = tpu.vector_load %arg13[%parallel_loop3A_477] {strides = array<i32>} : memref<6400xf32, #tpu.memory_space<vmem>>, vector<16xf32>,
        %parallel_loop3A_479 = vector.shape_cast %parallel_loop3A_478 : vector<16xf32> to vector<16xf32>
        %parallel_loop3A_480 = arith.index_cast %parallel_loop3A_472 : i32 to index
        %parallel_loop3A_481 = arith.constant 0 : index
        %parallel_loop3A_482 = tpu.vector_load %arg11[%parallel_loop3A_480, %parallel_loop3A_481] {strides = array<i32>} : memref<1024x32xf32, #tpu.memory_space<vmem>>, vector<1x16xf32>,
        %parallel_loop3A_483 = vector.shape_cast %parallel_loop3A_482 : vector<1x16xf32> to vector<16xf32>
        %parallel_loop3A_484 = vector.shape_cast %parallel_loop3A_479 : vector<16xf32> to vector<1x16xf32>
        tpu.vector_store %arg11[%parallel_loop3A_480, %parallel_loop3A_481], %parallel_loop3A_484 {add = true, strides = array<i32>} : memref<1024x32xf32, #tpu.memory_space<vmem>>, vector<1x16xf32>,
        %parallel_loop3A_485 = arith.constant 16 : i32
        %parallel_loop3A_486 = arith.addi %parallel_loop3A_474, %parallel_loop3A_485 : i32
        %parallel_loop3A_487 = arith.index_cast %parallel_loop3A_486 : i32 to index
        %parallel_loop3A_488 = tpu.vector_load %arg13[%parallel_loop3A_487] {strides = array<i32>} : memref<6400xf32, #tpu.memory_space<vmem>>, vector<16xf32>,
        %parallel_loop3A_489 = vector.shape_cast %parallel_loop3A_488 : vector<16xf32> to vector<16xf32>
        %parallel_loop3A_490 = arith.index_cast %parallel_loop3A_472 : i32 to index
        %parallel_loop3A_491 = arith.constant 16 : index
        %parallel_loop3A_492 = tpu.vector_load %arg11[%parallel_loop3A_490, %parallel_loop3A_491] {strides = array<i32>} : memref<1024x32xf32, #tpu.memory_space<vmem>>, vector<1x16xf32>,
        %parallel_loop3A_493 = vector.shape_cast %parallel_loop3A_492 : vector<1x16xf32> to vector<16xf32>
        %parallel_loop3A_494 = vector.shape_cast %parallel_loop3A_489 : vector<16xf32> to vector<1x16xf32>
        tpu.vector_store %arg11[%parallel_loop3A_490, %parallel_loop3A_491], %parallel_loop3A_494 {add = true, strides = array<i32>} : memref<1024x32xf32, #tpu.memory_space<vmem>>, vector<1x16xf32>,
        %parallel_loop3A_495 = arith.constant 16 : i32
        %parallel_loop3A_496 = arith.muli %parallel_loop3A_304, %parallel_loop3A_495 : i32
        %parallel_loop3A_497 = arith.constant 7 : i32
        %parallel_loop3A_498 = arith.addi %parallel_loop3A_496, %parallel_loop3A_497 : i32
        %parallel_loop3A_499 = vector.extract_strided_slice %parallel_loop3A_312 {offsets = [7], sizes = [1], strides = [1]} : vector<16xi32> to vector<1xi32>
        %parallel_loop3A_500 = vector.extract %parallel_loop3A_499[0] : i32 from vector<1xi32>
        %parallel_loop3A_501 = arith.constant 0 : i32
        %parallel_loop3A_502 = arith.addi %parallel_loop3A_500, %parallel_loop3A_501 : i32
        %parallel_loop3A_503 = arith.index_cast %parallel_loop3A_502 : i32 to index
        %parallel_loop3A_504 = tpu.vector_load %arg13[%parallel_loop3A_503] {strides = array<i32>} : memref<6400xf32, #tpu.memory_space<vmem>>, vector<16xf32>,
        %parallel_loop3A_505 = vector.shape_cast %parallel_loop3A_504 : vector<16xf32> to vector<16xf32>
        %parallel_loop3A_506 = arith.index_cast %parallel_loop3A_498 : i32 to index
        %parallel_loop3A_507 = arith.constant 0 : index
        %parallel_loop3A_508 = tpu.vector_load %arg11[%parallel_loop3A_506, %parallel_loop3A_507] {strides = array<i32>} : memref<1024x32xf32, #tpu.memory_space<vmem>>, vector<1x16xf32>,
        %parallel_loop3A_509 = vector.shape_cast %parallel_loop3A_508 : vector<1x16xf32> to vector<16xf32>
        %parallel_loop3A_510 = vector.shape_cast %parallel_loop3A_505 : vector<16xf32> to vector<1x16xf32>
        tpu.vector_store %arg11[%parallel_loop3A_506, %parallel_loop3A_507], %parallel_loop3A_510 {add = true, strides = array<i32>} : memref<1024x32xf32, #tpu.memory_space<vmem>>, vector<1x16xf32>,
        %parallel_loop3A_511 = arith.constant 16 : i32
        %parallel_loop3A_512 = arith.addi %parallel_loop3A_500, %parallel_loop3A_511 : i32
        %parallel_loop3A_513 = arith.index_cast %parallel_loop3A_512 : i32 to index
        %parallel_loop3A_514 = tpu.vector_load %arg13[%parallel_loop3A_513] {strides = array<i32>} : memref<6400xf32, #tpu.memory_space<vmem>>, vector<16xf32>,
        %parallel_loop3A_515 = vector.shape_cast %parallel_loop3A_514 : vector<16xf32> to vector<16xf32>
        %parallel_loop3A_516 = arith.index_cast %parallel_loop3A_498 : i32 to index
        %parallel_loop3A_517 = arith.constant 16 : index
        %parallel_loop3A_518 = tpu.vector_load %arg11[%parallel_loop3A_516, %parallel_loop3A_517] {strides = array<i32>} : memref<1024x32xf32, #tpu.memory_space<vmem>>, vector<1x16xf32>,
        %parallel_loop3A_519 = vector.shape_cast %parallel_loop3A_518 : vector<1x16xf32> to vector<16xf32>
        %parallel_loop3A_520 = vector.shape_cast %parallel_loop3A_515 : vector<16xf32> to vector<1x16xf32>
        tpu.vector_store %arg11[%parallel_loop3A_516, %parallel_loop3A_517], %parallel_loop3A_520 {add = true, strides = array<i32>} : memref<1024x32xf32, #tpu.memory_space<vmem>>, vector<1x16xf32>,
        %parallel_loop3A_521 = arith.constant 16 : i32
        %parallel_loop3A_522 = arith.muli %parallel_loop3A_304, %parallel_loop3A_521 : i32
        %parallel_loop3A_523 = arith.constant 8 : i32
        %parallel_loop3A_524 = arith.addi %parallel_loop3A_522, %parallel_loop3A_523 : i32
        %parallel_loop3A_525 = vector.extract_strided_slice %parallel_loop3A_312 {offsets = [8], sizes = [1], strides = [1]} : vector<16xi32> to vector<1xi32>
        %parallel_loop3A_526 = vector.extract %parallel_loop3A_525[0] : i32 from vector<1xi32>
        %parallel_loop3A_527 = arith.constant 0 : i32
        %parallel_loop3A_528 = arith.addi %parallel_loop3A_526, %parallel_loop3A_527 : i32
        %parallel_loop3A_529 = arith.index_cast %parallel_loop3A_528 : i32 to index
        %parallel_loop3A_530 = tpu.vector_load %arg13[%parallel_loop3A_529] {strides = array<i32>} : memref<6400xf32, #tpu.memory_space<vmem>>, vector<16xf32>,
        %parallel_loop3A_531 = vector.shape_cast %parallel_loop3A_530 : vector<16xf32> to vector<16xf32>
        %parallel_loop3A_532 = arith.index_cast %parallel_loop3A_524 : i32 to index
        %parallel_loop3A_533 = arith.constant 0 : index
        %parallel_loop3A_534 = tpu.vector_load %arg11[%parallel_loop3A_532, %parallel_loop3A_533] {strides = array<i32>} : memref<1024x32xf32, #tpu.memory_space<vmem>>, vector<1x16xf32>,
        %parallel_loop3A_535 = vector.shape_cast %parallel_loop3A_534 : vector<1x16xf32> to vector<16xf32>
        %parallel_loop3A_536 = vector.shape_cast %parallel_loop3A_531 : vector<16xf32> to vector<1x16xf32>
        tpu.vector_store %arg11[%parallel_loop3A_532, %parallel_loop3A_533], %parallel_loop3A_536 {add = true, strides = array<i32>} : memref<1024x32xf32, #tpu.memory_space<vmem>>, vector<1x16xf32>,
        %parallel_loop3A_537 = arith.constant 16 : i32
        %parallel_loop3A_538 = arith.addi %parallel_loop3A_526, %parallel_loop3A_537 : i32
        %parallel_loop3A_539 = arith.index_cast %parallel_loop3A_538 : i32 to index
        %parallel_loop3A_540 = tpu.vector_load %arg13[%parallel_loop3A_539] {strides = array<i32>} : memref<6400xf32, #tpu.memory_space<vmem>>, vector<16xf32>,
        %parallel_loop3A_541 = vector.shape_cast %parallel_loop3A_540 : vector<16xf32> to vector<16xf32>
        %parallel_loop3A_542 = arith.index_cast %parallel_loop3A_524 : i32 to index
        %parallel_loop3A_543 = arith.constant 16 : index
        %parallel_loop3A_544 = tpu.vector_load %arg11[%parallel_loop3A_542, %parallel_loop3A_543] {strides = array<i32>} : memref<1024x32xf32, #tpu.memory_space<vmem>>, vector<1x16xf32>,
        %parallel_loop3A_545 = vector.shape_cast %parallel_loop3A_544 : vector<1x16xf32> to vector<16xf32>
        %parallel_loop3A_546 = vector.shape_cast %parallel_loop3A_541 : vector<16xf32> to vector<1x16xf32>
        tpu.vector_store %arg11[%parallel_loop3A_542, %parallel_loop3A_543], %parallel_loop3A_546 {add = true, strides = array<i32>} : memref<1024x32xf32, #tpu.memory_space<vmem>>, vector<1x16xf32>,
        %parallel_loop3A_547 = arith.constant 16 : i32
        %parallel_loop3A_548 = arith.muli %parallel_loop3A_304, %parallel_loop3A_547 : i32
        %parallel_loop3A_549 = arith.constant 9 : i32
        %parallel_loop3A_550 = arith.addi %parallel_loop3A_548, %parallel_loop3A_549 : i32
        %parallel_loop3A_551 = vector.extract_strided_slice %parallel_loop3A_312 {offsets = [9], sizes = [1], strides = [1]} : vector<16xi32> to vector<1xi32>
        %parallel_loop3A_552 = vector.extract %parallel_loop3A_551[0] : i32 from vector<1xi32>
        %parallel_loop3A_553 = arith.constant 0 : i32
        %parallel_loop3A_554 = arith.addi %parallel_loop3A_552, %parallel_loop3A_553 : i32
        %parallel_loop3A_555 = arith.index_cast %parallel_loop3A_554 : i32 to index
        %parallel_loop3A_556 = tpu.vector_load %arg13[%parallel_loop3A_555] {strides = array<i32>} : memref<6400xf32, #tpu.memory_space<vmem>>, vector<16xf32>,
        %parallel_loop3A_557 = vector.shape_cast %parallel_loop3A_556 : vector<16xf32> to vector<16xf32>
        %parallel_loop3A_558 = arith.index_cast %parallel_loop3A_550 : i32 to index
        %parallel_loop3A_559 = arith.constant 0 : index
        %parallel_loop3A_560 = tpu.vector_load %arg11[%parallel_loop3A_558, %parallel_loop3A_559] {strides = array<i32>} : memref<1024x32xf32, #tpu.memory_space<vmem>>, vector<1x16xf32>,
        %parallel_loop3A_561 = vector.shape_cast %parallel_loop3A_560 : vector<1x16xf32> to vector<16xf32>
        %parallel_loop3A_562 = vector.shape_cast %parallel_loop3A_557 : vector<16xf32> to vector<1x16xf32>
        tpu.vector_store %arg11[%parallel_loop3A_558, %parallel_loop3A_559], %parallel_loop3A_562 {add = true, strides = array<i32>} : memref<1024x32xf32, #tpu.memory_space<vmem>>, vector<1x16xf32>,
        %parallel_loop3A_563 = arith.constant 16 : i32
        %parallel_loop3A_564 = arith.addi %parallel_loop3A_552, %parallel_loop3A_563 : i32
        %parallel_loop3A_565 = arith.index_cast %parallel_loop3A_564 : i32 to index
        %parallel_loop3A_566 = tpu.vector_load %arg13[%parallel_loop3A_565] {strides = array<i32>} : memref<6400xf32, #tpu.memory_space<vmem>>, vector<16xf32>,
        %parallel_loop3A_567 = vector.shape_cast %parallel_loop3A_566 : vector<16xf32> to vector<16xf32>
        %parallel_loop3A_568 = arith.index_cast %parallel_loop3A_550 : i32 to index
        %parallel_loop3A_569 = arith.constant 16 : index
        %parallel_loop3A_570 = tpu.vector_load %arg11[%parallel_loop3A_568, %parallel_loop3A_569] {strides = array<i32>} : memref<1024x32xf32, #tpu.memory_space<vmem>>, vector<1x16xf32>,
        %parallel_loop3A_571 = vector.shape_cast %parallel_loop3A_570 : vector<1x16xf32> to vector<16xf32>
        %parallel_loop3A_572 = vector.shape_cast %parallel_loop3A_567 : vector<16xf32> to vector<1x16xf32>
        tpu.vector_store %arg11[%parallel_loop3A_568, %parallel_loop3A_569], %parallel_loop3A_572 {add = true, strides = array<i32>} : memref<1024x32xf32, #tpu.memory_space<vmem>>, vector<1x16xf32>,
        %parallel_loop3A_573 = arith.constant 16 : i32
        %parallel_loop3A_574 = arith.muli %parallel_loop3A_304, %parallel_loop3A_573 : i32
        %parallel_loop3A_575 = arith.constant 10 : i32
        %parallel_loop3A_576 = arith.addi %parallel_loop3A_574, %parallel_loop3A_575 : i32
        %parallel_loop3A_577 = vector.extract_strided_slice %parallel_loop3A_312 {offsets = [10], sizes = [1], strides = [1]} : vector<16xi32> to vector<1xi32>
        %parallel_loop3A_578 = vector.extract %parallel_loop3A_577[0] : i32 from vector<1xi32>
        %parallel_loop3A_579 = arith.constant 0 : i32
        %parallel_loop3A_580 = arith.addi %parallel_loop3A_578, %parallel_loop3A_579 : i32
        %parallel_loop3A_581 = arith.index_cast %parallel_loop3A_580 : i32 to index
        %parallel_loop3A_582 = tpu.vector_load %arg13[%parallel_loop3A_581] {strides = array<i32>} : memref<6400xf32, #tpu.memory_space<vmem>>, vector<16xf32>,
        %parallel_loop3A_583 = vector.shape_cast %parallel_loop3A_582 : vector<16xf32> to vector<16xf32>
        %parallel_loop3A_584 = arith.index_cast %parallel_loop3A_576 : i32 to index
        %parallel_loop3A_585 = arith.constant 0 : index
        %parallel_loop3A_586 = tpu.vector_load %arg11[%parallel_loop3A_584, %parallel_loop3A_585] {strides = array<i32>} : memref<1024x32xf32, #tpu.memory_space<vmem>>, vector<1x16xf32>,
        %parallel_loop3A_587 = vector.shape_cast %parallel_loop3A_586 : vector<1x16xf32> to vector<16xf32>
        %parallel_loop3A_588 = vector.shape_cast %parallel_loop3A_583 : vector<16xf32> to vector<1x16xf32>
        tpu.vector_store %arg11[%parallel_loop3A_584, %parallel_loop3A_585], %parallel_loop3A_588 {add = true, strides = array<i32>} : memref<1024x32xf32, #tpu.memory_space<vmem>>, vector<1x16xf32>,
        %parallel_loop3A_589 = arith.constant 16 : i32
        %parallel_loop3A_590 = arith.addi %parallel_loop3A_578, %parallel_loop3A_589 : i32
        %parallel_loop3A_591 = arith.index_cast %parallel_loop3A_590 : i32 to index
        %parallel_loop3A_592 = tpu.vector_load %arg13[%parallel_loop3A_591] {strides = array<i32>} : memref<6400xf32, #tpu.memory_space<vmem>>, vector<16xf32>,
        %parallel_loop3A_593 = vector.shape_cast %parallel_loop3A_592 : vector<16xf32> to vector<16xf32>
        %parallel_loop3A_594 = arith.index_cast %parallel_loop3A_576 : i32 to index
        %parallel_loop3A_595 = arith.constant 16 : index
        %parallel_loop3A_596 = tpu.vector_load %arg11[%parallel_loop3A_594, %parallel_loop3A_595] {strides = array<i32>} : memref<1024x32xf32, #tpu.memory_space<vmem>>, vector<1x16xf32>,
        %parallel_loop3A_597 = vector.shape_cast %parallel_loop3A_596 : vector<1x16xf32> to vector<16xf32>
        %parallel_loop3A_598 = vector.shape_cast %parallel_loop3A_593 : vector<16xf32> to vector<1x16xf32>
        tpu.vector_store %arg11[%parallel_loop3A_594, %parallel_loop3A_595], %parallel_loop3A_598 {add = true, strides = array<i32>} : memref<1024x32xf32, #tpu.memory_space<vmem>>, vector<1x16xf32>,
        %parallel_loop3A_599 = arith.constant 16 : i32
        %parallel_loop3A_600 = arith.muli %parallel_loop3A_304, %parallel_loop3A_599 : i32
        %parallel_loop3A_601 = arith.constant 11 : i32
        %parallel_loop3A_602 = arith.addi %parallel_loop3A_600, %parallel_loop3A_601 : i32
        %parallel_loop3A_603 = vector.extract_strided_slice %parallel_loop3A_312 {offsets = [11], sizes = [1], strides = [1]} : vector<16xi32> to vector<1xi32>
        %parallel_loop3A_604 = vector.extract %parallel_loop3A_603[0] : i32 from vector<1xi32>
        %parallel_loop3A_605 = arith.constant 0 : i32
        %parallel_loop3A_606 = arith.addi %parallel_loop3A_604, %parallel_loop3A_605 : i32
        %parallel_loop3A_607 = arith.index_cast %parallel_loop3A_606 : i32 to index
        %parallel_loop3A_608 = tpu.vector_load %arg13[%parallel_loop3A_607] {strides = array<i32>} : memref<6400xf32, #tpu.memory_space<vmem>>, vector<16xf32>,
        %parallel_loop3A_609 = vector.shape_cast %parallel_loop3A_608 : vector<16xf32> to vector<16xf32>
        %parallel_loop3A_610 = arith.index_cast %parallel_loop3A_602 : i32 to index
        %parallel_loop3A_611 = arith.constant 0 : index
        %parallel_loop3A_612 = tpu.vector_load %arg11[%parallel_loop3A_610, %parallel_loop3A_611] {strides = array<i32>} : memref<1024x32xf32, #tpu.memory_space<vmem>>, vector<1x16xf32>,
        %parallel_loop3A_613 = vector.shape_cast %parallel_loop3A_612 : vector<1x16xf32> to vector<16xf32>
        %parallel_loop3A_614 = vector.shape_cast %parallel_loop3A_609 : vector<16xf32> to vector<1x16xf32>
        tpu.vector_store %arg11[%parallel_loop3A_610, %parallel_loop3A_611], %parallel_loop3A_614 {add = true, strides = array<i32>} : memref<1024x32xf32, #tpu.memory_space<vmem>>, vector<1x16xf32>,
        %parallel_loop3A_615 = arith.constant 16 : i32
        %parallel_loop3A_616 = arith.addi %parallel_loop3A_604, %parallel_loop3A_615 : i32
        %parallel_loop3A_617 = arith.index_cast %parallel_loop3A_616 : i32 to index
        %parallel_loop3A_618 = tpu.vector_load %arg13[%parallel_loop3A_617] {strides = array<i32>} : memref<6400xf32, #tpu.memory_space<vmem>>, vector<16xf32>,
        %parallel_loop3A_619 = vector.shape_cast %parallel_loop3A_618 : vector<16xf32> to vector<16xf32>
        %parallel_loop3A_620 = arith.index_cast %parallel_loop3A_602 : i32 to index
        %parallel_loop3A_621 = arith.constant 16 : index
        %parallel_loop3A_622 = tpu.vector_load %arg11[%parallel_loop3A_620, %parallel_loop3A_621] {strides = array<i32>} : memref<1024x32xf32, #tpu.memory_space<vmem>>, vector<1x16xf32>,
        %parallel_loop3A_623 = vector.shape_cast %parallel_loop3A_622 : vector<1x16xf32> to vector<16xf32>
        %parallel_loop3A_624 = vector.shape_cast %parallel_loop3A_619 : vector<16xf32> to vector<1x16xf32>
        tpu.vector_store %arg11[%parallel_loop3A_620, %parallel_loop3A_621], %parallel_loop3A_624 {add = true, strides = array<i32>} : memref<1024x32xf32, #tpu.memory_space<vmem>>, vector<1x16xf32>,
        %parallel_loop3A_625 = arith.constant 16 : i32
        %parallel_loop3A_626 = arith.muli %parallel_loop3A_304, %parallel_loop3A_625 : i32
        %parallel_loop3A_627 = arith.constant 12 : i32
        %parallel_loop3A_628 = arith.addi %parallel_loop3A_626, %parallel_loop3A_627 : i32
        %parallel_loop3A_629 = vector.extract_strided_slice %parallel_loop3A_312 {offsets = [12], sizes = [1], strides = [1]} : vector<16xi32> to vector<1xi32>
        %parallel_loop3A_630 = vector.extract %parallel_loop3A_629[0] : i32 from vector<1xi32>
        %parallel_loop3A_631 = arith.constant 0 : i32
        %parallel_loop3A_632 = arith.addi %parallel_loop3A_630, %parallel_loop3A_631 : i32
        %parallel_loop3A_633 = arith.index_cast %parallel_loop3A_632 : i32 to index
        %parallel_loop3A_634 = tpu.vector_load %arg13[%parallel_loop3A_633] {strides = array<i32>} : memref<6400xf32, #tpu.memory_space<vmem>>, vector<16xf32>,
        %parallel_loop3A_635 = vector.shape_cast %parallel_loop3A_634 : vector<16xf32> to vector<16xf32>
        %parallel_loop3A_636 = arith.index_cast %parallel_loop3A_628 : i32 to index
        %parallel_loop3A_637 = arith.constant 0 : index
        %parallel_loop3A_638 = tpu.vector_load %arg11[%parallel_loop3A_636, %parallel_loop3A_637] {strides = array<i32>} : memref<1024x32xf32, #tpu.memory_space<vmem>>, vector<1x16xf32>,
        %parallel_loop3A_639 = vector.shape_cast %parallel_loop3A_638 : vector<1x16xf32> to vector<16xf32>
        %parallel_loop3A_640 = vector.shape_cast %parallel_loop3A_635 : vector<16xf32> to vector<1x16xf32>
        tpu.vector_store %arg11[%parallel_loop3A_636, %parallel_loop3A_637], %parallel_loop3A_640 {add = true, strides = array<i32>} : memref<1024x32xf32, #tpu.memory_space<vmem>>, vector<1x16xf32>,
        %parallel_loop3A_641 = arith.constant 16 : i32
        %parallel_loop3A_642 = arith.addi %parallel_loop3A_630, %parallel_loop3A_641 : i32
        %parallel_loop3A_643 = arith.index_cast %parallel_loop3A_642 : i32 to index
        %parallel_loop3A_644 = tpu.vector_load %arg13[%parallel_loop3A_643] {strides = array<i32>} : memref<6400xf32, #tpu.memory_space<vmem>>, vector<16xf32>,
        %parallel_loop3A_645 = vector.shape_cast %parallel_loop3A_644 : vector<16xf32> to vector<16xf32>
        %parallel_loop3A_646 = arith.index_cast %parallel_loop3A_628 : i32 to index
        %parallel_loop3A_647 = arith.constant 16 : index
        %parallel_loop3A_648 = tpu.vector_load %arg11[%parallel_loop3A_646, %parallel_loop3A_647] {strides = array<i32>} : memref<1024x32xf32, #tpu.memory_space<vmem>>, vector<1x16xf32>,
        %parallel_loop3A_649 = vector.shape_cast %parallel_loop3A_648 : vector<1x16xf32> to vector<16xf32>
        %parallel_loop3A_650 = vector.shape_cast %parallel_loop3A_645 : vector<16xf32> to vector<1x16xf32>
        tpu.vector_store %arg11[%parallel_loop3A_646, %parallel_loop3A_647], %parallel_loop3A_650 {add = true, strides = array<i32>} : memref<1024x32xf32, #tpu.memory_space<vmem>>, vector<1x16xf32>,
        %parallel_loop3A_651 = arith.constant 16 : i32
        %parallel_loop3A_652 = arith.muli %parallel_loop3A_304, %parallel_loop3A_651 : i32
        %parallel_loop3A_653 = arith.constant 13 : i32
        %parallel_loop3A_654 = arith.addi %parallel_loop3A_652, %parallel_loop3A_653 : i32
        %parallel_loop3A_655 = vector.extract_strided_slice %parallel_loop3A_312 {offsets = [13], sizes = [1], strides = [1]} : vector<16xi32> to vector<1xi32>
        %parallel_loop3A_656 = vector.extract %parallel_loop3A_655[0] : i32 from vector<1xi32>
        %parallel_loop3A_657 = arith.constant 0 : i32
        %parallel_loop3A_658 = arith.addi %parallel_loop3A_656, %parallel_loop3A_657 : i32
        %parallel_loop3A_659 = arith.index_cast %parallel_loop3A_658 : i32 to index
        %parallel_loop3A_660 = tpu.vector_load %arg13[%parallel_loop3A_659] {strides = array<i32>} : memref<6400xf32, #tpu.memory_space<vmem>>, vector<16xf32>,
        %parallel_loop3A_661 = vector.shape_cast %parallel_loop3A_660 : vector<16xf32> to vector<16xf32>
        %parallel_loop3A_662 = arith.index_cast %parallel_loop3A_654 : i32 to index
        %parallel_loop3A_663 = arith.constant 0 : index
        %parallel_loop3A_664 = tpu.vector_load %arg11[%parallel_loop3A_662, %parallel_loop3A_663] {strides = array<i32>} : memref<1024x32xf32, #tpu.memory_space<vmem>>, vector<1x16xf32>,
        %parallel_loop3A_665 = vector.shape_cast %parallel_loop3A_664 : vector<1x16xf32> to vector<16xf32>
        %parallel_loop3A_666 = vector.shape_cast %parallel_loop3A_661 : vector<16xf32> to vector<1x16xf32>
        tpu.vector_store %arg11[%parallel_loop3A_662, %parallel_loop3A_663], %parallel_loop3A_666 {add = true, strides = array<i32>} : memref<1024x32xf32, #tpu.memory_space<vmem>>, vector<1x16xf32>,
        %parallel_loop3A_667 = arith.constant 16 : i32
        %parallel_loop3A_668 = arith.addi %parallel_loop3A_656, %parallel_loop3A_667 : i32
        %parallel_loop3A_669 = arith.index_cast %parallel_loop3A_668 : i32 to index
        %parallel_loop3A_670 = tpu.vector_load %arg13[%parallel_loop3A_669] {strides = array<i32>} : memref<6400xf32, #tpu.memory_space<vmem>>, vector<16xf32>,
        %parallel_loop3A_671 = vector.shape_cast %parallel_loop3A_670 : vector<16xf32> to vector<16xf32>
        %parallel_loop3A_672 = arith.index_cast %parallel_loop3A_654 : i32 to index
        %parallel_loop3A_673 = arith.constant 16 : index
        %parallel_loop3A_674 = tpu.vector_load %arg11[%parallel_loop3A_672, %parallel_loop3A_673] {strides = array<i32>} : memref<1024x32xf32, #tpu.memory_space<vmem>>, vector<1x16xf32>,
        %parallel_loop3A_675 = vector.shape_cast %parallel_loop3A_674 : vector<1x16xf32> to vector<16xf32>
        %parallel_loop3A_676 = vector.shape_cast %parallel_loop3A_671 : vector<16xf32> to vector<1x16xf32>
        tpu.vector_store %arg11[%parallel_loop3A_672, %parallel_loop3A_673], %parallel_loop3A_676 {add = true, strides = array<i32>} : memref<1024x32xf32, #tpu.memory_space<vmem>>, vector<1x16xf32>,
        %parallel_loop3A_677 = arith.constant 16 : i32
        %parallel_loop3A_678 = arith.muli %parallel_loop3A_304, %parallel_loop3A_677 : i32
        %parallel_loop3A_679 = arith.constant 14 : i32
        %parallel_loop3A_680 = arith.addi %parallel_loop3A_678, %parallel_loop3A_679 : i32
        %parallel_loop3A_681 = vector.extract_strided_slice %parallel_loop3A_312 {offsets = [14], sizes = [1], strides = [1]} : vector<16xi32> to vector<1xi32>
        %parallel_loop3A_682 = vector.extract %parallel_loop3A_681[0] : i32 from vector<1xi32>
        %parallel_loop3A_683 = arith.constant 0 : i32
        %parallel_loop3A_684 = arith.addi %parallel_loop3A_682, %parallel_loop3A_683 : i32
        %parallel_loop3A_685 = arith.index_cast %parallel_loop3A_684 : i32 to index
        %parallel_loop3A_686 = tpu.vector_load %arg13[%parallel_loop3A_685] {strides = array<i32>} : memref<6400xf32, #tpu.memory_space<vmem>>, vector<16xf32>,
        %parallel_loop3A_687 = vector.shape_cast %parallel_loop3A_686 : vector<16xf32> to vector<16xf32>
        %parallel_loop3A_688 = arith.index_cast %parallel_loop3A_680 : i32 to index
        %parallel_loop3A_689 = arith.constant 0 : index
        %parallel_loop3A_690 = tpu.vector_load %arg11[%parallel_loop3A_688, %parallel_loop3A_689] {strides = array<i32>} : memref<1024x32xf32, #tpu.memory_space<vmem>>, vector<1x16xf32>,
        %parallel_loop3A_691 = vector.shape_cast %parallel_loop3A_690 : vector<1x16xf32> to vector<16xf32>
        %parallel_loop3A_692 = vector.shape_cast %parallel_loop3A_687 : vector<16xf32> to vector<1x16xf32>
        tpu.vector_store %arg11[%parallel_loop3A_688, %parallel_loop3A_689], %parallel_loop3A_692 {add = true, strides = array<i32>} : memref<1024x32xf32, #tpu.memory_space<vmem>>, vector<1x16xf32>,
        %parallel_loop3A_693 = arith.constant 16 : i32
        %parallel_loop3A_694 = arith.addi %parallel_loop3A_682, %parallel_loop3A_693 : i32
        %parallel_loop3A_695 = arith.index_cast %parallel_loop3A_694 : i32 to index
        %parallel_loop3A_696 = tpu.vector_load %arg13[%parallel_loop3A_695] {strides = array<i32>} : memref<6400xf32, #tpu.memory_space<vmem>>, vector<16xf32>,
        %parallel_loop3A_697 = vector.shape_cast %parallel_loop3A_696 : vector<16xf32> to vector<16xf32>
        %parallel_loop3A_698 = arith.index_cast %parallel_loop3A_680 : i32 to index
        %parallel_loop3A_699 = arith.constant 16 : index
        %parallel_loop3A_700 = tpu.vector_load %arg11[%parallel_loop3A_698, %parallel_loop3A_699] {strides = array<i32>} : memref<1024x32xf32, #tpu.memory_space<vmem>>, vector<1x16xf32>,
        %parallel_loop3A_701 = vector.shape_cast %parallel_loop3A_700 : vector<1x16xf32> to vector<16xf32>
        %parallel_loop3A_702 = vector.shape_cast %parallel_loop3A_697 : vector<16xf32> to vector<1x16xf32>
        tpu.vector_store %arg11[%parallel_loop3A_698, %parallel_loop3A_699], %parallel_loop3A_702 {add = true, strides = array<i32>} : memref<1024x32xf32, #tpu.memory_space<vmem>>, vector<1x16xf32>,
        %parallel_loop3A_703 = arith.constant 16 : i32
        %parallel_loop3A_704 = arith.muli %parallel_loop3A_304, %parallel_loop3A_703 : i32
        %parallel_loop3A_705 = arith.constant 15 : i32
        %parallel_loop3A_706 = arith.addi %parallel_loop3A_704, %parallel_loop3A_705 : i32
        %parallel_loop3A_707 = vector.extract_strided_slice %parallel_loop3A_312 {offsets = [15], sizes = [1], strides = [1]} : vector<16xi32> to vector<1xi32>
        %parallel_loop3A_708 = vector.extract %parallel_loop3A_707[0] : i32 from vector<1xi32>
        %parallel_loop3A_709 = arith.constant 0 : i32
        %parallel_loop3A_710 = arith.addi %parallel_loop3A_708, %parallel_loop3A_709 : i32
        %parallel_loop3A_711 = arith.index_cast %parallel_loop3A_710 : i32 to index
        %parallel_loop3A_712 = tpu.vector_load %arg13[%parallel_loop3A_711] {strides = array<i32>} : memref<6400xf32, #tpu.memory_space<vmem>>, vector<16xf32>,
        %parallel_loop3A_713 = vector.shape_cast %parallel_loop3A_712 : vector<16xf32> to vector<16xf32>
        %parallel_loop3A_714 = arith.index_cast %parallel_loop3A_706 : i32 to index
        %parallel_loop3A_715 = arith.constant 0 : index
        %parallel_loop3A_716 = tpu.vector_load %arg11[%parallel_loop3A_714, %parallel_loop3A_715] {strides = array<i32>} : memref<1024x32xf32, #tpu.memory_space<vmem>>, vector<1x16xf32>,
        %parallel_loop3A_717 = vector.shape_cast %parallel_loop3A_716 : vector<1x16xf32> to vector<16xf32>
        %parallel_loop3A_718 = vector.shape_cast %parallel_loop3A_713 : vector<16xf32> to vector<1x16xf32>
        tpu.vector_store %arg11[%parallel_loop3A_714, %parallel_loop3A_715], %parallel_loop3A_718 {add = true, strides = array<i32>} : memref<1024x32xf32, #tpu.memory_space<vmem>>, vector<1x16xf32>,
        %parallel_loop3A_719 = arith.constant 16 : i32
        %parallel_loop3A_720 = arith.addi %parallel_loop3A_708, %parallel_loop3A_719 : i32
        %parallel_loop3A_721 = arith.index_cast %parallel_loop3A_720 : i32 to index
        %parallel_loop3A_722 = tpu.vector_load %arg13[%parallel_loop3A_721] {strides = array<i32>} : memref<6400xf32, #tpu.memory_space<vmem>>, vector<16xf32>,
        %parallel_loop3A_723 = vector.shape_cast %parallel_loop3A_722 : vector<16xf32> to vector<16xf32>
        %parallel_loop3A_724 = arith.index_cast %parallel_loop3A_706 : i32 to index
        %parallel_loop3A_725 = arith.constant 16 : index
        %parallel_loop3A_726 = tpu.vector_load %arg11[%parallel_loop3A_724, %parallel_loop3A_725] {strides = array<i32>} : memref<1024x32xf32, #tpu.memory_space<vmem>>, vector<1x16xf32>,
        %parallel_loop3A_727 = vector.shape_cast %parallel_loop3A_726 : vector<1x16xf32> to vector<16xf32>
        %parallel_loop3A_728 = vector.shape_cast %parallel_loop3A_723 : vector<16xf32> to vector<1x16xf32>
        tpu.vector_store %arg11[%parallel_loop3A_724, %parallel_loop3A_725], %parallel_loop3A_728 {add = true, strides = array<i32>} : memref<1024x32xf32, #tpu.memory_space<vmem>>, vector<1x16xf32>,
      } {sc.loop_unroll_factor = 4 : i64, sc.parallel_access}
      %mul3A_183 = arith.constant 1024 : i32
      %mul3A_184 = arith.muli %mul3A_100, %mul3A_183 : i32
      %add3A_185 = arith.addi %mul3A_4, %mul3A_184 : i32
      %dma_start3A_186 = arith.constant 0 : i32
      %dma_start3A_187 = tpu.memref_slice %arg6[%add3A_185, %dma_start3A_186] : memref<3276800x32xf32, #tpu.memory_space<hbm>> -> memref<1024x32xf32, #tpu.memory_space<hbm>>
      %dma_start3A_188 = arith.constant 0 : i32
      %dma_start3A_189 = tpu.memref_slice %arg6[%add3A_185, %dma_start3A_188] : memref<3276800x32xf32, #tpu.memory_space<hbm>> -> memref<1024x32xf32, #tpu.memory_space<hbm>>
      tpu.enqueue_dma source(%arg11 : memref<1024x32xf32, #tpu.memory_space<vmem>>) target(%dma_start3A_189 : memref<1024x32xf32, #tpu.memory_space<hbm>>) target_semaphore(%arg16 : memref<!tpu.dma_semaphore, #tpu.memory_space<semaphore_mem>>)
      %add3A_190 = arith.constant 1 : i32
      %add3A_191 = arith.addi %mul3A_100, %add3A_190 : i32
      %lt3A = arith.constant 100 : i32
      %lt3A_192 = arith.cmpi slt, %add3A_191, %lt3A : i32
      %convert_element_type3A = arith.extui %lt3A_192 : i1 to i32
      %cond3A = arith.constant 0 : i32
      %cond3A_193 = arith.cmpi ne, %convert_element_type3A, %cond3A : i32
      scf.if %cond3A_193 {
        %add3A_304 = arith.constant 1 : i32
        %add3A_305 = arith.addi %mul3A_100, %add3A_304 : i32
        %mul3A_306 = arith.constant 8 : i32
        %mul3A_307 = arith.muli %add3A_305, %mul3A_306 : i32
        %add3A_308 = arith.addi %mul3A_2, %mul3A_307 : i32
        "tpu.region"() ({
          %run_scoped3A = tpu.sem_alloc : memref<!tpu.dma_semaphore, #tpu.memory_space<semaphore_mem>>
          %dma_start3A_392 = arith.constant 0 : i32
          %dma_start3A_393 = tpu.memref_slice %arg2[%add3A_308, %dma_start3A_392] : memref<25600x128xi32, #tpu.memory_space<hbm>> -> memref<8x128xi32, #tpu.memory_space<hbm>>
          %dma_start3A_394 = arith.constant 0 : i32
          %dma_start3A_395 = tpu.memref_slice %arg2[%add3A_308, %dma_start3A_394] : memref<25600x128xi32, #tpu.memory_space<hbm>> -> memref<8x128xi32, #tpu.memory_space<hbm>>
          tpu.enqueue_dma source(%dma_start3A_395 : memref<8x128xi32, #tpu.memory_space<hbm>>) target(%arg8 : memref<8x128xi32, #tpu.memory_space<vmem>>) target_semaphore(%run_scoped3A : memref<!tpu.dma_semaphore, #tpu.memory_space<semaphore_mem>>)
          %dma_wait3A_396 = arith.constant 0 : i32
          %dma_wait3A_397 = tpu.memref_slice %arg2[%add3A_308, %dma_wait3A_396] : memref<25600x128xi32, #tpu.memory_space<hbm>> -> memref<8x128xi32, #tpu.memory_space<hbm>>
          %dma_wait3A_398 = arith.constant 0 : i32
          %dma_wait3A_399 = tpu.memref_slice %arg2[%add3A_308, %dma_wait3A_398] : memref<25600x128xi32, #tpu.memory_space<hbm>> -> memref<8x128xi32, #tpu.memory_space<hbm>>
          tpu.wait_dma2 semaphore(%run_scoped3A : memref<!tpu.dma_semaphore, #tpu.memory_space<semaphore_mem>>) src(%dma_wait3A_399 : memref<8x128xi32, #tpu.memory_space<hbm>>) dst(%arg8 : memref<8x128xi32, #tpu.memory_space<vmem>>)
          tpu.yield
        }) : () -> ()
        %mul3A_309 = arith.constant 1024 : i32
        %mul3A_310 = arith.muli %add3A_305, %mul3A_309 : i32
        %add3A_311 = arith.addi %mul3A_4, %mul3A_310 : i32
        "tpu.region"() ({
          %run_scoped3A = tpu.sem_alloc : memref<!tpu.dma_semaphore, #tpu.memory_space<semaphore_mem>>
          %dma_start3A_392 = tpu.memref_slice %arg3[%add3A_311] : memref<3276800xi32, #tpu.memory_space<hbm>> -> memref<1024xi32, #tpu.memory_space<hbm>>
          %dma_start3A_393 = tpu.memref_slice %arg3[%add3A_311] : memref<3276800xi32, #tpu.memory_space<hbm>> -> memref<1024xi32, #tpu.memory_space<hbm>>
          tpu.enqueue_dma source(%dma_start3A_393 : memref<1024xi32, #tpu.memory_space<hbm>>) target(%arg10 : memref<1024xi32, #tpu.memory_space<vmem>>) target_semaphore(%run_scoped3A : memref<!tpu.dma_semaphore, #tpu.memory_space<semaphore_mem>>)
          %dma_wait3A_394 = tpu.memref_slice %arg3[%add3A_311] : memref<3276800xi32, #tpu.memory_space<hbm>> -> memref<1024xi32, #tpu.memory_space<hbm>>
          %dma_wait3A_395 = tpu.memref_slice %arg3[%add3A_311] : memref<3276800xi32, #tpu.memory_space<hbm>> -> memref<1024xi32, #tpu.memory_space<hbm>>
          tpu.wait_dma2 semaphore(%run_scoped3A : memref<!tpu.dma_semaphore, #tpu.memory_space<semaphore_mem>>) src(%dma_wait3A_395 : memref<1024xi32, #tpu.memory_space<hbm>>) dst(%arg10 : memref<1024xi32, #tpu.memory_space<vmem>>)
          tpu.yield
        }) : () -> ()
        %dma_start3A_312 = arith.constant 0 : i32
        %dma_start3A_313 = arith.constant 0 : i32
        %dma_start3A_314 = arith.constant 0 : i32
        %dma_start3A_315 = tpu.memref_slice %arg12[%dma_start3A_313, %dma_start3A_314] : memref<1024x32xf32, #tpu.memory_space<vmem>> -> memref<128x32xf32, #tpu.memory_space<vmem>>
        %dma_start3A_316 = arith.constant 0 : i32
        %dma_start3A_317 = tpu.memref_slice %arg8[%dma_start3A_312, %dma_start3A_316] : memref<8x128xi32, #tpu.memory_space<vmem>> -> memref<1x128xi32, #tpu.memory_space<vmem>>
        %dma_start3A_318 = tpu.memref_squeeze %dma_start3A_317 : memref<1x128xi32, #tpu.memory_space<vmem>> -> memref<128xi32, #tpu.memory_space<vmem>>
        %dma_start3A_319 = arith.constant 0 : i32
        %dma_start3A_320 = arith.constant 0 : i32
        %dma_start3A_321 = tpu.memref_slice %arg4[%dma_start3A_319, %dma_start3A_320] : memref<1000000x32xf32, #tpu.memory_space<hbm>> -> memref<1000000x32xf32, #tpu.memory_space<hbm>>
        tpu.enqueue_indirect_dma source(%dma_start3A_321 : memref<1000000x32xf32, #tpu.memory_space<hbm>>) target(%dma_start3A_315 : memref<128x32xf32, #tpu.memory_space<vmem>>) offsets(%dma_start3A_318 : memref<128xi32, #tpu.memory_space<vmem>>) semaphore(%arg15 : memref<!tpu.dma_semaphore, #tpu.memory_space<semaphore_mem>>)
        %dma_start3A_322 = arith.constant 1 : i32
        %dma_start3A_323 = arith.constant 128 : i32
        %dma_start3A_324 = arith.constant 0 : i32
        %dma_start3A_325 = tpu.memref_slice %arg12[%dma_start3A_323, %dma_start3A_324] : memref<1024x32xf32, #tpu.memory_space<vmem>> -> memref<128x32xf32, #tpu.memory_space<vmem>>
        %dma_start3A_326 = arith.constant 0 : i32
        %dma_start3A_327 = tpu.memref_slice %arg8[%dma_start3A_322, %dma_start3A_326] : memref<8x128xi32, #tpu.memory_space<vmem>> -> memref<1x128xi32, #tpu.memory_space<vmem>>
        %dma_start3A_328 = tpu.memref_squeeze %dma_start3A_327 : memref<1x128xi32, #tpu.memory_space<vmem>> -> memref<128xi32, #tpu.memory_space<vmem>>
        %dma_start3A_329 = arith.constant 0 : i32
        %dma_start3A_330 = arith.constant 0 : i32
        %dma_start3A_331 = tpu.memref_slice %arg4[%dma_start3A_329, %dma_start3A_330] : memref<1000000x32xf32, #tpu.memory_space<hbm>> -> memref<1000000x32xf32, #tpu.memory_space<hbm>>
        tpu.enqueue_indirect_dma source(%dma_start3A_331 : memref<1000000x32xf32, #tpu.memory_space<hbm>>) target(%dma_start3A_325 : memref<128x32xf32, #tpu.memory_space<vmem>>) offsets(%dma_start3A_328 : memref<128xi32, #tpu.memory_space<vmem>>) semaphore(%arg15 : memref<!tpu.dma_semaphore, #tpu.memory_space<semaphore_mem>>)
        %dma_start3A_332 = arith.constant 2 : i32
        %dma_start3A_333 = arith.constant 256 : i32
        %dma_start3A_334 = arith.constant 0 : i32
        %dma_start3A_335 = tpu.memref_slice %arg12[%dma_start3A_333, %dma_start3A_334] : memref<1024x32xf32, #tpu.memory_space<vmem>> -> memref<128x32xf32, #tpu.memory_space<vmem>>
        %dma_start3A_336 = arith.constant 0 : i32
        %dma_start3A_337 = tpu.memref_slice %arg8[%dma_start3A_332, %dma_start3A_336] : memref<8x128xi32, #tpu.memory_space<vmem>> -> memref<1x128xi32, #tpu.memory_space<vmem>>
        %dma_start3A_338 = tpu.memref_squeeze %dma_start3A_337 : memref<1x128xi32, #tpu.memory_space<vmem>> -> memref<128xi32, #tpu.memory_space<vmem>>
        %dma_start3A_339 = arith.constant 0 : i32
        %dma_start3A_340 = arith.constant 0 : i32
        %dma_start3A_341 = tpu.memref_slice %arg4[%dma_start3A_339, %dma_start3A_340] : memref<1000000x32xf32, #tpu.memory_space<hbm>> -> memref<1000000x32xf32, #tpu.memory_space<hbm>>
        tpu.enqueue_indirect_dma source(%dma_start3A_341 : memref<1000000x32xf32, #tpu.memory_space<hbm>>) target(%dma_start3A_335 : memref<128x32xf32, #tpu.memory_space<vmem>>) offsets(%dma_start3A_338 : memref<128xi32, #tpu.memory_space<vmem>>) semaphore(%arg15 : memref<!tpu.dma_semaphore, #tpu.memory_space<semaphore_mem>>)
        %dma_start3A_342 = arith.constant 3 : i32
        %dma_start3A_343 = arith.constant 384 : i32
        %dma_start3A_344 = arith.constant 0 : i32
        %dma_start3A_345 = tpu.memref_slice %arg12[%dma_start3A_343, %dma_start3A_344] : memref<1024x32xf32, #tpu.memory_space<vmem>> -> memref<128x32xf32, #tpu.memory_space<vmem>>
        %dma_start3A_346 = arith.constant 0 : i32
        %dma_start3A_347 = tpu.memref_slice %arg8[%dma_start3A_342, %dma_start3A_346] : memref<8x128xi32, #tpu.memory_space<vmem>> -> memref<1x128xi32, #tpu.memory_space<vmem>>
        %dma_start3A_348 = tpu.memref_squeeze %dma_start3A_347 : memref<1x128xi32, #tpu.memory_space<vmem>> -> memref<128xi32, #tpu.memory_space<vmem>>
        %dma_start3A_349 = arith.constant 0 : i32
        %dma_start3A_350 = arith.constant 0 : i32
        %dma_start3A_351 = tpu.memref_slice %arg4[%dma_start3A_349, %dma_start3A_350] : memref<1000000x32xf32, #tpu.memory_space<hbm>> -> memref<1000000x32xf32, #tpu.memory_space<hbm>>
        tpu.enqueue_indirect_dma source(%dma_start3A_351 : memref<1000000x32xf32, #tpu.memory_space<hbm>>) target(%dma_start3A_345 : memref<128x32xf32, #tpu.memory_space<vmem>>) offsets(%dma_start3A_348 : memref<128xi32, #tpu.memory_space<vmem>>) semaphore(%arg15 : memref<!tpu.dma_semaphore, #tpu.memory_space<semaphore_mem>>)
        %dma_start3A_352 = arith.constant 4 : i32
        %dma_start3A_353 = arith.constant 512 : i32
        %dma_start3A_354 = arith.constant 0 : i32
        %dma_start3A_355 = tpu.memref_slice %arg12[%dma_start3A_353, %dma_start3A_354] : memref<1024x32xf32, #tpu.memory_space<vmem>> -> memref<128x32xf32, #tpu.memory_space<vmem>>
        %dma_start3A_356 = arith.constant 0 : i32
        %dma_start3A_357 = tpu.memref_slice %arg8[%dma_start3A_352, %dma_start3A_356] : memref<8x128xi32, #tpu.memory_space<vmem>> -> memref<1x128xi32, #tpu.memory_space<vmem>>
        %dma_start3A_358 = tpu.memref_squeeze %dma_start3A_357 : memref<1x128xi32, #tpu.memory_space<vmem>> -> memref<128xi32, #tpu.memory_space<vmem>>
        %dma_start3A_359 = arith.constant 0 : i32
        %dma_start3A_360 = arith.constant 0 : i32
        %dma_start3A_361 = tpu.memref_slice %arg4[%dma_start3A_359, %dma_start3A_360] : memref<1000000x32xf32, #tpu.memory_space<hbm>> -> memref<1000000x32xf32, #tpu.memory_space<hbm>>
        tpu.enqueue_indirect_dma source(%dma_start3A_361 : memref<1000000x32xf32, #tpu.memory_space<hbm>>) target(%dma_start3A_355 : memref<128x32xf32, #tpu.memory_space<vmem>>) offsets(%dma_start3A_358 : memref<128xi32, #tpu.memory_space<vmem>>) semaphore(%arg15 : memref<!tpu.dma_semaphore, #tpu.memory_space<semaphore_mem>>)
        %dma_start3A_362 = arith.constant 5 : i32
        %dma_start3A_363 = arith.constant 640 : i32
        %dma_start3A_364 = arith.constant 0 : i32
        %dma_start3A_365 = tpu.memref_slice %arg12[%dma_start3A_363, %dma_start3A_364] : memref<1024x32xf32, #tpu.memory_space<vmem>> -> memref<128x32xf32, #tpu.memory_space<vmem>>
        %dma_start3A_366 = arith.constant 0 : i32
        %dma_start3A_367 = tpu.memref_slice %arg8[%dma_start3A_362, %dma_start3A_366] : memref<8x128xi32, #tpu.memory_space<vmem>> -> memref<1x128xi32, #tpu.memory_space<vmem>>
        %dma_start3A_368 = tpu.memref_squeeze %dma_start3A_367 : memref<1x128xi32, #tpu.memory_space<vmem>> -> memref<128xi32, #tpu.memory_space<vmem>>
        %dma_start3A_369 = arith.constant 0 : i32
        %dma_start3A_370 = arith.constant 0 : i32
        %dma_start3A_371 = tpu.memref_slice %arg4[%dma_start3A_369, %dma_start3A_370] : memref<1000000x32xf32, #tpu.memory_space<hbm>> -> memref<1000000x32xf32, #tpu.memory_space<hbm>>
        tpu.enqueue_indirect_dma source(%dma_start3A_371 : memref<1000000x32xf32, #tpu.memory_space<hbm>>) target(%dma_start3A_365 : memref<128x32xf32, #tpu.memory_space<vmem>>) offsets(%dma_start3A_368 : memref<128xi32, #tpu.memory_space<vmem>>) semaphore(%arg15 : memref<!tpu.dma_semaphore, #tpu.memory_space<semaphore_mem>>)
        %dma_start3A_372 = arith.constant 6 : i32
        %dma_start3A_373 = arith.constant 768 : i32
        %dma_start3A_374 = arith.constant 0 : i32
        %dma_start3A_375 = tpu.memref_slice %arg12[%dma_start3A_373, %dma_start3A_374] : memref<1024x32xf32, #tpu.memory_space<vmem>> -> memref<128x32xf32, #tpu.memory_space<vmem>>
        %dma_start3A_376 = arith.constant 0 : i32
        %dma_start3A_377 = tpu.memref_slice %arg8[%dma_start3A_372, %dma_start3A_376] : memref<8x128xi32, #tpu.memory_space<vmem>> -> memref<1x128xi32, #tpu.memory_space<vmem>>
        %dma_start3A_378 = tpu.memref_squeeze %dma_start3A_377 : memref<1x128xi32, #tpu.memory_space<vmem>> -> memref<128xi32, #tpu.memory_space<vmem>>
        %dma_start3A_379 = arith.constant 0 : i32
        %dma_start3A_380 = arith.constant 0 : i32
        %dma_start3A_381 = tpu.memref_slice %arg4[%dma_start3A_379, %dma_start3A_380] : memref<1000000x32xf32, #tpu.memory_space<hbm>> -> memref<1000000x32xf32, #tpu.memory_space<hbm>>
        tpu.enqueue_indirect_dma source(%dma_start3A_381 : memref<1000000x32xf32, #tpu.memory_space<hbm>>) target(%dma_start3A_375 : memref<128x32xf32, #tpu.memory_space<vmem>>) offsets(%dma_start3A_378 : memref<128xi32, #tpu.memory_space<vmem>>) semaphore(%arg15 : memref<!tpu.dma_semaphore, #tpu.memory_space<semaphore_mem>>)
        %dma_start3A_382 = arith.constant 7 : i32
        %dma_start3A_383 = arith.constant 896 : i32
        %dma_start3A_384 = arith.constant 0 : i32
        %dma_start3A_385 = tpu.memref_slice %arg12[%dma_start3A_383, %dma_start3A_384] : memref<1024x32xf32, #tpu.memory_space<vmem>> -> memref<128x32xf32, #tpu.memory_space<vmem>>
        %dma_start3A_386 = arith.constant 0 : i32
        %dma_start3A_387 = tpu.memref_slice %arg8[%dma_start3A_382, %dma_start3A_386] : memref<8x128xi32, #tpu.memory_space<vmem>> -> memref<1x128xi32, #tpu.memory_space<vmem>>
        %dma_start3A_388 = tpu.memref_squeeze %dma_start3A_387 : memref<1x128xi32, #tpu.memory_space<vmem>> -> memref<128xi32, #tpu.memory_space<vmem>>
        %dma_start3A_389 = arith.constant 0 : i32
        %dma_start3A_390 = arith.constant 0 : i32
        %dma_start3A_391 = tpu.memref_slice %arg4[%dma_start3A_389, %dma_start3A_390] : memref<1000000x32xf32, #tpu.memory_space<hbm>> -> memref<1000000x32xf32, #tpu.memory_space<hbm>>
        tpu.enqueue_indirect_dma source(%dma_start3A_391 : memref<1000000x32xf32, #tpu.memory_space<hbm>>) target(%dma_start3A_385 : memref<128x32xf32, #tpu.memory_space<vmem>>) offsets(%dma_start3A_388 : memref<128xi32, #tpu.memory_space<vmem>>) semaphore(%arg15 : memref<!tpu.dma_semaphore, #tpu.memory_space<semaphore_mem>>)
      } else {
      }
      %ge3A = arith.constant 1 : i32
      %ge3A_194 = arith.cmpi sge, %mul3A_100, %ge3A : i32
      %convert_element_type3A_195 = arith.extui %ge3A_194 : i1 to i32
      %cond3A_196 = arith.constant 0 : i32
      %cond3A_197 = arith.cmpi ne, %convert_element_type3A_195, %cond3A_196 : i32
      scf.if %cond3A_197 {
        %sub3A = arith.constant 1 : i32
        %sub3A_304 = arith.subi %mul3A_100, %sub3A : i32
        %mul3A_305 = arith.constant 1024 : i32
        %mul3A_306 = arith.muli %sub3A_304, %mul3A_305 : i32
        %add3A_307 = arith.addi %mul3A_4, %mul3A_306 : i32
        %dma_wait3A_308 = arith.constant 0 : i32
        %dma_wait3A_309 = tpu.memref_slice %arg6[%add3A_307, %dma_wait3A_308] : memref<3276800x32xf32, #tpu.memory_space<hbm>> -> memref<1024x32xf32, #tpu.memory_space<hbm>>
        %dma_wait3A_310 = arith.constant 0 : i32
        %dma_wait3A_311 = tpu.memref_slice %arg6[%add3A_307, %dma_wait3A_310] : memref<3276800x32xf32, #tpu.memory_space<hbm>> -> memref<1024x32xf32, #tpu.memory_space<hbm>>
        tpu.wait_dma2 semaphore(%arg17 : memref<!tpu.dma_semaphore, #tpu.memory_space<semaphore_mem>>) src(%arg12 : memref<1024x32xf32, #tpu.memory_space<vmem>>) dst(%dma_wait3A_311 : memref<1024x32xf32, #tpu.memory_space<hbm>>)
      } else {
      }
      %mul3A_198 = arith.constant 2 : i32
      %mul3A_199 = arith.muli %mul3A_198, %scan3A_98 : i32
      %add3A_200 = arith.constant 1 : i32
      %add3A_201 = arith.addi %mul3A_199, %add3A_200 : i32
      %dma_wait3A_202 = arith.constant 0 : i32
      %dma_wait3A_203 = arith.constant 0 : i32
      %dma_wait3A_204 = arith.constant 0 : i32
      %dma_wait3A_205 = tpu.memref_slice %arg12[%dma_wait3A_203, %dma_wait3A_204] : memref<1024x32xf32, #tpu.memory_space<vmem>> -> memref<128x32xf32, #tpu.memory_space<vmem>>
      %dma_wait3A_206 = arith.constant 0 : i32
      %dma_wait3A_207 = tpu.memref_slice %arg8[%dma_wait3A_202, %dma_wait3A_206] : memref<8x128xi32, #tpu.memory_space<vmem>> -> memref<1x128xi32, #tpu.memory_space<vmem>>
      %dma_wait3A_208 = tpu.memref_squeeze %dma_wait3A_207 : memref<1x128xi32, #tpu.memory_space<vmem>> -> memref<128xi32, #tpu.memory_space<vmem>>
      %dma_wait3A_209 = arith.constant 0 : i32
      %dma_wait3A_210 = arith.constant 0 : i32
      %dma_wait3A_211 = tpu.memref_slice %arg4[%dma_wait3A_209, %dma_wait3A_210] : memref<1000000x32xf32, #tpu.memory_space<hbm>> -> memref<1000000x32xf32, #tpu.memory_space<hbm>>
      tpu.wait_indirect_dma semaphore(%arg15 : memref<!tpu.dma_semaphore, #tpu.memory_space<semaphore_mem>>) src(%dma_wait3A_211 : memref<1000000x32xf32, #tpu.memory_space<hbm>>) dst(%dma_wait3A_205 : memref<128x32xf32, #tpu.memory_space<vmem>>)
      %dma_wait3A_212 = arith.constant 1 : i32
      %dma_wait3A_213 = arith.constant 128 : i32
      %dma_wait3A_214 = arith.constant 0 : i32
      %dma_wait3A_215 = tpu.memref_slice %arg12[%dma_wait3A_213, %dma_wait3A_214] : memref<1024x32xf32, #tpu.memory_space<vmem>> -> memref<128x32xf32, #tpu.memory_space<vmem>>
      %dma_wait3A_216 = arith.constant 0 : i32
      %dma_wait3A_217 = tpu.memref_slice %arg8[%dma_wait3A_212, %dma_wait3A_216] : memref<8x128xi32, #tpu.memory_space<vmem>> -> memref<1x128xi32, #tpu.memory_space<vmem>>
      %dma_wait3A_218 = tpu.memref_squeeze %dma_wait3A_217 : memref<1x128xi32, #tpu.memory_space<vmem>> -> memref<128xi32, #tpu.memory_space<vmem>>
      %dma_wait3A_219 = arith.constant 0 : i32
      %dma_wait3A_220 = arith.constant 0 : i32
      %dma_wait3A_221 = tpu.memref_slice %arg4[%dma_wait3A_219, %dma_wait3A_220] : memref<1000000x32xf32, #tpu.memory_space<hbm>> -> memref<1000000x32xf32, #tpu.memory_space<hbm>>
      tpu.wait_indirect_dma semaphore(%arg15 : memref<!tpu.dma_semaphore, #tpu.memory_space<semaphore_mem>>) src(%dma_wait3A_221 : memref<1000000x32xf32, #tpu.memory_space<hbm>>) dst(%dma_wait3A_215 : memref<128x32xf32, #tpu.memory_space<vmem>>)
      %dma_wait3A_222 = arith.constant 2 : i32
      %dma_wait3A_223 = arith.constant 256 : i32
      %dma_wait3A_224 = arith.constant 0 : i32
      %dma_wait3A_225 = tpu.memref_slice %arg12[%dma_wait3A_223, %dma_wait3A_224] : memref<1024x32xf32, #tpu.memory_space<vmem>> -> memref<128x32xf32, #tpu.memory_space<vmem>>
      %dma_wait3A_226 = arith.constant 0 : i32
      %dma_wait3A_227 = tpu.memref_slice %arg8[%dma_wait3A_222, %dma_wait3A_226] : memref<8x128xi32, #tpu.memory_space<vmem>> -> memref<1x128xi32, #tpu.memory_space<vmem>>
      %dma_wait3A_228 = tpu.memref_squeeze %dma_wait3A_227 : memref<1x128xi32, #tpu.memory_space<vmem>> -> memref<128xi32, #tpu.memory_space<vmem>>
      %dma_wait3A_229 = arith.constant 0 : i32
      %dma_wait3A_230 = arith.constant 0 : i32
      %dma_wait3A_231 = tpu.memref_slice %arg4[%dma_wait3A_229, %dma_wait3A_230] : memref<1000000x32xf32, #tpu.memory_space<hbm>> -> memref<1000000x32xf32, #tpu.memory_space<hbm>>
      tpu.wait_indirect_dma semaphore(%arg15 : memref<!tpu.dma_semaphore, #tpu.memory_space<semaphore_mem>>) src(%dma_wait3A_231 : memref<1000000x32xf32, #tpu.memory_space<hbm>>) dst(%dma_wait3A_225 : memref<128x32xf32, #tpu.memory_space<vmem>>)
      %dma_wait3A_232 = arith.constant 3 : i32
      %dma_wait3A_233 = arith.constant 384 : i32
      %dma_wait3A_234 = arith.constant 0 : i32
      %dma_wait3A_235 = tpu.memref_slice %arg12[%dma_wait3A_233, %dma_wait3A_234] : memref<1024x32xf32, #tpu.memory_space<vmem>> -> memref<128x32xf32, #tpu.memory_space<vmem>>
      %dma_wait3A_236 = arith.constant 0 : i32
      %dma_wait3A_237 = tpu.memref_slice %arg8[%dma_wait3A_232, %dma_wait3A_236] : memref<8x128xi32, #tpu.memory_space<vmem>> -> memref<1x128xi32, #tpu.memory_space<vmem>>
      %dma_wait3A_238 = tpu.memref_squeeze %dma_wait3A_237 : memref<1x128xi32, #tpu.memory_space<vmem>> -> memref<128xi32, #tpu.memory_space<vmem>>
      %dma_wait3A_239 = arith.constant 0 : i32
      %dma_wait3A_240 = arith.constant 0 : i32
      %dma_wait3A_241 = tpu.memref_slice %arg4[%dma_wait3A_239, %dma_wait3A_240] : memref<1000000x32xf32, #tpu.memory_space<hbm>> -> memref<1000000x32xf32, #tpu.memory_space<hbm>>
      tpu.wait_indirect_dma semaphore(%arg15 : memref<!tpu.dma_semaphore, #tpu.memory_space<semaphore_mem>>) src(%dma_wait3A_241 : memref<1000000x32xf32, #tpu.memory_space<hbm>>) dst(%dma_wait3A_235 : memref<128x32xf32, #tpu.memory_space<vmem>>)
      %dma_wait3A_242 = arith.constant 4 : i32
      %dma_wait3A_243 = arith.constant 512 : i32
      %dma_wait3A_244 = arith.constant 0 : i32
      %dma_wait3A_245 = tpu.memref_slice %arg12[%dma_wait3A_243, %dma_wait3A_244] : memref<1024x32xf32, #tpu.memory_space<vmem>> -> memref<128x32xf32, #tpu.memory_space<vmem>>
      %dma_wait3A_246 = arith.constant 0 : i32
      %dma_wait3A_247 = tpu.memref_slice %arg8[%dma_wait3A_242, %dma_wait3A_246] : memref<8x128xi32, #tpu.memory_space<vmem>> -> memref<1x128xi32, #tpu.memory_space<vmem>>
      %dma_wait3A_248 = tpu.memref_squeeze %dma_wait3A_247 : memref<1x128xi32, #tpu.memory_space<vmem>> -> memref<128xi32, #tpu.memory_space<vmem>>
      %dma_wait3A_249 = arith.constant 0 : i32
      %dma_wait3A_250 = arith.constant 0 : i32
      %dma_wait3A_251 = tpu.memref_slice %arg4[%dma_wait3A_249, %dma_wait3A_250] : memref<1000000x32xf32, #tpu.memory_space<hbm>> -> memref<1000000x32xf32, #tpu.memory_space<hbm>>
      tpu.wait_indirect_dma semaphore(%arg15 : memref<!tpu.dma_semaphore, #tpu.memory_space<semaphore_mem>>) src(%dma_wait3A_251 : memref<1000000x32xf32, #tpu.memory_space<hbm>>) dst(%dma_wait3A_245 : memref<128x32xf32, #tpu.memory_space<vmem>>)
      %dma_wait3A_252 = arith.constant 5 : i32
      %dma_wait3A_253 = arith.constant 640 : i32
      %dma_wait3A_254 = arith.constant 0 : i32
      %dma_wait3A_255 = tpu.memref_slice %arg12[%dma_wait3A_253, %dma_wait3A_254] : memref<1024x32xf32, #tpu.memory_space<vmem>> -> memref<128x32xf32, #tpu.memory_space<vmem>>
      %dma_wait3A_256 = arith.constant 0 : i32
      %dma_wait3A_257 = tpu.memref_slice %arg8[%dma_wait3A_252, %dma_wait3A_256] : memref<8x128xi32, #tpu.memory_space<vmem>> -> memref<1x128xi32, #tpu.memory_space<vmem>>
      %dma_wait3A_258 = tpu.memref_squeeze %dma_wait3A_257 : memref<1x128xi32, #tpu.memory_space<vmem>> -> memref<128xi32, #tpu.memory_space<vmem>>
      %dma_wait3A_259 = arith.constant 0 : i32
      %dma_wait3A_260 = arith.constant 0 : i32
      %dma_wait3A_261 = tpu.memref_slice %arg4[%dma_wait3A_259, %dma_wait3A_260] : memref<1000000x32xf32, #tpu.memory_space<hbm>> -> memref<1000000x32xf32, #tpu.memory_space<hbm>>
      tpu.wait_indirect_dma semaphore(%arg15 : memref<!tpu.dma_semaphore, #tpu.memory_space<semaphore_mem>>) src(%dma_wait3A_261 : memref<1000000x32xf32, #tpu.memory_space<hbm>>) dst(%dma_wait3A_255 : memref<128x32xf32, #tpu.memory_space<vmem>>)
      %dma_wait3A_262 = arith.constant 6 : i32
      %dma_wait3A_263 = arith.constant 768 : i32
      %dma_wait3A_264 = arith.constant 0 : i32
      %dma_wait3A_265 = tpu.memref_slice %arg12[%dma_wait3A_263, %dma_wait3A_264] : memref<1024x32xf32, #tpu.memory_space<vmem>> -> memref<128x32xf32, #tpu.memory_space<vmem>>
      %dma_wait3A_266 = arith.constant 0 : i32
      %dma_wait3A_267 = tpu.memref_slice %arg8[%dma_wait3A_262, %dma_wait3A_266] : memref<8x128xi32, #tpu.memory_space<vmem>> -> memref<1x128xi32, #tpu.memory_space<vmem>>
      %dma_wait3A_268 = tpu.memref_squeeze %dma_wait3A_267 : memref<1x128xi32, #tpu.memory_space<vmem>> -> memref<128xi32, #tpu.memory_space<vmem>>
      %dma_wait3A_269 = arith.constant 0 : i32
      %dma_wait3A_270 = arith.constant 0 : i32
      %dma_wait3A_271 = tpu.memref_slice %arg4[%dma_wait3A_269, %dma_wait3A_270] : memref<1000000x32xf32, #tpu.memory_space<hbm>> -> memref<1000000x32xf32, #tpu.memory_space<hbm>>
      tpu.wait_indirect_dma semaphore(%arg15 : memref<!tpu.dma_semaphore, #tpu.memory_space<semaphore_mem>>) src(%dma_wait3A_271 : memref<1000000x32xf32, #tpu.memory_space<hbm>>) dst(%dma_wait3A_265 : memref<128x32xf32, #tpu.memory_space<vmem>>)
      %dma_wait3A_272 = arith.constant 7 : i32
      %dma_wait3A_273 = arith.constant 896 : i32
      %dma_wait3A_274 = arith.constant 0 : i32
      %dma_wait3A_275 = tpu.memref_slice %arg12[%dma_wait3A_273, %dma_wait3A_274] : memref<1024x32xf32, #tpu.memory_space<vmem>> -> memref<128x32xf32, #tpu.memory_space<vmem>>
      %dma_wait3A_276 = arith.constant 0 : i32
      %dma_wait3A_277 = tpu.memref_slice %arg8[%dma_wait3A_272, %dma_wait3A_276] : memref<8x128xi32, #tpu.memory_space<vmem>> -> memref<1x128xi32, #tpu.memory_space<vmem>>
      %dma_wait3A_278 = tpu.memref_squeeze %dma_wait3A_277 : memref<1x128xi32, #tpu.memory_space<vmem>> -> memref<128xi32, #tpu.memory_space<vmem>>
      %dma_wait3A_279 = arith.constant 0 : i32
      %dma_wait3A_280 = arith.constant 0 : i32
      %dma_wait3A_281 = tpu.memref_slice %arg4[%dma_wait3A_279, %dma_wait3A_280] : memref<1000000x32xf32, #tpu.memory_space<hbm>> -> memref<1000000x32xf32, #tpu.memory_space<hbm>>
      tpu.wait_indirect_dma semaphore(%arg15 : memref<!tpu.dma_semaphore, #tpu.memory_space<semaphore_mem>>) src(%dma_wait3A_281 : memref<1000000x32xf32, #tpu.memory_space<hbm>>) dst(%dma_wait3A_275 : memref<128x32xf32, #tpu.memory_space<vmem>>)
      %parallel_loop3A_282 = arith.constant 0 : i32
      %parallel_loop3A_283 = arith.constant 64 : i32
      %parallel_loop3A_284 = arith.constant 1 : i32
      scf.for %parallel_loop3A_304 = %parallel_loop3A_282 to %parallel_loop3A_283 step %parallel_loop3A_284  : i32 {
        %parallel_loop3A_305 = arith.constant 16 : i32
        %parallel_loop3A_306 = arith.muli %parallel_loop3A_304, %parallel_loop3A_305 : i32
        %parallel_loop3A_307 = arith.index_cast %parallel_loop3A_306 : i32 to index
        %parallel_loop3A_308 = tpu.vector_load %arg10[%parallel_loop3A_307] {strides = array<i32>} : memref<1024xi32, #tpu.memory_space<vmem>>, vector<16xi32>,
        %parallel_loop3A_309 = vector.shape_cast %parallel_loop3A_308 : vector<16xi32> to vector<16xi32>
        %parallel_loop3A_310 = arith.constant 32 : i32
        %parallel_loop3A_311 = vector.broadcast %parallel_loop3A_310 : i32 to vector<16xi32>
        %parallel_loop3A_312 = arith.muli %parallel_loop3A_309, %parallel_loop3A_311 : vector<16xi32>
        %parallel_loop3A_313 = arith.constant 16 : i32
        %parallel_loop3A_314 = arith.muli %parallel_loop3A_304, %parallel_loop3A_313 : i32
        %parallel_loop3A_315 = arith.constant 0 : i32
        %parallel_loop3A_316 = arith.addi %parallel_loop3A_314, %parallel_loop3A_315 : i32
        %parallel_loop3A_317 = vector.extract_strided_slice %parallel_loop3A_312 {offsets = [0], sizes = [1], strides = [1]} : vector<16xi32> to vector<1xi32>
        %parallel_loop3A_318 = vector.extract %parallel_loop3A_317[0] : i32 from vector<1xi32>
        %parallel_loop3A_319 = arith.constant 0 : i32
        %parallel_loop3A_320 = arith.addi %parallel_loop3A_318, %parallel_loop3A_319 : i32
        %parallel_loop3A_321 = arith.index_cast %parallel_loop3A_320 : i32 to index
        %parallel_loop3A_322 = tpu.vector_load %arg13[%parallel_loop3A_321] {strides = array<i32>} : memref<6400xf32, #tpu.memory_space<vmem>>, vector<16xf32>,
        %parallel_loop3A_323 = vector.shape_cast %parallel_loop3A_322 : vector<16xf32> to vector<16xf32>
        %parallel_loop3A_324 = arith.index_cast %parallel_loop3A_316 : i32 to index
        %parallel_loop3A_325 = arith.constant 0 : index
        %parallel_loop3A_326 = tpu.vector_load %arg12[%parallel_loop3A_324, %parallel_loop3A_325] {strides = array<i32>} : memref<1024x32xf32, #tpu.memory_space<vmem>>, vector<1x16xf32>,
        %parallel_loop3A_327 = vector.shape_cast %parallel_loop3A_326 : vector<1x16xf32> to vector<16xf32>
        %parallel_loop3A_328 = vector.shape_cast %parallel_loop3A_323 : vector<16xf32> to vector<1x16xf32>
        tpu.vector_store %arg12[%parallel_loop3A_324, %parallel_loop3A_325], %parallel_loop3A_328 {add = true, strides = array<i32>} : memref<1024x32xf32, #tpu.memory_space<vmem>>, vector<1x16xf32>,
        %parallel_loop3A_329 = arith.constant 16 : i32
        %parallel_loop3A_330 = arith.addi %parallel_loop3A_318, %parallel_loop3A_329 : i32
        %parallel_loop3A_331 = arith.index_cast %parallel_loop3A_330 : i32 to index
        %parallel_loop3A_332 = tpu.vector_load %arg13[%parallel_loop3A_331] {strides = array<i32>} : memref<6400xf32, #tpu.memory_space<vmem>>, vector<16xf32>,
        %parallel_loop3A_333 = vector.shape_cast %parallel_loop3A_332 : vector<16xf32> to vector<16xf32>
        %parallel_loop3A_334 = arith.index_cast %parallel_loop3A_316 : i32 to index
        %parallel_loop3A_335 = arith.constant 16 : index
        %parallel_loop3A_336 = tpu.vector_load %arg12[%parallel_loop3A_334, %parallel_loop3A_335] {strides = array<i32>} : memref<1024x32xf32, #tpu.memory_space<vmem>>, vector<1x16xf32>,
        %parallel_loop3A_337 = vector.shape_cast %parallel_loop3A_336 : vector<1x16xf32> to vector<16xf32>
        %parallel_loop3A_338 = vector.shape_cast %parallel_loop3A_333 : vector<16xf32> to vector<1x16xf32>
        tpu.vector_store %arg12[%parallel_loop3A_334, %parallel_loop3A_335], %parallel_loop3A_338 {add = true, strides = array<i32>} : memref<1024x32xf32, #tpu.memory_space<vmem>>, vector<1x16xf32>,
        %parallel_loop3A_339 = arith.constant 16 : i32
        %parallel_loop3A_340 = arith.muli %parallel_loop3A_304, %parallel_loop3A_339 : i32
        %parallel_loop3A_341 = arith.constant 1 : i32
        %parallel_loop3A_342 = arith.addi %parallel_loop3A_340, %parallel_loop3A_341 : i32
        %parallel_loop3A_343 = vector.extract_strided_slice %parallel_loop3A_312 {offsets = [1], sizes = [1], strides = [1]} : vector<16xi32> to vector<1xi32>
        %parallel_loop3A_344 = vector.extract %parallel_loop3A_343[0] : i32 from vector<1xi32>
        %parallel_loop3A_345 = arith.constant 0 : i32
        %parallel_loop3A_346 = arith.addi %parallel_loop3A_344, %parallel_loop3A_345 : i32
        %parallel_loop3A_347 = arith.index_cast %parallel_loop3A_346 : i32 to index
        %parallel_loop3A_348 = tpu.vector_load %arg13[%parallel_loop3A_347] {strides = array<i32>} : memref<6400xf32, #tpu.memory_space<vmem>>, vector<16xf32>,
        %parallel_loop3A_349 = vector.shape_cast %parallel_loop3A_348 : vector<16xf32> to vector<16xf32>
        %parallel_loop3A_350 = arith.index_cast %parallel_loop3A_342 : i32 to index
        %parallel_loop3A_351 = arith.constant 0 : index
        %parallel_loop3A_352 = tpu.vector_load %arg12[%parallel_loop3A_350, %parallel_loop3A_351] {strides = array<i32>} : memref<1024x32xf32, #tpu.memory_space<vmem>>, vector<1x16xf32>,
        %parallel_loop3A_353 = vector.shape_cast %parallel_loop3A_352 : vector<1x16xf32> to vector<16xf32>
        %parallel_loop3A_354 = vector.shape_cast %parallel_loop3A_349 : vector<16xf32> to vector<1x16xf32>
        tpu.vector_store %arg12[%parallel_loop3A_350, %parallel_loop3A_351], %parallel_loop3A_354 {add = true, strides = array<i32>} : memref<1024x32xf32, #tpu.memory_space<vmem>>, vector<1x16xf32>,
        %parallel_loop3A_355 = arith.constant 16 : i32
        %parallel_loop3A_356 = arith.addi %parallel_loop3A_344, %parallel_loop3A_355 : i32
        %parallel_loop3A_357 = arith.index_cast %parallel_loop3A_356 : i32 to index
        %parallel_loop3A_358 = tpu.vector_load %arg13[%parallel_loop3A_357] {strides = array<i32>} : memref<6400xf32, #tpu.memory_space<vmem>>, vector<16xf32>,
        %parallel_loop3A_359 = vector.shape_cast %parallel_loop3A_358 : vector<16xf32> to vector<16xf32>
        %parallel_loop3A_360 = arith.index_cast %parallel_loop3A_342 : i32 to index
        %parallel_loop3A_361 = arith.constant 16 : index
        %parallel_loop3A_362 = tpu.vector_load %arg12[%parallel_loop3A_360, %parallel_loop3A_361] {strides = array<i32>} : memref<1024x32xf32, #tpu.memory_space<vmem>>, vector<1x16xf32>,
        %parallel_loop3A_363 = vector.shape_cast %parallel_loop3A_362 : vector<1x16xf32> to vector<16xf32>
        %parallel_loop3A_364 = vector.shape_cast %parallel_loop3A_359 : vector<16xf32> to vector<1x16xf32>
        tpu.vector_store %arg12[%parallel_loop3A_360, %parallel_loop3A_361], %parallel_loop3A_364 {add = true, strides = array<i32>} : memref<1024x32xf32, #tpu.memory_space<vmem>>, vector<1x16xf32>,
        %parallel_loop3A_365 = arith.constant 16 : i32
        %parallel_loop3A_366 = arith.muli %parallel_loop3A_304, %parallel_loop3A_365 : i32
        %parallel_loop3A_367 = arith.constant 2 : i32
        %parallel_loop3A_368 = arith.addi %parallel_loop3A_366, %parallel_loop3A_367 : i32
        %parallel_loop3A_369 = vector.extract_strided_slice %parallel_loop3A_312 {offsets = [2], sizes = [1], strides = [1]} : vector<16xi32> to vector<1xi32>
        %parallel_loop3A_370 = vector.extract %parallel_loop3A_369[0] : i32 from vector<1xi32>
        %parallel_loop3A_371 = arith.constant 0 : i32
        %parallel_loop3A_372 = arith.addi %parallel_loop3A_370, %parallel_loop3A_371 : i32
        %parallel_loop3A_373 = arith.index_cast %parallel_loop3A_372 : i32 to index
        %parallel_loop3A_374 = tpu.vector_load %arg13[%parallel_loop3A_373] {strides = array<i32>} : memref<6400xf32, #tpu.memory_space<vmem>>, vector<16xf32>,
        %parallel_loop3A_375 = vector.shape_cast %parallel_loop3A_374 : vector<16xf32> to vector<16xf32>
        %parallel_loop3A_376 = arith.index_cast %parallel_loop3A_368 : i32 to index
        %parallel_loop3A_377 = arith.constant 0 : index
        %parallel_loop3A_378 = tpu.vector_load %arg12[%parallel_loop3A_376, %parallel_loop3A_377] {strides = array<i32>} : memref<1024x32xf32, #tpu.memory_space<vmem>>, vector<1x16xf32>,
        %parallel_loop3A_379 = vector.shape_cast %parallel_loop3A_378 : vector<1x16xf32> to vector<16xf32>
        %parallel_loop3A_380 = vector.shape_cast %parallel_loop3A_375 : vector<16xf32> to vector<1x16xf32>
        tpu.vector_store %arg12[%parallel_loop3A_376, %parallel_loop3A_377], %parallel_loop3A_380 {add = true, strides = array<i32>} : memref<1024x32xf32, #tpu.memory_space<vmem>>, vector<1x16xf32>,
        %parallel_loop3A_381 = arith.constant 16 : i32
        %parallel_loop3A_382 = arith.addi %parallel_loop3A_370, %parallel_loop3A_381 : i32
        %parallel_loop3A_383 = arith.index_cast %parallel_loop3A_382 : i32 to index
        %parallel_loop3A_384 = tpu.vector_load %arg13[%parallel_loop3A_383] {strides = array<i32>} : memref<6400xf32, #tpu.memory_space<vmem>>, vector<16xf32>,
        %parallel_loop3A_385 = vector.shape_cast %parallel_loop3A_384 : vector<16xf32> to vector<16xf32>
        %parallel_loop3A_386 = arith.index_cast %parallel_loop3A_368 : i32 to index
        %parallel_loop3A_387 = arith.constant 16 : index
        %parallel_loop3A_388 = tpu.vector_load %arg12[%parallel_loop3A_386, %parallel_loop3A_387] {strides = array<i32>} : memref<1024x32xf32, #tpu.memory_space<vmem>>, vector<1x16xf32>,
        %parallel_loop3A_389 = vector.shape_cast %parallel_loop3A_388 : vector<1x16xf32> to vector<16xf32>
        %parallel_loop3A_390 = vector.shape_cast %parallel_loop3A_385 : vector<16xf32> to vector<1x16xf32>
        tpu.vector_store %arg12[%parallel_loop3A_386, %parallel_loop3A_387], %parallel_loop3A_390 {add = true, strides = array<i32>} : memref<1024x32xf32, #tpu.memory_space<vmem>>, vector<1x16xf32>,
        %parallel_loop3A_391 = arith.constant 16 : i32
        %parallel_loop3A_392 = arith.muli %parallel_loop3A_304, %parallel_loop3A_391 : i32
        %parallel_loop3A_393 = arith.constant 3 : i32
        %parallel_loop3A_394 = arith.addi %parallel_loop3A_392, %parallel_loop3A_393 : i32
        %parallel_loop3A_395 = vector.extract_strided_slice %parallel_loop3A_312 {offsets = [3], sizes = [1], strides = [1]} : vector<16xi32> to vector<1xi32>
        %parallel_loop3A_396 = vector.extract %parallel_loop3A_395[0] : i32 from vector<1xi32>
        %parallel_loop3A_397 = arith.constant 0 : i32
        %parallel_loop3A_398 = arith.addi %parallel_loop3A_396, %parallel_loop3A_397 : i32
        %parallel_loop3A_399 = arith.index_cast %parallel_loop3A_398 : i32 to index
        %parallel_loop3A_400 = tpu.vector_load %arg13[%parallel_loop3A_399] {strides = array<i32>} : memref<6400xf32, #tpu.memory_space<vmem>>, vector<16xf32>,
        %parallel_loop3A_401 = vector.shape_cast %parallel_loop3A_400 : vector<16xf32> to vector<16xf32>
        %parallel_loop3A_402 = arith.index_cast %parallel_loop3A_394 : i32 to index
        %parallel_loop3A_403 = arith.constant 0 : index
        %parallel_loop3A_404 = tpu.vector_load %arg12[%parallel_loop3A_402, %parallel_loop3A_403] {strides = array<i32>} : memref<1024x32xf32, #tpu.memory_space<vmem>>, vector<1x16xf32>,
        %parallel_loop3A_405 = vector.shape_cast %parallel_loop3A_404 : vector<1x16xf32> to vector<16xf32>
        %parallel_loop3A_406 = vector.shape_cast %parallel_loop3A_401 : vector<16xf32> to vector<1x16xf32>
        tpu.vector_store %arg12[%parallel_loop3A_402, %parallel_loop3A_403], %parallel_loop3A_406 {add = true, strides = array<i32>} : memref<1024x32xf32, #tpu.memory_space<vmem>>, vector<1x16xf32>,
        %parallel_loop3A_407 = arith.constant 16 : i32
        %parallel_loop3A_408 = arith.addi %parallel_loop3A_396, %parallel_loop3A_407 : i32
        %parallel_loop3A_409 = arith.index_cast %parallel_loop3A_408 : i32 to index
        %parallel_loop3A_410 = tpu.vector_load %arg13[%parallel_loop3A_409] {strides = array<i32>} : memref<6400xf32, #tpu.memory_space<vmem>>, vector<16xf32>,
        %parallel_loop3A_411 = vector.shape_cast %parallel_loop3A_410 : vector<16xf32> to vector<16xf32>
        %parallel_loop3A_412 = arith.index_cast %parallel_loop3A_394 : i32 to index
        %parallel_loop3A_413 = arith.constant 16 : index
        %parallel_loop3A_414 = tpu.vector_load %arg12[%parallel_loop3A_412, %parallel_loop3A_413] {strides = array<i32>} : memref<1024x32xf32, #tpu.memory_space<vmem>>, vector<1x16xf32>,
        %parallel_loop3A_415 = vector.shape_cast %parallel_loop3A_414 : vector<1x16xf32> to vector<16xf32>
        %parallel_loop3A_416 = vector.shape_cast %parallel_loop3A_411 : vector<16xf32> to vector<1x16xf32>
        tpu.vector_store %arg12[%parallel_loop3A_412, %parallel_loop3A_413], %parallel_loop3A_416 {add = true, strides = array<i32>} : memref<1024x32xf32, #tpu.memory_space<vmem>>, vector<1x16xf32>,
        %parallel_loop3A_417 = arith.constant 16 : i32
        %parallel_loop3A_418 = arith.muli %parallel_loop3A_304, %parallel_loop3A_417 : i32
        %parallel_loop3A_419 = arith.constant 4 : i32
        %parallel_loop3A_420 = arith.addi %parallel_loop3A_418, %parallel_loop3A_419 : i32
        %parallel_loop3A_421 = vector.extract_strided_slice %parallel_loop3A_312 {offsets = [4], sizes = [1], strides = [1]} : vector<16xi32> to vector<1xi32>
        %parallel_loop3A_422 = vector.extract %parallel_loop3A_421[0] : i32 from vector<1xi32>
        %parallel_loop3A_423 = arith.constant 0 : i32
        %parallel_loop3A_424 = arith.addi %parallel_loop3A_422, %parallel_loop3A_423 : i32
        %parallel_loop3A_425 = arith.index_cast %parallel_loop3A_424 : i32 to index
        %parallel_loop3A_426 = tpu.vector_load %arg13[%parallel_loop3A_425] {strides = array<i32>} : memref<6400xf32, #tpu.memory_space<vmem>>, vector<16xf32>,
        %parallel_loop3A_427 = vector.shape_cast %parallel_loop3A_426 : vector<16xf32> to vector<16xf32>
        %parallel_loop3A_428 = arith.index_cast %parallel_loop3A_420 : i32 to index
        %parallel_loop3A_429 = arith.constant 0 : index
        %parallel_loop3A_430 = tpu.vector_load %arg12[%parallel_loop3A_428, %parallel_loop3A_429] {strides = array<i32>} : memref<1024x32xf32, #tpu.memory_space<vmem>>, vector<1x16xf32>,
        %parallel_loop3A_431 = vector.shape_cast %parallel_loop3A_430 : vector<1x16xf32> to vector<16xf32>
        %parallel_loop3A_432 = vector.shape_cast %parallel_loop3A_427 : vector<16xf32> to vector<1x16xf32>
        tpu.vector_store %arg12[%parallel_loop3A_428, %parallel_loop3A_429], %parallel_loop3A_432 {add = true, strides = array<i32>} : memref<1024x32xf32, #tpu.memory_space<vmem>>, vector<1x16xf32>,
        %parallel_loop3A_433 = arith.constant 16 : i32
        %parallel_loop3A_434 = arith.addi %parallel_loop3A_422, %parallel_loop3A_433 : i32
        %parallel_loop3A_435 = arith.index_cast %parallel_loop3A_434 : i32 to index
        %parallel_loop3A_436 = tpu.vector_load %arg13[%parallel_loop3A_435] {strides = array<i32>} : memref<6400xf32, #tpu.memory_space<vmem>>, vector<16xf32>,
        %parallel_loop3A_437 = vector.shape_cast %parallel_loop3A_436 : vector<16xf32> to vector<16xf32>
        %parallel_loop3A_438 = arith.index_cast %parallel_loop3A_420 : i32 to index
        %parallel_loop3A_439 = arith.constant 16 : index
        %parallel_loop3A_440 = tpu.vector_load %arg12[%parallel_loop3A_438, %parallel_loop3A_439] {strides = array<i32>} : memref<1024x32xf32, #tpu.memory_space<vmem>>, vector<1x16xf32>,
        %parallel_loop3A_441 = vector.shape_cast %parallel_loop3A_440 : vector<1x16xf32> to vector<16xf32>
        %parallel_loop3A_442 = vector.shape_cast %parallel_loop3A_437 : vector<16xf32> to vector<1x16xf32>
        tpu.vector_store %arg12[%parallel_loop3A_438, %parallel_loop3A_439], %parallel_loop3A_442 {add = true, strides = array<i32>} : memref<1024x32xf32, #tpu.memory_space<vmem>>, vector<1x16xf32>,
        %parallel_loop3A_443 = arith.constant 16 : i32
        %parallel_loop3A_444 = arith.muli %parallel_loop3A_304, %parallel_loop3A_443 : i32
        %parallel_loop3A_445 = arith.constant 5 : i32
        %parallel_loop3A_446 = arith.addi %parallel_loop3A_444, %parallel_loop3A_445 : i32
        %parallel_loop3A_447 = vector.extract_strided_slice %parallel_loop3A_312 {offsets = [5], sizes = [1], strides = [1]} : vector<16xi32> to vector<1xi32>
        %parallel_loop3A_448 = vector.extract %parallel_loop3A_447[0] : i32 from vector<1xi32>
        %parallel_loop3A_449 = arith.constant 0 : i32
        %parallel_loop3A_450 = arith.addi %parallel_loop3A_448, %parallel_loop3A_449 : i32
        %parallel_loop3A_451 = arith.index_cast %parallel_loop3A_450 : i32 to index
        %parallel_loop3A_452 = tpu.vector_load %arg13[%parallel_loop3A_451] {strides = array<i32>} : memref<6400xf32, #tpu.memory_space<vmem>>, vector<16xf32>,
        %parallel_loop3A_453 = vector.shape_cast %parallel_loop3A_452 : vector<16xf32> to vector<16xf32>
        %parallel_loop3A_454 = arith.index_cast %parallel_loop3A_446 : i32 to index
        %parallel_loop3A_455 = arith.constant 0 : index
        %parallel_loop3A_456 = tpu.vector_load %arg12[%parallel_loop3A_454, %parallel_loop3A_455] {strides = array<i32>} : memref<1024x32xf32, #tpu.memory_space<vmem>>, vector<1x16xf32>,
        %parallel_loop3A_457 = vector.shape_cast %parallel_loop3A_456 : vector<1x16xf32> to vector<16xf32>
        %parallel_loop3A_458 = vector.shape_cast %parallel_loop3A_453 : vector<16xf32> to vector<1x16xf32>
        tpu.vector_store %arg12[%parallel_loop3A_454, %parallel_loop3A_455], %parallel_loop3A_458 {add = true, strides = array<i32>} : memref<1024x32xf32, #tpu.memory_space<vmem>>, vector<1x16xf32>,
        %parallel_loop3A_459 = arith.constant 16 : i32
        %parallel_loop3A_460 = arith.addi %parallel_loop3A_448, %parallel_loop3A_459 : i32
        %parallel_loop3A_461 = arith.index_cast %parallel_loop3A_460 : i32 to index
        %parallel_loop3A_462 = tpu.vector_load %arg13[%parallel_loop3A_461] {strides = array<i32>} : memref<6400xf32, #tpu.memory_space<vmem>>, vector<16xf32>,
        %parallel_loop3A_463 = vector.shape_cast %parallel_loop3A_462 : vector<16xf32> to vector<16xf32>
        %parallel_loop3A_464 = arith.index_cast %parallel_loop3A_446 : i32 to index
        %parallel_loop3A_465 = arith.constant 16 : index
        %parallel_loop3A_466 = tpu.vector_load %arg12[%parallel_loop3A_464, %parallel_loop3A_465] {strides = array<i32>} : memref<1024x32xf32, #tpu.memory_space<vmem>>, vector<1x16xf32>,
        %parallel_loop3A_467 = vector.shape_cast %parallel_loop3A_466 : vector<1x16xf32> to vector<16xf32>
        %parallel_loop3A_468 = vector.shape_cast %parallel_loop3A_463 : vector<16xf32> to vector<1x16xf32>
        tpu.vector_store %arg12[%parallel_loop3A_464, %parallel_loop3A_465], %parallel_loop3A_468 {add = true, strides = array<i32>} : memref<1024x32xf32, #tpu.memory_space<vmem>>, vector<1x16xf32>,
        %parallel_loop3A_469 = arith.constant 16 : i32
        %parallel_loop3A_470 = arith.muli %parallel_loop3A_304, %parallel_loop3A_469 : i32
        %parallel_loop3A_471 = arith.constant 6 : i32
        %parallel_loop3A_472 = arith.addi %parallel_loop3A_470, %parallel_loop3A_471 : i32
        %parallel_loop3A_473 = vector.extract_strided_slice %parallel_loop3A_312 {offsets = [6], sizes = [1], strides = [1]} : vector<16xi32> to vector<1xi32>
        %parallel_loop3A_474 = vector.extract %parallel_loop3A_473[0] : i32 from vector<1xi32>
        %parallel_loop3A_475 = arith.constant 0 : i32
        %parallel_loop3A_476 = arith.addi %parallel_loop3A_474, %parallel_loop3A_475 : i32
        %parallel_loop3A_477 = arith.index_cast %parallel_loop3A_476 : i32 to index
        %parallel_loop3A_478 = tpu.vector_load %arg13[%parallel_loop3A_477] {strides = array<i32>} : memref<6400xf32, #tpu.memory_space<vmem>>, vector<16xf32>,
        %parallel_loop3A_479 = vector.shape_cast %parallel_loop3A_478 : vector<16xf32> to vector<16xf32>
        %parallel_loop3A_480 = arith.index_cast %parallel_loop3A_472 : i32 to index
        %parallel_loop3A_481 = arith.constant 0 : index
        %parallel_loop3A_482 = tpu.vector_load %arg12[%parallel_loop3A_480, %parallel_loop3A_481] {strides = array<i32>} : memref<1024x32xf32, #tpu.memory_space<vmem>>, vector<1x16xf32>,
        %parallel_loop3A_483 = vector.shape_cast %parallel_loop3A_482 : vector<1x16xf32> to vector<16xf32>
        %parallel_loop3A_484 = vector.shape_cast %parallel_loop3A_479 : vector<16xf32> to vector<1x16xf32>
        tpu.vector_store %arg12[%parallel_loop3A_480, %parallel_loop3A_481], %parallel_loop3A_484 {add = true, strides = array<i32>} : memref<1024x32xf32, #tpu.memory_space<vmem>>, vector<1x16xf32>,
        %parallel_loop3A_485 = arith.constant 16 : i32
        %parallel_loop3A_486 = arith.addi %parallel_loop3A_474, %parallel_loop3A_485 : i32
        %parallel_loop3A_487 = arith.index_cast %parallel_loop3A_486 : i32 to index
        %parallel_loop3A_488 = tpu.vector_load %arg13[%parallel_loop3A_487] {strides = array<i32>} : memref<6400xf32, #tpu.memory_space<vmem>>, vector<16xf32>,
        %parallel_loop3A_489 = vector.shape_cast %parallel_loop3A_488 : vector<16xf32> to vector<16xf32>
        %parallel_loop3A_490 = arith.index_cast %parallel_loop3A_472 : i32 to index
        %parallel_loop3A_491 = arith.constant 16 : index
        %parallel_loop3A_492 = tpu.vector_load %arg12[%parallel_loop3A_490, %parallel_loop3A_491] {strides = array<i32>} : memref<1024x32xf32, #tpu.memory_space<vmem>>, vector<1x16xf32>,
        %parallel_loop3A_493 = vector.shape_cast %parallel_loop3A_492 : vector<1x16xf32> to vector<16xf32>
        %parallel_loop3A_494 = vector.shape_cast %parallel_loop3A_489 : vector<16xf32> to vector<1x16xf32>
        tpu.vector_store %arg12[%parallel_loop3A_490, %parallel_loop3A_491], %parallel_loop3A_494 {add = true, strides = array<i32>} : memref<1024x32xf32, #tpu.memory_space<vmem>>, vector<1x16xf32>,
        %parallel_loop3A_495 = arith.constant 16 : i32
        %parallel_loop3A_496 = arith.muli %parallel_loop3A_304, %parallel_loop3A_495 : i32
        %parallel_loop3A_497 = arith.constant 7 : i32
        %parallel_loop3A_498 = arith.addi %parallel_loop3A_496, %parallel_loop3A_497 : i32
        %parallel_loop3A_499 = vector.extract_strided_slice %parallel_loop3A_312 {offsets = [7], sizes = [1], strides = [1]} : vector<16xi32> to vector<1xi32>
        %parallel_loop3A_500 = vector.extract %parallel_loop3A_499[0] : i32 from vector<1xi32>
        %parallel_loop3A_501 = arith.constant 0 : i32
        %parallel_loop3A_502 = arith.addi %parallel_loop3A_500, %parallel_loop3A_501 : i32
        %parallel_loop3A_503 = arith.index_cast %parallel_loop3A_502 : i32 to index
        %parallel_loop3A_504 = tpu.vector_load %arg13[%parallel_loop3A_503] {strides = array<i32>} : memref<6400xf32, #tpu.memory_space<vmem>>, vector<16xf32>,
        %parallel_loop3A_505 = vector.shape_cast %parallel_loop3A_504 : vector<16xf32> to vector<16xf32>
        %parallel_loop3A_506 = arith.index_cast %parallel_loop3A_498 : i32 to index
        %parallel_loop3A_507 = arith.constant 0 : index
        %parallel_loop3A_508 = tpu.vector_load %arg12[%parallel_loop3A_506, %parallel_loop3A_507] {strides = array<i32>} : memref<1024x32xf32, #tpu.memory_space<vmem>>, vector<1x16xf32>,
        %parallel_loop3A_509 = vector.shape_cast %parallel_loop3A_508 : vector<1x16xf32> to vector<16xf32>
        %parallel_loop3A_510 = vector.shape_cast %parallel_loop3A_505 : vector<16xf32> to vector<1x16xf32>
        tpu.vector_store %arg12[%parallel_loop3A_506, %parallel_loop3A_507], %parallel_loop3A_510 {add = true, strides = array<i32>} : memref<1024x32xf32, #tpu.memory_space<vmem>>, vector<1x16xf32>,
        %parallel_loop3A_511 = arith.constant 16 : i32
        %parallel_loop3A_512 = arith.addi %parallel_loop3A_500, %parallel_loop3A_511 : i32
        %parallel_loop3A_513 = arith.index_cast %parallel_loop3A_512 : i32 to index
        %parallel_loop3A_514 = tpu.vector_load %arg13[%parallel_loop3A_513] {strides = array<i32>} : memref<6400xf32, #tpu.memory_space<vmem>>, vector<16xf32>,
        %parallel_loop3A_515 = vector.shape_cast %parallel_loop3A_514 : vector<16xf32> to vector<16xf32>
        %parallel_loop3A_516 = arith.index_cast %parallel_loop3A_498 : i32 to index
        %parallel_loop3A_517 = arith.constant 16 : index
        %parallel_loop3A_518 = tpu.vector_load %arg12[%parallel_loop3A_516, %parallel_loop3A_517] {strides = array<i32>} : memref<1024x32xf32, #tpu.memory_space<vmem>>, vector<1x16xf32>,
        %parallel_loop3A_519 = vector.shape_cast %parallel_loop3A_518 : vector<1x16xf32> to vector<16xf32>
        %parallel_loop3A_520 = vector.shape_cast %parallel_loop3A_515 : vector<16xf32> to vector<1x16xf32>
        tpu.vector_store %arg12[%parallel_loop3A_516, %parallel_loop3A_517], %parallel_loop3A_520 {add = true, strides = array<i32>} : memref<1024x32xf32, #tpu.memory_space<vmem>>, vector<1x16xf32>,
        %parallel_loop3A_521 = arith.constant 16 : i32
        %parallel_loop3A_522 = arith.muli %parallel_loop3A_304, %parallel_loop3A_521 : i32
        %parallel_loop3A_523 = arith.constant 8 : i32
        %parallel_loop3A_524 = arith.addi %parallel_loop3A_522, %parallel_loop3A_523 : i32
        %parallel_loop3A_525 = vector.extract_strided_slice %parallel_loop3A_312 {offsets = [8], sizes = [1], strides = [1]} : vector<16xi32> to vector<1xi32>
        %parallel_loop3A_526 = vector.extract %parallel_loop3A_525[0] : i32 from vector<1xi32>
        %parallel_loop3A_527 = arith.constant 0 : i32
        %parallel_loop3A_528 = arith.addi %parallel_loop3A_526, %parallel_loop3A_527 : i32
        %parallel_loop3A_529 = arith.index_cast %parallel_loop3A_528 : i32 to index
        %parallel_loop3A_530 = tpu.vector_load %arg13[%parallel_loop3A_529] {strides = array<i32>} : memref<6400xf32, #tpu.memory_space<vmem>>, vector<16xf32>,
        %parallel_loop3A_531 = vector.shape_cast %parallel_loop3A_530 : vector<16xf32> to vector<16xf32>
        %parallel_loop3A_532 = arith.index_cast %parallel_loop3A_524 : i32 to index
        %parallel_loop3A_533 = arith.constant 0 : index
        %parallel_loop3A_534 = tpu.vector_load %arg12[%parallel_loop3A_532, %parallel_loop3A_533] {strides = array<i32>} : memref<1024x32xf32, #tpu.memory_space<vmem>>, vector<1x16xf32>,
        %parallel_loop3A_535 = vector.shape_cast %parallel_loop3A_534 : vector<1x16xf32> to vector<16xf32>
        %parallel_loop3A_536 = vector.shape_cast %parallel_loop3A_531 : vector<16xf32> to vector<1x16xf32>
        tpu.vector_store %arg12[%parallel_loop3A_532, %parallel_loop3A_533], %parallel_loop3A_536 {add = true, strides = array<i32>} : memref<1024x32xf32, #tpu.memory_space<vmem>>, vector<1x16xf32>,
        %parallel_loop3A_537 = arith.constant 16 : i32
        %parallel_loop3A_538 = arith.addi %parallel_loop3A_526, %parallel_loop3A_537 : i32
        %parallel_loop3A_539 = arith.index_cast %parallel_loop3A_538 : i32 to index
        %parallel_loop3A_540 = tpu.vector_load %arg13[%parallel_loop3A_539] {strides = array<i32>} : memref<6400xf32, #tpu.memory_space<vmem>>, vector<16xf32>,
        %parallel_loop3A_541 = vector.shape_cast %parallel_loop3A_540 : vector<16xf32> to vector<16xf32>
        %parallel_loop3A_542 = arith.index_cast %parallel_loop3A_524 : i32 to index
        %parallel_loop3A_543 = arith.constant 16 : index
        %parallel_loop3A_544 = tpu.vector_load %arg12[%parallel_loop3A_542, %parallel_loop3A_543] {strides = array<i32>} : memref<1024x32xf32, #tpu.memory_space<vmem>>, vector<1x16xf32>,
        %parallel_loop3A_545 = vector.shape_cast %parallel_loop3A_544 : vector<1x16xf32> to vector<16xf32>
        %parallel_loop3A_546 = vector.shape_cast %parallel_loop3A_541 : vector<16xf32> to vector<1x16xf32>
        tpu.vector_store %arg12[%parallel_loop3A_542, %parallel_loop3A_543], %parallel_loop3A_546 {add = true, strides = array<i32>} : memref<1024x32xf32, #tpu.memory_space<vmem>>, vector<1x16xf32>,
        %parallel_loop3A_547 = arith.constant 16 : i32
        %parallel_loop3A_548 = arith.muli %parallel_loop3A_304, %parallel_loop3A_547 : i32
        %parallel_loop3A_549 = arith.constant 9 : i32
        %parallel_loop3A_550 = arith.addi %parallel_loop3A_548, %parallel_loop3A_549 : i32
        %parallel_loop3A_551 = vector.extract_strided_slice %parallel_loop3A_312 {offsets = [9], sizes = [1], strides = [1]} : vector<16xi32> to vector<1xi32>
        %parallel_loop3A_552 = vector.extract %parallel_loop3A_551[0] : i32 from vector<1xi32>
        %parallel_loop3A_553 = arith.constant 0 : i32
        %parallel_loop3A_554 = arith.addi %parallel_loop3A_552, %parallel_loop3A_553 : i32
        %parallel_loop3A_555 = arith.index_cast %parallel_loop3A_554 : i32 to index
        %parallel_loop3A_556 = tpu.vector_load %arg13[%parallel_loop3A_555] {strides = array<i32>} : memref<6400xf32, #tpu.memory_space<vmem>>, vector<16xf32>,
        %parallel_loop3A_557 = vector.shape_cast %parallel_loop3A_556 : vector<16xf32> to vector<16xf32>
        %parallel_loop3A_558 = arith.index_cast %parallel_loop3A_550 : i32 to index
        %parallel_loop3A_559 = arith.constant 0 : index
        %parallel_loop3A_560 = tpu.vector_load %arg12[%parallel_loop3A_558, %parallel_loop3A_559] {strides = array<i32>} : memref<1024x32xf32, #tpu.memory_space<vmem>>, vector<1x16xf32>,
        %parallel_loop3A_561 = vector.shape_cast %parallel_loop3A_560 : vector<1x16xf32> to vector<16xf32>
        %parallel_loop3A_562 = vector.shape_cast %parallel_loop3A_557 : vector<16xf32> to vector<1x16xf32>
        tpu.vector_store %arg12[%parallel_loop3A_558, %parallel_loop3A_559], %parallel_loop3A_562 {add = true, strides = array<i32>} : memref<1024x32xf32, #tpu.memory_space<vmem>>, vector<1x16xf32>,
        %parallel_loop3A_563 = arith.constant 16 : i32
        %parallel_loop3A_564 = arith.addi %parallel_loop3A_552, %parallel_loop3A_563 : i32
        %parallel_loop3A_565 = arith.index_cast %parallel_loop3A_564 : i32 to index
        %parallel_loop3A_566 = tpu.vector_load %arg13[%parallel_loop3A_565] {strides = array<i32>} : memref<6400xf32, #tpu.memory_space<vmem>>, vector<16xf32>,
        %parallel_loop3A_567 = vector.shape_cast %parallel_loop3A_566 : vector<16xf32> to vector<16xf32>
        %parallel_loop3A_568 = arith.index_cast %parallel_loop3A_550 : i32 to index
        %parallel_loop3A_569 = arith.constant 16 : index
        %parallel_loop3A_570 = tpu.vector_load %arg12[%parallel_loop3A_568, %parallel_loop3A_569] {strides = array<i32>} : memref<1024x32xf32, #tpu.memory_space<vmem>>, vector<1x16xf32>,
        %parallel_loop3A_571 = vector.shape_cast %parallel_loop3A_570 : vector<1x16xf32> to vector<16xf32>
        %parallel_loop3A_572 = vector.shape_cast %parallel_loop3A_567 : vector<16xf32> to vector<1x16xf32>
        tpu.vector_store %arg12[%parallel_loop3A_568, %parallel_loop3A_569], %parallel_loop3A_572 {add = true, strides = array<i32>} : memref<1024x32xf32, #tpu.memory_space<vmem>>, vector<1x16xf32>,
        %parallel_loop3A_573 = arith.constant 16 : i32
        %parallel_loop3A_574 = arith.muli %parallel_loop3A_304, %parallel_loop3A_573 : i32
        %parallel_loop3A_575 = arith.constant 10 : i32
        %parallel_loop3A_576 = arith.addi %parallel_loop3A_574, %parallel_loop3A_575 : i32
        %parallel_loop3A_577 = vector.extract_strided_slice %parallel_loop3A_312 {offsets = [10], sizes = [1], strides = [1]} : vector<16xi32> to vector<1xi32>
        %parallel_loop3A_578 = vector.extract %parallel_loop3A_577[0] : i32 from vector<1xi32>
        %parallel_loop3A_579 = arith.constant 0 : i32
        %parallel_loop3A_580 = arith.addi %parallel_loop3A_578, %parallel_loop3A_579 : i32
        %parallel_loop3A_581 = arith.index_cast %parallel_loop3A_580 : i32 to index
        %parallel_loop3A_582 = tpu.vector_load %arg13[%parallel_loop3A_581] {strides = array<i32>} : memref<6400xf32, #tpu.memory_space<vmem>>, vector<16xf32>,
        %parallel_loop3A_583 = vector.shape_cast %parallel_loop3A_582 : vector<16xf32> to vector<16xf32>
        %parallel_loop3A_584 = arith.index_cast %parallel_loop3A_576 : i32 to index
        %parallel_loop3A_585 = arith.constant 0 : index
        %parallel_loop3A_586 = tpu.vector_load %arg12[%parallel_loop3A_584, %parallel_loop3A_585] {strides = array<i32>} : memref<1024x32xf32, #tpu.memory_space<vmem>>, vector<1x16xf32>,
        %parallel_loop3A_587 = vector.shape_cast %parallel_loop3A_586 : vector<1x16xf32> to vector<16xf32>
        %parallel_loop3A_588 = vector.shape_cast %parallel_loop3A_583 : vector<16xf32> to vector<1x16xf32>
        tpu.vector_store %arg12[%parallel_loop3A_584, %parallel_loop3A_585], %parallel_loop3A_588 {add = true, strides = array<i32>} : memref<1024x32xf32, #tpu.memory_space<vmem>>, vector<1x16xf32>,
        %parallel_loop3A_589 = arith.constant 16 : i32
        %parallel_loop3A_590 = arith.addi %parallel_loop3A_578, %parallel_loop3A_589 : i32
        %parallel_loop3A_591 = arith.index_cast %parallel_loop3A_590 : i32 to index
        %parallel_loop3A_592 = tpu.vector_load %arg13[%parallel_loop3A_591] {strides = array<i32>} : memref<6400xf32, #tpu.memory_space<vmem>>, vector<16xf32>,
        %parallel_loop3A_593 = vector.shape_cast %parallel_loop3A_592 : vector<16xf32> to vector<16xf32>
        %parallel_loop3A_594 = arith.index_cast %parallel_loop3A_576 : i32 to index
        %parallel_loop3A_595 = arith.constant 16 : index
        %parallel_loop3A_596 = tpu.vector_load %arg12[%parallel_loop3A_594, %parallel_loop3A_595] {strides = array<i32>} : memref<1024x32xf32, #tpu.memory_space<vmem>>, vector<1x16xf32>,
        %parallel_loop3A_597 = vector.shape_cast %parallel_loop3A_596 : vector<1x16xf32> to vector<16xf32>
        %parallel_loop3A_598 = vector.shape_cast %parallel_loop3A_593 : vector<16xf32> to vector<1x16xf32>
        tpu.vector_store %arg12[%parallel_loop3A_594, %parallel_loop3A_595], %parallel_loop3A_598 {add = true, strides = array<i32>} : memref<1024x32xf32, #tpu.memory_space<vmem>>, vector<1x16xf32>,
        %parallel_loop3A_599 = arith.constant 16 : i32
        %parallel_loop3A_600 = arith.muli %parallel_loop3A_304, %parallel_loop3A_599 : i32
        %parallel_loop3A_601 = arith.constant 11 : i32
        %parallel_loop3A_602 = arith.addi %parallel_loop3A_600, %parallel_loop3A_601 : i32
        %parallel_loop3A_603 = vector.extract_strided_slice %parallel_loop3A_312 {offsets = [11], sizes = [1], strides = [1]} : vector<16xi32> to vector<1xi32>
        %parallel_loop3A_604 = vector.extract %parallel_loop3A_603[0] : i32 from vector<1xi32>
        %parallel_loop3A_605 = arith.constant 0 : i32
        %parallel_loop3A_606 = arith.addi %parallel_loop3A_604, %parallel_loop3A_605 : i32
        %parallel_loop3A_607 = arith.index_cast %parallel_loop3A_606 : i32 to index
        %parallel_loop3A_608 = tpu.vector_load %arg13[%parallel_loop3A_607] {strides = array<i32>} : memref<6400xf32, #tpu.memory_space<vmem>>, vector<16xf32>,
        %parallel_loop3A_609 = vector.shape_cast %parallel_loop3A_608 : vector<16xf32> to vector<16xf32>
        %parallel_loop3A_610 = arith.index_cast %parallel_loop3A_602 : i32 to index
        %parallel_loop3A_611 = arith.constant 0 : index
        %parallel_loop3A_612 = tpu.vector_load %arg12[%parallel_loop3A_610, %parallel_loop3A_611] {strides = array<i32>} : memref<1024x32xf32, #tpu.memory_space<vmem>>, vector<1x16xf32>,
        %parallel_loop3A_613 = vector.shape_cast %parallel_loop3A_612 : vector<1x16xf32> to vector<16xf32>
        %parallel_loop3A_614 = vector.shape_cast %parallel_loop3A_609 : vector<16xf32> to vector<1x16xf32>
        tpu.vector_store %arg12[%parallel_loop3A_610, %parallel_loop3A_611], %parallel_loop3A_614 {add = true, strides = array<i32>} : memref<1024x32xf32, #tpu.memory_space<vmem>>, vector<1x16xf32>,
        %parallel_loop3A_615 = arith.constant 16 : i32
        %parallel_loop3A_616 = arith.addi %parallel_loop3A_604, %parallel_loop3A_615 : i32
        %parallel_loop3A_617 = arith.index_cast %parallel_loop3A_616 : i32 to index
        %parallel_loop3A_618 = tpu.vector_load %arg13[%parallel_loop3A_617] {strides = array<i32>} : memref<6400xf32, #tpu.memory_space<vmem>>, vector<16xf32>,
        %parallel_loop3A_619 = vector.shape_cast %parallel_loop3A_618 : vector<16xf32> to vector<16xf32>
        %parallel_loop3A_620 = arith.index_cast %parallel_loop3A_602 : i32 to index
        %parallel_loop3A_621 = arith.constant 16 : index
        %parallel_loop3A_622 = tpu.vector_load %arg12[%parallel_loop3A_620, %parallel_loop3A_621] {strides = array<i32>} : memref<1024x32xf32, #tpu.memory_space<vmem>>, vector<1x16xf32>,
        %parallel_loop3A_623 = vector.shape_cast %parallel_loop3A_622 : vector<1x16xf32> to vector<16xf32>
        %parallel_loop3A_624 = vector.shape_cast %parallel_loop3A_619 : vector<16xf32> to vector<1x16xf32>
        tpu.vector_store %arg12[%parallel_loop3A_620, %parallel_loop3A_621], %parallel_loop3A_624 {add = true, strides = array<i32>} : memref<1024x32xf32, #tpu.memory_space<vmem>>, vector<1x16xf32>,
        %parallel_loop3A_625 = arith.constant 16 : i32
        %parallel_loop3A_626 = arith.muli %parallel_loop3A_304, %parallel_loop3A_625 : i32
        %parallel_loop3A_627 = arith.constant 12 : i32
        %parallel_loop3A_628 = arith.addi %parallel_loop3A_626, %parallel_loop3A_627 : i32
        %parallel_loop3A_629 = vector.extract_strided_slice %parallel_loop3A_312 {offsets = [12], sizes = [1], strides = [1]} : vector<16xi32> to vector<1xi32>
        %parallel_loop3A_630 = vector.extract %parallel_loop3A_629[0] : i32 from vector<1xi32>
        %parallel_loop3A_631 = arith.constant 0 : i32
        %parallel_loop3A_632 = arith.addi %parallel_loop3A_630, %parallel_loop3A_631 : i32
        %parallel_loop3A_633 = arith.index_cast %parallel_loop3A_632 : i32 to index
        %parallel_loop3A_634 = tpu.vector_load %arg13[%parallel_loop3A_633] {strides = array<i32>} : memref<6400xf32, #tpu.memory_space<vmem>>, vector<16xf32>,
        %parallel_loop3A_635 = vector.shape_cast %parallel_loop3A_634 : vector<16xf32> to vector<16xf32>
        %parallel_loop3A_636 = arith.index_cast %parallel_loop3A_628 : i32 to index
        %parallel_loop3A_637 = arith.constant 0 : index
        %parallel_loop3A_638 = tpu.vector_load %arg12[%parallel_loop3A_636, %parallel_loop3A_637] {strides = array<i32>} : memref<1024x32xf32, #tpu.memory_space<vmem>>, vector<1x16xf32>,
        %parallel_loop3A_639 = vector.shape_cast %parallel_loop3A_638 : vector<1x16xf32> to vector<16xf32>
        %parallel_loop3A_640 = vector.shape_cast %parallel_loop3A_635 : vector<16xf32> to vector<1x16xf32>
        tpu.vector_store %arg12[%parallel_loop3A_636, %parallel_loop3A_637], %parallel_loop3A_640 {add = true, strides = array<i32>} : memref<1024x32xf32, #tpu.memory_space<vmem>>, vector<1x16xf32>,
        %parallel_loop3A_641 = arith.constant 16 : i32
        %parallel_loop3A_642 = arith.addi %parallel_loop3A_630, %parallel_loop3A_641 : i32
        %parallel_loop3A_643 = arith.index_cast %parallel_loop3A_642 : i32 to index
        %parallel_loop3A_644 = tpu.vector_load %arg13[%parallel_loop3A_643] {strides = array<i32>} : memref<6400xf32, #tpu.memory_space<vmem>>, vector<16xf32>,
        %parallel_loop3A_645 = vector.shape_cast %parallel_loop3A_644 : vector<16xf32> to vector<16xf32>
        %parallel_loop3A_646 = arith.index_cast %parallel_loop3A_628 : i32 to index
        %parallel_loop3A_647 = arith.constant 16 : index
        %parallel_loop3A_648 = tpu.vector_load %arg12[%parallel_loop3A_646, %parallel_loop3A_647] {strides = array<i32>} : memref<1024x32xf32, #tpu.memory_space<vmem>>, vector<1x16xf32>,
        %parallel_loop3A_649 = vector.shape_cast %parallel_loop3A_648 : vector<1x16xf32> to vector<16xf32>
        %parallel_loop3A_650 = vector.shape_cast %parallel_loop3A_645 : vector<16xf32> to vector<1x16xf32>
        tpu.vector_store %arg12[%parallel_loop3A_646, %parallel_loop3A_647], %parallel_loop3A_650 {add = true, strides = array<i32>} : memref<1024x32xf32, #tpu.memory_space<vmem>>, vector<1x16xf32>,
        %parallel_loop3A_651 = arith.constant 16 : i32
        %parallel_loop3A_652 = arith.muli %parallel_loop3A_304, %parallel_loop3A_651 : i32
        %parallel_loop3A_653 = arith.constant 13 : i32
        %parallel_loop3A_654 = arith.addi %parallel_loop3A_652, %parallel_loop3A_653 : i32
        %parallel_loop3A_655 = vector.extract_strided_slice %parallel_loop3A_312 {offsets = [13], sizes = [1], strides = [1]} : vector<16xi32> to vector<1xi32>
        %parallel_loop3A_656 = vector.extract %parallel_loop3A_655[0] : i32 from vector<1xi32>
        %parallel_loop3A_657 = arith.constant 0 : i32
        %parallel_loop3A_658 = arith.addi %parallel_loop3A_656, %parallel_loop3A_657 : i32
        %parallel_loop3A_659 = arith.index_cast %parallel_loop3A_658 : i32 to index
        %parallel_loop3A_660 = tpu.vector_load %arg13[%parallel_loop3A_659] {strides = array<i32>} : memref<6400xf32, #tpu.memory_space<vmem>>, vector<16xf32>,
        %parallel_loop3A_661 = vector.shape_cast %parallel_loop3A_660 : vector<16xf32> to vector<16xf32>
        %parallel_loop3A_662 = arith.index_cast %parallel_loop3A_654 : i32 to index
        %parallel_loop3A_663 = arith.constant 0 : index
        %parallel_loop3A_664 = tpu.vector_load %arg12[%parallel_loop3A_662, %parallel_loop3A_663] {strides = array<i32>} : memref<1024x32xf32, #tpu.memory_space<vmem>>, vector<1x16xf32>,
        %parallel_loop3A_665 = vector.shape_cast %parallel_loop3A_664 : vector<1x16xf32> to vector<16xf32>
        %parallel_loop3A_666 = vector.shape_cast %parallel_loop3A_661 : vector<16xf32> to vector<1x16xf32>
        tpu.vector_store %arg12[%parallel_loop3A_662, %parallel_loop3A_663], %parallel_loop3A_666 {add = true, strides = array<i32>} : memref<1024x32xf32, #tpu.memory_space<vmem>>, vector<1x16xf32>,
        %parallel_loop3A_667 = arith.constant 16 : i32
        %parallel_loop3A_668 = arith.addi %parallel_loop3A_656, %parallel_loop3A_667 : i32
        %parallel_loop3A_669 = arith.index_cast %parallel_loop3A_668 : i32 to index
        %parallel_loop3A_670 = tpu.vector_load %arg13[%parallel_loop3A_669] {strides = array<i32>} : memref<6400xf32, #tpu.memory_space<vmem>>, vector<16xf32>,
        %parallel_loop3A_671 = vector.shape_cast %parallel_loop3A_670 : vector<16xf32> to vector<16xf32>
        %parallel_loop3A_672 = arith.index_cast %parallel_loop3A_654 : i32 to index
        %parallel_loop3A_673 = arith.constant 16 : index
        %parallel_loop3A_674 = tpu.vector_load %arg12[%parallel_loop3A_672, %parallel_loop3A_673] {strides = array<i32>} : memref<1024x32xf32, #tpu.memory_space<vmem>>, vector<1x16xf32>,
        %parallel_loop3A_675 = vector.shape_cast %parallel_loop3A_674 : vector<1x16xf32> to vector<16xf32>
        %parallel_loop3A_676 = vector.shape_cast %parallel_loop3A_671 : vector<16xf32> to vector<1x16xf32>
        tpu.vector_store %arg12[%parallel_loop3A_672, %parallel_loop3A_673], %parallel_loop3A_676 {add = true, strides = array<i32>} : memref<1024x32xf32, #tpu.memory_space<vmem>>, vector<1x16xf32>,
        %parallel_loop3A_677 = arith.constant 16 : i32
        %parallel_loop3A_678 = arith.muli %parallel_loop3A_304, %parallel_loop3A_677 : i32
        %parallel_loop3A_679 = arith.constant 14 : i32
        %parallel_loop3A_680 = arith.addi %parallel_loop3A_678, %parallel_loop3A_679 : i32
        %parallel_loop3A_681 = vector.extract_strided_slice %parallel_loop3A_312 {offsets = [14], sizes = [1], strides = [1]} : vector<16xi32> to vector<1xi32>
        %parallel_loop3A_682 = vector.extract %parallel_loop3A_681[0] : i32 from vector<1xi32>
        %parallel_loop3A_683 = arith.constant 0 : i32
        %parallel_loop3A_684 = arith.addi %parallel_loop3A_682, %parallel_loop3A_683 : i32
        %parallel_loop3A_685 = arith.index_cast %parallel_loop3A_684 : i32 to index
        %parallel_loop3A_686 = tpu.vector_load %arg13[%parallel_loop3A_685] {strides = array<i32>} : memref<6400xf32, #tpu.memory_space<vmem>>, vector<16xf32>,
        %parallel_loop3A_687 = vector.shape_cast %parallel_loop3A_686 : vector<16xf32> to vector<16xf32>
        %parallel_loop3A_688 = arith.index_cast %parallel_loop3A_680 : i32 to index
        %parallel_loop3A_689 = arith.constant 0 : index
        %parallel_loop3A_690 = tpu.vector_load %arg12[%parallel_loop3A_688, %parallel_loop3A_689] {strides = array<i32>} : memref<1024x32xf32, #tpu.memory_space<vmem>>, vector<1x16xf32>,
        %parallel_loop3A_691 = vector.shape_cast %parallel_loop3A_690 : vector<1x16xf32> to vector<16xf32>
        %parallel_loop3A_692 = vector.shape_cast %parallel_loop3A_687 : vector<16xf32> to vector<1x16xf32>
        tpu.vector_store %arg12[%parallel_loop3A_688, %parallel_loop3A_689], %parallel_loop3A_692 {add = true, strides = array<i32>} : memref<1024x32xf32, #tpu.memory_space<vmem>>, vector<1x16xf32>,
        %parallel_loop3A_693 = arith.constant 16 : i32
        %parallel_loop3A_694 = arith.addi %parallel_loop3A_682, %parallel_loop3A_693 : i32
        %parallel_loop3A_695 = arith.index_cast %parallel_loop3A_694 : i32 to index
        %parallel_loop3A_696 = tpu.vector_load %arg13[%parallel_loop3A_695] {strides = array<i32>} : memref<6400xf32, #tpu.memory_space<vmem>>, vector<16xf32>,
        %parallel_loop3A_697 = vector.shape_cast %parallel_loop3A_696 : vector<16xf32> to vector<16xf32>
        %parallel_loop3A_698 = arith.index_cast %parallel_loop3A_680 : i32 to index
        %parallel_loop3A_699 = arith.constant 16 : index
        %parallel_loop3A_700 = tpu.vector_load %arg12[%parallel_loop3A_698, %parallel_loop3A_699] {strides = array<i32>} : memref<1024x32xf32, #tpu.memory_space<vmem>>, vector<1x16xf32>,
        %parallel_loop3A_701 = vector.shape_cast %parallel_loop3A_700 : vector<1x16xf32> to vector<16xf32>
        %parallel_loop3A_702 = vector.shape_cast %parallel_loop3A_697 : vector<16xf32> to vector<1x16xf32>
        tpu.vector_store %arg12[%parallel_loop3A_698, %parallel_loop3A_699], %parallel_loop3A_702 {add = true, strides = array<i32>} : memref<1024x32xf32, #tpu.memory_space<vmem>>, vector<1x16xf32>,
        %parallel_loop3A_703 = arith.constant 16 : i32
        %parallel_loop3A_704 = arith.muli %parallel_loop3A_304, %parallel_loop3A_703 : i32
        %parallel_loop3A_705 = arith.constant 15 : i32
        %parallel_loop3A_706 = arith.addi %parallel_loop3A_704, %parallel_loop3A_705 : i32
        %parallel_loop3A_707 = vector.extract_strided_slice %parallel_loop3A_312 {offsets = [15], sizes = [1], strides = [1]} : vector<16xi32> to vector<1xi32>
        %parallel_loop3A_708 = vector.extract %parallel_loop3A_707[0] : i32 from vector<1xi32>
        %parallel_loop3A_709 = arith.constant 0 : i32
        %parallel_loop3A_710 = arith.addi %parallel_loop3A_708, %parallel_loop3A_709 : i32
        %parallel_loop3A_711 = arith.index_cast %parallel_loop3A_710 : i32 to index
        %parallel_loop3A_712 = tpu.vector_load %arg13[%parallel_loop3A_711] {strides = array<i32>} : memref<6400xf32, #tpu.memory_space<vmem>>, vector<16xf32>,
        %parallel_loop3A_713 = vector.shape_cast %parallel_loop3A_712 : vector<16xf32> to vector<16xf32>
        %parallel_loop3A_714 = arith.index_cast %parallel_loop3A_706 : i32 to index
        %parallel_loop3A_715 = arith.constant 0 : index
        %parallel_loop3A_716 = tpu.vector_load %arg12[%parallel_loop3A_714, %parallel_loop3A_715] {strides = array<i32>} : memref<1024x32xf32, #tpu.memory_space<vmem>>, vector<1x16xf32>,
        %parallel_loop3A_717 = vector.shape_cast %parallel_loop3A_716 : vector<1x16xf32> to vector<16xf32>
        %parallel_loop3A_718 = vector.shape_cast %parallel_loop3A_713 : vector<16xf32> to vector<1x16xf32>
        tpu.vector_store %arg12[%parallel_loop3A_714, %parallel_loop3A_715], %parallel_loop3A_718 {add = true, strides = array<i32>} : memref<1024x32xf32, #tpu.memory_space<vmem>>, vector<1x16xf32>,
        %parallel_loop3A_719 = arith.constant 16 : i32
        %parallel_loop3A_720 = arith.addi %parallel_loop3A_708, %parallel_loop3A_719 : i32
        %parallel_loop3A_721 = arith.index_cast %parallel_loop3A_720 : i32 to index
        %parallel_loop3A_722 = tpu.vector_load %arg13[%parallel_loop3A_721] {strides = array<i32>} : memref<6400xf32, #tpu.memory_space<vmem>>, vector<16xf32>,
        %parallel_loop3A_723 = vector.shape_cast %parallel_loop3A_722 : vector<16xf32> to vector<16xf32>
        %parallel_loop3A_724 = arith.index_cast %parallel_loop3A_706 : i32 to index
        %parallel_loop3A_725 = arith.constant 16 : index
        %parallel_loop3A_726 = tpu.vector_load %arg12[%parallel_loop3A_724, %parallel_loop3A_725] {strides = array<i32>} : memref<1024x32xf32, #tpu.memory_space<vmem>>, vector<1x16xf32>,
        %parallel_loop3A_727 = vector.shape_cast %parallel_loop3A_726 : vector<1x16xf32> to vector<16xf32>
        %parallel_loop3A_728 = vector.shape_cast %parallel_loop3A_723 : vector<16xf32> to vector<1x16xf32>
        tpu.vector_store %arg12[%parallel_loop3A_724, %parallel_loop3A_725], %parallel_loop3A_728 {add = true, strides = array<i32>} : memref<1024x32xf32, #tpu.memory_space<vmem>>, vector<1x16xf32>,
      } {sc.loop_unroll_factor = 4 : i64, sc.parallel_access}
      %mul3A_285 = arith.constant 1024 : i32
      %mul3A_286 = arith.muli %add3A_201, %mul3A_285 : i32
      %add3A_287 = arith.addi %mul3A_4, %mul3A_286 : i32
      %dma_start3A_288 = arith.constant 0 : i32
      %dma_start3A_289 = tpu.memref_slice %arg6[%add3A_287, %dma_start3A_288] : memref<3276800x32xf32, #tpu.memory_space<hbm>> -> memref<1024x32xf32, #tpu.memory_space<hbm>>
      %dma_start3A_290 = arith.constant 0 : i32
      %dma_start3A_291 = tpu.memref_slice %arg6[%add3A_287, %dma_start3A_290] : memref<3276800x32xf32, #tpu.memory_space<hbm>> -> memref<1024x32xf32, #tpu.memory_space<hbm>>
      tpu.enqueue_dma source(%arg12 : memref<1024x32xf32, #tpu.memory_space<vmem>>) target(%dma_start3A_291 : memref<1024x32xf32, #tpu.memory_space<hbm>>) target_semaphore(%arg17 : memref<!tpu.dma_semaphore, #tpu.memory_space<semaphore_mem>>)
      %add3A_292 = arith.constant 1 : i32
      %add3A_293 = arith.addi %add3A_201, %add3A_292 : i32
      %lt3A_294 = arith.constant 100 : i32
      %lt3A_295 = arith.cmpi slt, %add3A_293, %lt3A_294 : i32
      %convert_element_type3A_296 = arith.extui %lt3A_295 : i1 to i32
      %cond3A_297 = arith.constant 0 : i32
      %cond3A_298 = arith.cmpi ne, %convert_element_type3A_296, %cond3A_297 : i32
      scf.if %cond3A_298 {
        %add3A_304 = arith.constant 1 : i32
        %add3A_305 = arith.addi %add3A_201, %add3A_304 : i32
        %mul3A_306 = arith.constant 8 : i32
        %mul3A_307 = arith.muli %add3A_305, %mul3A_306 : i32
        %add3A_308 = arith.addi %mul3A_2, %mul3A_307 : i32
        "tpu.region"() ({
          %run_scoped3A = tpu.sem_alloc : memref<!tpu.dma_semaphore, #tpu.memory_space<semaphore_mem>>
          %dma_start3A_392 = arith.constant 0 : i32
          %dma_start3A_393 = tpu.memref_slice %arg2[%add3A_308, %dma_start3A_392] : memref<25600x128xi32, #tpu.memory_space<hbm>> -> memref<8x128xi32, #tpu.memory_space<hbm>>
          %dma_start3A_394 = arith.constant 0 : i32
          %dma_start3A_395 = tpu.memref_slice %arg2[%add3A_308, %dma_start3A_394] : memref<25600x128xi32, #tpu.memory_space<hbm>> -> memref<8x128xi32, #tpu.memory_space<hbm>>
          tpu.enqueue_dma source(%dma_start3A_395 : memref<8x128xi32, #tpu.memory_space<hbm>>) target(%arg7 : memref<8x128xi32, #tpu.memory_space<vmem>>) target_semaphore(%run_scoped3A : memref<!tpu.dma_semaphore, #tpu.memory_space<semaphore_mem>>)
          %dma_wait3A_396 = arith.constant 0 : i32
          %dma_wait3A_397 = tpu.memref_slice %arg2[%add3A_308, %dma_wait3A_396] : memref<25600x128xi32, #tpu.memory_space<hbm>> -> memref<8x128xi32, #tpu.memory_space<hbm>>
          %dma_wait3A_398 = arith.constant 0 : i32
          %dma_wait3A_399 = tpu.memref_slice %arg2[%add3A_308, %dma_wait3A_398] : memref<25600x128xi32, #tpu.memory_space<hbm>> -> memref<8x128xi32, #tpu.memory_space<hbm>>
          tpu.wait_dma2 semaphore(%run_scoped3A : memref<!tpu.dma_semaphore, #tpu.memory_space<semaphore_mem>>) src(%dma_wait3A_399 : memref<8x128xi32, #tpu.memory_space<hbm>>) dst(%arg7 : memref<8x128xi32, #tpu.memory_space<vmem>>)
          tpu.yield
        }) : () -> ()
        %mul3A_309 = arith.constant 1024 : i32
        %mul3A_310 = arith.muli %add3A_305, %mul3A_309 : i32
        %add3A_311 = arith.addi %mul3A_4, %mul3A_310 : i32
        "tpu.region"() ({
          %run_scoped3A = tpu.sem_alloc : memref<!tpu.dma_semaphore, #tpu.memory_space<semaphore_mem>>
          %dma_start3A_392 = tpu.memref_slice %arg3[%add3A_311] : memref<3276800xi32, #tpu.memory_space<hbm>> -> memref<1024xi32, #tpu.memory_space<hbm>>
          %dma_start3A_393 = tpu.memref_slice %arg3[%add3A_311] : memref<3276800xi32, #tpu.memory_space<hbm>> -> memref<1024xi32, #tpu.memory_space<hbm>>
          tpu.enqueue_dma source(%dma_start3A_393 : memref<1024xi32, #tpu.memory_space<hbm>>) target(%arg9 : memref<1024xi32, #tpu.memory_space<vmem>>) target_semaphore(%run_scoped3A : memref<!tpu.dma_semaphore, #tpu.memory_space<semaphore_mem>>)
          %dma_wait3A_394 = tpu.memref_slice %arg3[%add3A_311] : memref<3276800xi32, #tpu.memory_space<hbm>> -> memref<1024xi32, #tpu.memory_space<hbm>>
          %dma_wait3A_395 = tpu.memref_slice %arg3[%add3A_311] : memref<3276800xi32, #tpu.memory_space<hbm>> -> memref<1024xi32, #tpu.memory_space<hbm>>
          tpu.wait_dma2 semaphore(%run_scoped3A : memref<!tpu.dma_semaphore, #tpu.memory_space<semaphore_mem>>) src(%dma_wait3A_395 : memref<1024xi32, #tpu.memory_space<hbm>>) dst(%arg9 : memref<1024xi32, #tpu.memory_space<vmem>>)
          tpu.yield
        }) : () -> ()
        %dma_start3A_312 = arith.constant 0 : i32
        %dma_start3A_313 = arith.constant 0 : i32
        %dma_start3A_314 = arith.constant 0 : i32
        %dma_start3A_315 = tpu.memref_slice %arg11[%dma_start3A_313, %dma_start3A_314] : memref<1024x32xf32, #tpu.memory_space<vmem>> -> memref<128x32xf32, #tpu.memory_space<vmem>>
        %dma_start3A_316 = arith.constant 0 : i32
        %dma_start3A_317 = tpu.memref_slice %arg7[%dma_start3A_312, %dma_start3A_316] : memref<8x128xi32, #tpu.memory_space<vmem>> -> memref<1x128xi32, #tpu.memory_space<vmem>>
        %dma_start3A_318 = tpu.memref_squeeze %dma_start3A_317 : memref<1x128xi32, #tpu.memory_space<vmem>> -> memref<128xi32, #tpu.memory_space<vmem>>
        %dma_start3A_319 = arith.constant 0 : i32
        %dma_start3A_320 = arith.constant 0 : i32
        %dma_start3A_321 = tpu.memref_slice %arg4[%dma_start3A_319, %dma_start3A_320] : memref<1000000x32xf32, #tpu.memory_space<hbm>> -> memref<1000000x32xf32, #tpu.memory_space<hbm>>
        tpu.enqueue_indirect_dma source(%dma_start3A_321 : memref<1000000x32xf32, #tpu.memory_space<hbm>>) target(%dma_start3A_315 : memref<128x32xf32, #tpu.memory_space<vmem>>) offsets(%dma_start3A_318 : memref<128xi32, #tpu.memory_space<vmem>>) semaphore(%arg14 : memref<!tpu.dma_semaphore, #tpu.memory_space<semaphore_mem>>)
        %dma_start3A_322 = arith.constant 1 : i32
        %dma_start3A_323 = arith.constant 128 : i32
        %dma_start3A_324 = arith.constant 0 : i32
        %dma_start3A_325 = tpu.memref_slice %arg11[%dma_start3A_323, %dma_start3A_324] : memref<1024x32xf32, #tpu.memory_space<vmem>> -> memref<128x32xf32, #tpu.memory_space<vmem>>
        %dma_start3A_326 = arith.constant 0 : i32
        %dma_start3A_327 = tpu.memref_slice %arg7[%dma_start3A_322, %dma_start3A_326] : memref<8x128xi32, #tpu.memory_space<vmem>> -> memref<1x128xi32, #tpu.memory_space<vmem>>
        %dma_start3A_328 = tpu.memref_squeeze %dma_start3A_327 : memref<1x128xi32, #tpu.memory_space<vmem>> -> memref<128xi32, #tpu.memory_space<vmem>>
        %dma_start3A_329 = arith.constant 0 : i32
        %dma_start3A_330 = arith.constant 0 : i32
        %dma_start3A_331 = tpu.memref_slice %arg4[%dma_start3A_329, %dma_start3A_330] : memref<1000000x32xf32, #tpu.memory_space<hbm>> -> memref<1000000x32xf32, #tpu.memory_space<hbm>>
        tpu.enqueue_indirect_dma source(%dma_start3A_331 : memref<1000000x32xf32, #tpu.memory_space<hbm>>) target(%dma_start3A_325 : memref<128x32xf32, #tpu.memory_space<vmem>>) offsets(%dma_start3A_328 : memref<128xi32, #tpu.memory_space<vmem>>) semaphore(%arg14 : memref<!tpu.dma_semaphore, #tpu.memory_space<semaphore_mem>>)
        %dma_start3A_332 = arith.constant 2 : i32
        %dma_start3A_333 = arith.constant 256 : i32
        %dma_start3A_334 = arith.constant 0 : i32
        %dma_start3A_335 = tpu.memref_slice %arg11[%dma_start3A_333, %dma_start3A_334] : memref<1024x32xf32, #tpu.memory_space<vmem>> -> memref<128x32xf32, #tpu.memory_space<vmem>>
        %dma_start3A_336 = arith.constant 0 : i32
        %dma_start3A_337 = tpu.memref_slice %arg7[%dma_start3A_332, %dma_start3A_336] : memref<8x128xi32, #tpu.memory_space<vmem>> -> memref<1x128xi32, #tpu.memory_space<vmem>>
        %dma_start3A_338 = tpu.memref_squeeze %dma_start3A_337 : memref<1x128xi32, #tpu.memory_space<vmem>> -> memref<128xi32, #tpu.memory_space<vmem>>
        %dma_start3A_339 = arith.constant 0 : i32
        %dma_start3A_340 = arith.constant 0 : i32
        %dma_start3A_341 = tpu.memref_slice %arg4[%dma_start3A_339, %dma_start3A_340] : memref<1000000x32xf32, #tpu.memory_space<hbm>> -> memref<1000000x32xf32, #tpu.memory_space<hbm>>
        tpu.enqueue_indirect_dma source(%dma_start3A_341 : memref<1000000x32xf32, #tpu.memory_space<hbm>>) target(%dma_start3A_335 : memref<128x32xf32, #tpu.memory_space<vmem>>) offsets(%dma_start3A_338 : memref<128xi32, #tpu.memory_space<vmem>>) semaphore(%arg14 : memref<!tpu.dma_semaphore, #tpu.memory_space<semaphore_mem>>)
        %dma_start3A_342 = arith.constant 3 : i32
        %dma_start3A_343 = arith.constant 384 : i32
        %dma_start3A_344 = arith.constant 0 : i32
        %dma_start3A_345 = tpu.memref_slice %arg11[%dma_start3A_343, %dma_start3A_344] : memref<1024x32xf32, #tpu.memory_space<vmem>> -> memref<128x32xf32, #tpu.memory_space<vmem>>
        %dma_start3A_346 = arith.constant 0 : i32
        %dma_start3A_347 = tpu.memref_slice %arg7[%dma_start3A_342, %dma_start3A_346] : memref<8x128xi32, #tpu.memory_space<vmem>> -> memref<1x128xi32, #tpu.memory_space<vmem>>
        %dma_start3A_348 = tpu.memref_squeeze %dma_start3A_347 : memref<1x128xi32, #tpu.memory_space<vmem>> -> memref<128xi32, #tpu.memory_space<vmem>>
        %dma_start3A_349 = arith.constant 0 : i32
        %dma_start3A_350 = arith.constant 0 : i32
        %dma_start3A_351 = tpu.memref_slice %arg4[%dma_start3A_349, %dma_start3A_350] : memref<1000000x32xf32, #tpu.memory_space<hbm>> -> memref<1000000x32xf32, #tpu.memory_space<hbm>>
        tpu.enqueue_indirect_dma source(%dma_start3A_351 : memref<1000000x32xf32, #tpu.memory_space<hbm>>) target(%dma_start3A_345 : memref<128x32xf32, #tpu.memory_space<vmem>>) offsets(%dma_start3A_348 : memref<128xi32, #tpu.memory_space<vmem>>) semaphore(%arg14 : memref<!tpu.dma_semaphore, #tpu.memory_space<semaphore_mem>>)
        %dma_start3A_352 = arith.constant 4 : i32
        %dma_start3A_353 = arith.constant 512 : i32
        %dma_start3A_354 = arith.constant 0 : i32
        %dma_start3A_355 = tpu.memref_slice %arg11[%dma_start3A_353, %dma_start3A_354] : memref<1024x32xf32, #tpu.memory_space<vmem>> -> memref<128x32xf32, #tpu.memory_space<vmem>>
        %dma_start3A_356 = arith.constant 0 : i32
        %dma_start3A_357 = tpu.memref_slice %arg7[%dma_start3A_352, %dma_start3A_356] : memref<8x128xi32, #tpu.memory_space<vmem>> -> memref<1x128xi32, #tpu.memory_space<vmem>>
        %dma_start3A_358 = tpu.memref_squeeze %dma_start3A_357 : memref<1x128xi32, #tpu.memory_space<vmem>> -> memref<128xi32, #tpu.memory_space<vmem>>
        %dma_start3A_359 = arith.constant 0 : i32
        %dma_start3A_360 = arith.constant 0 : i32
        %dma_start3A_361 = tpu.memref_slice %arg4[%dma_start3A_359, %dma_start3A_360] : memref<1000000x32xf32, #tpu.memory_space<hbm>> -> memref<1000000x32xf32, #tpu.memory_space<hbm>>
        tpu.enqueue_indirect_dma source(%dma_start3A_361 : memref<1000000x32xf32, #tpu.memory_space<hbm>>) target(%dma_start3A_355 : memref<128x32xf32, #tpu.memory_space<vmem>>) offsets(%dma_start3A_358 : memref<128xi32, #tpu.memory_space<vmem>>) semaphore(%arg14 : memref<!tpu.dma_semaphore, #tpu.memory_space<semaphore_mem>>)
        %dma_start3A_362 = arith.constant 5 : i32
        %dma_start3A_363 = arith.constant 640 : i32
        %dma_start3A_364 = arith.constant 0 : i32
        %dma_start3A_365 = tpu.memref_slice %arg11[%dma_start3A_363, %dma_start3A_364] : memref<1024x32xf32, #tpu.memory_space<vmem>> -> memref<128x32xf32, #tpu.memory_space<vmem>>
        %dma_start3A_366 = arith.constant 0 : i32
        %dma_start3A_367 = tpu.memref_slice %arg7[%dma_start3A_362, %dma_start3A_366] : memref<8x128xi32, #tpu.memory_space<vmem>> -> memref<1x128xi32, #tpu.memory_space<vmem>>
        %dma_start3A_368 = tpu.memref_squeeze %dma_start3A_367 : memref<1x128xi32, #tpu.memory_space<vmem>> -> memref<128xi32, #tpu.memory_space<vmem>>
        %dma_start3A_369 = arith.constant 0 : i32
        %dma_start3A_370 = arith.constant 0 : i32
        %dma_start3A_371 = tpu.memref_slice %arg4[%dma_start3A_369, %dma_start3A_370] : memref<1000000x32xf32, #tpu.memory_space<hbm>> -> memref<1000000x32xf32, #tpu.memory_space<hbm>>
        tpu.enqueue_indirect_dma source(%dma_start3A_371 : memref<1000000x32xf32, #tpu.memory_space<hbm>>) target(%dma_start3A_365 : memref<128x32xf32, #tpu.memory_space<vmem>>) offsets(%dma_start3A_368 : memref<128xi32, #tpu.memory_space<vmem>>) semaphore(%arg14 : memref<!tpu.dma_semaphore, #tpu.memory_space<semaphore_mem>>)
        %dma_start3A_372 = arith.constant 6 : i32
        %dma_start3A_373 = arith.constant 768 : i32
        %dma_start3A_374 = arith.constant 0 : i32
        %dma_start3A_375 = tpu.memref_slice %arg11[%dma_start3A_373, %dma_start3A_374] : memref<1024x32xf32, #tpu.memory_space<vmem>> -> memref<128x32xf32, #tpu.memory_space<vmem>>
        %dma_start3A_376 = arith.constant 0 : i32
        %dma_start3A_377 = tpu.memref_slice %arg7[%dma_start3A_372, %dma_start3A_376] : memref<8x128xi32, #tpu.memory_space<vmem>> -> memref<1x128xi32, #tpu.memory_space<vmem>>
        %dma_start3A_378 = tpu.memref_squeeze %dma_start3A_377 : memref<1x128xi32, #tpu.memory_space<vmem>> -> memref<128xi32, #tpu.memory_space<vmem>>
        %dma_start3A_379 = arith.constant 0 : i32
        %dma_start3A_380 = arith.constant 0 : i32
        %dma_start3A_381 = tpu.memref_slice %arg4[%dma_start3A_379, %dma_start3A_380] : memref<1000000x32xf32, #tpu.memory_space<hbm>> -> memref<1000000x32xf32, #tpu.memory_space<hbm>>
        tpu.enqueue_indirect_dma source(%dma_start3A_381 : memref<1000000x32xf32, #tpu.memory_space<hbm>>) target(%dma_start3A_375 : memref<128x32xf32, #tpu.memory_space<vmem>>) offsets(%dma_start3A_378 : memref<128xi32, #tpu.memory_space<vmem>>) semaphore(%arg14 : memref<!tpu.dma_semaphore, #tpu.memory_space<semaphore_mem>>)
        %dma_start3A_382 = arith.constant 7 : i32
        %dma_start3A_383 = arith.constant 896 : i32
        %dma_start3A_384 = arith.constant 0 : i32
        %dma_start3A_385 = tpu.memref_slice %arg11[%dma_start3A_383, %dma_start3A_384] : memref<1024x32xf32, #tpu.memory_space<vmem>> -> memref<128x32xf32, #tpu.memory_space<vmem>>
        %dma_start3A_386 = arith.constant 0 : i32
        %dma_start3A_387 = tpu.memref_slice %arg7[%dma_start3A_382, %dma_start3A_386] : memref<8x128xi32, #tpu.memory_space<vmem>> -> memref<1x128xi32, #tpu.memory_space<vmem>>
        %dma_start3A_388 = tpu.memref_squeeze %dma_start3A_387 : memref<1x128xi32, #tpu.memory_space<vmem>> -> memref<128xi32, #tpu.memory_space<vmem>>
        %dma_start3A_389 = arith.constant 0 : i32
        %dma_start3A_390 = arith.constant 0 : i32
        %dma_start3A_391 = tpu.memref_slice %arg4[%dma_start3A_389, %dma_start3A_390] : memref<1000000x32xf32, #tpu.memory_space<hbm>> -> memref<1000000x32xf32, #tpu.memory_space<hbm>>
        tpu.enqueue_indirect_dma source(%dma_start3A_391 : memref<1000000x32xf32, #tpu.memory_space<hbm>>) target(%dma_start3A_385 : memref<128x32xf32, #tpu.memory_space<vmem>>) offsets(%dma_start3A_388 : memref<128xi32, #tpu.memory_space<vmem>>) semaphore(%arg14 : memref<!tpu.dma_semaphore, #tpu.memory_space<semaphore_mem>>)
      } else {
      }
      %ge3A_299 = arith.constant 1 : i32
      %ge3A_300 = arith.cmpi sge, %add3A_201, %ge3A_299 : i32
      %convert_element_type3A_301 = arith.extui %ge3A_300 : i1 to i32
      %cond3A_302 = arith.constant 0 : i32
      %cond3A_303 = arith.cmpi ne, %convert_element_type3A_301, %cond3A_302 : i32
      scf.if %cond3A_303 {
        %sub3A = arith.constant 1 : i32
        %sub3A_304 = arith.subi %add3A_201, %sub3A : i32
        %mul3A_305 = arith.constant 1024 : i32
        %mul3A_306 = arith.muli %sub3A_304, %mul3A_305 : i32
        %add3A_307 = arith.addi %mul3A_4, %mul3A_306 : i32
        %dma_wait3A_308 = arith.constant 0 : i32
        %dma_wait3A_309 = tpu.memref_slice %arg6[%add3A_307, %dma_wait3A_308] : memref<3276800x32xf32, #tpu.memory_space<hbm>> -> memref<1024x32xf32, #tpu.memory_space<hbm>>
        %dma_wait3A_310 = arith.constant 0 : i32
        %dma_wait3A_311 = tpu.memref_slice %arg6[%add3A_307, %dma_wait3A_310] : memref<3276800x32xf32, #tpu.memory_space<hbm>> -> memref<1024x32xf32, #tpu.memory_space<hbm>>
        tpu.wait_dma2 semaphore(%arg16 : memref<!tpu.dma_semaphore, #tpu.memory_space<semaphore_mem>>) src(%arg11 : memref<1024x32xf32, #tpu.memory_space<vmem>>) dst(%dma_wait3A_311 : memref<1024x32xf32, #tpu.memory_space<hbm>>)
      } else {
      }
    }
    %scan3A_92 = arith.constant 50 : i32
    %add3A_93 = arith.constant 101376 : i32
    %add3A_94 = arith.addi %mul3A_4, %add3A_93 : i32
    %dma_wait3A = arith.constant 0 : i32
    %dma_wait3A_95 = tpu.memref_slice %arg6[%add3A_94, %dma_wait3A] : memref<3276800x32xf32, #tpu.memory_space<hbm>> -> memref<1024x32xf32, #tpu.memory_space<hbm>>
    %dma_wait3A_96 = arith.constant 0 : i32
    %dma_wait3A_97 = tpu.memref_slice %arg6[%add3A_94, %dma_wait3A_96] : memref<3276800x32xf32, #tpu.memory_space<hbm>> -> memref<1024x32xf32, #tpu.memory_space<hbm>>
    tpu.wait_dma2 semaphore(%arg17 : memref<!tpu.dma_semaphore, #tpu.memory_space<semaphore_mem>>) src(%arg12 : memref<1024x32xf32, #tpu.memory_space<vmem>>) dst(%dma_wait3A_97 : memref<1024x32xf32, #tpu.memory_space<hbm>>)
    return
  }
}

module attributes {stable_mosaic.version = 14 : i64} {
  func.func @_tc_item_linearize_kernel(%arg0: i32, %arg1: memref<32x8192xf32, #tpu.memory_space<vmem>>, %arg2: memref<2048x128xf32, #tpu.memory_space<vmem>>) attributes {dimension_semantics = [#tpu.dimension_semantics<arbitrary>], iteration_bounds = array<i64: 123>, scalar_prefetch = 0 : i64, scratch_operands = 0 : i64, tpu.core_type = #tpu.core_type<tc>, window_params = [{transform_indices = @transform_0, window_bounds = array<i64: 32, 8192>}, {transform_indices = @transform_1, window_bounds = array<i64: 2048, 128>}]} {
    %get3A = arith.constant 0 : index
    %get3A_0 = arith.constant 0 : index
    %get3A_1 = vector.load %arg1[%get3A, %get3A_0] : memref<32x8192xf32, #tpu.memory_space<vmem>>, vector<32x8192xf32>
    %transpose3A = tpu.transpose %get3A_1, [1, 0] : vector<32x8192xf32> -> vector<8192x32xf32>
    %reshape3A = vector.shape_cast %transpose3A : vector<8192x32xf32> to vector<2048x4x32xf32>
    %slice3A = vector.extract_strided_slice %reshape3A {offsets = [0, 0, 0], sizes = [2048, 1, 32], strides = [1, 1, 1]} : vector<2048x4x32xf32> to vector<2048x1x32xf32>
    %squeeze3A = vector.shape_cast %slice3A : vector<2048x1x32xf32> to vector<2048x32xf32>
    %swap3A = arith.constant 0 : index
    %swap3A_2 = arith.constant 0 : index
    %swap3A_3 = vector.load %arg2[%swap3A, %swap3A_2] : memref<2048x128xf32, #tpu.memory_space<vmem>>, vector<2048x32xf32>
    tpu.vector_store %arg2[%swap3A, %swap3A_2], %squeeze3A {strides = array<i32>} : memref<2048x128xf32, #tpu.memory_space<vmem>>, vector<2048x32xf32>,
    %slice3A_4 = vector.extract_strided_slice %reshape3A {offsets = [0, 1, 0], sizes = [2048, 1, 32], strides = [1, 1, 1]} : vector<2048x4x32xf32> to vector<2048x1x32xf32>
    %squeeze3A_5 = vector.shape_cast %slice3A_4 : vector<2048x1x32xf32> to vector<2048x32xf32>
    %swap3A_6 = arith.constant 0 : index
    %swap3A_7 = arith.constant 32 : index
    %swap3A_8 = vector.load %arg2[%swap3A_6, %swap3A_7] : memref<2048x128xf32, #tpu.memory_space<vmem>>, vector<2048x32xf32>
    tpu.vector_store %arg2[%swap3A_6, %swap3A_7], %squeeze3A_5 {strides = array<i32>} : memref<2048x128xf32, #tpu.memory_space<vmem>>, vector<2048x32xf32>,
    %slice3A_9 = vector.extract_strided_slice %reshape3A {offsets = [0, 2, 0], sizes = [2048, 1, 32], strides = [1, 1, 1]} : vector<2048x4x32xf32> to vector<2048x1x32xf32>
    %squeeze3A_10 = vector.shape_cast %slice3A_9 : vector<2048x1x32xf32> to vector<2048x32xf32>
    %swap3A_11 = arith.constant 0 : index
    %swap3A_12 = arith.constant 64 : index
    %swap3A_13 = vector.load %arg2[%swap3A_11, %swap3A_12] : memref<2048x128xf32, #tpu.memory_space<vmem>>, vector<2048x32xf32>
    tpu.vector_store %arg2[%swap3A_11, %swap3A_12], %squeeze3A_10 {strides = array<i32>} : memref<2048x128xf32, #tpu.memory_space<vmem>>, vector<2048x32xf32>,
    %slice3A_14 = vector.extract_strided_slice %reshape3A {offsets = [0, 3, 0], sizes = [2048, 1, 32], strides = [1, 1, 1]} : vector<2048x4x32xf32> to vector<2048x1x32xf32>
    %squeeze3A_15 = vector.shape_cast %slice3A_14 : vector<2048x1x32xf32> to vector<2048x32xf32>
    %swap3A_16 = arith.constant 0 : index
    %swap3A_17 = arith.constant 96 : index
    %swap3A_18 = vector.load %arg2[%swap3A_16, %swap3A_17] : memref<2048x128xf32, #tpu.memory_space<vmem>>, vector<2048x32xf32>
    tpu.vector_store %arg2[%swap3A_16, %swap3A_17], %squeeze3A_15 {strides = array<i32>} : memref<2048x128xf32, #tpu.memory_space<vmem>>, vector<2048x32xf32>,
    return
  }
  func.func @transform_0(%arg0: i32) -> (i32, i32) {
    %c0_i32 = arith.constant 0 : i32
    %c0_i32_0 = arith.constant 0 : i32
    return %c0_i32, %arg0 : i32, i32
  }
  func.func @transform_1(%arg0: i32) -> (i32, i32) {
    %c0_i32 = arith.constant 0 : i32
    %c0_i32_0 = arith.constant 0 : i32
    return %arg0, %c0_i32 : i32, i32
  }
}

module attributes {stable_mosaic.version = 14 : i64} {
  func.func @_tc_transpose_kernel(%arg0: i32, %arg1: memref<6400x128xf32, #tpu.memory_space<vmem>>, %arg2: memref<200x4x1x8x128xf32, #tpu.memory_space<vmem>>) attributes {dimension_semantics = [#tpu.dimension_semantics<arbitrary>], iteration_bounds = array<i64: 128>, scalar_prefetch = 0 : i64, scratch_operands = 0 : i64, tpu.core_type = #tpu.core_type<tc>, window_params = [{transform_indices = @transform_0, window_bounds = array<i64: 6400, 128>}, {transform_indices = @transform_1, window_bounds = array<i64: 200, 4, 1, 8, 128>}]} {
    %get3A = arith.constant 0 : index
    %get3A_0 = arith.constant 0 : index
    %get3A_1 = vector.load %arg1[%get3A, %get3A_0] : memref<6400x128xf32, #tpu.memory_space<vmem>>, vector<6400x128xf32>
    %reshape3A = vector.shape_cast %get3A_1 : vector<6400x128xf32> to vector<128x50x128xf32>
    %transpose3A = tpu.transpose %reshape3A, [1, 2, 0] : vector<128x50x128xf32> -> vector<50x128x128xf32>
    %reshape3A_2 = vector.shape_cast %transpose3A : vector<50x128x128xf32> to vector<200x4x8x128xf32>
    %swap3A = arith.constant 0 : index
    %swap3A_3 = arith.constant 0 : index
    %swap3A_4 = arith.constant 0 : index
    %swap3A_5 = arith.constant 0 : index
    %swap3A_6 = arith.constant 0 : index
    %swap3A_7 = vector.load %arg2[%swap3A, %swap3A_3, %swap3A_4, %swap3A_5, %swap3A_6] : memref<200x4x1x8x128xf32, #tpu.memory_space<vmem>>, vector<200x4x1x8x128xf32>
    %swap3A_8 = vector.shape_cast %swap3A_7 : vector<200x4x1x8x128xf32> to vector<200x4x8x128xf32>
    %swap3A_9 = vector.shape_cast %reshape3A_2 : vector<200x4x8x128xf32> to vector<200x4x1x8x128xf32>
    tpu.vector_store %arg2[%swap3A, %swap3A_3, %swap3A_4, %swap3A_5, %swap3A_6], %swap3A_9 {strides = array<i32>} : memref<200x4x1x8x128xf32, #tpu.memory_space<vmem>>, vector<200x4x1x8x128xf32>,
    return
  }
  func.func @transform_0(%arg0: i32) -> (i32, i32) {
    %c0_i32 = arith.constant 0 : i32
    %c0_i32_0 = arith.constant 0 : i32
    return %arg0, %c0_i32 : i32, i32
  }
  func.func @transform_1(%arg0: i32) -> (i32, i32, i32, i32, i32) {
    %c0_i32 = arith.constant 0 : i32
    %c0_i32_0 = arith.constant 0 : i32
    %c0_i32_1 = arith.constant 0 : i32
    %c0_i32_2 = arith.constant 0 : i32
    %c0_i32_3 = arith.constant 0 : i32
    return %c0_i32, %c0_i32_0, %arg0, %c0_i32_1, %c0_i32_2 : i32, i32, i32, i32, i32
  }
}

</mosaic_0001>

<sc_bundles>
// kernel: kernel.5.cloned.1.call-start
scs
__scs_entry_jumppad:
0x0: {  	(pc) =	sbr.rel $0x88, $3  }
0x1: {  	(tag) =	ssettag $0x0;
	lr =	simm.s32 $0x1  }
0x2: {  	[smem:$0x3F9D] =	sst lr;
	_ =	strace $0xD0000000  }
0x3: {  	_ = 	snop  }
0x4: {  	_ = 	snop  }
0x5: {  	_ = 	snop  }
0x6: {  	_ = 	snop  }
0x7: {  	_ = 	snop  }
__scs_overlays_trampoline_lowered:
0x8: {  	[smem:$0x3FAC] =	sst s0  }
0x9: {  	[smem:$0x3FAD] =	sst s1  }
0xa: {  	[smem:$0x3FAE] =	sst s2  }
0xb: {  	[smem:$0x3FAF] =	sst s3  }
0xc: {  	[smem:$0x3FB0] =	sst s4  }
0xd: {  	[smem:$0x3FB1] =	sst s5  }
0xe: {  	[smem:$0x3FB2] =	sst s6  }
0xf: {  	[smem:$0x3FB3] =	sst s7  }
0x10: {  	[smem:$0x3FB4] =	sst s8  }
0x11: {  	[smem:$0x3FB5] =	sst s9;
	s0 =	simm.s32 @!p0 $0x0  }
0x12: {  	s1 =	sld [smem:$0x3F9B];
	s0 =	simm.s32 @p0 $0x1  }
0x13: {  	[smem:$0x3FB6] =	sst s0;
	s0 =	simm.s32 @!p1 $0x0  }
0x14: {  	s2 =	sld [smem:$0x3F9A];
	s0 =	simm.s32 @p1 $0x1  }
0x15: {  	[smem:$0x3FB7] =	sst s0;
	s0 =	simm.s32 @!p2 $0x0  }
0x16: {  	s3 =	sld [smem:$0x3FDB];
	s0 =	simm.s32 @p2 $0x1  }
0x17: {  	s4 =	simm.s32 $0x1BF5;
	[smem:$0x3FB9] =	sst s0  }
0x18: {  	s0 =	sld [smem:$0x3F9C];
	_ =	swait.ge [sflag:s4], $0x0  }
0x19: {  	s7 =	sld [smem:$0x3F9D]  }
0x1a: {  	s8 =	sadd.s32 $0xFFFFE003, lr  }
0x1b: {  	s9 =	sadd.s32 $0xFFFFFEF7, lr;
	s5 =	simm.s32 $0xFFFFFFFF;
	p2 =	slt.u32 s8, $0xFFFFF086  }
0x1c: {  	p1 =	slt.u32 s9, $0xF7A;
	s5 =	simm.s32 @!p2 $0x0  }
0x1d: {  	s5 =	simm.s32 @p1 $0x1;
	p0 =	seq.s32 s7, s2  }
0x1e: {  	s7 =	smul.u32 @!p0 $0xF7A, s2;
	p2 =	seq.s32 @!p0 s5, $0x0  }
0x1f: {  	s9 =	smul.u32 $0xF7A, s1;
	s8 =	simm.s32 @!p0 $0x1BF5;
	p2 =	por !p2, p0  }
0x20: {  	[sflag:s8] =	ssyncset.s32 @!p0 $0xFFFFF086;
	s6 =	sadd.s32 @!p0 s3, s7;
	s7 =	simm.s32 @!p0 $0x108  }
0x21: {  	s3 =	sadd.s32 s3, s9;
	s6 =	sadd.s32 @!p0 $0x88, s6;
	s7 =	simm.s32 @p2 $0x1082  }
0x22: {  	[simem:s7], [sflag:s8] =	dma.local @!p0 [hbm:s6], $0xF7A  }
0x23: {  	s9 =	sor.u32 $0xD0000000, s2;
	s6 =	simm.s32 $0x108;
	_ =	swait.ge @!p0 [sflag:s8], $0x0  }
0x24: {  	s3 =	sadd.s32 $0x88, s3;
	s6 =	simm.s32 @!p1 $0x1082;
	[sflag:s4] =	ssyncset.s32 $0xFFFFF086  }
0x25: {  	[simem:s6], [sflag:s4] =	dma.local [hbm:s3], $0xF7A  }
0x26: {  	[smem:$0x3F9D] =	sst s1;
	(tag) =	ssettag s2;
	_ =	strace s9  }
0x27: {  	s1 =	sld [smem:$0x3FAD]  }
0x28: {  	s2 =	sld [smem:$0x3FAE]  }
0x29: {  	s4 =	sld [smem:$0x3FB0]  }
0x2a: {  	p0 =	seq.s32 s5, $0x0;
	s5 =	sld [smem:$0x3FB1]  }
0x2b: {  	s6 =	sld [smem:$0x3FB2]  }
0x2c: {  	s7 =	sld [smem:$0x3FB3]  }
0x2d: {  	s3 =	simm.s32 $0x108;
	s8 =	sld [smem:$0x3FB4]  }
0x2e: {  	s3 =	simm.s32 @!p0 $0x1082;
	s9 =	sld [smem:$0x3FB5]  }
0x2f: {  	lr =	sadd.s32 s0, s3;
	s0 =	sld [smem:$0x3FAC]  }
0x30: {  	s3 =	sld [smem:$0x3FAF]  }
0x31: {  	[smem:$0x3FB8] =	sst s10  }
0x32: {  	s10 =	sld [smem:$0x3FB6];
	_ =	sdelay $0x3  }
0x33: {  	p0 =	seq.s32 s10, $0x1;
	s10 =	sld [smem:$0x3FB8];
	_ =	sdelay $0x3  }
0x34: {  	[smem:$0x3FB8] =	sst s10  }
0x35: {  	s10 =	sld [smem:$0x3FB7];
	_ =	sdelay $0x3  }
0x36: {  	p1 =	seq.s32 s10, $0x1;
	s10 =	sld [smem:$0x3FB8];
	_ =	sdelay $0x3  }
0x37: {  	[smem:$0x3FB8] =	sst s10  }
0x38: {  	s10 =	sld [smem:$0x3FB9]  }
0x39: {  	_ = 	snop;
	(pc) =	sbr.ind lr, $3  }
0x3a: {  	_ = 	snop  }
0x3b: {  	_ = 	snop  }
0x3c: {  	p2 =	seq.s32 s10, $0x1;
	s10 =	sld [smem:$0x3FB8]  }
0x3d: {  	_ =	shalt  }
0x3e: {  	_ =	shalt  }
0x3f: {  	_ =	shalt  }
0x40: {  	_ =	shalt  }
0x41: {  	_ =	shalt  }
0x42: {  	_ =	shalt  }
0x43: {  	_ =	shalt  }
0x44: {  	_ =	shalt  }
0x45: {  	_ =	shalt  }
0x46: {  	_ =	shalt  }
0x47: {  	_ =	shalt  }
0x48: {  	_ =	shalt  }
0x49: {  	_ =	shalt  }
0x4a: {  	_ =	shalt  }
0x4b: {  	_ =	shalt  }
0x4c: {  	_ =	shalt  }
0x4d: {  	_ =	shalt  }
0x4e: {  	_ =	shalt  }
0x4f: {  	_ =	shalt  }
0x50: {  	_ =	shalt  }
0x51: {  	_ =	shalt  }
0x52: {  	_ =	shalt  }
0x53: {  	_ =	shalt  }
0x54: {  	_ =	shalt  }
0x55: {  	_ =	shalt  }
0x56: {  	_ =	shalt  }
0x57: {  	_ =	shalt  }
0x58: {  	_ =	shalt  }
0x59: {  	_ =	shalt  }
0x5a: {  	_ =	shalt  }
0x5b: {  	_ =	shalt  }
0x5c: {  	_ =	shalt  }
0x5d: {  	_ =	shalt  }
0x5e: {  	_ =	shalt  }
0x5f: {  	_ =	shalt  }
0x60: {  	_ =	shalt  }
0x61: {  	_ =	shalt  }
0x62: {  	_ =	shalt  }
0x63: {  	_ =	shalt  }
0x64: {  	_ =	shalt  }
0x65: {  	_ =	shalt  }
0x66: {  	_ =	shalt  }
0x67: {  	_ =	shalt  }
0x68: {  	_ =	shalt  }
0x69: {  	_ =	shalt  }
0x6a: {  	_ =	shalt  }
0x6b: {  	_ =	shalt  }
0x6c: {  	_ =	shalt  }
0x6d: {  	_ =	shalt  }
0x6e: {  	_ =	shalt  }
0x6f: {  	_ =	shalt  }
0x70: {  	_ =	shalt  }
0x71: {  	_ =	shalt  }
0x72: {  	_ =	shalt  }
0x73: {  	_ =	shalt  }
0x74: {  	_ =	shalt  }
0x75: {  	_ =	shalt  }
0x76: {  	_ =	shalt  }
0x77: {  	_ =	shalt  }
0x78: {  	_ =	shalt  }
0x79: {  	_ =	shalt  }
0x7a: {  	_ =	shalt  }
0x7b: {  	_ =	shalt  }
0x7c: {  	_ =	shalt  }
0x7d: {  	_ =	shalt  }
0x7e: {  	_ =	shalt  }
0x7f: {  	_ =	shalt  }
0x80: {  	_ =	shalt  }
0x81: {  	_ =	shalt  }
0x82: {  	_ =	shalt  }
0x83: {  	_ =	shalt  }
0x84: {  	_ =	shalt  }
0x85: {  	_ =	shalt  }
0x86: {  	_ =	shalt  }
0x87: {  	_ =	shalt  }
.Lfunc_end0:
.L_simem_size_0:
called_computation_lowered:
.L_overlay_start_0:
0x88: {  	s2 =	sld [smem:$0x3FD9]  }
0x89: {  	s3 =	sld [smem:$0x3FFE];
	_ =	sdelay $0x1  }
0x8a: {  	s1 =	srdreg.scid  }
0x8b: {  	s0 =	sand.u32 $0x1, s1  }
0x8c: {  	s17 =	sshll.u32 s0, $0xA;
	s2 =	sadd.s32 s3, s2  }
0x8d: {  	s2 =	sadd.s32 s2, s17  }
0x8e: {  	[smem:$0x3FC4] =	sst s2  }
0x8f: {  	_ = 	snop  }
0x90: {  	s2 =	sld [smem:$0x3FD0];
	(tm) =	ssettm $0x1  }
0x91: {  	s18 =	sld [smem:$0x3FFB];
	_ =	sdelay $0x3  }
0x92: {  	_ =	strace s18  }
0x93: {  	s3 =	sld [smem:$0x3FFC];
	_ =	sdelay $0x3  }
0x94: {  	_ =	strace s3  }
0x95: {  	s3 =	sld [smem:$0x3FFD];
	_ =	sdelay $0x3  }
0x96: {  	_ =	strace s3  }
0x97: {  	_ =	strace $0x8FFFFFFF  }
0x98: {  	s19 =	sld [smem:$0x3FDB];
	_ =	sdelay $0x1  }
0x99: {  	s4 =	simm.s32 $_scs_section_size  }
0x9a: {  	s5 =	simm.s32 $_size__tile_overlayer_lowered;
	s6 =	simm.s32 $_tile_overlayer_lowered  }
0x9b: {  	s22 =	simm.s32 $0x1BFF;
	s21 =	sshll.u32 s6, $0x1;
	s3 =	sadd.s32 s4, s19  }
0x9c: {  	s7 =	simm.s32 $0x0;
	s20 =	sshll.u32 s5, $0x1;
	s5 =	sadd.s32 s21, s3  }
0x9d: {  	[timem:s7], [sflag:s22] =	dma.local [hbm:s5], s20  }
0x9e: {  	_ =	swait.ge [sflag:s22], s20  }
0x9f: {  	s4 =	ssub.s32 $0x0, s20;
	[sflag:s22] =	ssyncset.done $0x0  }
0xa0: {  	[sflag:s22] =	ssyncadd.s32 s4;
	_ =	sdelay $0x1  }
0xa1: {  	s23 =	simm.s32 $0x1B8B  }
0xa2: {  	_ =	swait.ge [sflag:s23], $0x1  }
0xa3: {  	[sflag:s23] =	ssyncset.done $0x0  }
0xa4: {  	s25 =	simm.s32 $0x1B8E;
	s24 =	sld [smem:$0x3FFE];
	[sflag:s23] =	ssyncadd.s32 $0xFFFFFFFF  }
0xa5: {  	s26 =	simm.s32 $execute0_lowered;
	[smem:$0x3FD2] =	sst s25  }
0xa6: {  	s5 =	sshll.u32 s26, $0x1;
	_ =	strace $0x80000046;
	[dreg:$0x1] =	wrdreg $0xFFFFFFFF  }
0xa7: {  	s28 =	simm.s32 $_size_execute0_lowered;
	s3 =	sadd.s32 s3, s5;
	[dreg:$0x0] =	wrdreg $0x0  }
0xa8: {  	s5 =	sshll.u32 s28, $0x1;
	[dreg:$0x2] =	wrdreg s3  }
0xa9: {  	[dreg:$0x3] =	wrdreg s5  }
0xaa: {  	[dreg:$0x4] =	wrdreg $0xC0  }
0xab: {  	_ =	task [dreg:s7], $0x5FFFF  }
0xac: {  	[dreg:$0x1] =	wrdreg $0xFFFFFFFF  }
0xad: {  	[dreg:$0x0] =	wrdreg $0x60  }
0xae: {  	[dreg:$0x2] =	wrdreg s24  }
0xaf: {  	[dreg:$0x3] =	wrdreg s2  }
0xb0: {  	[dreg:$0x4] =	wrdreg $0x9  }
0xb1: {  	_ =	task.clear_ibuf [dreg:s7], $0x5FFFF;
	_ =	strace $0x90000046  }
0xb2: {  	s29 =	simm.s32 $0x9;
	_ =	strace $0x80000048  }
0xb3: {  	_ =	swait.ge [sflag:s29], $0x1  }
0xb4: {  	[sflag:s29] =	ssyncadd.s32 $0xFFFFFFFF  }
0xb5: {  	_ =	strace $0x90000048  }
0xb6: {  	_ =	sfence  }
0xb7: {  	s30 =	sld [smem:$0x0];
	_ =	sdelay $0x2  }
0xb8: {  	s31 =	sshll.u32 s1, $0xD;
	s1 =	sshrl.u32 s1, $0x2  }
0xb9: {  	s3 =	sand.u32 $0x4000, s31;
	s1 =	sadd.s32 s1, s30  }
0xba: {  	s0 =	sor.u32 s3, s0;
	s1 =	sshll.u32 s1, $0x11  }
0xbb: {  	s0 =	sor.u32 s1, s0  }
0xbc: {  	s0 =	sadd.s32 $0x8F2B, s0  }
0xbd: {  	[sflag:s0] =	ssyncadd.remote.s32 $0x1  }
0xbe: {  	_ =	sfence.sel $0xFFFF  }
0xbf: {  	[dreg:$0x0] =	wrdreg $0xFFFFFFFF;
	(pc) =	sbr.abs _section_cstart, $3  }
0xc0: {  	[dreg:$0x1] =	wrdreg $0xFFFFFFFF  }
0xc1: {  	_ =	task.clear_ibuf [dreg:s7], $0x2FFFF;
	_ =	strace $0x9FFFFFFF  }
0xc2: {  	(tm) =	ssettm $0x7FFFFFFF  }
0xc3: {  	_ =	shalt  }
tec
execute0_lowered:
.L_overlay_start_1:
0x0: {  	(tag) =	ssettag $0x1  }
0x1: {  	s0 =	rddreg [dreg:$0x0]  }
0x2: {  	s1 =	srdreg.scid;
	s2 =	simm.s32 $0x0;
	s3 =	stileid.u32  }
0x3: {  	s1 =	sand.u32 $0x1, s1;
	[smem:$0x7FF] =	sst s2;
	s5 =	sadd.s32 $0x1800, s0  }
0x4: {  	s6 =	sadd.s32 $0x65800, s0;
	s24 =	sadd.s32 $0x1400, s0;
	s0 =	sadd.s32 $0xC9800, s0  }
0x5: {  	s23 =	sshll.u32 s1, $0x4;
	_ =	strace $0x80000047;
	[smem:$0x7F4] =	sst s24  }
0x6: {  	[smem:$0x7F5] =	sst s0;
	s2 =	sor.u32 s3, s23  }
0x7: {  	s1 =	ssub.s32 $0x2, s1;
	[smem:$0x7F6] =	sst s5;
	s30 =	smul.u32 $0x320000, s2  }
0x8: {  	[smem:$0x7F8] =	sst s6;
	s25 =	sshrl.u32 s1, $0x1;
	s7 =	smul.u32 $0x19000, s2  }
0x9: {  	s4 =	smul.u32 $0x3200, s2;
	s26 =	ssub.s32 s1, s25;
	[smem:$0x7FA] =	sst s30  }
0xa: {  	s0 =	smax.u32 s26, $0x1;
	[smem:$0x7FB] =	sst s7  }
0xb: {  	s29 =	sadd.s32 s5, s4;
	[smem:$0x7FD] =	sst s0  }
0xc: {  	s28 =	sshrl.u32 s7, $0x3;
	s31 =	sor.u32 $0x800, s7;
	[smem:$0x7F7] =	sst s29  }
0xd: {  	s1 =	sadd.s32 s6, s28;
	[smem:$0x7FC] =	sst s31  }
0xe: {  	s2 =	simm.s32 $0x0;
	[smem:$0x7F9] =	sst s1  }
.LBB2_1:
0xf: {  	s0 =	sld [smem:$0x7F4]  }
0x10: {  	[smem:$0x7F2] =	sst s2  }
0x11: {  	s1 =	simm.s32 $0x0;
	s10 =	simm.s32 $0x11000;
	s11 =	simm.s32 $0x5  }
0x12: {  	[tilespmem:s10], [sflag:$0x5] =	stream.linear.gather [hbm4b:s0+s1], $0x1900, $0x38;
	[tilespmem:$0x12900] =	vst v63  }
0x13: {  	_ =	swait.ge [sflag:s11], $0x1900  }
0x14: {  	s12 =	sld [smem:$0x7F7]  }
0x15: {  	[sflag:s11] =	ssyncset.done $0x0  }
0x16: {  	[sflag:s11] =	ssyncadd.s32 $0xFFFFE700  }
0x17: {  	[tilespmem:s1], [sflag:$0x5] =	stream.linear.gather [hbm4b:s12+s1], $0x400, $0x38;
	[tilespmem:$0x12900] =	vst v63  }
0x18: {  	_ =	swait.ge [sflag:s11], $0x400  }
0x19: {  	s13 =	sld [smem:$0x7F9]  }
0x1a: {  	[sflag:s11] =	ssyncset.done $0x0  }
0x1b: {  	s3 =	simm.s32 $0x800;
	[sflag:s11] =	ssyncadd.s32 $0xFFFFFC00  }
0x1c: {  	[tilespmem:s3], [sflag:$0x5] =	stream.linear.gather [hbm4b:s13+s1], $0x400, $0x38;
	[tilespmem:$0x12900] =	vst v63  }
0x1d: {  	_ =	swait.ge [sflag:s11], $0x400  }
0x1e: {  	[sflag:s11] =	ssyncset.done $0x0  }
0x1f: {  	[sflag:s11] =	ssyncadd.s32 $0xFFFFFC00  }
0x20: {  	s15 =	simm.s32 $0x80;
	s16 =	simm.s32 $0x1000;
	s14 =	rddreg [dreg:$0x1]  }
0x21: {  	[tilespmem:s16], [sflag:$0x1] =	stream.indirect.gather [hbm4b:s14+s15], $0x20, s1, s15, $0xb8;
	[tilespmem:$0x12900] =	vst v63  }
0x22: {  	s17 =	simm.s32 $0x2000  }
0x23: {  	[tilespmem:s17], [sflag:$0x1] =	stream.indirect.gather [hbm4b:s14+s15], $0x20, s15, s15, $0xb8;
	[tilespmem:$0x12900] =	vst v63  }
0x24: {  	s18 =	simm.s32 $0x100;
	s19 =	simm.s32 $0x3000  }
0x25: {  	[tilespmem:s19], [sflag:$0x1] =	stream.indirect.gather [hbm4b:s14+s15], $0x20, s18, s15, $0xb8;
	[tilespmem:$0x12900] =	vst v63  }
0x26: {  	s20 =	simm.s32 $0x180;
	s21 =	simm.s32 $0x4000  }
0x27: {  	[tilespmem:s21], [sflag:$0x1] =	stream.indirect.gather [hbm4b:s14+s15], $0x20, s20, s15, $0xb8;
	[tilespmem:$0x12900] =	vst v63  }
0x28: {  	s22 =	simm.s32 $0x200;
	s23 =	simm.s32 $0x5000  }
0x29: {  	[tilespmem:s23], [sflag:$0x1] =	stream.indirect.gather [hbm4b:s14+s15], $0x20, s22, s15, $0xb8;
	[tilespmem:$0x12900] =	vst v63  }
0x2a: {  	s24 =	simm.s32 $0x280;
	s25 =	simm.s32 $0x6000  }
0x2b: {  	[tilespmem:s25], [sflag:$0x1] =	stream.indirect.gather [hbm4b:s14+s15], $0x20, s24, s15, $0xb8;
	[tilespmem:$0x12900] =	vst v63  }
0x2c: {  	s26 =	simm.s32 $0x300;
	s28 =	simm.s32 $0x7000;
	s31 =	simm.s32 $0x0  }
0x2d: {  	[tilespmem:s28], [sflag:$0x1] =	stream.indirect.gather [hbm4b:s14+s15], $0x20, s26, s15, $0xb8;
	[tilespmem:$0x12900] =	vst v63  }
0x2e: {  	s29 =	simm.s32 $0x380;
	s30 =	simm.s32 $0x8000;
	[smem:$0x7F3] =	sst s31  }
0x2f: {  	[tilespmem:s30], [sflag:$0x1] =	stream.indirect.gather [hbm4b:s14+s15], $0x20, s29, s15, $0xb8;
	[tilespmem:$0x12900] =	vst v63  }
.LBB2_2:
0x30: {  	s0 =	simm.s32 $0x1  }
0x31: {  	_ =	swait.ge [sflag:s0], $0x1000  }
0x32: {  	[sflag:s0] =	ssyncset.done $0x0  }
0x33: {  	[sflag:s0] =	ssyncadd.s32 $0xFFFFF000  }
0x34: {  	_ =	swait.ge [sflag:s0], $0x1000  }
0x35: {  	[sflag:s0] =	ssyncset.done $0x0  }
0x36: {  	[sflag:s0] =	ssyncadd.s32 $0xFFFFF000  }
0x37: {  	_ =	swait.ge [sflag:s0], $0x1000  }
0x38: {  	[sflag:s0] =	ssyncset.done $0x0  }
0x39: {  	[sflag:s0] =	ssyncadd.s32 $0xFFFFF000  }
0x3a: {  	_ =	swait.ge [sflag:s0], $0x1000  }
0x3b: {  	[sflag:s0] =	ssyncset.done $0x0  }
0x3c: {  	[sflag:s0] =	ssyncadd.s32 $0xFFFFF000  }
0x3d: {  	_ =	swait.ge [sflag:s0], $0x1000  }
0x3e: {  	[sflag:s0] =	ssyncset.done $0x0  }
0x3f: {  	[sflag:s0] =	ssyncadd.s32 $0xFFFFF000  }
0x40: {  	_ =	swait.ge [sflag:s0], $0x1000  }
0x41: {  	[sflag:s0] =	ssyncset.done $0x0  }
0x42: {  	[sflag:s0] =	ssyncadd.s32 $0xFFFFF000  }
0x43: {  	_ =	swait.ge [sflag:s0], $0x1000  }
0x44: {  	[sflag:s0] =	ssyncset.done $0x0  }
0x45: {  	[sflag:s0] =	ssyncadd.s32 $0xFFFFF000  }
0x46: {  	_ =	swait.ge [sflag:s0], $0x1000  }
0x47: {  	[sflag:s0] =	ssyncset.done $0x0  }
0x48: {  	s29 =	simm.s32 $0x820;
	[sflag:s0] =	ssyncadd.s32 $0xFFFFF000  }
0x49: {  	v0 =	vld [tilespmem:s29+$0x10]  }
0x4a: {  	v1 =	vld [tilespmem:s29+$0xFFFFFFF0]  }
0x4b: {  	v2 =	vld [tilespmem:s29+$0x0]  }
0x4c: {  	v3 =	vld [tilespmem:s29+$0xFFFFFFE0];
	_ =	sdelay $0x1  }
0x4d: {  	v0 =	vshll.u32 v0, $0x5  }
0x4e: {  	v1 =	vshll.u32 v1, $0x5;
	(v2sf) =	vpush v0, $0x0  }
0x4f: {  	v2 =	vshll.u32 v2, $0x5;
	(v2sf) =	vpush v1, $0x0  }
0x50: {  	v3 =	vshll.u32 v3, $0x5;
	(v2sf) =	vpush v2, $0x0  }
0x51: {  	(v2sf) =	vpush v3, $0x0  }
0x52: {  	(v2sf) =	vpush v3, $0x1  }
0x53: {  	(v2sf) =	vpush v1, $0x1  }
0x54: {  	(v2sf) =	vpush v2, $0x1  }
0x55: {  	(v2sf) =	vpush v3, $0x2  }
0x56: {  	(v2sf) =	vpush v1, $0x2  }
0x57: {  	(v2sf) =	vpush v2, $0x2  }
0x58: {  	(v2sf) =	vpush v3, $0x3  }
0x59: {  	(v2sf) =	vpush v1, $0x3  }
0x5a: {  	(v2sf) =	vpush v0, $0x1  }
0x5b: {  	(v2sf) =	vpush v2, $0x3  }
0x5c: {  	(v2sf) =	vpush v3, $0x4  }
0x5d: {  	(v2sf) =	vpush v1, $0x4;
	s31 =	spop (v2sf)  }
0x5e: {  	s13 =	spop (v2sf);
	(v2sf) =	vpush v2, $0x4  }
0x5f: {  	v4 =	vld [tilespmem:s31+$0x11000];
	(v2sf) =	vpush v3, $0x5;
	s14 =	spop (v2sf)  }
0x60: {  	s9 =	spop (v2sf);
	(v2sf) =	vpush v1, $0x5  }
0x61: {  	s12 =	spop (v2sf);
	(v2sf) =	vpush v2, $0x5  }
0x62: {  	(v2sf) =	vpush v3, $0x6;
	s11 =	spop (v2sf)  }
0x63: {  	s1 =	simm.s32 $0x1400;
	(v2sf) =	vpush v1, $0x6;
	s30 =	spop (v2sf)  }
0x64: {  	[tilespmem:s1+$0x200] =	vst.add.f32.msk $0xffff, v4;
	s2 =	spop (v2sf);
	(v2sf) =	vpush v2, $0x6  }
0x65: {  	v4 =	vld [tilespmem:s31+$0x11010];
	(v2sf) =	vpush v3, $0x7;
	s3 =	spop (v2sf)  }
0x66: {  	s4 =	spop (v2sf);
	(v2sf) =	vpush v0, $0x2  }
0x67: {  	v5 =	vld [tilespmem:s13+$0x11000];
	s5 =	spop (v2sf);
	(v2sf) =	vpush v1, $0x7  }
0x68: {  	v7 =	vld [tilespmem:s14+$0x11000];
	s6 =	spop (v2sf);
	(v2sf) =	vpush v2, $0x7  }
0x69: {  	v6 =	vld [tilespmem:s9+$0x11000];
	(v2sf) =	vpush v3, $0x8;
	s15 =	spop (v2sf)  }
0x6a: {  	[tilespmem:s1+$0x210] =	vst.add.f32.msk $0xffff, v4;
	(v2sf) =	vpush v1, $0x8;
	s7 =	spop (v2sf)  }
0x6b: {  	v4 =	vld [tilespmem:s15+$0x11000];
	s8 =	spop (v2sf);
	(v2sf) =	vpush v2, $0x8  }
0x6c: {  	[tilespmem:s1+$0xFFFFFE00] =	vst.add.f32.msk $0xffff, v5;
	(v2sf) =	vpush v3, $0x9;
	s10 =	spop (v2sf)  }
0x6d: {  	[tilespmem:s1+$0x0] =	vst.add.f32.msk $0xffff, v7;
	(v2sf) =	vpush v1, $0x9;
	s16 =	spop (v2sf)  }
0x6e: {  	[tilespmem:s1+$0xFFFFFC00] =	vst.add.f32.msk $0xffff, v6;
	s17 =	spop (v2sf);
	(v2sf) =	vpush v2, $0x9  }
0x6f: {  	v5 =	vld [tilespmem:s9+$0x11010];
	(v2sf) =	vpush v3, $0xA;
	s9 =	spop (v2sf)  }
0x70: {  	[tilespmem:s1+$0x220] =	vst.add.f32.msk $0xffff, v4;
	(v2sf) =	vpush v1, $0xA;
	s31 =	spop (v2sf)  }
0x71: {  	v4 =	vld [tilespmem:s15+$0x11010];
	s28 =	spop (v2sf);
	(v2sf) =	vpush v2, $0xA  }
0x72: {  	v6 =	vld [tilespmem:s13+$0x11010];
	s26 =	spop (v2sf);
	(v2sf) =	vpush v0, $0x3  }
0x73: {  	v7 =	vld [tilespmem:s14+$0x11010];
	(v2sf) =	vpush v3, $0xB;
	s25 =	spop (v2sf)  }
0x74: {  	[tilespmem:s1+$0xFFFFFC10] =	vst.add.f32.msk $0xffff, v5;
	s22 =	spop (v2sf)  }
0x75: {  	v5 =	vld [tilespmem:s12+$0x11000];
	(v2sf) =	vpush v1, $0xB;
	s0 =	spop (v2sf)  }
0x76: {  	[tilespmem:s1+$0x230] =	vst.add.f32.msk $0xffff, v4;
	(v2sf) =	vpush v2, $0xB;
	s23 =	spop (v2sf)  }
0x77: {  	v4 =	vld [tilespmem:s0+$0x11000];
	s24 =	spop (v2sf)  }
0x78: {  	[tilespmem:s1+$0xFFFFFE10] =	vst.add.f32.msk $0xffff, v6;
	(v2sf) =	vpush v3, $0xC;
	s19 =	spop (v2sf)  }
0x79: {  	v6 =	vld [tilespmem:s11+$0x11000];
	s20 =	spop (v2sf)  }
0x7a: {  	[tilespmem:s1+$0xFFFFFC20] =	vst.add.f32.msk $0xffff, v5;
	(v2sf) =	vpush v1, $0xC;
	s21 =	spop (v2sf)  }
0x7b: {  	v5 =	vld [tilespmem:s12+$0x11010];
	(v2sf) =	vpush v2, $0xC;
	s14 =	spop (v2sf)  }
0x7c: {  	(v2sf) =	vpush v3, $0xD;
	[tilespmem:s1+$0x240] =	vst.add.f32.msk $0xffff, v4;
	s12 =	spop (v2sf)  }
0x7d: {  	v4 =	vld [tilespmem:s0+$0x11010];
	s18 =	spop (v2sf)  }
0x7e: {  	[tilespmem:s1+$0xFFFFFE20] =	vst.add.f32.msk $0xffff, v6;
	(v2sf) =	vpush v1, $0xD;
	s13 =	spop (v2sf)  }
0x7f: {  	v6 =	vld [tilespmem:s11+$0x11010];
	s11 =	spop (v2sf)  }
0x80: {  	[tilespmem:s1+$0x10] =	vst.add.f32.msk $0xffff, v7;
	(v2sf) =	vpush v2, $0xD;
	s15 =	spop (v2sf)  }
0x81: {  	v7 =	vld [tilespmem:s30+$0x11000];
	s0 =	spop (v2sf)  }
0x82: {  	(v2sf) =	vpush v3, $0xE;
	[tilespmem:s1+$0x250] =	vst.add.f32.msk $0xffff, v4;
	s29 =	spop (v2sf)  }
0x83: {  	(v2sf) =	vpush v1, $0xE;
	v4 =	vld [tilespmem:s0+$0x11000];
	[smem:$0x7DD] =	sst s29  }
0x84: {  	s29 =	spop (v2sf);
	[tilespmem:s1+$0xFFFFFC30] =	vst.add.f32.msk $0xffff, v5  }
0x85: {  	[smem:$0x7DE] =	sst s29;
	s29 =	spop (v2sf)  }
0x86: {  	(v2sf) =	vpush v0, $0x4;
	v5 =	vld [tilespmem:s2+$0x11000];
	[smem:$0x7DF] =	sst s29  }
0x87: {  	s29 =	spop (v2sf);
	[tilespmem:s1+$0x20] =	vst.add.f32.msk $0xffff, v7  }
0x88: {  	[smem:$0x7E0] =	sst s29  }
0x89: {  	s29 =	spop (v2sf);
	v7 =	vld [tilespmem:s30+$0x11010]  }
0x8a: {  	(v2sf) =	vpush v2, $0xE;
	[tilespmem:s1+$0x260] =	vst.add.f32.msk $0xffff, v4;
	s30 =	spop (v2sf)  }
0x8b: {  	(v2sf) =	vpush v3, $0xF;
	v3 =	vld [tilespmem:s0+$0x11010];
	s0 =	spop (v2sf)  }
0x8c: {  	[smem:$0x7E1] =	sst s0  }
0x8d: {  	s0 =	spop (v2sf);
	[tilespmem:s1+$0xFFFFFC40] =	vst.add.f32.msk $0xffff, v5  }
0x8e: {  	[smem:$0x7E2] =	sst s0  }
0x8f: {  	(v2sf) =	vpush v1, $0xF;
	v1 =	vld [tilespmem:s2+$0x11010];
	s2 =	spop (v2sf)  }
0x90: {  	[smem:$0x7E3] =	sst s2  }
0x91: {  	(v2sf) =	vpush v2, $0xF;
	s2 =	spop (v2sf);
	[tilespmem:s1+$0xFFFFFE30] =	vst.add.f32.msk $0xffff, v6  }
0x92: {  	[smem:$0x7E4] =	sst s2;
	s2 =	spop (v2sf)  }
0x93: {  	v2 =	vld [tilespmem:s3+$0x11000];
	[smem:$0x7E5] =	sst s2  }
0x94: {  	[tilespmem:s1+$0x270] =	vst.add.f32.msk $0xffff, v3  }
0x95: {  	(v2sf) =	vpush v0, $0x5;
	s2 =	spop (v2sf);
	[tilespmem:s1+$0x30] =	vst.add.f32.msk $0xffff, v7  }
0x96: {  	v3 =	vld [tilespmem:s2+$0x11000]  }
0x97: {  	v4 =	vld [tilespmem:s4+$0x11000];
	_ =	sdelay $0x1  }
0x98: {  	[tilespmem:s1+$0xFFFFFE40] =	vst.add.f32.msk $0xffff, v2  }
0x99: {  	v2 =	vld [tilespmem:s3+$0x11010]  }
0x9a: {  	[tilespmem:s1+$0x280] =	vst.add.f32.msk $0xffff, v3  }
0x9b: {  	s3 =	spop (v2sf);
	[tilespmem:s1+$0x40] =	vst.add.f32.msk $0xffff, v4  }
0x9c: {  	v3 =	vld [tilespmem:s2+$0x11010];
	s2 =	spop (v2sf)  }
0x9d: {  	v4 =	vld [tilespmem:s4+$0x11010];
	[smem:$0x7E9] =	sst s2  }
0x9e: {  	s4 =	spop (v2sf);
	[tilespmem:s1+$0xFFFFFC50] =	vst.add.f32.msk $0xffff, v1  }
0x9f: {  	s2 =	spop (v2sf);
	[smem:$0x7EB] =	sst s4  }
0xa0: {  	v1 =	vld [tilespmem:s5+$0x11000];
	[smem:$0x7EE] =	sst s2  }
0xa1: {  	(v2sf) =	vpush v0, $0x6;
	[tilespmem:s1+$0x290] =	vst.add.f32.msk $0xffff, v3  }
0xa2: {  	[tilespmem:s1+$0xFFFFFE50] =	vst.add.f32.msk $0xffff, v2  }
0xa3: {  	s4 =	spop (v2sf);
	[tilespmem:s1+$0x50] =	vst.add.f32.msk $0xffff, v4  }
0xa4: {  	v3 =	vld [tilespmem:s4+$0x11000]  }
0xa5: {  	v2 =	vld [tilespmem:s6+$0x11000]  }
0xa6: {  	v4 =	vld [tilespmem:s7+$0x11000]  }
0xa7: {  	[tilespmem:s1+$0xFFFFFC60] =	vst.add.f32.msk $0xffff, v1  }
0xa8: {  	v1 =	vld [tilespmem:s5+$0x11010]  }
0xa9: {  	[tilespmem:s1+$0x2A0] =	vst.add.f32.msk $0xffff, v3  }
0xaa: {  	[tilespmem:s1+$0xFFFFFE60] =	vst.add.f32.msk $0xffff, v2  }
0xab: {  	v3 =	vld [tilespmem:s4+$0x11010]  }
0xac: {  	[tilespmem:s1+$0x60] =	vst.add.f32.msk $0xffff, v4  }
0xad: {  	(v2sf) =	vpush v0, $0x7;
	v2 =	vld [tilespmem:s6+$0x11010]  }
0xae: {  	v4 =	vld [tilespmem:s7+$0x11010]  }
0xaf: {  	[tilespmem:s1+$0xFFFFFC70] =	vst.add.f32.msk $0xffff, v1  }
0xb0: {  	s6 =	spop (v2sf);
	[tilespmem:s1+$0x2B0] =	vst.add.f32.msk $0xffff, v3  }
0xb1: {  	v3 =	vld [tilespmem:s6+$0x11000]  }
0xb2: {  	v1 =	vld [tilespmem:s8+$0x11000]  }
0xb3: {  	[tilespmem:s1+$0xFFFFFE70] =	vst.add.f32.msk $0xffff, v2  }
0xb4: {  	[tilespmem:s1+$0x70] =	vst.add.f32.msk $0xffff, v4  }
0xb5: {  	v2 =	vld [tilespmem:s10+$0x11000]  }
0xb6: {  	[tilespmem:s1+$0x2C0] =	vst.add.f32.msk $0xffff, v3  }
0xb7: {  	v3 =	vld [tilespmem:s6+$0x11010]  }
0xb8: {  	v4 =	vld [tilespmem:s16+$0x11000]  }
0xb9: {  	(v2sf) =	vpush v0, $0x8;
	[tilespmem:s1+$0xFFFFFC80] =	vst.add.f32.msk $0xffff, v1  }
0xba: {  	v1 =	vld [tilespmem:s8+$0x11010]  }
0xbb: {  	[tilespmem:s1+$0xFFFFFE80] =	vst.add.f32.msk $0xffff, v2  }
0xbc: {  	s7 =	spop (v2sf);
	[tilespmem:s1+$0x2D0] =	vst.add.f32.msk $0xffff, v3  }
0xbd: {  	v3 =	vld [tilespmem:s7+$0x11000]  }
0xbe: {  	[tilespmem:s1+$0x80] =	vst.add.f32.msk $0xffff, v4  }
0xbf: {  	v2 =	vld [tilespmem:s10+$0x11010]  }
0xc0: {  	v4 =	vld [tilespmem:s16+$0x11010]  }
0xc1: {  	[tilespmem:s1+$0xFFFFFC90] =	vst.add.f32.msk $0xffff, v1  }
0xc2: {  	[tilespmem:s1+$0x2E0] =	vst.add.f32.msk $0xffff, v3  }
0xc3: {  	v3 =	vld [tilespmem:s7+$0x11010]  }
0xc4: {  	v1 =	vld [tilespmem:s17+$0x11000]  }
0xc5: {  	(v2sf) =	vpush v0, $0x9;
	[tilespmem:s1+$0xFFFFFE90] =	vst.add.f32.msk $0xffff, v2  }
0xc6: {  	[tilespmem:s1+$0x90] =	vst.add.f32.msk $0xffff, v4  }
0xc7: {  	v2 =	vld [tilespmem:s9+$0x11000]  }
0xc8: {  	s8 =	spop (v2sf);
	[tilespmem:s1+$0x2F0] =	vst.add.f32.msk $0xffff, v3  }
0xc9: {  	v3 =	vld [tilespmem:s8+$0x11000]  }
0xca: {  	v4 =	vld [tilespmem:s31+$0x11000]  }
0xcb: {  	[tilespmem:s1+$0xFFFFFCA0] =	vst.add.f32.msk $0xffff, v1  }
0xcc: {  	v1 =	vld [tilespmem:s17+$0x11010]  }
0xcd: {  	[tilespmem:s1+$0xFFFFFEA0] =	vst.add.f32.msk $0xffff, v2  }
0xce: {  	[tilespmem:s1+$0x300] =	vst.add.f32.msk $0xffff, v3  }
0xcf: {  	v3 =	vld [tilespmem:s8+$0x11010]  }
0xd0: {  	[tilespmem:s1+$0xA0] =	vst.add.f32.msk $0xffff, v4  }
0xd1: {  	(v2sf) =	vpush v0, $0xA;
	v2 =	vld [tilespmem:s9+$0x11010]  }
0xd2: {  	v4 =	vld [tilespmem:s31+$0x11010]  }
0xd3: {  	[tilespmem:s1+$0xFFFFFCB0] =	vst.add.f32.msk $0xffff, v1  }
0xd4: {  	s10 =	spop (v2sf);
	[tilespmem:s1+$0x310] =	vst.add.f32.msk $0xffff, v3  }
0xd5: {  	v3 =	vld [tilespmem:s10+$0x11000]  }
0xd6: {  	v1 =	vld [tilespmem:s28+$0x11000]  }
0xd7: {  	[tilespmem:s1+$0xFFFFFEB0] =	vst.add.f32.msk $0xffff, v2  }
0xd8: {  	[tilespmem:s1+$0xB0] =	vst.add.f32.msk $0xffff, v4  }
0xd9: {  	v2 =	vld [tilespmem:s26+$0x11000]  }
0xda: {  	[tilespmem:s1+$0x320] =	vst.add.f32.msk $0xffff, v3  }
0xdb: {  	v3 =	vld [tilespmem:s10+$0x11010]  }
0xdc: {  	v4 =	vld [tilespmem:s25+$0x11000]  }
0xdd: {  	[tilespmem:s1+$0xFFFFFCC0] =	vst.add.f32.msk $0xffff, v1  }
0xde: {  	(v2sf) =	vpush v0, $0xB;
	v1 =	vld [tilespmem:s28+$0x11010]  }
0xdf: {  	[tilespmem:s1+$0xFFFFFEC0] =	vst.add.f32.msk $0xffff, v2  }
0xe0: {  	s16 =	spop (v2sf);
	[tilespmem:s1+$0x330] =	vst.add.f32.msk $0xffff, v3  }
0xe1: {  	v3 =	vld [tilespmem:s16+$0x11000]  }
0xe2: {  	[tilespmem:s1+$0xC0] =	vst.add.f32.msk $0xffff, v4  }
0xe3: {  	v2 =	vld [tilespmem:s26+$0x11010]  }
0xe4: {  	v4 =	vld [tilespmem:s25+$0x11010]  }
0xe5: {  	[tilespmem:s1+$0xFFFFFCD0] =	vst.add.f32.msk $0xffff, v1  }
0xe6: {  	[tilespmem:s1+$0x340] =	vst.add.f32.msk $0xffff, v3  }
0xe7: {  	v3 =	vld [tilespmem:s16+$0x11010]  }
0xe8: {  	v1 =	vld [tilespmem:s22+$0x11000]  }
0xe9: {  	[tilespmem:s1+$0xFFFFFED0] =	vst.add.f32.msk $0xffff, v2  }
0xea: {  	[tilespmem:s1+$0xD0] =	vst.add.f32.msk $0xffff, v4  }
0xeb: {  	v4 =	vld [tilespmem:s24+$0x11000]  }
0xec: {  	(v2sf) =	vpush v0, $0xC;
	[tilespmem:s1+$0x350] =	vst.add.f32.msk $0xffff, v3  }
0xed: {  	s17 =	spop (v2sf);
	v3 =	vld [tilespmem:s23+$0x11000]  }
0xee: {  	v2 =	vld [tilespmem:s17+$0x11000]  }
0xef: {  	[tilespmem:s1+$0xFFFFFCE0] =	vst.add.f32.msk $0xffff, v1  }
0xf0: {  	v1 =	vld [tilespmem:s22+$0x11010]  }
0xf1: {  	[tilespmem:s1+$0xE0] =	vst.add.f32.msk $0xffff, v4  }
0xf2: {  	[tilespmem:s1+$0xFFFFFEE0] =	vst.add.f32.msk $0xffff, v3  }
0xf3: {  	[tilespmem:s1+$0x360] =	vst.add.f32.msk $0xffff, v2  }
0xf4: {  	v3 =	vld [tilespmem:s23+$0x11010]  }
0xf5: {  	v2 =	vld [tilespmem:s17+$0x11010]  }
0xf6: {  	v4 =	vld [tilespmem:s24+$0x11010]  }
0xf7: {  	[tilespmem:s1+$0xFFFFFCF0] =	vst.add.f32.msk $0xffff, v1  }
0xf8: {  	(v2sf) =	vpush v0, $0xD;
	v1 =	vld [tilespmem:s19+$0x11000]  }
0xf9: {  	[tilespmem:s1+$0xFFFFFEF0] =	vst.add.f32.msk $0xffff, v3  }
0xfa: {  	[tilespmem:s1+$0x370] =	vst.add.f32.msk $0xffff, v2  }
0xfb: {  	s25 =	spop (v2sf);
	v3 =	vld [tilespmem:s20+$0x11000]  }
0xfc: {  	v2 =	vld [tilespmem:s25+$0x11000]  }
0xfd: {  	[tilespmem:s1+$0xF0] =	vst.add.f32.msk $0xffff, v4  }
0xfe: {  	v4 =	vld [tilespmem:s21+$0x11000]  }
0xff: {  	[tilespmem:s1+$0xFFFFFD00] =	vst.add.f32.msk $0xffff, v1  }
0x100: {  	[tilespmem:s1+$0xFFFFFF00] =	vst.add.f32.msk $0xffff, v3  }
0x101: {  	[tilespmem:s1+$0x380] =	vst.add.f32.msk $0xffff, v2  }
0x102: {  	(v2sf) =	vpush v0, $0xE;
	v2 =	vld [tilespmem:s25+$0x11010]  }
0x103: {  	[tilespmem:s1+$0x100] =	vst.add.f32.msk $0xffff, v4  }
0x104: {  	v1 =	vld [tilespmem:s19+$0x11010]  }
0x105: {  	v3 =	vld [tilespmem:s20+$0x11010]  }
0x106: {  	v4 =	vld [tilespmem:s21+$0x11010]  }
0x107: {  	s26 =	spop (v2sf);
	[tilespmem:s1+$0x390] =	vst.add.f32.msk $0xffff, v2  }
0x108: {  	v2 =	vld [tilespmem:s26+$0x11000]  }
0x109: {  	[tilespmem:s1+$0xFFFFFD10] =	vst.add.f32.msk $0xffff, v1  }
0x10a: {  	[tilespmem:s1+$0xFFFFFF10] =	vst.add.f32.msk $0xffff, v3  }
0x10b: {  	[tilespmem:s1+$0x110] =	vst.add.f32.msk $0xffff, v4  }
0x10c: {  	v1 =	vld [tilespmem:s14+$0x11000]  }
0x10d: {  	(v2sf) =	vpush v0, $0xF;
	v0 =	vld [tilespmem:s12+$0x11000]  }
0x10e: {  	v3 =	vld [tilespmem:s18+$0x11000]  }
0x10f: {  	[tilespmem:s1+$0x3A0] =	vst.add.f32.msk $0xffff, v2  }
0x110: {  	v2 =	vld [tilespmem:s26+$0x11010]  }
0x111: {  	[tilespmem:s1+$0xFFFFFD20] =	vst.add.f32.msk $0xffff, v1  }
0x112: {  	[tilespmem:s1+$0xFFFFFF20] =	vst.add.f32.msk $0xffff, v0  }
0x113: {  	[tilespmem:s1+$0x120] =	vst.add.f32.msk $0xffff, v3  }
0x114: {  	v0 =	vld [tilespmem:s14+$0x11010]  }
0x115: {  	v3 =	vld [tilespmem:s18+$0x11010]  }
0x116: {  	s28 =	spop (v2sf);
	[tilespmem:s1+$0x3B0] =	vst.add.f32.msk $0xffff, v2  }
0x117: {  	v2 =	vld [tilespmem:s28+$0x11000];
	_ =	sdelay $0x1  }
0x118: {  	[tilespmem:s1+$0xFFFFFD30] =	vst.add.f32.msk $0xffff, v0  }
0x119: {  	[tilespmem:s1+$0x130] =	vst.add.f32.msk $0xffff, v3  }
0x11a: {  	v0 =	vld [tilespmem:s13+$0x11000]  }
0x11b: {  	[tilespmem:s1+$0x3C0] =	vst.add.f32.msk $0xffff, v2  }
0x11c: {  	v2 =	vld [tilespmem:s12+$0x11010]  }
0x11d: {  	v3 =	vld [tilespmem:s15+$0x11000]  }
0x11e: {  	v1 =	vld [tilespmem:s28+$0x11010]  }
0x11f: {  	[tilespmem:s1+$0xFFFFFD40] =	vst.add.f32.msk $0xffff, v0  }
0x120: {  	v0 =	vld [tilespmem:s13+$0x11010]  }
0x121: {  	[tilespmem:s1+$0xFFFFFF30] =	vst.add.f32.msk $0xffff, v2  }
0x122: {  	v2 =	vld [tilespmem:s11+$0x11000];
	_ =	sdelay $0x1  }
0x123: {  	[tilespmem:s1+$0x140] =	vst.add.f32.msk $0xffff, v3  }
0x124: {  	[tilespmem:s1+$0x3D0] =	vst.add.f32.msk $0xffff, v1  }
0x125: {  	[tilespmem:s1+$0xFFFFFD50] =	vst.add.f32.msk $0xffff, v0  }
0x126: {  	[tilespmem:s1+$0xFFFFFF40] =	vst.add.f32.msk $0xffff, v2  }
0x127: {  	v2 =	vld [tilespmem:s11+$0x11010];
	s2 =	sld [smem:$0x7DD];
	_ =	sdelay $0x1  }
0x128: {  	v3 =	vld [tilespmem:s15+$0x11010]  }
0x129: {  	v0 =	vld [tilespmem:s2+$0x11000];
	_ =	sdelay $0x1  }
0x12a: {  	[tilespmem:s1+$0xFFFFFF50] =	vst.add.f32.msk $0xffff, v2  }
0x12b: {  	s4 =	sld [smem:$0x7DE]  }
0x12c: {  	[tilespmem:s1+$0x150] =	vst.add.f32.msk $0xffff, v3  }
0x12d: {  	s6 =	sld [smem:$0x7DF];
	[tilespmem:s1+$0xFFFFFD60] =	vst.add.f32.msk $0xffff, v0  }
0x12e: {  	v2 =	vld [tilespmem:s4+$0x11000]  }
0x12f: {  	v0 =	vld [tilespmem:s2+$0x11010];
	_ =	sdelay $0x1  }
0x130: {  	v3 =	vld [tilespmem:s6+$0x11000];
	_ =	sdelay $0x1  }
0x131: {  	[tilespmem:s1+$0xFFFFFF60] =	vst.add.f32.msk $0xffff, v2  }
0x132: {  	[tilespmem:s1+$0xFFFFFD70] =	vst.add.f32.msk $0xffff, v0  }
0x133: {  	v2 =	vld [tilespmem:s4+$0x11010]  }
0x134: {  	[tilespmem:s1+$0x160] =	vst.add.f32.msk $0xffff, v3  }
0x135: {  	s7 =	sld [smem:$0x7E0]  }
0x136: {  	s9 =	simm.s32 $0x860;
	v3 =	vld [tilespmem:s6+$0x11010]  }
0x137: {  	v5 =	vld [tilespmem:s9+$0xFFFFFFF0]  }
0x138: {  	v0 =	vld [tilespmem:s7+$0x11000]  }
0x139: {  	[tilespmem:s1+$0xFFFFFF70] =	vst.add.f32.msk $0xffff, v2  }
0x13a: {  	v2 =	vld [tilespmem:s29+$0x11000]  }
0x13b: {  	[tilespmem:s1+$0x170] =	vst.add.f32.msk $0xffff, v3  }
0x13c: {  	v3 =	vld [tilespmem:s30+$0x11000]  }
0x13d: {  	[tilespmem:s1+$0xFFFFFD80] =	vst.add.f32.msk $0xffff, v0  }
0x13e: {  	v0 =	vld [tilespmem:s7+$0x11010]  }
0x13f: {  	[tilespmem:s1+$0xFFFFFF80] =	vst.add.f32.msk $0xffff, v2  }
0x140: {  	v2 =	vld [tilespmem:s29+$0x11010]  }
0x141: {  	[tilespmem:s1+$0x180] =	vst.add.f32.msk $0xffff, v3  }
0x142: {  	v3 =	vld [tilespmem:s30+$0x11010]  }
0x143: {  	v6 =	vld [tilespmem:s9+$0x0]  }
0x144: {  	[tilespmem:s1+$0xFFFFFD90] =	vst.add.f32.msk $0xffff, v0  }
0x145: {  	s8 =	sld [smem:$0x7E1];
	[tilespmem:s1+$0xFFFFFF90] =	vst.add.f32.msk $0xffff, v2  }
0x146: {  	v2 =	vld [tilespmem:s9+$0x10]  }
0x147: {  	s31 =	spop (v2sf);
	[tilespmem:s1+$0x190] =	vst.add.f32.msk $0xffff, v3  }
0x148: {  	v1 =	vld [tilespmem:s31+$0x11000];
	s10 =	sld [smem:$0x7E2]  }
0x149: {  	v0 =	vld [tilespmem:s8+$0x11000];
	s11 =	sld [smem:$0x7E3]  }
0x14a: {  	v7 =	vld [tilespmem:s9+$0xFFFFFFE0]  }
0x14b: {  	v3 =	vld [tilespmem:s10+$0x11000]  }
0x14c: {  	v4 =	vshll.u32 v2, $0x5;
	v2 =	vld [tilespmem:s11+$0x11000]  }
0x14d: {  	[tilespmem:s1+$0x3E0] =	vst.add.f32.msk $0xffff, v1  }
0x14e: {  	[tilespmem:s1+$0xFFFFFDA0] =	vst.add.f32.msk $0xffff, v0  }
0x14f: {  	v5 =	vshll.u32 v5, $0x5;
	(v2sf) =	vpush v4, $0x0;
	v1 =	vld [tilespmem:s8+$0x11010]  }
0x150: {  	v6 =	vshll.u32 v6, $0x5;
	(v2sf) =	vpush v5, $0x0;
	[tilespmem:s1+$0xFFFFFFA0] =	vst.add.f32.msk $0xffff, v3  }
0x151: {  	v7 =	vshll.u32 v7, $0x5;
	(v2sf) =	vpush v6, $0x0;
	[tilespmem:s1+$0x1A0] =	vst.add.f32.msk $0xffff, v2  }
0x152: {  	(v2sf) =	vpush v7, $0x0;
	v2 =	vld [tilespmem:s10+$0x11010]  }
0x153: {  	(v2sf) =	vpush v7, $0x1;
	v3 =	vld [tilespmem:s11+$0x11010]  }
0x154: {  	(v2sf) =	vpush v5, $0x1  }
0x155: {  	(v2sf) =	vpush v6, $0x1;
	[tilespmem:s1+$0xFFFFFDB0] =	vst.add.f32.msk $0xffff, v1  }
0x156: {  	(v2sf) =	vpush v7, $0x2;
	s12 =	sld [smem:$0x7E4]  }
0x157: {  	(v2sf) =	vpush v5, $0x2;
	[tilespmem:s1+$0xFFFFFFB0] =	vst.add.f32.msk $0xffff, v2  }
0x158: {  	(v2sf) =	vpush v6, $0x2;
	[tilespmem:s1+$0x1B0] =	vst.add.f32.msk $0xffff, v3  }
0x159: {  	(v2sf) =	vpush v7, $0x3;
	v1 =	vld [tilespmem:s12+$0x11000]  }
0x15a: {  	(v2sf) =	vpush v5, $0x3;
	s13 =	sld [smem:$0x7E5]  }
0x15b: {  	v8 =	vld [tilespmem:s3+$0x11000];
	(v2sf) =	vpush v4, $0x1  }
0x15c: {  	v0 =	vld [tilespmem:s31+$0x11010];
	(v2sf) =	vpush v6, $0x3  }
0x15d: {  	v2 =	vld [tilespmem:s13+$0x11000];
	(v2sf) =	vpush v7, $0x4  }
0x15e: {  	(v2sf) =	vpush v5, $0x4;
	s14 =	spop (v2sf);
	[tilespmem:s1+$0xFFFFFDC0] =	vst.add.f32.msk $0xffff, v1  }
0x15f: {  	v1 =	vld [tilespmem:s14+$0x11000];
	s15 =	spop (v2sf);
	(v2sf) =	vpush v6, $0x4  }
0x160: {  	[tilespmem:s1+$0x1C0] =	vst.add.f32.msk $0xffff, v8;
	(v2sf) =	vpush v7, $0x5;
	s16 =	spop (v2sf)  }
0x161: {  	v3 =	vld [tilespmem:s12+$0x11010];
	s17 =	spop (v2sf);
	(v2sf) =	vpush v5, $0x5  }
0x162: {  	v10 =	vld [tilespmem:s15+$0x11000];
	s18 =	spop (v2sf);
	(v2sf) =	vpush v6, $0x5  }
0x163: {  	[tilespmem:s1+$0xFFFFFFC0] =	vst.add.f32.msk $0xffff, v2;
	(v2sf) =	vpush v7, $0x6;
	s7 =	spop (v2sf)  }
0x164: {  	s21 =	simm.s32 $0x1C00;
	v9 =	vld [tilespmem:s17+$0x11000];
	(v2sf) =	vpush v5, $0x6;
	s8 =	spop (v2sf)  }
0x165: {  	[tilespmem:s21+$0x200] =	vst.add.f32.msk $0xffff, v1;
	s1 =	spop (v2sf);
	(v2sf) =	vpush v6, $0x6  }
0x166: {  	v8 =	vld [tilespmem:s14+$0x11010];
	(v2sf) =	vpush v7, $0x7;
	s2 =	spop (v2sf)  }
0x167: {  	v1 =	vld [tilespmem:s3+$0x11010];
	s3 =	spop (v2sf);
	(v2sf) =	vpush v4, $0x2  }
0x168: {  	v2 =	vld [tilespmem:s13+$0x11010];
	s5 =	spop (v2sf);
	(v2sf) =	vpush v5, $0x7  }
0x169: {  	[tilespmem:s21+$0xFFFFFC00] =	vst.add.f32.msk $0xffff, v9;
	s14 =	spop (v2sf);
	(v2sf) =	vpush v6, $0x7  }
0x16a: {  	v9 =	vld [tilespmem:s17+$0x11010];
	(v2sf) =	vpush v7, $0x8;
	s0 =	spop (v2sf)  }
0x16b: {  	[tilespmem:s21+$0x210] =	vst.add.f32.msk $0xffff, v8;
	(v2sf) =	vpush v5, $0x8;
	s13 =	spop (v2sf)  }
0x16c: {  	v8 =	vld [tilespmem:s0+$0x11000];
	s31 =	spop (v2sf);
	(v2sf) =	vpush v6, $0x8  }
0x16d: {  	v11 =	vld [tilespmem:s16+$0x11000];
	(v2sf) =	vpush v7, $0x9;
	s30 =	spop (v2sf)  }
0x16e: {  	[tilespmem:s21+$0xFFFFFE00] =	vst.add.f32.msk $0xffff, v10;
	(v2sf) =	vpush v5, $0x9;
	s29 =	spop (v2sf)  }
0x16f: {  	[tilespmem:s21+$0xFFFFFC10] =	vst.add.f32.msk $0xffff, v9;
	s6 =	spop (v2sf);
	(v2sf) =	vpush v6, $0x9  }
0x170: {  	v9 =	vld [tilespmem:s18+$0x11000];
	(v2sf) =	vpush v7, $0xA;
	s28 =	spop (v2sf)  }
0x171: {  	[tilespmem:s21+$0x220] =	vst.add.f32.msk $0xffff, v8;
	(v2sf) =	vpush v5, $0xA;
	s26 =	spop (v2sf)  }
0x172: {  	v8 =	vld [tilespmem:s0+$0x11010];
	s25 =	spop (v2sf);
	(v2sf) =	vpush v6, $0xA  }
0x173: {  	[tilespmem:s21+$0x0] =	vst.add.f32.msk $0xffff, v11;
	s24 =	spop (v2sf);
	(v2sf) =	vpush v4, $0x3  }
0x174: {  	v10 =	vld [tilespmem:s15+$0x11010];
	(v2sf) =	vpush v7, $0xB;
	s23 =	spop (v2sf)  }
0x175: {  	v11 =	vld [tilespmem:s16+$0x11010];
	s22 =	spop (v2sf);
	(v2sf) =	vpush v5, $0xB  }
0x176: {  	[tilespmem:s21+$0xFFFFFC20] =	vst.add.f32.msk $0xffff, v9;
	s4 =	spop (v2sf)  }
0x177: {  	[tilespmem:s21+$0x230] =	vst.add.f32.msk $0xffff, v8;
	(v2sf) =	vpush v6, $0xB;
	s20 =	spop (v2sf)  }
0x178: {  	v8 =	vld [tilespmem:s4+$0x11000];
	(v2sf) =	vpush v7, $0xC;
	s19 =	spop (v2sf)  }
0x179: {  	v9 =	vld [tilespmem:s18+$0x11010];
	(v2sf) =	vpush v5, $0xC;
	s18 =	spop (v2sf)  }
0x17a: {  	[tilespmem:s21+$0xFFFFFE10] =	vst.add.f32.msk $0xffff, v10;
	s17 =	spop (v2sf)  }
0x17b: {  	v10 =	vld [tilespmem:s7+$0x11000];
	(v2sf) =	vpush v6, $0xC;
	s16 =	spop (v2sf)  }
0x17c: {  	[tilespmem:s21+$0x10] =	vst.add.f32.msk $0xffff, v11;
	(v2sf) =	vpush v7, $0xD;
	s15 =	spop (v2sf)  }
0x17d: {  	[tilespmem:s21+$0x240] =	vst.add.f32.msk $0xffff, v8;
	s9 =	spop (v2sf)  }
0x17e: {  	(v2sf) =	vpush v5, $0xD;
	v8 =	vld [tilespmem:s4+$0x11010];
	s10 =	spop (v2sf)  }
0x17f: {  	v11 =	vld [tilespmem:s8+$0x11000];
	(v2sf) =	vpush v6, $0xD;
	s12 =	spop (v2sf)  }
0x180: {  	[tilespmem:s21+$0xFFFFFE20] =	vst.add.f32.msk $0xffff, v10;
	s11 =	spop (v2sf)  }
0x181: {  	(v2sf) =	vpush v7, $0xE;
	[smem:$0x7E7] =	sst s11;
	s11 =	spop (v2sf)  }
0x182: {  	(v2sf) =	vpush v5, $0xE;
	v10 =	vld [tilespmem:s7+$0x11010];
	s0 =	spop (v2sf)  }
0x183: {  	[tilespmem:s21+$0x250] =	vst.add.f32.msk $0xffff, v8;
	s7 =	spop (v2sf)  }
0x184: {  	[tilespmem:s21+$0x20] =	vst.add.f32.msk $0xffff, v11;
	s4 =	spop (v2sf)  }
0x185: {  	(v2sf) =	vpush v4, $0x4;
	v8 =	vld [tilespmem:s0+$0x11000];
	[smem:$0x7E8] =	sst s4  }
0x186: {  	v11 =	vld [tilespmem:s8+$0x11010];
	s8 =	spop (v2sf)  }
0x187: {  	[tilespmem:s21+$0xFFFFFC30] =	vst.add.f32.msk $0xffff, v9;
	s4 =	spop (v2sf)  }
0x188: {  	[smem:$0x7EA] =	sst s4;
	s4 =	spop (v2sf)  }
0x189: {  	v9 =	vld [tilespmem:s1+$0x11000];
	[smem:$0x7EC] =	sst s4  }
0x18a: {  	s4 =	spop (v2sf);
	[tilespmem:s21+$0x260] =	vst.add.f32.msk $0xffff, v8  }
0x18b: {  	(v2sf) =	vpush v6, $0xE;
	[smem:$0x7ED] =	sst s4;
	s4 =	spop (v2sf)  }
0x18c: {  	(v2sf) =	vpush v7, $0xF;
	v7 =	vld [tilespmem:s0+$0x11010];
	[smem:$0x7EF] =	sst s4  }
0x18d: {  	s4 =	spop (v2sf);
	[tilespmem:s21+$0xFFFFFE30] =	vst.add.f32.msk $0xffff, v10  }
0x18e: {  	[smem:$0x7F0] =	sst s4;
	s4 =	spop (v2sf)  }
0x18f: {  	(v2sf) =	vpush v5, $0xF;
	v5 =	vld [tilespmem:s2+$0x11000];
	[smem:$0x7F1] =	sst s4  }
0x190: {  	s4 =	spop (v2sf);
	[tilespmem:s21+$0xFFFFFC40] =	vst.add.f32.msk $0xffff, v9  }
0x191: {  	(v2sf) =	vpush v6, $0xF;
	v6 =	vld [tilespmem:s1+$0x11010];
	s1 =	spop (v2sf)  }
0x192: {  	(v2sf) =	vpush v4, $0x5;
	[smem:$0x7E6] =	sst s1  }
0x193: {  	[tilespmem:s21+$0x270] =	vst.add.f32.msk $0xffff, v7  }
0x194: {  	s1 =	spop (v2sf);
	[tilespmem:s21+$0x30] =	vst.add.f32.msk $0xffff, v11  }
0x195: {  	v7 =	vld [tilespmem:s1+$0x11000]  }
0x196: {  	[tilespmem:s21+$0xFFFFFE40] =	vst.add.f32.msk $0xffff, v5  }
0x197: {  	v8 =	vld [tilespmem:s3+$0x11000]  }
0x198: {  	v5 =	vld [tilespmem:s2+$0x11010]  }
0x199: {  	[tilespmem:s21+$0xFFFFFC50] =	vst.add.f32.msk $0xffff, v6  }
0x19a: {  	s2 =	spop (v2sf);
	[tilespmem:s21+$0x280] =	vst.add.f32.msk $0xffff, v7  }
0x19b: {  	v7 =	vld [tilespmem:s1+$0x11010];
	[dreg:$0x3] =	wrdreg s2  }
0x19c: {  	v6 =	vld [tilespmem:s5+$0x11000]  }
0x19d: {  	[tilespmem:s21+$0x40] =	vst.add.f32.msk $0xffff, v8  }
0x19e: {  	(v2sf) =	vpush v4, $0x6;
	s1 =	spop (v2sf);
	[tilespmem:s21+$0xFFFFFE50] =	vst.add.f32.msk $0xffff, v5  }
0x19f: {  	s2 =	spop (v2sf);
	v8 =	vld [tilespmem:s3+$0x11010]  }
0x1a0: {  	s3 =	spop (v2sf);
	v5 =	vld [tilespmem:s14+$0x11000]  }
0x1a1: {  	s0 =	spop (v2sf);
	[tilespmem:s21+$0x290] =	vst.add.f32.msk $0xffff, v7  }
0x1a2: {  	v7 =	vld [tilespmem:s0+$0x11000]  }
0x1a3: {  	[tilespmem:s21+$0xFFFFFC60] =	vst.add.f32.msk $0xffff, v6  }
0x1a4: {  	v6 =	vld [tilespmem:s5+$0x11010]  }
0x1a5: {  	[tilespmem:s21+$0x50] =	vst.add.f32.msk $0xffff, v8  }
0x1a6: {  	v8 =	vld [tilespmem:s13+$0x11000]  }
0x1a7: {  	[tilespmem:s21+$0x2A0] =	vst.add.f32.msk $0xffff, v7  }
0x1a8: {  	v7 =	vld [tilespmem:s0+$0x11010]  }
0x1a9: {  	[tilespmem:s21+$0xFFFFFE60] =	vst.add.f32.msk $0xffff, v5  }
0x1aa: {  	(v2sf) =	vpush v4, $0x7;
	v5 =	vld [tilespmem:s14+$0x11010]  }
0x1ab: {  	[tilespmem:s21+$0xFFFFFC70] =	vst.add.f32.msk $0xffff, v6  }
0x1ac: {  	[tilespmem:s21+$0x60] =	vst.add.f32.msk $0xffff, v8  }
0x1ad: {  	s5 =	spop (v2sf);
	[tilespmem:s21+$0x2B0] =	vst.add.f32.msk $0xffff, v7  }
0x1ae: {  	v7 =	vld [tilespmem:s5+$0x11000]  }
0x1af: {  	v6 =	vld [tilespmem:s31+$0x11000]  }
0x1b0: {  	[tilespmem:s21+$0xFFFFFE70] =	vst.add.f32.msk $0xffff, v5  }
0x1b1: {  	v8 =	vld [tilespmem:s13+$0x11010]  }
0x1b2: {  	v5 =	vld [tilespmem:s30+$0x11000]  }
0x1b3: {  	[tilespmem:s21+$0x2C0] =	vst.add.f32.msk $0xffff, v7  }
0x1b4: {  	v7 =	vld [tilespmem:s5+$0x11010]  }
0x1b5: {  	[tilespmem:s21+$0xFFFFFC80] =	vst.add.f32.msk $0xffff, v6  }
0x1b6: {  	(v2sf) =	vpush v4, $0x8;
	v6 =	vld [tilespmem:s31+$0x11010]  }
0x1b7: {  	[tilespmem:s21+$0xFFFFFE80] =	vst.add.f32.msk $0xffff, v5  }
0x1b8: {  	[tilespmem:s21+$0x70] =	vst.add.f32.msk $0xffff, v8  }
0x1b9: {  	s14 =	spop (v2sf);
	[tilespmem:s21+$0x2D0] =	vst.add.f32.msk $0xffff, v7  }
0x1ba: {  	v7 =	vld [tilespmem:s14+$0x11000]  }
0x1bb: {  	v5 =	vld [tilespmem:s30+$0x11010]  }
0x1bc: {  	v8 =	vld [tilespmem:s29+$0x11000]  }
0x1bd: {  	[tilespmem:s21+$0xFFFFFC90] =	vst.add.f32.msk $0xffff, v6  }
0x1be: {  	v6 =	vld [tilespmem:s6+$0x11000]  }
0x1bf: {  	[tilespmem:s21+$0x2E0] =	vst.add.f32.msk $0xffff, v7  }
0x1c0: {  	v7 =	vld [tilespmem:s14+$0x11010]  }
0x1c1: {  	[tilespmem:s21+$0x80] =	vst.add.f32.msk $0xffff, v8  }
0x1c2: {  	(v2sf) =	vpush v4, $0x9;
	[tilespmem:s21+$0xFFFFFE90] =	vst.add.f32.msk $0xffff, v5  }
0x1c3: {  	v8 =	vld [tilespmem:s29+$0x11010]  }
0x1c4: {  	v5 =	vld [tilespmem:s28+$0x11000]  }
0x1c5: {  	s29 =	spop (v2sf);
	[tilespmem:s21+$0x2F0] =	vst.add.f32.msk $0xffff, v7  }
0x1c6: {  	v7 =	vld [tilespmem:s29+$0x11000]  }
0x1c7: {  	[tilespmem:s21+$0xFFFFFCA0] =	vst.add.f32.msk $0xffff, v6  }
0x1c8: {  	v6 =	vld [tilespmem:s6+$0x11010]  }
0x1c9: {  	[tilespmem:s21+$0x90] =	vst.add.f32.msk $0xffff, v8  }
0x1ca: {  	v8 =	vld [tilespmem:s26+$0x11000]  }
0x1cb: {  	[tilespmem:s21+$0x300] =	vst.add.f32.msk $0xffff, v7  }
0x1cc: {  	v7 =	vld [tilespmem:s29+$0x11010]  }
0x1cd: {  	[tilespmem:s21+$0xFFFFFEA0] =	vst.add.f32.msk $0xffff, v5  }
0x1ce: {  	(v2sf) =	vpush v4, $0xA;
	v5 =	vld [tilespmem:s28+$0x11010]  }
0x1cf: {  	[tilespmem:s21+$0xFFFFFCB0] =	vst.add.f32.msk $0xffff, v6  }
0x1d0: {  	[tilespmem:s21+$0xA0] =	vst.add.f32.msk $0xffff, v8  }
0x1d1: {  	s31 =	spop (v2sf);
	[tilespmem:s21+$0x310] =	vst.add.f32.msk $0xffff, v7  }
0x1d2: {  	v7 =	vld [tilespmem:s31+$0x11000]  }
0x1d3: {  	v6 =	vld [tilespmem:s25+$0x11000]  }
0x1d4: {  	[tilespmem:s21+$0xFFFFFEB0] =	vst.add.f32.msk $0xffff, v5  }
0x1d5: {  	v8 =	vld [tilespmem:s26+$0x11010]  }
0x1d6: {  	v5 =	vld [tilespmem:s24+$0x11000]  }
0x1d7: {  	[tilespmem:s21+$0x320] =	vst.add.f32.msk $0xffff, v7  }
0x1d8: {  	v7 =	vld [tilespmem:s31+$0x11010]  }
0x1d9: {  	[tilespmem:s21+$0xFFFFFCC0] =	vst.add.f32.msk $0xffff, v6  }
0x1da: {  	(v2sf) =	vpush v4, $0xB;
	v6 =	vld [tilespmem:s25+$0x11010]  }
0x1db: {  	[tilespmem:s21+$0xFFFFFEC0] =	vst.add.f32.msk $0xffff, v5  }
0x1dc: {  	[tilespmem:s21+$0xB0] =	vst.add.f32.msk $0xffff, v8  }
0x1dd: {  	s5 =	spop (v2sf);
	[tilespmem:s21+$0x330] =	vst.add.f32.msk $0xffff, v7  }
0x1de: {  	v7 =	vld [tilespmem:s5+$0x11000]  }
0x1df: {  	v5 =	vld [tilespmem:s24+$0x11010]  }
0x1e0: {  	v8 =	vld [tilespmem:s23+$0x11000]  }
0x1e1: {  	[tilespmem:s21+$0xFFFFFCD0] =	vst.add.f32.msk $0xffff, v6  }
0x1e2: {  	v6 =	vld [tilespmem:s22+$0x11000]  }
0x1e3: {  	[tilespmem:s21+$0x340] =	vst.add.f32.msk $0xffff, v7  }
0x1e4: {  	v7 =	vld [tilespmem:s5+$0x11010]  }
0x1e5: {  	[tilespmem:s21+$0xC0] =	vst.add.f32.msk $0xffff, v8  }
0x1e6: {  	(v2sf) =	vpush v4, $0xC;
	[tilespmem:s21+$0xFFFFFED0] =	vst.add.f32.msk $0xffff, v5  }
0x1e7: {  	v8 =	vld [tilespmem:s23+$0x11010]  }
0x1e8: {  	v5 =	vld [tilespmem:s20+$0x11000]  }
0x1e9: {  	s6 =	spop (v2sf);
	[tilespmem:s21+$0x350] =	vst.add.f32.msk $0xffff, v7  }
0x1ea: {  	v7 =	vld [tilespmem:s6+$0x11000]  }
0x1eb: {  	[tilespmem:s21+$0xFFFFFCE0] =	vst.add.f32.msk $0xffff, v6  }
0x1ec: {  	v6 =	vld [tilespmem:s22+$0x11010]  }
0x1ed: {  	[tilespmem:s21+$0xD0] =	vst.add.f32.msk $0xffff, v8  }
0x1ee: {  	v8 =	vld [tilespmem:s19+$0x11000]  }
0x1ef: {  	[tilespmem:s21+$0x360] =	vst.add.f32.msk $0xffff, v7  }
0x1f0: {  	v7 =	vld [tilespmem:s6+$0x11010]  }
0x1f1: {  	[tilespmem:s21+$0xFFFFFEE0] =	vst.add.f32.msk $0xffff, v5  }
0x1f2: {  	(v2sf) =	vpush v4, $0xD;
	v5 =	vld [tilespmem:s20+$0x11010]  }
0x1f3: {  	[tilespmem:s21+$0xFFFFFCF0] =	vst.add.f32.msk $0xffff, v6  }
0x1f4: {  	[tilespmem:s21+$0xE0] =	vst.add.f32.msk $0xffff, v8  }
0x1f5: {  	s13 =	spop (v2sf);
	[tilespmem:s21+$0x370] =	vst.add.f32.msk $0xffff, v7  }
0x1f6: {  	v7 =	vld [tilespmem:s13+$0x11000]  }
0x1f7: {  	v6 =	vld [tilespmem:s18+$0x11000]  }
0x1f8: {  	[tilespmem:s21+$0xFFFFFEF0] =	vst.add.f32.msk $0xffff, v5  }
0x1f9: {  	v8 =	vld [tilespmem:s19+$0x11010]  }
0x1fa: {  	v5 =	vld [tilespmem:s17+$0x11000]  }
0x1fb: {  	[tilespmem:s21+$0x380] =	vst.add.f32.msk $0xffff, v7  }
0x1fc: {  	v7 =	vld [tilespmem:s13+$0x11010]  }
0x1fd: {  	[tilespmem:s21+$0xFFFFFD00] =	vst.add.f32.msk $0xffff, v6  }
0x1fe: {  	(v2sf) =	vpush v4, $0xE;
	v6 =	vld [tilespmem:s18+$0x11010]  }
0x1ff: {  	[tilespmem:s21+$0xFFFFFF00] =	vst.add.f32.msk $0xffff, v5  }
0x200: {  	[tilespmem:s21+$0xF0] =	vst.add.f32.msk $0xffff, v8  }
0x201: {  	s14 =	spop (v2sf);
	[tilespmem:s21+$0x390] =	vst.add.f32.msk $0xffff, v7  }
0x202: {  	v7 =	vld [tilespmem:s14+$0x11000]  }
0x203: {  	v5 =	vld [tilespmem:s17+$0x11010]  }
0x204: {  	v8 =	vld [tilespmem:s16+$0x11000]  }
0x205: {  	[tilespmem:s21+$0xFFFFFD10] =	vst.add.f32.msk $0xffff, v6  }
0x206: {  	v6 =	vld [tilespmem:s15+$0x11000]  }
0x207: {  	[tilespmem:s21+$0x3A0] =	vst.add.f32.msk $0xffff, v7  }
0x208: {  	v7 =	vld [tilespmem:s14+$0x11010]  }
0x209: {  	[tilespmem:s21+$0x100] =	vst.add.f32.msk $0xffff, v8  }
0x20a: {  	(v2sf) =	vpush v4, $0xF;
	[tilespmem:s21+$0xFFFFFF10] =	vst.add.f32.msk $0xffff, v5  }
0x20b: {  	v4 =	vld [tilespmem:s16+$0x11010]  }
0x20c: {  	v5 =	vld [tilespmem:s9+$0x11000]  }
0x20d: {  	s16 =	spop (v2sf);
	[tilespmem:s21+$0x3B0] =	vst.add.f32.msk $0xffff, v7  }
0x20e: {  	v7 =	vld [tilespmem:s16+$0x11000]  }
0x20f: {  	[tilespmem:s21+$0xFFFFFD20] =	vst.add.f32.msk $0xffff, v6  }
0x210: {  	v6 =	vld [tilespmem:s15+$0x11010]  }
0x211: {  	[tilespmem:s21+$0x110] =	vst.add.f32.msk $0xffff, v4  }
0x212: {  	[tilespmem:s21+$0xFFFFFF20] =	vst.add.f32.msk $0xffff, v5  }
0x213: {  	[tilespmem:s21+$0x3C0] =	vst.add.f32.msk $0xffff, v7  }
0x214: {  	v7 =	vld [tilespmem:s16+$0x11010]  }
0x215: {  	v4 =	vld [tilespmem:s10+$0x11000]  }
0x216: {  	v5 =	vld [tilespmem:s9+$0x11010]  }
0x217: {  	s14 =	sld [smem:$0x7E6];
	[tilespmem:s21+$0xFFFFFD30] =	vst.add.f32.msk $0xffff, v6  }
0x218: {  	v6 =	vld [tilespmem:s12+$0x11000]  }
0x219: {  	s17 =	spop (v2sf);
	[tilespmem:s21+$0x3D0] =	vst.add.f32.msk $0xffff, v7  }
0x21a: {  	v7 =	vld [tilespmem:s17+$0x11000]  }
0x21b: {  	[tilespmem:s21+$0x120] =	vst.add.f32.msk $0xffff, v4  }
0x21c: {  	[tilespmem:s21+$0xFFFFFF30] =	vst.add.f32.msk $0xffff, v5  }
0x21d: {  	v4 =	vld [tilespmem:s10+$0x11010]  }
0x21e: {  	[tilespmem:s21+$0xFFFFFD40] =	vst.add.f32.msk $0xffff, v6  }
0x21f: {  	[tilespmem:s21+$0x3E0] =	vst.add.f32.msk $0xffff, v7  }
0x220: {  	s18 =	sld [smem:$0x7E7]  }
0x221: {  	v6 =	vld [tilespmem:s12+$0x11010];
	_ =	sdelay $0x1  }
0x222: {  	v5 =	vld [tilespmem:s18+$0x11000]  }
0x223: {  	[tilespmem:s21+$0x130] =	vst.add.f32.msk $0xffff, v4  }
0x224: {  	v4 =	vld [tilespmem:s11+$0x11000]  }
0x225: {  	[tilespmem:s21+$0xFFFFFD50] =	vst.add.f32.msk $0xffff, v6  }
0x226: {  	v6 =	vld [tilespmem:s7+$0x11000]  }
0x227: {  	[tilespmem:s21+$0xFFFFFF40] =	vst.add.f32.msk $0xffff, v5  }
0x228: {  	v5 =	vld [tilespmem:s18+$0x11010]  }
0x229: {  	[tilespmem:s21+$0x140] =	vst.add.f32.msk $0xffff, v4  }
0x22a: {  	v4 =	vld [tilespmem:s11+$0x11010];
	_ =	sdelay $0x1  }
0x22b: {  	[tilespmem:s21+$0xFFFFFD60] =	vst.add.f32.msk $0xffff, v6  }
0x22c: {  	[tilespmem:s21+$0xFFFFFF50] =	vst.add.f32.msk $0xffff, v5  }
0x22d: {  	v6 =	vld [tilespmem:s7+$0x11010];
	s19 =	sld [smem:$0x7E8]  }
0x22e: {  	s0 =	simm.s32 $0x1400;
	[tilespmem:s21+$0x150] =	vst.add.f32.msk $0xffff, v4  }
0x22f: {  	[tilespmem:s0+$0xFFFFFDD0] =	vst.add.f32.msk $0xffff, v3  }
0x230: {  	s20 =	sld [smem:$0x7E9];
	v5 =	vld [tilespmem:s19+$0x11000];
	_ =	sdelay $0x1  }
0x231: {  	v4 =	vld [tilespmem:s8+$0x11000]  }
0x232: {  	v3 =	vld [tilespmem:s20+$0x11000]  }
0x233: {  	[tilespmem:s21+$0xFFFFFD70] =	vst.add.f32.msk $0xffff, v6  }
0x234: {  	[tilespmem:s21+$0xFFFFFF60] =	vst.add.f32.msk $0xffff, v5  }
0x235: {  	v5 =	vld [tilespmem:s19+$0x11010]  }
0x236: {  	[tilespmem:s21+$0x160] =	vst.add.f32.msk $0xffff, v4  }
0x237: {  	[tilespmem:s0+$0xFFFFFDE0] =	vst.add.f32.msk $0xffff, v3  }
0x238: {  	v4 =	vld [tilespmem:s8+$0x11010];
	s22 =	sld [smem:$0x7EA]  }
0x239: {  	[tilespmem:s0+$0xFFFFFFD0] =	vst.add.f32.msk $0xffff, v2  }
0x23a: {  	s23 =	sld [smem:$0x7EB];
	[tilespmem:s21+$0xFFFFFF70] =	vst.add.f32.msk $0xffff, v5  }
0x23b: {  	v6 =	vld [tilespmem:s22+$0x11000];
	s24 =	sld [smem:$0x7EC]  }
0x23c: {  	v7 =	vld [tilespmem:s17+$0x11010]  }
0x23d: {  	v2 =	vld [tilespmem:s23+$0x11000]  }
0x23e: {  	v5 =	vld [tilespmem:s24+$0x11000]  }
0x23f: {  	[tilespmem:s21+$0x170] =	vst.add.f32.msk $0xffff, v4  }
0x240: {  	[tilespmem:s21+$0xFFFFFD80] =	vst.add.f32.msk $0xffff, v6  }
0x241: {  	v8 =	vld [tilespmem:s22+$0x11010]  }
0x242: {  	[tilespmem:s0+$0xFFFFFFE0] =	vst.add.f32.msk $0xffff, v2  }
0x243: {  	[tilespmem:s21+$0xFFFFFF80] =	vst.add.f32.msk $0xffff, v5  }
0x244: {  	v3 =	vld [tilespmem:s20+$0x11010];
	s25 =	sld [smem:$0x7ED]  }
0x245: {  	[tilespmem:s0+$0x1D0] =	vst.add.f32.msk $0xffff, v1  }
0x246: {  	s26 =	sld [smem:$0x7EE];
	[tilespmem:s21+$0xFFFFFD90] =	vst.add.f32.msk $0xffff, v8  }
0x247: {  	v4 =	vld [tilespmem:s25+$0x11000]  }
0x248: {  	v6 =	vld [tilespmem:s23+$0x11010];
	s28 =	sld [smem:$0x7EF]  }
0x249: {  	v2 =	vld [tilespmem:s24+$0x11010]  }
0x24a: {  	v1 =	vld [tilespmem:s26+$0x11000]  }
0x24b: {  	v5 =	vld [tilespmem:s28+$0x11000]  }
0x24c: {  	[tilespmem:s21+$0x180] =	vst.add.f32.msk $0xffff, v4  }
0x24d: {  	v4 =	vld [tilespmem:s25+$0x11010]  }
0x24e: {  	[tilespmem:s21+$0xFFFFFF90] =	vst.add.f32.msk $0xffff, v2  }
0x24f: {  	[tilespmem:s0+$0x1E0] =	vst.add.f32.msk $0xffff, v1  }
0x250: {  	v1 =	vld [tilespmem:s26+$0x11010]  }
0x251: {  	[tilespmem:s21+$0xFFFFFDA0] =	vst.add.f32.msk $0xffff, v5  }
0x252: {  	[tilespmem:s21+$0x190] =	vst.add.f32.msk $0xffff, v4  }
0x253: {  	v5 =	vld [tilespmem:s28+$0x11010];
	s29 =	sld [smem:$0x7F0]  }
0x254: {  	s31 =	sld [smem:$0x7F1];
	[tilespmem:s0+$0x3F0] =	vst.add.f32.msk $0xffff, v0  }
0x255: {  	[tilespmem:s21+$0x3F0] =	vst.add.f32.msk $0xffff, v7  }
0x256: {  	v2 =	vld [tilespmem:s29+$0x11000]  }
0x257: {  	v4 =	vld [tilespmem:s31+$0x11000]  }
0x258: {  	[tilespmem:s0+$0xFFFFFDF0] =	vst.add.f32.msk $0xffff, v3  }
0x259: {  	[tilespmem:s21+$0xFFFFFDB0] =	vst.add.f32.msk $0xffff, v5  }
0x25a: {  	v0 =	vld [tilespmem:s4+$0x11000]  }
0x25b: {  	[tilespmem:s21+$0xFFFFFFA0] =	vst.add.f32.msk $0xffff, v2  }
0x25c: {  	[tilespmem:s21+$0x1A0] =	vst.add.f32.msk $0xffff, v4  }
0x25d: {  	v2 =	vld [tilespmem:s29+$0x11010]  }
0x25e: {  	s30 =	simm.s32 $0x8A0;
	s19 =	simm.s32 $0x4;
	v3 =	vld [tilespmem:s31+$0x11010]  }
.LBB2_3:
0x25f: {  	v4 =	vld [tilespmem:s30+$0x10]  }
0x260: {  	v5 =	vld [tilespmem:s30+$0xFFFFFFF0]  }
0x261: {  	v7 =	vld [tilespmem:s30+$0x0]  }
0x262: {  	v8 =	vld [tilespmem:s30+$0xFFFFFFE0]  }
0x263: {  	[tilespmem:s21+$0xFFFFFFB0] =	vst.add.f32.msk $0xffff, v2  }
0x264: {  	[tilespmem:s21+$0x1B0] =	vst.add.f32.msk $0xffff, v3;
	v2 =	vshll.u32 v4, $0x5  }
0x265: {  	s5 =	rddreg [dreg:$0x3];
	v4 =	vshll.u32 v5, $0x5;
	v9 =	vld [tilespmem:s14+$0x11000];
	(v2sf) =	vpush v2, $0x0  }
0x266: {  	v3 =	vshll.u32 v7, $0x5;
	v7 =	vld [tilespmem:s5+$0x11000];
	(v2sf) =	vpush v4, $0x0  }
0x267: {  	[tilespmem:s21+$0xFFFFFDC0] =	vst.add.f32.msk $0xffff, v0;
	v5 =	vshll.u32 v8, $0x5;
	(v2sf) =	vpush v3, $0x0  }
0x268: {  	v0 =	vld [tilespmem:s4+$0x11010];
	(v2sf) =	vpush v5, $0x0  }
0x269: {  	[tilespmem:s0+$0xFFFFFFF0] =	vst.add.f32.msk $0xffff, v6  }
0x26a: {  	[tilespmem:s21+$0xFFFFFFC0] =	vst.add.f32.msk $0xffff, v9  }
0x26b: {  	(v2sf) =	vpush v5, $0x1;
	[tilespmem:s21+$0x1C0] =	vst.add.f32.msk $0xffff, v7  }
0x26c: {  	(v2sf) =	vpush v4, $0x1;
	v6 =	vld [tilespmem:s14+$0x11010]  }
0x26d: {  	v7 =	vld [tilespmem:s5+$0x11010];
	(v2sf) =	vpush v3, $0x1  }
0x26e: {  	[tilespmem:s21+$0xFFFFFDD0] =	vst.add.f32.msk $0xffff, v0;
	(v2sf) =	vpush v5, $0x2  }
0x26f: {  	v8 =	vld [tilespmem:s1+$0x11000];
	(v2sf) =	vpush v4, $0x2  }
0x270: {  	[tilespmem:s0+$0x1F0] =	vst.add.f32.msk $0xffff, v1;
	(v2sf) =	vpush v3, $0x2  }
0x271: {  	(v2sf) =	vpush v5, $0x3;
	[tilespmem:s21+$0xFFFFFFD0] =	vst.add.f32.msk $0xffff, v6  }
0x272: {  	[tilespmem:s21+$0x1D0] =	vst.add.f32.msk $0xffff, v7;
	(v2sf) =	vpush v4, $0x3  }
0x273: {  	v1 =	vld [tilespmem:s2+$0x11000];
	(v2sf) =	vpush v2, $0x1  }
0x274: {  	v0 =	vld [tilespmem:s3+$0x11000];
	s13 =	spop (v2sf)  }
0x275: {  	(v2sf) =	vpush v3, $0x3;
	v6 =	vld [tilespmem:s13+$0x11000];
	s15 =	spop (v2sf)  }
0x276: {  	(v2sf) =	vpush v5, $0x4;
	v7 =	vld [tilespmem:s15+$0x11000];
	s16 =	spop (v2sf)  }
0x277: {  	(v2sf) =	vpush v4, $0x4;
	v63 =	vld [tilespmem:s16+$0x11000];
	s7 =	spop (v2sf)  }
0x278: {  	s12 =	smov.u32 s21;
	(v2sf) =	vpush v3, $0x4;
	v10 =	vld [tilespmem:s7+$0x11000]  }
0x279: {  	s21 =	sadd.s32 $0x800, s21;
	(v2sf) =	vpush v5, $0x5;
	[tilespmem:s12+$0xFFFFFDE0] =	vst.add.f32.msk $0xffff, v8  }
0x27a: {  	(v2sf) =	vpush v4, $0x5;
	s17 =	spop (v2sf);
	[tilespmem:s21+$0x200] =	vst.add.f32.msk $0xffff, v6  }
0x27b: {  	[dreg:$0x9] =	wrdreg s1;
	(v2sf) =	vpush v3, $0x5;
	s1 =	spop (v2sf);
	v6 =	vld [tilespmem:s13+$0x11010]  }
0x27c: {  	(v2sf) =	vpush v5, $0x6;
	s14 =	spop (v2sf);
	[tilespmem:s21+$0xFFFFFE00] =	vst.add.f32.msk $0xffff, v7  }
0x27d: {  	[dreg:$0xb] =	wrdreg s12;
	(v2sf) =	vpush v4, $0x6;
	s12 =	spop (v2sf);
	[tilespmem:s21+$0x0] =	vst.add.f32.msk $0xffff, v63  }
0x27e: {  	(v2sf) =	vpush v3, $0x6;
	s18 =	spop (v2sf);
	v8 =	vld [tilespmem:s15+$0x11010]  }
0x27f: {  	(v2sf) =	vpush v5, $0x7;
	[tilespmem:s21+$0xFFFFFC00] =	vst.add.f32.msk $0xffff, v10;
	s6 =	spop (v2sf)  }
0x280: {  	(v2sf) =	vpush v2, $0x2;
	v9 =	vld [tilespmem:s16+$0x11010];
	s29 =	spop (v2sf)  }
0x281: {  	(v2sf) =	vpush v4, $0x7;
	v7 =	vld [tilespmem:s7+$0x11010];
	s28 =	spop (v2sf)  }
0x282: {  	(v2sf) =	vpush v3, $0x7;
	[tilespmem:s21+$0x210] =	vst.add.f32.msk $0xffff, v6;
	s8 =	spop (v2sf)  }
0x283: {  	(v2sf) =	vpush v5, $0x8;
	v6 =	vld [tilespmem:s8+$0x11000]  }
0x284: {  	(v2sf) =	vpush v4, $0x8;
	s9 =	spop (v2sf);
	[tilespmem:s21+$0xFFFFFE10] =	vst.add.f32.msk $0xffff, v8  }
0x285: {  	s7 =	spop (v2sf);
	(v2sf) =	vpush v3, $0x8;
	[tilespmem:s21+$0x10] =	vst.add.f32.msk $0xffff, v9  }
0x286: {  	v8 =	vld [tilespmem:s1+$0x11000];
	(v2sf) =	vpush v5, $0x9;
	s31 =	spop (v2sf)  }
0x287: {  	[tilespmem:s21+$0xFFFFFC10] =	vst.add.f32.msk $0xffff, v7;
	(v2sf) =	vpush v4, $0x9;
	s26 =	spop (v2sf)  }
0x288: {  	v9 =	vld [tilespmem:s14+$0x11000];
	s0 =	spop (v2sf);
	(v2sf) =	vpush v3, $0x9  }
0x289: {  	[tilespmem:s21+$0x220] =	vst.add.f32.msk $0xffff, v6;
	(v2sf) =	vpush v5, $0xA;
	s20 =	spop (v2sf)  }
0x28a: {  	v6 =	vld [tilespmem:s8+$0x11010];
	(v2sf) =	vpush v4, $0xA;
	s25 =	spop (v2sf)  }
0x28b: {  	v7 =	vld [tilespmem:s17+$0x11000];
	s23 =	spop (v2sf);
	(v2sf) =	vpush v3, $0xA  }
0x28c: {  	[dreg:$0x5] =	wrdreg s3;
	[tilespmem:s21+$0xFFFFFE20] =	vst.add.f32.msk $0xffff, v8;
	s3 =	spop (v2sf);
	(v2sf) =	vpush v2, $0x3  }
0x28d: {  	[tilespmem:s21+$0x20] =	vst.add.f32.msk $0xffff, v9;
	(v2sf) =	vpush v5, $0xB;
	s24 =	spop (v2sf)  }
0x28e: {  	v8 =	vld [tilespmem:s1+$0x11010];
	s22 =	spop (v2sf);
	(v2sf) =	vpush v4, $0xB  }
0x28f: {  	[tilespmem:s21+$0x230] =	vst.add.f32.msk $0xffff, v6;
	(v2sf) =	vpush v3, $0xB;
	s15 =	spop (v2sf)  }
0x290: {  	v6 =	vld [tilespmem:s15+$0x11000];
	(v2sf) =	vpush v5, $0xC;
	s13 =	spop (v2sf)  }
0x291: {  	[tilespmem:s21+$0xFFFFFC20] =	vst.add.f32.msk $0xffff, v7;
	(v2sf) =	vpush v4, $0xC;
	s11 =	spop (v2sf)  }
0x292: {  	v7 =	vld [tilespmem:s17+$0x11010];
	s10 =	spop (v2sf);
	(v2sf) =	vpush v3, $0xC  }
0x293: {  	[dreg:$0x7] =	wrdreg s2;
	v9 =	vld [tilespmem:s14+$0x11010];
	(v2sf) =	vpush v5, $0xD;
	s2 =	spop (v2sf)  }
0x294: {  	[tilespmem:s21+$0xFFFFFE30] =	vst.add.f32.msk $0xffff, v8;
	(v2sf) =	vpush v4, $0xD;
	s16 =	spop (v2sf)  }
0x295: {  	[tilespmem:s21+$0x240] =	vst.add.f32.msk $0xffff, v6;
	s17 =	spop (v2sf);
	(v2sf) =	vpush v3, $0xD  }
0x296: {  	v6 =	vld [tilespmem:s15+$0x11010];
	(v2sf) =	vpush v5, $0xE;
	s15 =	spop (v2sf)  }
0x297: {  	[tilespmem:s21+$0xFFFFFC30] =	vst.add.f32.msk $0xffff, v7;
	(v2sf) =	vpush v4, $0xE;
	s1 =	spop (v2sf)  }
0x298: {  	v7 =	vld [tilespmem:s12+$0x11000];
	s8 =	spop (v2sf);
	(v2sf) =	vpush v2, $0x4  }
0x299: {  	[tilespmem:s21+$0x30] =	vst.add.f32.msk $0xffff, v9;
	s5 =	spop (v2sf);
	(v2sf) =	vpush v3, $0xE  }
0x29a: {  	[smem:$0x7DA] =	sst s8;
	(v2sf) =	vpush v5, $0xF;
	s8 =	spop (v2sf);
	v5 =	vld [tilespmem:s6+$0x11000]  }
0x29b: {  	[tilespmem:s21+$0x250] =	vst.add.f32.msk $0xffff, v6;
	s14 =	spop (v2sf)  }
0x29c: {  	(v2sf) =	vpush v4, $0xF;
	v4 =	vld [tilespmem:s14+$0x11000];
	s4 =	spop (v2sf)  }
0x29d: {  	[tilespmem:s21+$0xFFFFFC40] =	vst.add.f32.msk $0xffff, v7;
	[dreg:$0x1f] =	wrdreg s4;
	s4 =	spop (v2sf)  }
0x29e: {  	(v2sf) =	vpush v3, $0xF;
	v3 =	vld [tilespmem:s18+$0x11000];
	[dreg:$0x19] =	wrdreg s4;
	s4 =	spop (v2sf)  }
0x29f: {  	[dreg:$0x1b] =	wrdreg s4;
	s4 =	spop (v2sf);
	[tilespmem:s21+$0x40] =	vst.add.f32.msk $0xffff, v5  }
0x2a0: {  	[dreg:$0x17] =	wrdreg s4;
	s4 =	spop (v2sf);
	v6 =	vld [tilespmem:s6+$0x11010]  }
0x2a1: {  	[dreg:$0x13] =	wrdreg s4;
	[tilespmem:s21+$0x260] =	vst.add.f32.msk $0xffff, v4;
	s4 =	spop (v2sf)  }
0x2a2: {  	v4 =	vld [tilespmem:s14+$0x11010];
	s14 =	spop (v2sf)  }
0x2a3: {  	[tilespmem:s21+$0xFFFFFE40] =	vst.add.f32.msk $0xffff, v3;
	[dreg:$0x11] =	wrdreg s14;
	s14 =	spop (v2sf)  }
0x2a4: {  	v3 =	vld [tilespmem:s12+$0x11010];
	[dreg:$0xd] =	wrdreg s14;
	s14 =	spop (v2sf);
	(v2sf) =	vpush v2, $0x5  }
0x2a5: {  	v5 =	vld [tilespmem:s18+$0x11010];
	[dreg:$0xf] =	wrdreg s14;
	s14 =	spop (v2sf)  }
0x2a6: {  	[tilespmem:s21+$0x50] =	vst.add.f32.msk $0xffff, v6;
	[smem:$0x7DB] =	sst s14;
	s14 =	spop (v2sf)  }
0x2a7: {  	[tilespmem:s21+$0x270] =	vst.add.f32.msk $0xffff, v4;
	s12 =	spop (v2sf)  }
0x2a8: {  	v4 =	vld [tilespmem:s12+$0x11000]  }
0x2a9: {  	[tilespmem:s21+$0xFFFFFC50] =	vst.add.f32.msk $0xffff, v3  }
0x2aa: {  	v6 =	vld [tilespmem:s9+$0x11000]  }
0x2ab: {  	v3 =	vld [tilespmem:s29+$0x11000]  }
0x2ac: {  	[tilespmem:s21+$0xFFFFFE50] =	vst.add.f32.msk $0xffff, v5  }
0x2ad: {  	[dreg:$0x15] =	wrdreg s4;
	s4 =	spop (v2sf);
	[tilespmem:s21+$0x280] =	vst.add.f32.msk $0xffff, v4  }
0x2ae: {  	s18 =	spop (v2sf);
	v4 =	vld [tilespmem:s12+$0x11010]  }
0x2af: {  	v5 =	vld [tilespmem:s28+$0x11000];
	[smem:$0x7DC] =	sst s18;
	s18 =	spop (v2sf)  }
0x2b0: {  	[dreg:$0x1d] =	wrdreg s18;
	s18 =	spop (v2sf);
	(v2sf) =	vpush v2, $0x6;
	[tilespmem:s21+$0x60] =	vst.add.f32.msk $0xffff, v6  }
0x2b1: {  	[tilespmem:s21+$0xFFFFFC60] =	vst.add.f32.msk $0xffff, v3  }
0x2b2: {  	v6 =	vld [tilespmem:s9+$0x11010]  }
0x2b3: {  	[dreg:$0x3] =	wrdreg s4;
	[tilespmem:s21+$0x290] =	vst.add.f32.msk $0xffff, v4;
	s4 =	spop (v2sf)  }
0x2b4: {  	v4 =	vld [tilespmem:s4+$0x11000]  }
0x2b5: {  	[tilespmem:s21+$0xFFFFFE60] =	vst.add.f32.msk $0xffff, v5  }
0x2b6: {  	v3 =	vld [tilespmem:s29+$0x11010]  }
0x2b7: {  	v5 =	vld [tilespmem:s28+$0x11010]  }
0x2b8: {  	[tilespmem:s21+$0x70] =	vst.add.f32.msk $0xffff, v6  }
0x2b9: {  	[tilespmem:s21+$0x2A0] =	vst.add.f32.msk $0xffff, v4  }
0x2ba: {  	v4 =	vld [tilespmem:s4+$0x11010]  }
0x2bb: {  	[tilespmem:s21+$0xFFFFFC70] =	vst.add.f32.msk $0xffff, v3  }
0x2bc: {  	v6 =	vld [tilespmem:s26+$0x11000];
	(v2sf) =	vpush v2, $0x7  }
0x2bd: {  	v3 =	vld [tilespmem:s7+$0x11000]  }
0x2be: {  	[tilespmem:s21+$0xFFFFFE70] =	vst.add.f32.msk $0xffff, v5  }
0x2bf: {  	s9 =	spop (v2sf);
	[tilespmem:s21+$0x2B0] =	vst.add.f32.msk $0xffff, v4  }
0x2c0: {  	v4 =	vld [tilespmem:s9+$0x11000]  }
0x2c1: {  	v5 =	vld [tilespmem:s31+$0x11000]  }
0x2c2: {  	[tilespmem:s21+$0x80] =	vst.add.f32.msk $0xffff, v6  }
0x2c3: {  	[tilespmem:s21+$0xFFFFFC80] =	vst.add.f32.msk $0xffff, v3  }
0x2c4: {  	v6 =	vld [tilespmem:s26+$0x11010]  }
0x2c5: {  	[tilespmem:s21+$0x2C0] =	vst.add.f32.msk $0xffff, v4  }
0x2c6: {  	v4 =	vld [tilespmem:s9+$0x11010]  }
0x2c7: {  	[tilespmem:s21+$0xFFFFFE80] =	vst.add.f32.msk $0xffff, v5  }
0x2c8: {  	v3 =	vld [tilespmem:s7+$0x11010];
	(v2sf) =	vpush v2, $0x8  }
0x2c9: {  	v5 =	vld [tilespmem:s31+$0x11010]  }
0x2ca: {  	[tilespmem:s21+$0x90] =	vst.add.f32.msk $0xffff, v6  }
0x2cb: {  	s12 =	spop (v2sf);
	[tilespmem:s21+$0x2D0] =	vst.add.f32.msk $0xffff, v4  }
0x2cc: {  	v4 =	vld [tilespmem:s12+$0x11000]  }
0x2cd: {  	[tilespmem:s21+$0xFFFFFC90] =	vst.add.f32.msk $0xffff, v3  }
0x2ce: {  	v6 =	vld [tilespmem:s25+$0x11000]  }
0x2cf: {  	v3 =	vld [tilespmem:s0+$0x11000]  }
0x2d0: {  	[tilespmem:s21+$0xFFFFFE90] =	vst.add.f32.msk $0xffff, v5  }
0x2d1: {  	[tilespmem:s21+$0x2E0] =	vst.add.f32.msk $0xffff, v4  }
0x2d2: {  	v4 =	vld [tilespmem:s12+$0x11010]  }
0x2d3: {  	v5 =	vld [tilespmem:s20+$0x11000]  }
0x2d4: {  	(v2sf) =	vpush v2, $0x9;
	[tilespmem:s21+$0xA0] =	vst.add.f32.msk $0xffff, v6  }
0x2d5: {  	[tilespmem:s21+$0xFFFFFCA0] =	vst.add.f32.msk $0xffff, v3  }
0x2d6: {  	v6 =	vld [tilespmem:s25+$0x11010]  }
0x2d7: {  	s28 =	spop (v2sf);
	[tilespmem:s21+$0x2F0] =	vst.add.f32.msk $0xffff, v4  }
0x2d8: {  	v4 =	vld [tilespmem:s28+$0x11000]  }
0x2d9: {  	[tilespmem:s21+$0xFFFFFEA0] =	vst.add.f32.msk $0xffff, v5  }
0x2da: {  	v3 =	vld [tilespmem:s0+$0x11010]  }
0x2db: {  	v5 =	vld [tilespmem:s20+$0x11010]  }
0x2dc: {  	[tilespmem:s21+$0xB0] =	vst.add.f32.msk $0xffff, v6  }
0x2dd: {  	[tilespmem:s21+$0x300] =	vst.add.f32.msk $0xffff, v4  }
0x2de: {  	v4 =	vld [tilespmem:s28+$0x11010]  }
0x2df: {  	[tilespmem:s21+$0xFFFFFCB0] =	vst.add.f32.msk $0xffff, v3  }
0x2e0: {  	(v2sf) =	vpush v2, $0xA;
	v6 =	vld [tilespmem:s24+$0x11000]  }
0x2e1: {  	v3 =	vld [tilespmem:s23+$0x11000]  }
0x2e2: {  	[tilespmem:s21+$0xFFFFFEB0] =	vst.add.f32.msk $0xffff, v5  }
0x2e3: {  	s29 =	spop (v2sf);
	[tilespmem:s21+$0x310] =	vst.add.f32.msk $0xffff, v4  }
0x2e4: {  	v4 =	vld [tilespmem:s29+$0x11000]  }
0x2e5: {  	v5 =	vld [tilespmem:s3+$0x11000]  }
0x2e6: {  	[tilespmem:s21+$0xC0] =	vst.add.f32.msk $0xffff, v6  }
0x2e7: {  	[tilespmem:s21+$0xFFFFFCC0] =	vst.add.f32.msk $0xffff, v3  }
0x2e8: {  	v6 =	vld [tilespmem:s24+$0x11010]  }
0x2e9: {  	[tilespmem:s21+$0x320] =	vst.add.f32.msk $0xffff, v4  }
0x2ea: {  	v4 =	vld [tilespmem:s29+$0x11010]  }
0x2eb: {  	[tilespmem:s21+$0xFFFFFEC0] =	vst.add.f32.msk $0xffff, v5  }
0x2ec: {  	(v2sf) =	vpush v2, $0xB;
	v3 =	vld [tilespmem:s23+$0x11010]  }
0x2ed: {  	v5 =	vld [tilespmem:s3+$0x11010]  }
0x2ee: {  	[tilespmem:s21+$0xD0] =	vst.add.f32.msk $0xffff, v6  }
0x2ef: {  	s31 =	spop (v2sf);
	[tilespmem:s21+$0x330] =	vst.add.f32.msk $0xffff, v4  }
0x2f0: {  	v4 =	vld [tilespmem:s31+$0x11000]  }
0x2f1: {  	[tilespmem:s21+$0xFFFFFCD0] =	vst.add.f32.msk $0xffff, v3  }
0x2f2: {  	v6 =	vld [tilespmem:s11+$0x11000]  }
0x2f3: {  	v3 =	vld [tilespmem:s22+$0x11000]  }
0x2f4: {  	[tilespmem:s21+$0xFFFFFED0] =	vst.add.f32.msk $0xffff, v5  }
0x2f5: {  	[tilespmem:s21+$0x340] =	vst.add.f32.msk $0xffff, v4  }
0x2f6: {  	v4 =	vld [tilespmem:s31+$0x11010]  }
0x2f7: {  	v5 =	vld [tilespmem:s13+$0x11000]  }
0x2f8: {  	(v2sf) =	vpush v2, $0xC;
	[tilespmem:s21+$0xE0] =	vst.add.f32.msk $0xffff, v6  }
0x2f9: {  	[tilespmem:s21+$0xFFFFFCE0] =	vst.add.f32.msk $0xffff, v3  }
0x2fa: {  	v6 =	vld [tilespmem:s11+$0x11010]  }
0x2fb: {  	s4 =	spop (v2sf);
	[tilespmem:s21+$0x350] =	vst.add.f32.msk $0xffff, v4  }
0x2fc: {  	v4 =	vld [tilespmem:s4+$0x11000]  }
0x2fd: {  	[tilespmem:s21+$0xFFFFFEE0] =	vst.add.f32.msk $0xffff, v5  }
0x2fe: {  	v3 =	vld [tilespmem:s22+$0x11010]  }
0x2ff: {  	v5 =	vld [tilespmem:s13+$0x11010]  }
0x300: {  	[tilespmem:s21+$0xF0] =	vst.add.f32.msk $0xffff, v6  }
0x301: {  	[tilespmem:s21+$0x360] =	vst.add.f32.msk $0xffff, v4  }
0x302: {  	v4 =	vld [tilespmem:s4+$0x11010]  }
0x303: {  	[tilespmem:s21+$0xFFFFFCF0] =	vst.add.f32.msk $0xffff, v3  }
0x304: {  	(v2sf) =	vpush v2, $0xD;
	v6 =	vld [tilespmem:s16+$0x11000]  }
0x305: {  	v3 =	vld [tilespmem:s10+$0x11000]  }
0x306: {  	[tilespmem:s21+$0xFFFFFEF0] =	vst.add.f32.msk $0xffff, v5  }
0x307: {  	s6 =	spop (v2sf);
	[tilespmem:s21+$0x370] =	vst.add.f32.msk $0xffff, v4  }
0x308: {  	v4 =	vld [tilespmem:s6+$0x11000]  }
0x309: {  	v5 =	vld [tilespmem:s2+$0x11000]  }
0x30a: {  	[tilespmem:s21+$0x100] =	vst.add.f32.msk $0xffff, v6  }
0x30b: {  	[tilespmem:s21+$0xFFFFFD00] =	vst.add.f32.msk $0xffff, v3  }
0x30c: {  	v6 =	vld [tilespmem:s16+$0x11010]  }
0x30d: {  	[tilespmem:s21+$0x380] =	vst.add.f32.msk $0xffff, v4  }
0x30e: {  	v4 =	vld [tilespmem:s6+$0x11010]  }
0x30f: {  	[tilespmem:s21+$0xFFFFFF00] =	vst.add.f32.msk $0xffff, v5  }
0x310: {  	(v2sf) =	vpush v2, $0xE;
	v3 =	vld [tilespmem:s10+$0x11010]  }
0x311: {  	v5 =	vld [tilespmem:s2+$0x11010]  }
0x312: {  	[tilespmem:s21+$0x110] =	vst.add.f32.msk $0xffff, v6  }
0x313: {  	s7 =	spop (v2sf);
	[tilespmem:s21+$0x390] =	vst.add.f32.msk $0xffff, v4  }
0x314: {  	v4 =	vld [tilespmem:s7+$0x11000]  }
0x315: {  	[tilespmem:s21+$0xFFFFFD10] =	vst.add.f32.msk $0xffff, v3  }
0x316: {  	v3 =	vld [tilespmem:s17+$0x11000]  }
0x317: {  	[tilespmem:s21+$0xFFFFFF10] =	vst.add.f32.msk $0xffff, v5  }
0x318: {  	v5 =	vld [tilespmem:s1+$0x11000]  }
0x319: {  	[tilespmem:s21+$0x3A0] =	vst.add.f32.msk $0xffff, v4  }
0x31a: {  	v4 =	vld [tilespmem:s7+$0x11010];
	_ =	sdelay $0x1  }
0x31b: {  	(v2sf) =	vpush v2, $0xF;
	v2 =	vld [tilespmem:s15+$0x11000]  }
0x31c: {  	[tilespmem:s21+$0xFFFFFD20] =	vst.add.f32.msk $0xffff, v3  }
0x31d: {  	[tilespmem:s21+$0x120] =	vst.add.f32.msk $0xffff, v5  }
0x31e: {  	s9 =	spop (v2sf);
	[tilespmem:s21+$0x3B0] =	vst.add.f32.msk $0xffff, v4  }
0x31f: {  	v4 =	vld [tilespmem:s9+$0x11000]  }
0x320: {  	[tilespmem:s21+$0xFFFFFF20] =	vst.add.f32.msk $0xffff, v2  }
0x321: {  	v2 =	vld [tilespmem:s17+$0x11010]  }
0x322: {  	v5 =	vld [tilespmem:s1+$0x11010];
	_ =	sdelay $0x1  }
0x323: {  	[tilespmem:s21+$0x3C0] =	vst.add.f32.msk $0xffff, v4  }
0x324: {  	s10 =	sld [smem:$0x7DA];
	v3 =	vld [tilespmem:s9+$0x11010]  }
0x325: {  	[tilespmem:s21+$0xFFFFFD30] =	vst.add.f32.msk $0xffff, v2  }
0x326: {  	[tilespmem:s21+$0x130] =	vst.add.f32.msk $0xffff, v5  }
0x327: {  	v2 =	vld [tilespmem:s10+$0x11000]  }
0x328: {  	v4 =	vld [tilespmem:s15+$0x11010]  }
0x329: {  	s11 =	spop (v2sf);
	[tilespmem:s21+$0x3D0] =	vst.add.f32.msk $0xffff, v3  }
0x32a: {  	v3 =	vld [tilespmem:s11+$0x11000]  }
0x32b: {  	v5 =	vld [tilespmem:s8+$0x11000]  }
0x32c: {  	[tilespmem:s21+$0xFFFFFD40] =	vst.add.f32.msk $0xffff, v2  }
0x32d: {  	[tilespmem:s21+$0xFFFFFF30] =	vst.add.f32.msk $0xffff, v4  }
0x32e: {  	v4 =	vld [tilespmem:s5+$0x11000]  }
0x32f: {  	[tilespmem:s21+$0x3E0] =	vst.add.f32.msk $0xffff, v3  }
0x330: {  	v3 =	vld [tilespmem:s11+$0x11010]  }
0x331: {  	[tilespmem:s21+$0x140] =	vst.add.f32.msk $0xffff, v5  }
0x332: {  	v2 =	vld [tilespmem:s10+$0x11010]  }
0x333: {  	[tilespmem:s21+$0xFFFFFF40] =	vst.add.f32.msk $0xffff, v4  }
0x334: {  	v4 =	vld [tilespmem:s8+$0x11010]  }
0x335: {  	[tilespmem:s21+$0x3F0] =	vst.add.f32.msk $0xffff, v3  }
0x336: {  	v3 =	vld [tilespmem:s5+$0x11010]  }
0x337: {  	s0 =	rddreg [dreg:$0xb];
	[tilespmem:s21+$0xFFFFFD50] =	vst.add.f32.msk $0xffff, v2  }
0x338: {  	s12 =	rddreg [dreg:$0x1f];
	[tilespmem:s0+$0xFFFFFFE0] =	vst.add.f32.msk $0xffff, v1  }
0x339: {  	v1 =	vld [tilespmem:s12+$0x11000]  }
0x33a: {  	[tilespmem:s21+$0x150] =	vst.add.f32.msk $0xffff, v4  }
0x33b: {  	s15 =	rddreg [dreg:$0x1b];
	[tilespmem:s21+$0xFFFFFF50] =	vst.add.f32.msk $0xffff, v3  }
0x33c: {  	s13 =	rddreg [dreg:$0x19];
	v3 =	vld [tilespmem:s15+$0x11000]  }
0x33d: {  	v2 =	vld [tilespmem:s13+$0x11000]  }
0x33e: {  	[tilespmem:s21+$0xFFFFFD60] =	vst.add.f32.msk $0xffff, v1  }
0x33f: {  	[tilespmem:s0+$0x1E0] =	vst.add.f32.msk $0xffff, v0  }
0x340: {  	v1 =	vld [tilespmem:s12+$0x11010]  }
0x341: {  	[tilespmem:s21+$0x160] =	vst.add.f32.msk $0xffff, v3  }
0x342: {  	[tilespmem:s21+$0xFFFFFF60] =	vst.add.f32.msk $0xffff, v2  }
0x343: {  	v2 =	vld [tilespmem:s15+$0x11010]  }
0x344: {  	v0 =	vld [tilespmem:s13+$0x11010]  }
0x345: {  	s16 =	rddreg [dreg:$0x17];
	[tilespmem:s21+$0xFFFFFD70] =	vst.add.f32.msk $0xffff, v1  }
0x346: {  	s17 =	rddreg [dreg:$0x9];
	v1 =	vld [tilespmem:s16+$0x11000]  }
0x347: {  	v3 =	vld [tilespmem:s17+$0x11010]  }
0x348: {  	[tilespmem:s21+$0x170] =	vst.add.f32.msk $0xffff, v2  }
0x349: {  	s23 =	rddreg [dreg:$0x15];
	[tilespmem:s21+$0xFFFFFF70] =	vst.add.f32.msk $0xffff, v0  }
0x34a: {  	s22 =	rddreg [dreg:$0x13];
	v2 =	vld [tilespmem:s23+$0x11000]  }
0x34b: {  	v0 =	vld [tilespmem:s22+$0x11000]  }
0x34c: {  	[tilespmem:s21+$0xFFFFFD80] =	vst.add.f32.msk $0xffff, v1  }
0x34d: {  	s24 =	rddreg [dreg:$0x7];
	v1 =	vld [tilespmem:s16+$0x11010]  }
0x34e: {  	v6 =	vld [tilespmem:s24+$0x11010]  }
0x34f: {  	[tilespmem:s21+$0x180] =	vst.add.f32.msk $0xffff, v2  }
0x350: {  	[tilespmem:s21+$0xFFFFFF80] =	vst.add.f32.msk $0xffff, v0  }
0x351: {  	v2 =	vld [tilespmem:s23+$0x11010]  }
0x352: {  	v0 =	vld [tilespmem:s22+$0x11010]  }
0x353: {  	s28 =	rddreg [dreg:$0x5];
	[tilespmem:s21+$0xFFFFFD90] =	vst.add.f32.msk $0xffff, v1  }
0x354: {  	s26 =	rddreg [dreg:$0x11];
	v1 =	vld [tilespmem:s28+$0x11010]  }
0x355: {  	v4 =	vld [tilespmem:s26+$0x11000]  }
0x356: {  	[tilespmem:s21+$0x190] =	vst.add.f32.msk $0xffff, v2  }
0x357: {  	s31 =	rddreg [dreg:$0xf];
	[tilespmem:s21+$0xFFFFFF90] =	vst.add.f32.msk $0xffff, v0  }
0x358: {  	s29 =	rddreg [dreg:$0xd];
	v2 =	vld [tilespmem:s31+$0x11000]  }
0x359: {  	v0 =	vld [tilespmem:s29+$0x11000]  }
0x35a: {  	[tilespmem:s21+$0xFFFFFDA0] =	vst.add.f32.msk $0xffff, v4  }
0x35b: {  	v4 =	vld [tilespmem:s26+$0x11010]  }
0x35c: {  	s19 =	sadd.s32 $0x4, s19;
	[tilespmem:s0+$0xFFFFFDF0] =	vst.add.f32.msk $0xffff, v3  }
0x35d: {  	p0 =	slt.u32 s19, $0x3C;
	[tilespmem:s21+$0x1A0] =	vst.add.f32.msk $0xffff, v2  }
.Ltmp0:
0x35e: {  	s20 =	sld [smem:$0x7DC];
	[tilespmem:s21+$0xFFFFFFA0] =	vst.add.f32.msk $0xffff, v0;
	(pc) =	sbr.rel @p0 .LBB2_3-.Ltmp0, $4  }
0x35f: {  	s4 =	sld [smem:$0x7DB];
	v3 =	vld [tilespmem:s31+$0x11010]  }
0x360: {  	[tilespmem:s21+$0xFFFFFDB0] =	vst.add.f32.msk $0xffff, v4  }
0x361: {  	s30 =	sadd.s32 $0x40, s30;
	s25 =	rddreg [dreg:$0x1d];
	v2 =	vld [tilespmem:s29+$0x11010]  }
0x362: {  	s3 =	smov.u32 s18;
	s2 =	smov.u32 s25;
	s1 =	smov.u32 s20;
	v0 =	vld [tilespmem:s4+$0x11000]  }
0x363: {  	_ =	sdelay $0x1  }
0x364: {  	[tilespmem:s21+$0x1B0] =	vst.add.f32.msk $0xffff, v3  }
0x365: {  	[tilespmem:s21+$0xFFFFFFB0] =	vst.add.f32.msk $0xffff, v2  }
0x366: {  	v2 =	vld [tilespmem:s14+$0x11000];
	s5 =	rddreg [dreg:$0x3]  }
0x367: {  	v3 =	vld [tilespmem:s5+$0x11000];
	_ =	sdelay $0x1  }
0x368: {  	[tilespmem:s21+$0xFFFFFDC0] =	vst.add.f32.msk $0xffff, v0  }
0x369: {  	v0 =	vld [tilespmem:s4+$0x11010]  }
0x36a: {  	[tilespmem:s21+$0xFFFFFFC0] =	vst.add.f32.msk $0xffff, v2  }
0x36b: {  	[tilespmem:s21+$0x1C0] =	vst.add.f32.msk $0xffff, v3  }
0x36c: {  	v2 =	vld [tilespmem:s14+$0x11010]  }
0x36d: {  	v3 =	vld [tilespmem:s5+$0x11010];
	_ =	sdelay $0x1  }
0x36e: {  	[tilespmem:s21+$0xFFFFFDD0] =	vst.add.f32.msk $0xffff, v0  }
0x36f: {  	v0 =	vld [tilespmem:s1+$0x11000]  }
0x370: {  	[tilespmem:s21+$0xFFFFFFD0] =	vst.add.f32.msk $0xffff, v2  }
0x371: {  	[tilespmem:s21+$0x1D0] =	vst.add.f32.msk $0xffff, v3  }
0x372: {  	v2 =	vld [tilespmem:s2+$0x11000]  }
0x373: {  	v3 =	vld [tilespmem:s3+$0x11000];
	_ =	sdelay $0x1  }
0x374: {  	[tilespmem:s21+$0xFFFFFDE0] =	vst.add.f32.msk $0xffff, v0  }
0x375: {  	v0 =	vld [tilespmem:s1+$0x11010]  }
0x376: {  	[tilespmem:s21+$0xFFFFFFE0] =	vst.add.f32.msk $0xffff, v2  }
0x377: {  	[tilespmem:s21+$0x1E0] =	vst.add.f32.msk $0xffff, v3  }
0x378: {  	v2 =	vld [tilespmem:s2+$0x11010]  }
0x379: {  	v3 =	vld [tilespmem:s3+$0x11010]  }
0x37a: {  	[tilespmem:s0+$0xFFFFFFF0] =	vst.add.f32.msk $0xffff, v6  }
0x37b: {  	[tilespmem:s0+$0x1F0] =	vst.add.f32.msk $0xffff, v1  }
0x37c: {  	s5 =	sld [smem:$0x7F3];
	[tilespmem:s21+$0xFFFFFDF0] =	vst.add.f32.msk $0xffff, v0  }
0x37d: {  	s22 =	sld [smem:$0x7FA];
	[tilespmem:s21+$0xFFFFFFF0] =	vst.add.f32.msk $0xffff, v2  }
0x37e: {  	[tilespmem:s21+$0x1F0] =	vst.add.f32.msk $0xffff, v3  }
0x37f: {  	s20 =	sshll.u32 s5, $0x10;
	s23 =	sld [smem:$0x7F5]  }
0x380: {  	s0 =	sadd.s32 s22, s20  }
0x381: {  	s24 =	simm.s32 $0x0;
	s25 =	simm.s32 $0x1000;
	s0 =	sshrl.u32 s0, $0x3  }
0x382: {  	s26 =	sshllo.u32 s5, $0x1;
	s28 =	sld [smem:$0x7FB];
	s0 =	sadd.s32 s23, s0  }
0x383: {  	[hbm4b:s0+s24] =	stream.linear.scatter [tilespmem:s25], [sflag:$0x3], $0x8000, $0x38;
	[tilespmem:$0x12900] =	vst v63  }
0x384: {  	s29 =	sld [smem:$0x7F6];
	s0 =	sshll.u32 s26, $0xA  }
0x385: {  	s0 =	sadd.s32 s28, s0  }
0x386: {  	s30 =	simm.s32 $0x400;
	s0 =	sshrl.u32 s0, $0x3  }
0x387: {  	s6 =	simm.s32 $0x5;
	[smem:$0x7C4] =	sst s26;
	s1 =	sadd.s32 s29, s0  }
0x388: {  	[tilespmem:s30], [sflag:$0x5] =	stream.linear.gather [hbm4b:s1+s24], $0x400, $0x38;
	[tilespmem:$0x12900] =	vst v63  }
0x389: {  	_ =	swait.ge [sflag:s6], $0x400  }
0x38a: {  	s7 =	sld [smem:$0x7F8];
	_ =	sdelay $0x1  }
0x38b: {  	[sflag:s6] =	ssyncset.done $0x0  }
0x38c: {  	s8 =	simm.s32 $0xC00;
	[sflag:s6] =	ssyncadd.s32 $0xFFFFFC00;
	s0 =	sadd.s32 s7, s0  }
0x38d: {  	[tilespmem:s8], [sflag:$0x5] =	stream.linear.gather [hbm4b:s0+s24], $0x400, $0x38;
	[tilespmem:$0x12900] =	vst v63  }
0x38e: {  	_ =	swait.ge [sflag:s6], $0x400  }
0x38f: {  	[sflag:s6] =	ssyncset.done $0x0  }
0x390: {  	[sflag:s6] =	ssyncadd.s32 $0xFFFFFC00  }
0x391: {  	s10 =	simm.s32 $0x80;
	s11 =	simm.s32 $0x9000;
	s9 =	rddreg [dreg:$0x1]  }
0x392: {  	[tilespmem:s11], [sflag:$0x2] =	stream.indirect.gather [hbm4b:s9+s10], $0x20, s30, s10, $0xb8;
	[tilespmem:$0x12900] =	vst v63  }
0x393: {  	s12 =	simm.s32 $0x480;
	s13 =	simm.s32 $0xA000  }
0x394: {  	[tilespmem:s13], [sflag:$0x2] =	stream.indirect.gather [hbm4b:s9+s10], $0x20, s12, s10, $0xb8;
	[tilespmem:$0x12900] =	vst v63  }
0x395: {  	s15 =	simm.s32 $0xB000;
	s14 =	simm.s32 $0x500  }
0x396: {  	[tilespmem:s15], [sflag:$0x2] =	stream.indirect.gather [hbm4b:s9+s10], $0x20, s14, s10, $0xb8;
	[tilespmem:$0x12900] =	vst v63  }
0x397: {  	s16 =	simm.s32 $0x580;
	s17 =	simm.s32 $0xC000  }
0x398: {  	[tilespmem:s17], [sflag:$0x2] =	stream.indirect.gather [hbm4b:s9+s10], $0x20, s16, s10, $0xb8;
	[tilespmem:$0x12900] =	vst v63  }
0x399: {  	s18 =	simm.s32 $0x600;
	s19 =	simm.s32 $0xD000  }
0x39a: {  	[tilespmem:s19], [sflag:$0x2] =	stream.indirect.gather [hbm4b:s9+s10], $0x20, s18, s10, $0xb8;
	[tilespmem:$0x12900] =	vst v63  }
0x39b: {  	s20 =	simm.s32 $0x680;
	s21 =	simm.s32 $0xE000  }
0x39c: {  	[tilespmem:s21], [sflag:$0x2] =	stream.indirect.gather [hbm4b:s9+s10], $0x20, s20, s10, $0xb8;
	[tilespmem:$0x12900] =	vst v63  }
0x39d: {  	p0 =	seq.s32 s5, $0x0;
	s22 =	simm.s32 $0x700;
	s23 =	simm.s32 $0xF000  }
0x39e: {  	[tilespmem:s23], [sflag:$0x2] =	stream.indirect.gather [hbm4b:s9+s10], $0x20, s22, s10, $0xb8;
	[tilespmem:$0x12900] =	vst v63  }
0x39f: {  	s25 =	simm.s32 $0x10000;
	s24 =	simm.s32 $0x780;
	s0 =	simm.s32 @!p0 $0x4  }
0x3a0: {  	[tilespmem:s25], [sflag:$0x2] =	stream.indirect.gather [hbm4b:s9+s10], $0x20, s24, s10, $0xb8;
	[tilespmem:$0x12900] =	vst v63  }
0x3a1: {  	_ =	swait.ge @!p0 [sflag:s0], $0x8000  }
0x3a2: {  	[sflag:s0] =	ssyncset.done @!p0 $0x0  }
0x3a3: {  	s26 =	simm.s32 $0x2;
	[sflag:s0] =	ssyncadd.s32 @!p0 $0xFFFF8000  }
0x3a4: {  	_ =	swait.ge [sflag:s26], $0x1000  }
0x3a5: {  	[sflag:s26] =	ssyncset.done $0x0  }
0x3a6: {  	[sflag:s26] =	ssyncadd.s32 $0xFFFFF000  }
0x3a7: {  	_ =	swait.ge [sflag:s26], $0x1000  }
0x3a8: {  	[sflag:s26] =	ssyncset.done $0x0  }
0x3a9: {  	[sflag:s26] =	ssyncadd.s32 $0xFFFFF000  }
0x3aa: {  	_ =	swait.ge [sflag:s26], $0x1000  }
0x3ab: {  	[sflag:s26] =	ssyncset.done $0x0  }
0x3ac: {  	[sflag:s26] =	ssyncadd.s32 $0xFFFFF000  }
0x3ad: {  	_ =	swait.ge [sflag:s26], $0x1000  }
0x3ae: {  	[sflag:s26] =	ssyncset.done $0x0  }
0x3af: {  	[sflag:s26] =	ssyncadd.s32 $0xFFFFF000  }
0x3b0: {  	_ =	swait.ge [sflag:s26], $0x1000  }
0x3b1: {  	[sflag:s26] =	ssyncset.done $0x0  }
0x3b2: {  	[sflag:s26] =	ssyncadd.s32 $0xFFFFF000  }
0x3b3: {  	_ =	swait.ge [sflag:s26], $0x1000  }
0x3b4: {  	[sflag:s26] =	ssyncset.done $0x0  }
0x3b5: {  	[sflag:s26] =	ssyncadd.s32 $0xFFFFF000  }
0x3b6: {  	_ =	swait.ge [sflag:s26], $0x1000  }
0x3b7: {  	[sflag:s26] =	ssyncset.done $0x0  }
0x3b8: {  	[sflag:s26] =	ssyncadd.s32 $0xFFFFF000  }
0x3b9: {  	_ =	swait.ge [sflag:s26], $0x1000  }
0x3ba: {  	[sflag:s26] =	ssyncset.done $0x0  }
0x3bb: {  	s28 =	simm.s32 $0xC20;
	[sflag:s26] =	ssyncadd.s32 $0xFFFFF000  }
0x3bc: {  	v0 =	vld [tilespmem:s28+$0x10]  }
0x3bd: {  	v1 =	vld [tilespmem:s28+$0xFFFFFFF0]  }
0x3be: {  	v2 =	vld [tilespmem:s28+$0x0]  }
0x3bf: {  	v3 =	vld [tilespmem:s28+$0xFFFFFFE0];
	_ =	sdelay $0x1  }
0x3c0: {  	v0 =	vshll.u32 v0, $0x5  }
0x3c1: {  	v1 =	vshll.u32 v1, $0x5;
	(v2sf) =	vpush v0, $0x0  }
0x3c2: {  	v2 =	vshll.u32 v2, $0x5;
	(v2sf) =	vpush v1, $0x0  }
0x3c3: {  	v3 =	vshll.u32 v3, $0x5;
	(v2sf) =	vpush v2, $0x0  }
0x3c4: {  	(v2sf) =	vpush v3, $0x0  }
0x3c5: {  	(v2sf) =	vpush v3, $0x1  }
0x3c6: {  	(v2sf) =	vpush v1, $0x1  }
0x3c7: {  	(v2sf) =	vpush v2, $0x1  }
0x3c8: {  	(v2sf) =	vpush v3, $0x2  }
0x3c9: {  	(v2sf) =	vpush v1, $0x2  }
0x3ca: {  	(v2sf) =	vpush v2, $0x2  }
0x3cb: {  	(v2sf) =	vpush v3, $0x3  }
0x3cc: {  	(v2sf) =	vpush v1, $0x3  }
0x3cd: {  	(v2sf) =	vpush v0, $0x1  }
0x3ce: {  	(v2sf) =	vpush v2, $0x3  }
0x3cf: {  	(v2sf) =	vpush v3, $0x4  }
0x3d0: {  	(v2sf) =	vpush v1, $0x4;
	s29 =	spop (v2sf)  }
0x3d1: {  	s13 =	spop (v2sf);
	(v2sf) =	vpush v2, $0x4  }
0x3d2: {  	v4 =	vld [tilespmem:s29+$0x11000];
	(v2sf) =	vpush v3, $0x5;
	s30 =	spop (v2sf)  }
0x3d3: {  	s9 =	spop (v2sf);
	(v2sf) =	vpush v1, $0x5  }
0x3d4: {  	s12 =	spop (v2sf);
	(v2sf) =	vpush v2, $0x5  }
0x3d5: {  	(v2sf) =	vpush v3, $0x6;
	s11 =	spop (v2sf)  }
0x3d6: {  	s1 =	simm.s32 $0x9400;
	v5 =	vld [tilespmem:s13+$0x11000];
	(v2sf) =	vpush v1, $0x6;
	s31 =	spop (v2sf)  }
0x3d7: {  	[tilespmem:s1+$0x200] =	vst.add.f32.msk $0xffff, v4;
	s2 =	spop (v2sf);
	(v2sf) =	vpush v2, $0x6  }
0x3d8: {  	v4 =	vld [tilespmem:s29+$0x11010];
	(v2sf) =	vpush v3, $0x7;
	s3 =	spop (v2sf)  }
0x3d9: {  	s4 =	spop (v2sf);
	(v2sf) =	vpush v0, $0x2  }
0x3da: {  	v6 =	vld [tilespmem:s9+$0x11000];
	s5 =	spop (v2sf);
	(v2sf) =	vpush v1, $0x7  }
0x3db: {  	v7 =	vld [tilespmem:s30+$0x11000];
	s6 =	spop (v2sf);
	(v2sf) =	vpush v2, $0x7  }
0x3dc: {  	[tilespmem:s1+$0xFFFFFE00] =	vst.add.f32.msk $0xffff, v5;
	(v2sf) =	vpush v3, $0x8;
	s15 =	spop (v2sf)  }
0x3dd: {  	[tilespmem:s1+$0x210] =	vst.add.f32.msk $0xffff, v4;
	(v2sf) =	vpush v1, $0x8;
	s7 =	spop (v2sf)  }
0x3de: {  	v4 =	vld [tilespmem:s15+$0x11000];
	s8 =	spop (v2sf);
	(v2sf) =	vpush v2, $0x8  }
0x3df: {  	[tilespmem:s1+$0xFFFFFC00] =	vst.add.f32.msk $0xffff, v6;
	(v2sf) =	vpush v3, $0x9;
	s10 =	spop (v2sf)  }
0x3e0: {  	v6 =	vld [tilespmem:s13+$0x11010];
	(v2sf) =	vpush v1, $0x9;
	s16 =	spop (v2sf)  }
0x3e1: {  	v5 =	vld [tilespmem:s9+$0x11010];
	s17 =	spop (v2sf);
	(v2sf) =	vpush v2, $0x9  }
0x3e2: {  	[tilespmem:s1+$0x0] =	vst.add.f32.msk $0xffff, v7;
	(v2sf) =	vpush v3, $0xA;
	s9 =	spop (v2sf)  }
0x3e3: {  	[tilespmem:s1+$0x220] =	vst.add.f32.msk $0xffff, v4;
	(v2sf) =	vpush v1, $0xA;
	s29 =	spop (v2sf)  }
0x3e4: {  	v4 =	vld [tilespmem:s15+$0x11010];
	s28 =	spop (v2sf);
	(v2sf) =	vpush v2, $0xA  }
0x3e5: {  	[tilespmem:s1+$0xFFFFFE10] =	vst.add.f32.msk $0xffff, v6;
	s26 =	spop (v2sf);
	(v2sf) =	vpush v0, $0x3  }
0x3e6: {  	[tilespmem:s1+$0xFFFFFC10] =	vst.add.f32.msk $0xffff, v5;
	(v2sf) =	vpush v3, $0xB;
	s25 =	spop (v2sf)  }
0x3e7: {  	v6 =	vld [tilespmem:s11+$0x11000];
	s22 =	spop (v2sf)  }
0x3e8: {  	v5 =	vld [tilespmem:s12+$0x11000];
	(v2sf) =	vpush v1, $0xB;
	s0 =	spop (v2sf)  }
0x3e9: {  	[tilespmem:s1+$0x230] =	vst.add.f32.msk $0xffff, v4;
	(v2sf) =	vpush v2, $0xB;
	s23 =	spop (v2sf)  }
0x3ea: {  	v4 =	vld [tilespmem:s0+$0x11000];
	s24 =	spop (v2sf)  }
0x3eb: {  	v7 =	vld [tilespmem:s30+$0x11010];
	(v2sf) =	vpush v3, $0xC;
	s19 =	spop (v2sf)  }
0x3ec: {  	[tilespmem:s1+$0xFFFFFE20] =	vst.add.f32.msk $0xffff, v6;
	s20 =	spop (v2sf)  }
0x3ed: {  	[tilespmem:s1+$0xFFFFFC20] =	vst.add.f32.msk $0xffff, v5;
	(v2sf) =	vpush v1, $0xC;
	s21 =	spop (v2sf)  }
0x3ee: {  	v5 =	vld [tilespmem:s12+$0x11010];
	(v2sf) =	vpush v2, $0xC;
	s12 =	spop (v2sf)  }
0x3ef: {  	(v2sf) =	vpush v3, $0xD;
	[tilespmem:s1+$0x240] =	vst.add.f32.msk $0xffff, v4;
	s13 =	spop (v2sf)  }
0x3f0: {  	v4 =	vld [tilespmem:s0+$0x11010];
	s18 =	spop (v2sf)  }
0x3f1: {  	v6 =	vld [tilespmem:s11+$0x11010];
	(v2sf) =	vpush v1, $0xD;
	s11 =	spop (v2sf)  }
0x3f2: {  	s14 =	spop (v2sf)  }
0x3f3: {  	[tilespmem:s1+$0x10] =	vst.add.f32.msk $0xffff, v7;
	(v2sf) =	vpush v2, $0xD;
	s15 =	spop (v2sf)  }
0x3f4: {  	v7 =	vld [tilespmem:s31+$0x11000];
	s0 =	spop (v2sf)  }
0x3f5: {  	(v2sf) =	vpush v3, $0xE;
	[tilespmem:s1+$0x250] =	vst.add.f32.msk $0xffff, v4;
	s30 =	spop (v2sf)  }
0x3f6: {  	(v2sf) =	vpush v1, $0xE;
	v4 =	vld [tilespmem:s0+$0x11000];
	[smem:$0x7C5] =	sst s30  }
0x3f7: {  	s30 =	spop (v2sf);
	[tilespmem:s1+$0xFFFFFC30] =	vst.add.f32.msk $0xffff, v5  }
0x3f8: {  	[smem:$0x7C6] =	sst s30;
	s30 =	spop (v2sf)  }
0x3f9: {  	(v2sf) =	vpush v0, $0x4;
	v5 =	vld [tilespmem:s2+$0x11000];
	[smem:$0x7C7] =	sst s30  }
0x3fa: {  	s30 =	spop (v2sf);
	[tilespmem:s1+$0x20] =	vst.add.f32.msk $0xffff, v7  }
0x3fb: {  	[smem:$0x7C8] =	sst s30  }
0x3fc: {  	s30 =	spop (v2sf);
	v7 =	vld [tilespmem:s31+$0x11010]  }
0x3fd: {  	(v2sf) =	vpush v2, $0xE;
	[tilespmem:s1+$0x260] =	vst.add.f32.msk $0xffff, v4;
	s31 =	spop (v2sf)  }
0x3fe: {  	(v2sf) =	vpush v3, $0xF;
	v3 =	vld [tilespmem:s0+$0x11010];
	s0 =	spop (v2sf)  }
0x3ff: {  	[smem:$0x7C9] =	sst s0  }
0x400: {  	s0 =	spop (v2sf);
	[tilespmem:s1+$0xFFFFFC40] =	vst.add.f32.msk $0xffff, v5  }
0x401: {  	[smem:$0x7CA] =	sst s0  }
0x402: {  	(v2sf) =	vpush v1, $0xF;
	v1 =	vld [tilespmem:s2+$0x11010];
	s2 =	spop (v2sf)  }
0x403: {  	[smem:$0x7CB] =	sst s2  }
0x404: {  	(v2sf) =	vpush v2, $0xF;
	s2 =	spop (v2sf);
	[tilespmem:s1+$0xFFFFFE30] =	vst.add.f32.msk $0xffff, v6  }
0x405: {  	[smem:$0x7CC] =	sst s2;
	s2 =	spop (v2sf)  }
0x406: {  	v2 =	vld [tilespmem:s3+$0x11000];
	[smem:$0x7CD] =	sst s2  }
0x407: {  	[tilespmem:s1+$0x270] =	vst.add.f32.msk $0xffff, v3  }
0x408: {  	(v2sf) =	vpush v0, $0x5;
	s2 =	spop (v2sf);
	[tilespmem:s1+$0x30] =	vst.add.f32.msk $0xffff, v7  }
0x409: {  	v3 =	vld [tilespmem:s2+$0x11000]  }
0x40a: {  	v4 =	vld [tilespmem:s4+$0x11000];
	_ =	sdelay $0x1  }
0x40b: {  	[tilespmem:s1+$0xFFFFFE40] =	vst.add.f32.msk $0xffff, v2  }
0x40c: {  	v2 =	vld [tilespmem:s3+$0x11010]  }
0x40d: {  	[tilespmem:s1+$0x280] =	vst.add.f32.msk $0xffff, v3  }
0x40e: {  	s3 =	spop (v2sf);
	[tilespmem:s1+$0x40] =	vst.add.f32.msk $0xffff, v4  }
0x40f: {  	v3 =	vld [tilespmem:s2+$0x11010];
	s2 =	spop (v2sf)  }
0x410: {  	v4 =	vld [tilespmem:s4+$0x11010];
	[smem:$0x7D1] =	sst s2  }
0x411: {  	s4 =	spop (v2sf);
	[tilespmem:s1+$0xFFFFFC50] =	vst.add.f32.msk $0xffff, v1  }
0x412: {  	s2 =	spop (v2sf);
	[smem:$0x7D3] =	sst s4  }
0x413: {  	v1 =	vld [tilespmem:s5+$0x11000];
	[smem:$0x7D6] =	sst s2  }
0x414: {  	(v2sf) =	vpush v0, $0x6;
	[tilespmem:s1+$0x290] =	vst.add.f32.msk $0xffff, v3  }
0x415: {  	[tilespmem:s1+$0xFFFFFE50] =	vst.add.f32.msk $0xffff, v2  }
0x416: {  	s4 =	spop (v2sf);
	[tilespmem:s1+$0x50] =	vst.add.f32.msk $0xffff, v4  }
0x417: {  	v3 =	vld [tilespmem:s4+$0x11000]  }
0x418: {  	v2 =	vld [tilespmem:s6+$0x11000]  }
0x419: {  	v4 =	vld [tilespmem:s7+$0x11000]  }
0x41a: {  	[tilespmem:s1+$0xFFFFFC60] =	vst.add.f32.msk $0xffff, v1  }
0x41b: {  	v1 =	vld [tilespmem:s5+$0x11010]  }
0x41c: {  	[tilespmem:s1+$0x2A0] =	vst.add.f32.msk $0xffff, v3  }
0x41d: {  	[tilespmem:s1+$0xFFFFFE60] =	vst.add.f32.msk $0xffff, v2  }
0x41e: {  	v3 =	vld [tilespmem:s4+$0x11010]  }
0x41f: {  	[tilespmem:s1+$0x60] =	vst.add.f32.msk $0xffff, v4  }
0x420: {  	(v2sf) =	vpush v0, $0x7;
	v2 =	vld [tilespmem:s6+$0x11010]  }
0x421: {  	v4 =	vld [tilespmem:s7+$0x11010]  }
0x422: {  	[tilespmem:s1+$0xFFFFFC70] =	vst.add.f32.msk $0xffff, v1  }
0x423: {  	s6 =	spop (v2sf);
	[tilespmem:s1+$0x2B0] =	vst.add.f32.msk $0xffff, v3  }
0x424: {  	v3 =	vld [tilespmem:s6+$0x11000]  }
0x425: {  	v1 =	vld [tilespmem:s8+$0x11000]  }
0x426: {  	[tilespmem:s1+$0xFFFFFE70] =	vst.add.f32.msk $0xffff, v2  }
0x427: {  	[tilespmem:s1+$0x70] =	vst.add.f32.msk $0xffff, v4  }
0x428: {  	v2 =	vld [tilespmem:s10+$0x11000]  }
0x429: {  	[tilespmem:s1+$0x2C0] =	vst.add.f32.msk $0xffff, v3  }
0x42a: {  	v3 =	vld [tilespmem:s6+$0x11010]  }
0x42b: {  	v4 =	vld [tilespmem:s16+$0x11000]  }
0x42c: {  	(v2sf) =	vpush v0, $0x8;
	[tilespmem:s1+$0xFFFFFC80] =	vst.add.f32.msk $0xffff, v1  }
0x42d: {  	v1 =	vld [tilespmem:s8+$0x11010]  }
0x42e: {  	[tilespmem:s1+$0xFFFFFE80] =	vst.add.f32.msk $0xffff, v2  }
0x42f: {  	s7 =	spop (v2sf);
	[tilespmem:s1+$0x2D0] =	vst.add.f32.msk $0xffff, v3  }
0x430: {  	v3 =	vld [tilespmem:s7+$0x11000]  }
0x431: {  	[tilespmem:s1+$0x80] =	vst.add.f32.msk $0xffff, v4  }
0x432: {  	v2 =	vld [tilespmem:s10+$0x11010]  }
0x433: {  	v4 =	vld [tilespmem:s16+$0x11010]  }
0x434: {  	[tilespmem:s1+$0xFFFFFC90] =	vst.add.f32.msk $0xffff, v1  }
0x435: {  	[tilespmem:s1+$0x2E0] =	vst.add.f32.msk $0xffff, v3  }
0x436: {  	v3 =	vld [tilespmem:s7+$0x11010]  }
0x437: {  	v1 =	vld [tilespmem:s17+$0x11000]  }
0x438: {  	(v2sf) =	vpush v0, $0x9;
	[tilespmem:s1+$0xFFFFFE90] =	vst.add.f32.msk $0xffff, v2  }
0x439: {  	[tilespmem:s1+$0x90] =	vst.add.f32.msk $0xffff, v4  }
0x43a: {  	v2 =	vld [tilespmem:s9+$0x11000]  }
0x43b: {  	s8 =	spop (v2sf);
	[tilespmem:s1+$0x2F0] =	vst.add.f32.msk $0xffff, v3  }
0x43c: {  	v3 =	vld [tilespmem:s8+$0x11000]  }
0x43d: {  	v4 =	vld [tilespmem:s29+$0x11000]  }
0x43e: {  	[tilespmem:s1+$0xFFFFFCA0] =	vst.add.f32.msk $0xffff, v1  }
0x43f: {  	v1 =	vld [tilespmem:s17+$0x11010]  }
0x440: {  	[tilespmem:s1+$0xFFFFFEA0] =	vst.add.f32.msk $0xffff, v2  }
0x441: {  	[tilespmem:s1+$0x300] =	vst.add.f32.msk $0xffff, v3  }
0x442: {  	v3 =	vld [tilespmem:s8+$0x11010]  }
0x443: {  	[tilespmem:s1+$0xA0] =	vst.add.f32.msk $0xffff, v4  }
0x444: {  	(v2sf) =	vpush v0, $0xA;
	v2 =	vld [tilespmem:s9+$0x11010]  }
0x445: {  	v4 =	vld [tilespmem:s29+$0x11010]  }
0x446: {  	[tilespmem:s1+$0xFFFFFCB0] =	vst.add.f32.msk $0xffff, v1  }
0x447: {  	s10 =	spop (v2sf);
	[tilespmem:s1+$0x310] =	vst.add.f32.msk $0xffff, v3  }
0x448: {  	v3 =	vld [tilespmem:s10+$0x11000]  }
0x449: {  	v1 =	vld [tilespmem:s28+$0x11000]  }
0x44a: {  	[tilespmem:s1+$0xFFFFFEB0] =	vst.add.f32.msk $0xffff, v2  }
0x44b: {  	[tilespmem:s1+$0xB0] =	vst.add.f32.msk $0xffff, v4  }
0x44c: {  	v2 =	vld [tilespmem:s26+$0x11000]  }
0x44d: {  	[tilespmem:s1+$0x320] =	vst.add.f32.msk $0xffff, v3  }
0x44e: {  	v3 =	vld [tilespmem:s10+$0x11010]  }
0x44f: {  	v4 =	vld [tilespmem:s25+$0x11000]  }
0x450: {  	[tilespmem:s1+$0xFFFFFCC0] =	vst.add.f32.msk $0xffff, v1  }
0x451: {  	(v2sf) =	vpush v0, $0xB;
	v1 =	vld [tilespmem:s28+$0x11010]  }
0x452: {  	[tilespmem:s1+$0xFFFFFEC0] =	vst.add.f32.msk $0xffff, v2  }
0x453: {  	s16 =	spop (v2sf);
	[tilespmem:s1+$0x330] =	vst.add.f32.msk $0xffff, v3  }
0x454: {  	v3 =	vld [tilespmem:s16+$0x11000]  }
0x455: {  	[tilespmem:s1+$0xC0] =	vst.add.f32.msk $0xffff, v4  }
0x456: {  	v2 =	vld [tilespmem:s26+$0x11010]  }
0x457: {  	v4 =	vld [tilespmem:s25+$0x11010]  }
0x458: {  	[tilespmem:s1+$0xFFFFFCD0] =	vst.add.f32.msk $0xffff, v1  }
0x459: {  	[tilespmem:s1+$0x340] =	vst.add.f32.msk $0xffff, v3  }
0x45a: {  	v3 =	vld [tilespmem:s16+$0x11010]  }
0x45b: {  	v1 =	vld [tilespmem:s22+$0x11000]  }
0x45c: {  	[tilespmem:s1+$0xFFFFFED0] =	vst.add.f32.msk $0xffff, v2  }
0x45d: {  	[tilespmem:s1+$0xD0] =	vst.add.f32.msk $0xffff, v4  }
0x45e: {  	v4 =	vld [tilespmem:s24+$0x11000]  }
0x45f: {  	(v2sf) =	vpush v0, $0xC;
	[tilespmem:s1+$0x350] =	vst.add.f32.msk $0xffff, v3  }
0x460: {  	s17 =	spop (v2sf);
	v3 =	vld [tilespmem:s23+$0x11000]  }
0x461: {  	v2 =	vld [tilespmem:s17+$0x11000]  }
0x462: {  	[tilespmem:s1+$0xFFFFFCE0] =	vst.add.f32.msk $0xffff, v1  }
0x463: {  	v1 =	vld [tilespmem:s22+$0x11010]  }
0x464: {  	[tilespmem:s1+$0xE0] =	vst.add.f32.msk $0xffff, v4  }
0x465: {  	[tilespmem:s1+$0xFFFFFEE0] =	vst.add.f32.msk $0xffff, v3  }
0x466: {  	[tilespmem:s1+$0x360] =	vst.add.f32.msk $0xffff, v2  }
0x467: {  	v3 =	vld [tilespmem:s23+$0x11010]  }
0x468: {  	v2 =	vld [tilespmem:s17+$0x11010]  }
0x469: {  	v4 =	vld [tilespmem:s24+$0x11010]  }
0x46a: {  	[tilespmem:s1+$0xFFFFFCF0] =	vst.add.f32.msk $0xffff, v1  }
0x46b: {  	(v2sf) =	vpush v0, $0xD;
	v1 =	vld [tilespmem:s19+$0x11000]  }
0x46c: {  	[tilespmem:s1+$0xFFFFFEF0] =	vst.add.f32.msk $0xffff, v3  }
0x46d: {  	[tilespmem:s1+$0x370] =	vst.add.f32.msk $0xffff, v2  }
0x46e: {  	s25 =	spop (v2sf);
	v3 =	vld [tilespmem:s20+$0x11000]  }
0x46f: {  	v2 =	vld [tilespmem:s25+$0x11000]  }
0x470: {  	[tilespmem:s1+$0xF0] =	vst.add.f32.msk $0xffff, v4  }
0x471: {  	v4 =	vld [tilespmem:s21+$0x11000]  }
0x472: {  	[tilespmem:s1+$0xFFFFFD00] =	vst.add.f32.msk $0xffff, v1  }
0x473: {  	[tilespmem:s1+$0xFFFFFF00] =	vst.add.f32.msk $0xffff, v3  }
0x474: {  	[tilespmem:s1+$0x380] =	vst.add.f32.msk $0xffff, v2  }
0x475: {  	(v2sf) =	vpush v0, $0xE;
	v2 =	vld [tilespmem:s25+$0x11010]  }
0x476: {  	[tilespmem:s1+$0x100] =	vst.add.f32.msk $0xffff, v4  }
0x477: {  	v1 =	vld [tilespmem:s19+$0x11010]  }
0x478: {  	v3 =	vld [tilespmem:s20+$0x11010]  }
0x479: {  	v4 =	vld [tilespmem:s21+$0x11010]  }
0x47a: {  	s26 =	spop (v2sf);
	[tilespmem:s1+$0x390] =	vst.add.f32.msk $0xffff, v2  }
0x47b: {  	v2 =	vld [tilespmem:s26+$0x11000]  }
0x47c: {  	[tilespmem:s1+$0xFFFFFD10] =	vst.add.f32.msk $0xffff, v1  }
0x47d: {  	[tilespmem:s1+$0xFFFFFF10] =	vst.add.f32.msk $0xffff, v3  }
0x47e: {  	[tilespmem:s1+$0x110] =	vst.add.f32.msk $0xffff, v4  }
0x47f: {  	v1 =	vld [tilespmem:s12+$0x11000]  }
0x480: {  	(v2sf) =	vpush v0, $0xF;
	v0 =	vld [tilespmem:s13+$0x11000]  }
0x481: {  	v3 =	vld [tilespmem:s18+$0x11000]  }
0x482: {  	[tilespmem:s1+$0x3A0] =	vst.add.f32.msk $0xffff, v2  }
0x483: {  	v2 =	vld [tilespmem:s26+$0x11010]  }
0x484: {  	[tilespmem:s1+$0xFFFFFD20] =	vst.add.f32.msk $0xffff, v1  }
0x485: {  	[tilespmem:s1+$0xFFFFFF20] =	vst.add.f32.msk $0xffff, v0  }
0x486: {  	[tilespmem:s1+$0x120] =	vst.add.f32.msk $0xffff, v3  }
0x487: {  	v0 =	vld [tilespmem:s12+$0x11010]  }
0x488: {  	v3 =	vld [tilespmem:s18+$0x11010]  }
0x489: {  	s28 =	spop (v2sf);
	[tilespmem:s1+$0x3B0] =	vst.add.f32.msk $0xffff, v2  }
0x48a: {  	v2 =	vld [tilespmem:s28+$0x11000];
	_ =	sdelay $0x1  }
0x48b: {  	[tilespmem:s1+$0xFFFFFD30] =	vst.add.f32.msk $0xffff, v0  }
0x48c: {  	[tilespmem:s1+$0x130] =	vst.add.f32.msk $0xffff, v3  }
0x48d: {  	v0 =	vld [tilespmem:s11+$0x11000]  }
0x48e: {  	[tilespmem:s1+$0x3C0] =	vst.add.f32.msk $0xffff, v2  }
0x48f: {  	v2 =	vld [tilespmem:s13+$0x11010]  }
0x490: {  	v3 =	vld [tilespmem:s15+$0x11000]  }
0x491: {  	v1 =	vld [tilespmem:s28+$0x11010]  }
0x492: {  	[tilespmem:s1+$0xFFFFFD40] =	vst.add.f32.msk $0xffff, v0  }
0x493: {  	v0 =	vld [tilespmem:s11+$0x11010]  }
0x494: {  	[tilespmem:s1+$0xFFFFFF30] =	vst.add.f32.msk $0xffff, v2  }
0x495: {  	v2 =	vld [tilespmem:s14+$0x11000];
	_ =	sdelay $0x1  }
0x496: {  	[tilespmem:s1+$0x140] =	vst.add.f32.msk $0xffff, v3  }
0x497: {  	[tilespmem:s1+$0x3D0] =	vst.add.f32.msk $0xffff, v1  }
0x498: {  	[tilespmem:s1+$0xFFFFFD50] =	vst.add.f32.msk $0xffff, v0  }
0x499: {  	[tilespmem:s1+$0xFFFFFF40] =	vst.add.f32.msk $0xffff, v2  }
0x49a: {  	v2 =	vld [tilespmem:s14+$0x11010];
	s2 =	sld [smem:$0x7C5];
	_ =	sdelay $0x1  }
0x49b: {  	v3 =	vld [tilespmem:s15+$0x11010]  }
0x49c: {  	v0 =	vld [tilespmem:s2+$0x11000];
	_ =	sdelay $0x1  }
0x49d: {  	[tilespmem:s1+$0xFFFFFF50] =	vst.add.f32.msk $0xffff, v2  }
0x49e: {  	s4 =	sld [smem:$0x7C6]  }
0x49f: {  	[tilespmem:s1+$0x150] =	vst.add.f32.msk $0xffff, v3  }
0x4a0: {  	s6 =	sld [smem:$0x7C7];
	[tilespmem:s1+$0xFFFFFD60] =	vst.add.f32.msk $0xffff, v0  }
0x4a1: {  	v2 =	vld [tilespmem:s4+$0x11000]  }
0x4a2: {  	v0 =	vld [tilespmem:s2+$0x11010];
	_ =	sdelay $0x1  }
0x4a3: {  	v3 =	vld [tilespmem:s6+$0x11000];
	_ =	sdelay $0x1  }
0x4a4: {  	[tilespmem:s1+$0xFFFFFF60] =	vst.add.f32.msk $0xffff, v2  }
0x4a5: {  	[tilespmem:s1+$0xFFFFFD70] =	vst.add.f32.msk $0xffff, v0  }
0x4a6: {  	v2 =	vld [tilespmem:s4+$0x11010]  }
0x4a7: {  	[tilespmem:s1+$0x160] =	vst.add.f32.msk $0xffff, v3  }
0x4a8: {  	s7 =	sld [smem:$0x7C8]  }
0x4a9: {  	s9 =	simm.s32 $0xC60;
	v3 =	vld [tilespmem:s6+$0x11010]  }
0x4aa: {  	v5 =	vld [tilespmem:s9+$0xFFFFFFF0]  }
0x4ab: {  	v0 =	vld [tilespmem:s7+$0x11000]  }
0x4ac: {  	[tilespmem:s1+$0xFFFFFF70] =	vst.add.f32.msk $0xffff, v2  }
0x4ad: {  	v2 =	vld [tilespmem:s30+$0x11000]  }
0x4ae: {  	[tilespmem:s1+$0x170] =	vst.add.f32.msk $0xffff, v3  }
0x4af: {  	v3 =	vld [tilespmem:s31+$0x11000]  }
0x4b0: {  	[tilespmem:s1+$0xFFFFFD80] =	vst.add.f32.msk $0xffff, v0  }
0x4b1: {  	v0 =	vld [tilespmem:s7+$0x11010]  }
0x4b2: {  	[tilespmem:s1+$0xFFFFFF80] =	vst.add.f32.msk $0xffff, v2  }
0x4b3: {  	v2 =	vld [tilespmem:s30+$0x11010]  }
0x4b4: {  	[tilespmem:s1+$0x180] =	vst.add.f32.msk $0xffff, v3  }
0x4b5: {  	v3 =	vld [tilespmem:s31+$0x11010]  }
0x4b6: {  	v6 =	vld [tilespmem:s9+$0x0]  }
0x4b7: {  	[tilespmem:s1+$0xFFFFFD90] =	vst.add.f32.msk $0xffff, v0  }
0x4b8: {  	s8 =	sld [smem:$0x7C9];
	[tilespmem:s1+$0xFFFFFF90] =	vst.add.f32.msk $0xffff, v2  }
0x4b9: {  	v2 =	vld [tilespmem:s9+$0x10]  }
0x4ba: {  	s29 =	spop (v2sf);
	[tilespmem:s1+$0x190] =	vst.add.f32.msk $0xffff, v3  }
0x4bb: {  	v1 =	vld [tilespmem:s29+$0x11000];
	s10 =	sld [smem:$0x7CA]  }
0x4bc: {  	v0 =	vld [tilespmem:s8+$0x11000];
	s11 =	sld [smem:$0x7CB]  }
0x4bd: {  	v7 =	vld [tilespmem:s9+$0xFFFFFFE0]  }
0x4be: {  	v3 =	vld [tilespmem:s10+$0x11000]  }
0x4bf: {  	v4 =	vshll.u32 v2, $0x5;
	v2 =	vld [tilespmem:s11+$0x11000]  }
0x4c0: {  	[tilespmem:s1+$0x3E0] =	vst.add.f32.msk $0xffff, v1  }
0x4c1: {  	[tilespmem:s1+$0xFFFFFDA0] =	vst.add.f32.msk $0xffff, v0  }
0x4c2: {  	v5 =	vshll.u32 v5, $0x5;
	(v2sf) =	vpush v4, $0x0;
	v1 =	vld [tilespmem:s8+$0x11010]  }
0x4c3: {  	v6 =	vshll.u32 v6, $0x5;
	(v2sf) =	vpush v5, $0x0;
	[tilespmem:s1+$0xFFFFFFA0] =	vst.add.f32.msk $0xffff, v3  }
0x4c4: {  	v7 =	vshll.u32 v7, $0x5;
	(v2sf) =	vpush v6, $0x0;
	[tilespmem:s1+$0x1A0] =	vst.add.f32.msk $0xffff, v2  }
0x4c5: {  	(v2sf) =	vpush v7, $0x0;
	v2 =	vld [tilespmem:s10+$0x11010]  }
0x4c6: {  	(v2sf) =	vpush v7, $0x1;
	v3 =	vld [tilespmem:s11+$0x11010]  }
0x4c7: {  	(v2sf) =	vpush v5, $0x1  }
0x4c8: {  	(v2sf) =	vpush v6, $0x1;
	[tilespmem:s1+$0xFFFFFDB0] =	vst.add.f32.msk $0xffff, v1  }
0x4c9: {  	(v2sf) =	vpush v7, $0x2;
	s12 =	sld [smem:$0x7CC]  }
0x4ca: {  	(v2sf) =	vpush v5, $0x2;
	[tilespmem:s1+$0xFFFFFFB0] =	vst.add.f32.msk $0xffff, v2  }
0x4cb: {  	(v2sf) =	vpush v6, $0x2;
	[tilespmem:s1+$0x1B0] =	vst.add.f32.msk $0xffff, v3  }
0x4cc: {  	(v2sf) =	vpush v7, $0x3;
	v1 =	vld [tilespmem:s12+$0x11000]  }
0x4cd: {  	(v2sf) =	vpush v5, $0x3;
	s13 =	sld [smem:$0x7CD]  }
0x4ce: {  	v8 =	vld [tilespmem:s3+$0x11000];
	(v2sf) =	vpush v4, $0x1  }
0x4cf: {  	v0 =	vld [tilespmem:s29+$0x11010];
	(v2sf) =	vpush v6, $0x3  }
0x4d0: {  	v2 =	vld [tilespmem:s13+$0x11000];
	(v2sf) =	vpush v7, $0x4  }
0x4d1: {  	(v2sf) =	vpush v5, $0x4;
	s14 =	spop (v2sf);
	[tilespmem:s1+$0xFFFFFDC0] =	vst.add.f32.msk $0xffff, v1  }
0x4d2: {  	v1 =	vld [tilespmem:s14+$0x11000];
	s15 =	spop (v2sf);
	(v2sf) =	vpush v6, $0x4  }
0x4d3: {  	[tilespmem:s1+$0x1C0] =	vst.add.f32.msk $0xffff, v8;
	(v2sf) =	vpush v7, $0x5;
	s16 =	spop (v2sf)  }
0x4d4: {  	v3 =	vld [tilespmem:s12+$0x11010];
	s17 =	spop (v2sf);
	(v2sf) =	vpush v5, $0x5  }
0x4d5: {  	[tilespmem:s1+$0xFFFFFFC0] =	vst.add.f32.msk $0xffff, v2;
	s18 =	spop (v2sf);
	(v2sf) =	vpush v6, $0x5  }
0x4d6: {  	s22 =	simm.s32 $0x9C00;
	v9 =	vld [tilespmem:s17+$0x11000];
	(v2sf) =	vpush v7, $0x6;
	s8 =	spop (v2sf)  }
0x4d7: {  	[tilespmem:s22+$0x200] =	vst.add.f32.msk $0xffff, v1;
	(v2sf) =	vpush v5, $0x6;
	s7 =	spop (v2sf)  }
0x4d8: {  	v8 =	vld [tilespmem:s14+$0x11010];
	s1 =	spop (v2sf);
	(v2sf) =	vpush v6, $0x6  }
0x4d9: {  	v2 =	vld [tilespmem:s13+$0x11010];
	(v2sf) =	vpush v7, $0x7;
	s2 =	spop (v2sf)  }
0x4da: {  	v1 =	vld [tilespmem:s3+$0x11010];
	s3 =	spop (v2sf);
	(v2sf) =	vpush v4, $0x2  }
0x4db: {  	[tilespmem:s22+$0xFFFFFC00] =	vst.add.f32.msk $0xffff, v9;
	s5 =	spop (v2sf);
	(v2sf) =	vpush v5, $0x7  }
0x4dc: {  	v9 =	vld [tilespmem:s17+$0x11010];
	s14 =	spop (v2sf);
	(v2sf) =	vpush v6, $0x7  }
0x4dd: {  	[tilespmem:s22+$0x210] =	vst.add.f32.msk $0xffff, v8;
	(v2sf) =	vpush v7, $0x8;
	s26 =	spop (v2sf)  }
0x4de: {  	v8 =	vld [tilespmem:s26+$0x11000];
	(v2sf) =	vpush v5, $0x8;
	s13 =	spop (v2sf)  }
0x4df: {  	v10 =	vld [tilespmem:s15+$0x11000];
	s31 =	spop (v2sf);
	(v2sf) =	vpush v6, $0x8  }
0x4e0: {  	v11 =	vld [tilespmem:s16+$0x11000];
	(v2sf) =	vpush v7, $0x9;
	s30 =	spop (v2sf)  }
0x4e1: {  	[tilespmem:s22+$0xFFFFFC10] =	vst.add.f32.msk $0xffff, v9;
	(v2sf) =	vpush v5, $0x9;
	s29 =	spop (v2sf)  }
0x4e2: {  	v9 =	vld [tilespmem:s18+$0x11000];
	s6 =	spop (v2sf);
	(v2sf) =	vpush v6, $0x9  }
0x4e3: {  	[tilespmem:s22+$0x220] =	vst.add.f32.msk $0xffff, v8;
	(v2sf) =	vpush v7, $0xA;
	s28 =	spop (v2sf)  }
0x4e4: {  	v8 =	vld [tilespmem:s26+$0x11010];
	(v2sf) =	vpush v5, $0xA;
	s26 =	spop (v2sf)  }
0x4e5: {  	[tilespmem:s22+$0xFFFFFE00] =	vst.add.f32.msk $0xffff, v10;
	s25 =	spop (v2sf);
	(v2sf) =	vpush v6, $0xA  }
0x4e6: {  	[tilespmem:s22+$0x0] =	vst.add.f32.msk $0xffff, v11;
	s24 =	spop (v2sf);
	(v2sf) =	vpush v4, $0x3  }
0x4e7: {  	v10 =	vld [tilespmem:s15+$0x11010];
	(v2sf) =	vpush v7, $0xB;
	s23 =	spop (v2sf)  }
0x4e8: {  	v11 =	vld [tilespmem:s16+$0x11010];
	s21 =	spop (v2sf);
	(v2sf) =	vpush v5, $0xB  }
0x4e9: {  	[tilespmem:s22+$0xFFFFFC20] =	vst.add.f32.msk $0xffff, v9;
	s0 =	spop (v2sf)  }
0x4ea: {  	[tilespmem:s22+$0x230] =	vst.add.f32.msk $0xffff, v8;
	(v2sf) =	vpush v6, $0xB;
	s20 =	spop (v2sf)  }
0x4eb: {  	v8 =	vld [tilespmem:s0+$0x11000];
	s19 =	spop (v2sf)  }
0x4ec: {  	v9 =	vld [tilespmem:s18+$0x11010];
	(v2sf) =	vpush v7, $0xC;
	s18 =	spop (v2sf)  }
0x4ed: {  	[tilespmem:s22+$0xFFFFFE10] =	vst.add.f32.msk $0xffff, v10;
	(v2sf) =	vpush v5, $0xC;
	s17 =	spop (v2sf)  }
0x4ee: {  	v10 =	vld [tilespmem:s8+$0x11000];
	s16 =	spop (v2sf)  }
0x4ef: {  	[tilespmem:s22+$0x10] =	vst.add.f32.msk $0xffff, v11;
	(v2sf) =	vpush v6, $0xC;
	s15 =	spop (v2sf)  }
0x4f0: {  	(v2sf) =	vpush v7, $0xD;
	[tilespmem:s22+$0x240] =	vst.add.f32.msk $0xffff, v8;
	s9 =	spop (v2sf)  }
0x4f1: {  	v8 =	vld [tilespmem:s0+$0x11010];
	s10 =	spop (v2sf)  }
0x4f2: {  	v11 =	vld [tilespmem:s7+$0x11000];
	(v2sf) =	vpush v5, $0xD;
	s12 =	spop (v2sf)  }
0x4f3: {  	[tilespmem:s22+$0xFFFFFE20] =	vst.add.f32.msk $0xffff, v10;
	(v2sf) =	vpush v6, $0xD;
	s4 =	spop (v2sf)  }
0x4f4: {  	[smem:$0x7CE] =	sst s4;
	s11 =	spop (v2sf)  }
0x4f5: {  	v10 =	vld [tilespmem:s8+$0x11010];
	s0 =	spop (v2sf)  }
0x4f6: {  	(v2sf) =	vpush v7, $0xE;
	[tilespmem:s22+$0x250] =	vst.add.f32.msk $0xffff, v8;
	s8 =	spop (v2sf)  }
0x4f7: {  	(v2sf) =	vpush v5, $0xE;
	[tilespmem:s22+$0x20] =	vst.add.f32.msk $0xffff, v11;
	s4 =	spop (v2sf)  }
0x4f8: {  	(v2sf) =	vpush v4, $0x4;
	v8 =	vld [tilespmem:s0+$0x11000];
	[smem:$0x7CF] =	sst s4  }
0x4f9: {  	v11 =	vld [tilespmem:s7+$0x11010];
	s7 =	spop (v2sf)  }
0x4fa: {  	[smem:$0x7D0] =	sst s7  }
0x4fb: {  	s7 =	spop (v2sf);
	[tilespmem:s22+$0xFFFFFC30] =	vst.add.f32.msk $0xffff, v9  }
0x4fc: {  	[smem:$0x7D2] =	sst s7;
	s7 =	spop (v2sf)  }
0x4fd: {  	v9 =	vld [tilespmem:s1+$0x11000];
	[smem:$0x7D4] =	sst s7  }
0x4fe: {  	(v2sf) =	vpush v6, $0xE;
	s7 =	spop (v2sf);
	[tilespmem:s22+$0x260] =	vst.add.f32.msk $0xffff, v8  }
0x4ff: {  	[smem:$0x7D5] =	sst s7;
	s7 =	spop (v2sf)  }
0x500: {  	(v2sf) =	vpush v7, $0xF;
	v7 =	vld [tilespmem:s0+$0x11010];
	[smem:$0x7D7] =	sst s7  }
0x501: {  	s4 =	spop (v2sf);
	[tilespmem:s22+$0xFFFFFE30] =	vst.add.f32.msk $0xffff, v10  }
0x502: {  	s7 =	spop (v2sf);
	[smem:$0x7D8] =	sst s4  }
0x503: {  	(v2sf) =	vpush v5, $0xF;
	v5 =	vld [tilespmem:s2+$0x11000];
	[smem:$0x7D9] =	sst s7  }
0x504: {  	(v2sf) =	vpush v6, $0xF;
	[tilespmem:s22+$0xFFFFFC40] =	vst.add.f32.msk $0xffff, v9  }
0x505: {  	(v2sf) =	vpush v4, $0x5;
	s4 =	spop (v2sf);
	[tilespmem:s22+$0x30] =	vst.add.f32.msk $0xffff, v11  }
0x506: {  	s7 =	spop (v2sf);
	v6 =	vld [tilespmem:s1+$0x11010]  }
0x507: {  	[tilespmem:s22+$0x270] =	vst.add.f32.msk $0xffff, v7;
	s1 =	spop (v2sf)  }
0x508: {  	v7 =	vld [tilespmem:s1+$0x11000]  }
0x509: {  	v8 =	vld [tilespmem:s3+$0x11000]  }
0x50a: {  	[tilespmem:s22+$0xFFFFFE40] =	vst.add.f32.msk $0xffff, v5  }
0x50b: {  	v5 =	vld [tilespmem:s2+$0x11010]  }
0x50c: {  	[tilespmem:s22+$0xFFFFFC50] =	vst.add.f32.msk $0xffff, v6  }
0x50d: {  	s2 =	spop (v2sf);
	[tilespmem:s22+$0x280] =	vst.add.f32.msk $0xffff, v7  }
0x50e: {  	v7 =	vld [tilespmem:s1+$0x11010];
	[dreg:$0x4] =	wrdreg s2  }
0x50f: {  	v6 =	vld [tilespmem:s5+$0x11000]  }
0x510: {  	[tilespmem:s22+$0x40] =	vst.add.f32.msk $0xffff, v8  }
0x511: {  	(v2sf) =	vpush v4, $0x6;
	s1 =	spop (v2sf);
	v8 =	vld [tilespmem:s3+$0x11010]  }
0x512: {  	s2 =	spop (v2sf);
	[tilespmem:s22+$0xFFFFFE50] =	vst.add.f32.msk $0xffff, v5  }
0x513: {  	s3 =	spop (v2sf);
	v5 =	vld [tilespmem:s14+$0x11000]  }
0x514: {  	s0 =	spop (v2sf);
	[tilespmem:s22+$0x290] =	vst.add.f32.msk $0xffff, v7  }
0x515: {  	v7 =	vld [tilespmem:s0+$0x11000]  }
0x516: {  	[tilespmem:s22+$0xFFFFFC60] =	vst.add.f32.msk $0xffff, v6  }
0x517: {  	v6 =	vld [tilespmem:s5+$0x11010]  }
0x518: {  	[tilespmem:s22+$0x50] =	vst.add.f32.msk $0xffff, v8  }
0x519: {  	v8 =	vld [tilespmem:s13+$0x11000]  }
0x51a: {  	[tilespmem:s22+$0x2A0] =	vst.add.f32.msk $0xffff, v7  }
0x51b: {  	v7 =	vld [tilespmem:s0+$0x11010]  }
0x51c: {  	[tilespmem:s22+$0xFFFFFE60] =	vst.add.f32.msk $0xffff, v5  }
0x51d: {  	(v2sf) =	vpush v4, $0x7;
	v5 =	vld [tilespmem:s14+$0x11010]  }
0x51e: {  	[tilespmem:s22+$0xFFFFFC70] =	vst.add.f32.msk $0xffff, v6  }
0x51f: {  	[tilespmem:s22+$0x60] =	vst.add.f32.msk $0xffff, v8  }
0x520: {  	s5 =	spop (v2sf);
	[tilespmem:s22+$0x2B0] =	vst.add.f32.msk $0xffff, v7  }
0x521: {  	v7 =	vld [tilespmem:s5+$0x11000]  }
0x522: {  	v6 =	vld [tilespmem:s31+$0x11000]  }
0x523: {  	v8 =	vld [tilespmem:s13+$0x11010]  }
0x524: {  	[tilespmem:s22+$0xFFFFFE70] =	vst.add.f32.msk $0xffff, v5  }
0x525: {  	v5 =	vld [tilespmem:s30+$0x11000]  }
0x526: {  	[tilespmem:s22+$0x2C0] =	vst.add.f32.msk $0xffff, v7  }
0x527: {  	v7 =	vld [tilespmem:s5+$0x11010]  }
0x528: {  	[tilespmem:s22+$0xFFFFFC80] =	vst.add.f32.msk $0xffff, v6  }
0x529: {  	(v2sf) =	vpush v4, $0x8;
	v6 =	vld [tilespmem:s31+$0x11010]  }
0x52a: {  	[tilespmem:s22+$0x70] =	vst.add.f32.msk $0xffff, v8  }
0x52b: {  	[tilespmem:s22+$0xFFFFFE80] =	vst.add.f32.msk $0xffff, v5  }
0x52c: {  	s13 =	spop (v2sf);
	[tilespmem:s22+$0x2D0] =	vst.add.f32.msk $0xffff, v7  }
0x52d: {  	v7 =	vld [tilespmem:s13+$0x11000]  }
0x52e: {  	v8 =	vld [tilespmem:s29+$0x11000]  }
0x52f: {  	v5 =	vld [tilespmem:s30+$0x11010]  }
0x530: {  	[tilespmem:s22+$0xFFFFFC90] =	vst.add.f32.msk $0xffff, v6  }
0x531: {  	v6 =	vld [tilespmem:s6+$0x11000]  }
0x532: {  	[tilespmem:s22+$0x2E0] =	vst.add.f32.msk $0xffff, v7  }
0x533: {  	v7 =	vld [tilespmem:s13+$0x11010]  }
0x534: {  	[tilespmem:s22+$0x80] =	vst.add.f32.msk $0xffff, v8  }
0x535: {  	(v2sf) =	vpush v4, $0x9;
	v8 =	vld [tilespmem:s29+$0x11010]  }
0x536: {  	[tilespmem:s22+$0xFFFFFE90] =	vst.add.f32.msk $0xffff, v5  }
0x537: {  	v5 =	vld [tilespmem:s28+$0x11000]  }
0x538: {  	s14 =	spop (v2sf);
	[tilespmem:s22+$0x2F0] =	vst.add.f32.msk $0xffff, v7  }
0x539: {  	v7 =	vld [tilespmem:s14+$0x11000]  }
0x53a: {  	[tilespmem:s22+$0xFFFFFCA0] =	vst.add.f32.msk $0xffff, v6  }
0x53b: {  	v6 =	vld [tilespmem:s6+$0x11010]  }
0x53c: {  	[tilespmem:s22+$0x90] =	vst.add.f32.msk $0xffff, v8  }
0x53d: {  	v8 =	vld [tilespmem:s26+$0x11000]  }
0x53e: {  	[tilespmem:s22+$0x300] =	vst.add.f32.msk $0xffff, v7  }
0x53f: {  	v7 =	vld [tilespmem:s14+$0x11010]  }
0x540: {  	[tilespmem:s22+$0xFFFFFEA0] =	vst.add.f32.msk $0xffff, v5  }
0x541: {  	(v2sf) =	vpush v4, $0xA;
	v5 =	vld [tilespmem:s28+$0x11010]  }
0x542: {  	[tilespmem:s22+$0xFFFFFCB0] =	vst.add.f32.msk $0xffff, v6  }
0x543: {  	[tilespmem:s22+$0xA0] =	vst.add.f32.msk $0xffff, v8  }
0x544: {  	s29 =	spop (v2sf);
	[tilespmem:s22+$0x310] =	vst.add.f32.msk $0xffff, v7  }
0x545: {  	v7 =	vld [tilespmem:s29+$0x11000]  }
0x546: {  	v6 =	vld [tilespmem:s25+$0x11000]  }
0x547: {  	v8 =	vld [tilespmem:s26+$0x11010]  }
0x548: {  	[tilespmem:s22+$0xFFFFFEB0] =	vst.add.f32.msk $0xffff, v5  }
0x549: {  	v5 =	vld [tilespmem:s24+$0x11000]  }
0x54a: {  	[tilespmem:s22+$0x320] =	vst.add.f32.msk $0xffff, v7  }
0x54b: {  	v7 =	vld [tilespmem:s29+$0x11010]  }
0x54c: {  	[tilespmem:s22+$0xFFFFFCC0] =	vst.add.f32.msk $0xffff, v6  }
0x54d: {  	(v2sf) =	vpush v4, $0xB;
	v6 =	vld [tilespmem:s25+$0x11010]  }
0x54e: {  	[tilespmem:s22+$0xB0] =	vst.add.f32.msk $0xffff, v8  }
0x54f: {  	[tilespmem:s22+$0xFFFFFEC0] =	vst.add.f32.msk $0xffff, v5  }
0x550: {  	s30 =	spop (v2sf);
	[tilespmem:s22+$0x330] =	vst.add.f32.msk $0xffff, v7  }
0x551: {  	v7 =	vld [tilespmem:s30+$0x11000]  }
0x552: {  	v8 =	vld [tilespmem:s23+$0x11000]  }
0x553: {  	v5 =	vld [tilespmem:s24+$0x11010]  }
0x554: {  	[tilespmem:s22+$0xFFFFFCD0] =	vst.add.f32.msk $0xffff, v6  }
0x555: {  	v6 =	vld [tilespmem:s21+$0x11000]  }
0x556: {  	[tilespmem:s22+$0x340] =	vst.add.f32.msk $0xffff, v7  }
0x557: {  	v7 =	vld [tilespmem:s30+$0x11010]  }
0x558: {  	[tilespmem:s22+$0xC0] =	vst.add.f32.msk $0xffff, v8  }
0x559: {  	(v2sf) =	vpush v4, $0xC;
	v8 =	vld [tilespmem:s23+$0x11010]  }
0x55a: {  	[tilespmem:s22+$0xFFFFFED0] =	vst.add.f32.msk $0xffff, v5  }
0x55b: {  	v5 =	vld [tilespmem:s20+$0x11000]  }
0x55c: {  	s5 =	spop (v2sf);
	[tilespmem:s22+$0x350] =	vst.add.f32.msk $0xffff, v7  }
0x55d: {  	v7 =	vld [tilespmem:s5+$0x11000]  }
0x55e: {  	[tilespmem:s22+$0xFFFFFCE0] =	vst.add.f32.msk $0xffff, v6  }
0x55f: {  	v6 =	vld [tilespmem:s21+$0x11010]  }
0x560: {  	[tilespmem:s22+$0xD0] =	vst.add.f32.msk $0xffff, v8  }
0x561: {  	v8 =	vld [tilespmem:s19+$0x11000]  }
0x562: {  	[tilespmem:s22+$0x360] =	vst.add.f32.msk $0xffff, v7  }
0x563: {  	v7 =	vld [tilespmem:s5+$0x11010]  }
0x564: {  	[tilespmem:s22+$0xFFFFFEE0] =	vst.add.f32.msk $0xffff, v5  }
0x565: {  	(v2sf) =	vpush v4, $0xD;
	v5 =	vld [tilespmem:s20+$0x11010]  }
0x566: {  	[tilespmem:s22+$0xFFFFFCF0] =	vst.add.f32.msk $0xffff, v6  }
0x567: {  	[tilespmem:s22+$0xE0] =	vst.add.f32.msk $0xffff, v8  }
0x568: {  	s6 =	spop (v2sf);
	[tilespmem:s22+$0x370] =	vst.add.f32.msk $0xffff, v7  }
0x569: {  	v7 =	vld [tilespmem:s6+$0x11000]  }
0x56a: {  	v6 =	vld [tilespmem:s18+$0x11000]  }
0x56b: {  	v8 =	vld [tilespmem:s19+$0x11010]  }
0x56c: {  	[tilespmem:s22+$0xFFFFFEF0] =	vst.add.f32.msk $0xffff, v5  }
0x56d: {  	v5 =	vld [tilespmem:s17+$0x11000]  }
0x56e: {  	[tilespmem:s22+$0x380] =	vst.add.f32.msk $0xffff, v7  }
0x56f: {  	v7 =	vld [tilespmem:s6+$0x11010]  }
0x570: {  	[tilespmem:s22+$0xFFFFFD00] =	vst.add.f32.msk $0xffff, v6  }
0x571: {  	(v2sf) =	vpush v4, $0xE;
	v6 =	vld [tilespmem:s18+$0x11010]  }
0x572: {  	[tilespmem:s22+$0xF0] =	vst.add.f32.msk $0xffff, v8  }
0x573: {  	[tilespmem:s22+$0xFFFFFF00] =	vst.add.f32.msk $0xffff, v5  }
0x574: {  	s13 =	spop (v2sf);
	[tilespmem:s22+$0x390] =	vst.add.f32.msk $0xffff, v7  }
0x575: {  	v7 =	vld [tilespmem:s13+$0x11000]  }
0x576: {  	v8 =	vld [tilespmem:s16+$0x11000]  }
0x577: {  	v5 =	vld [tilespmem:s17+$0x11010]  }
0x578: {  	[tilespmem:s22+$0xFFFFFD10] =	vst.add.f32.msk $0xffff, v6  }
0x579: {  	v6 =	vld [tilespmem:s15+$0x11000]  }
0x57a: {  	[tilespmem:s22+$0x3A0] =	vst.add.f32.msk $0xffff, v7  }
0x57b: {  	v7 =	vld [tilespmem:s13+$0x11010]  }
0x57c: {  	[tilespmem:s22+$0x100] =	vst.add.f32.msk $0xffff, v8  }
0x57d: {  	(v2sf) =	vpush v4, $0xF;
	v4 =	vld [tilespmem:s16+$0x11010]  }
0x57e: {  	[tilespmem:s22+$0xFFFFFF10] =	vst.add.f32.msk $0xffff, v5  }
0x57f: {  	v5 =	vld [tilespmem:s9+$0x11000]  }
0x580: {  	s14 =	spop (v2sf);
	[tilespmem:s22+$0x3B0] =	vst.add.f32.msk $0xffff, v7  }
0x581: {  	v7 =	vld [tilespmem:s14+$0x11000]  }
0x582: {  	[tilespmem:s22+$0xFFFFFD20] =	vst.add.f32.msk $0xffff, v6  }
0x583: {  	v6 =	vld [tilespmem:s15+$0x11010]  }
0x584: {  	[tilespmem:s22+$0x110] =	vst.add.f32.msk $0xffff, v4  }
0x585: {  	v4 =	vld [tilespmem:s10+$0x11000]  }
0x586: {  	[tilespmem:s22+$0x3C0] =	vst.add.f32.msk $0xffff, v7  }
0x587: {  	v7 =	vld [tilespmem:s14+$0x11010]  }
0x588: {  	[tilespmem:s22+$0xFFFFFF20] =	vst.add.f32.msk $0xffff, v5  }
0x589: {  	v5 =	vld [tilespmem:s9+$0x11010]  }
0x58a: {  	[tilespmem:s22+$0xFFFFFD30] =	vst.add.f32.msk $0xffff, v6  }
0x58b: {  	v6 =	vld [tilespmem:s12+$0x11000]  }
0x58c: {  	s15 =	spop (v2sf);
	[tilespmem:s22+$0x3D0] =	vst.add.f32.msk $0xffff, v7  }
0x58d: {  	v7 =	vld [tilespmem:s15+$0x11000]  }
0x58e: {  	[tilespmem:s22+$0x120] =	vst.add.f32.msk $0xffff, v4  }
0x58f: {  	v4 =	vld [tilespmem:s10+$0x11010]  }
0x590: {  	[tilespmem:s22+$0xFFFFFF30] =	vst.add.f32.msk $0xffff, v5  }
0x591: {  	[tilespmem:s22+$0xFFFFFD40] =	vst.add.f32.msk $0xffff, v6  }
0x592: {  	[tilespmem:s22+$0x3E0] =	vst.add.f32.msk $0xffff, v7  }
0x593: {  	s16 =	sld [smem:$0x7CE]  }
0x594: {  	v6 =	vld [tilespmem:s12+$0x11010];
	_ =	sdelay $0x1  }
0x595: {  	v5 =	vld [tilespmem:s16+$0x11000]  }
0x596: {  	[tilespmem:s22+$0x130] =	vst.add.f32.msk $0xffff, v4  }
0x597: {  	v4 =	vld [tilespmem:s11+$0x11000]  }
0x598: {  	[tilespmem:s22+$0xFFFFFD50] =	vst.add.f32.msk $0xffff, v6  }
0x599: {  	v6 =	vld [tilespmem:s8+$0x11000]  }
0x59a: {  	[tilespmem:s22+$0xFFFFFF40] =	vst.add.f32.msk $0xffff, v5  }
0x59b: {  	v5 =	vld [tilespmem:s16+$0x11010]  }
0x59c: {  	[tilespmem:s22+$0x140] =	vst.add.f32.msk $0xffff, v4  }
0x59d: {  	v4 =	vld [tilespmem:s11+$0x11010];
	_ =	sdelay $0x1  }
0x59e: {  	[tilespmem:s22+$0xFFFFFD60] =	vst.add.f32.msk $0xffff, v6  }
0x59f: {  	[tilespmem:s22+$0xFFFFFF50] =	vst.add.f32.msk $0xffff, v5  }
0x5a0: {  	v6 =	vld [tilespmem:s8+$0x11010];
	s17 =	sld [smem:$0x7CF]  }
0x5a1: {  	s0 =	simm.s32 $0x9400;
	[tilespmem:s22+$0x150] =	vst.add.f32.msk $0xffff, v4  }
0x5a2: {  	s18 =	sld [smem:$0x7D0];
	[tilespmem:s0+$0xFFFFFDD0] =	vst.add.f32.msk $0xffff, v3  }
0x5a3: {  	s20 =	sld [smem:$0x7D1];
	v5 =	vld [tilespmem:s17+$0x11000];
	_ =	sdelay $0x1  }
0x5a4: {  	v4 =	vld [tilespmem:s18+$0x11000]  }
0x5a5: {  	v3 =	vld [tilespmem:s20+$0x11000]  }
0x5a6: {  	[tilespmem:s22+$0xFFFFFD70] =	vst.add.f32.msk $0xffff, v6  }
0x5a7: {  	[tilespmem:s22+$0xFFFFFF60] =	vst.add.f32.msk $0xffff, v5  }
0x5a8: {  	v5 =	vld [tilespmem:s17+$0x11010]  }
0x5a9: {  	[tilespmem:s22+$0x160] =	vst.add.f32.msk $0xffff, v4  }
0x5aa: {  	[tilespmem:s0+$0xFFFFFDE0] =	vst.add.f32.msk $0xffff, v3  }
0x5ab: {  	v4 =	vld [tilespmem:s18+$0x11010];
	s21 =	sld [smem:$0x7D2]  }
0x5ac: {  	[tilespmem:s0+$0xFFFFFFD0] =	vst.add.f32.msk $0xffff, v2  }
0x5ad: {  	s23 =	sld [smem:$0x7D3];
	[tilespmem:s22+$0xFFFFFF70] =	vst.add.f32.msk $0xffff, v5  }
0x5ae: {  	v6 =	vld [tilespmem:s21+$0x11000];
	s24 =	sld [smem:$0x7D4]  }
0x5af: {  	v7 =	vld [tilespmem:s15+$0x11010]  }
0x5b0: {  	v2 =	vld [tilespmem:s23+$0x11000]  }
0x5b1: {  	v5 =	vld [tilespmem:s24+$0x11000]  }
0x5b2: {  	[tilespmem:s22+$0x170] =	vst.add.f32.msk $0xffff, v4  }
0x5b3: {  	[tilespmem:s22+$0xFFFFFD80] =	vst.add.f32.msk $0xffff, v6  }
0x5b4: {  	v8 =	vld [tilespmem:s21+$0x11010]  }
0x5b5: {  	[tilespmem:s0+$0xFFFFFFE0] =	vst.add.f32.msk $0xffff, v2  }
0x5b6: {  	[tilespmem:s22+$0xFFFFFF80] =	vst.add.f32.msk $0xffff, v5  }
0x5b7: {  	v3 =	vld [tilespmem:s20+$0x11010];
	s25 =	sld [smem:$0x7D5]  }
0x5b8: {  	[tilespmem:s0+$0x1D0] =	vst.add.f32.msk $0xffff, v1  }
0x5b9: {  	s26 =	sld [smem:$0x7D6];
	[tilespmem:s22+$0xFFFFFD90] =	vst.add.f32.msk $0xffff, v8  }
0x5ba: {  	v4 =	vld [tilespmem:s25+$0x11000]  }
0x5bb: {  	v6 =	vld [tilespmem:s23+$0x11010];
	s28 =	sld [smem:$0x7D7]  }
0x5bc: {  	v2 =	vld [tilespmem:s24+$0x11010]  }
0x5bd: {  	v1 =	vld [tilespmem:s26+$0x11000]  }
0x5be: {  	v5 =	vld [tilespmem:s28+$0x11000]  }
0x5bf: {  	[tilespmem:s22+$0x180] =	vst.add.f32.msk $0xffff, v4  }
0x5c0: {  	v4 =	vld [tilespmem:s25+$0x11010]  }
0x5c1: {  	[tilespmem:s22+$0xFFFFFF90] =	vst.add.f32.msk $0xffff, v2  }
0x5c2: {  	[tilespmem:s0+$0x1E0] =	vst.add.f32.msk $0xffff, v1  }
0x5c3: {  	v1 =	vld [tilespmem:s26+$0x11010]  }
0x5c4: {  	[tilespmem:s22+$0xFFFFFDA0] =	vst.add.f32.msk $0xffff, v5  }
0x5c5: {  	[tilespmem:s22+$0x190] =	vst.add.f32.msk $0xffff, v4  }
0x5c6: {  	v5 =	vld [tilespmem:s28+$0x11010];
	s29 =	sld [smem:$0x7D8]  }
0x5c7: {  	s30 =	sld [smem:$0x7D9];
	[tilespmem:s0+$0x3F0] =	vst.add.f32.msk $0xffff, v0  }
0x5c8: {  	[tilespmem:s22+$0x3F0] =	vst.add.f32.msk $0xffff, v7  }
0x5c9: {  	v2 =	vld [tilespmem:s29+$0x11000]  }
0x5ca: {  	v4 =	vld [tilespmem:s30+$0x11000]  }
0x5cb: {  	[tilespmem:s0+$0xFFFFFDF0] =	vst.add.f32.msk $0xffff, v3  }
0x5cc: {  	[tilespmem:s22+$0xFFFFFDB0] =	vst.add.f32.msk $0xffff, v5  }
0x5cd: {  	v0 =	vld [tilespmem:s4+$0x11000]  }
0x5ce: {  	[tilespmem:s22+$0xFFFFFFA0] =	vst.add.f32.msk $0xffff, v2  }
0x5cf: {  	[tilespmem:s22+$0x1A0] =	vst.add.f32.msk $0xffff, v4  }
0x5d0: {  	v2 =	vld [tilespmem:s29+$0x11010]  }
0x5d1: {  	s31 =	simm.s32 $0xCA0;
	s19 =	smov.u32 s7;
	s13 =	simm.s32 $0x4;
	v3 =	vld [tilespmem:s30+$0x11010]  }
.LBB2_5:
0x5d2: {  	v4 =	vld [tilespmem:s31+$0x10]  }
0x5d3: {  	v5 =	vld [tilespmem:s31+$0xFFFFFFF0]  }
0x5d4: {  	v7 =	vld [tilespmem:s31+$0x0]  }
0x5d5: {  	v8 =	vld [tilespmem:s31+$0xFFFFFFE0]  }
0x5d6: {  	[tilespmem:s22+$0xFFFFFFB0] =	vst.add.f32.msk $0xffff, v2  }
0x5d7: {  	[tilespmem:s22+$0x1B0] =	vst.add.f32.msk $0xffff, v3;
	v2 =	vshll.u32 v4, $0x5  }
0x5d8: {  	s5 =	rddreg [dreg:$0x4];
	v4 =	vshll.u32 v5, $0x5;
	v9 =	vld [tilespmem:s19+$0x11000];
	(v2sf) =	vpush v2, $0x0  }
0x5d9: {  	v3 =	vshll.u32 v7, $0x5;
	v7 =	vld [tilespmem:s5+$0x11000];
	(v2sf) =	vpush v4, $0x0  }
0x5da: {  	[tilespmem:s22+$0xFFFFFDC0] =	vst.add.f32.msk $0xffff, v0;
	v5 =	vshll.u32 v8, $0x5;
	(v2sf) =	vpush v3, $0x0  }
0x5db: {  	v0 =	vld [tilespmem:s4+$0x11010];
	(v2sf) =	vpush v5, $0x0  }
0x5dc: {  	[tilespmem:s0+$0xFFFFFFF0] =	vst.add.f32.msk $0xffff, v6  }
0x5dd: {  	[tilespmem:s22+$0xFFFFFFC0] =	vst.add.f32.msk $0xffff, v9  }
0x5de: {  	(v2sf) =	vpush v5, $0x1;
	[tilespmem:s22+$0x1C0] =	vst.add.f32.msk $0xffff, v7  }
0x5df: {  	(v2sf) =	vpush v4, $0x1;
	v6 =	vld [tilespmem:s19+$0x11010]  }
0x5e0: {  	v7 =	vld [tilespmem:s5+$0x11010];
	(v2sf) =	vpush v3, $0x1  }
0x5e1: {  	[tilespmem:s22+$0xFFFFFDD0] =	vst.add.f32.msk $0xffff, v0;
	(v2sf) =	vpush v5, $0x2  }
0x5e2: {  	v8 =	vld [tilespmem:s1+$0x11000];
	(v2sf) =	vpush v4, $0x2  }
0x5e3: {  	[tilespmem:s0+$0x1F0] =	vst.add.f32.msk $0xffff, v1;
	(v2sf) =	vpush v3, $0x2  }
0x5e4: {  	(v2sf) =	vpush v5, $0x3;
	[tilespmem:s22+$0xFFFFFFD0] =	vst.add.f32.msk $0xffff, v6  }
0x5e5: {  	[tilespmem:s22+$0x1D0] =	vst.add.f32.msk $0xffff, v7;
	(v2sf) =	vpush v4, $0x3  }
0x5e6: {  	v1 =	vld [tilespmem:s2+$0x11000];
	(v2sf) =	vpush v2, $0x1  }
0x5e7: {  	v0 =	vld [tilespmem:s3+$0x11000];
	s15 =	spop (v2sf)  }
0x5e8: {  	(v2sf) =	vpush v3, $0x3;
	v6 =	vld [tilespmem:s15+$0x11000];
	s16 =	spop (v2sf)  }
0x5e9: {  	(v2sf) =	vpush v5, $0x4;
	v7 =	vld [tilespmem:s16+$0x11000];
	s17 =	spop (v2sf)  }
0x5ea: {  	(v2sf) =	vpush v4, $0x4;
	v63 =	vld [tilespmem:s17+$0x11000];
	s18 =	spop (v2sf)  }
0x5eb: {  	s14 =	smov.u32 s22;
	(v2sf) =	vpush v3, $0x4;
	v10 =	vld [tilespmem:s18+$0x11000]  }
0x5ec: {  	s22 =	sadd.s32 $0x800, s22;
	(v2sf) =	vpush v5, $0x5;
	[tilespmem:s14+$0xFFFFFDE0] =	vst.add.f32.msk $0xffff, v8  }
0x5ed: {  	(v2sf) =	vpush v4, $0x5;
	s8 =	spop (v2sf);
	[tilespmem:s22+$0x200] =	vst.add.f32.msk $0xffff, v6  }
0x5ee: {  	[dreg:$0xa] =	wrdreg s1;
	(v2sf) =	vpush v3, $0x5;
	s1 =	spop (v2sf);
	v6 =	vld [tilespmem:s15+$0x11010]  }
0x5ef: {  	(v2sf) =	vpush v5, $0x6;
	s19 =	spop (v2sf);
	[tilespmem:s22+$0xFFFFFE00] =	vst.add.f32.msk $0xffff, v7  }
0x5f0: {  	[dreg:$0xc] =	wrdreg s14;
	(v2sf) =	vpush v4, $0x6;
	s14 =	spop (v2sf);
	[tilespmem:s22+$0x0] =	vst.add.f32.msk $0xffff, v63  }
0x5f1: {  	(v2sf) =	vpush v3, $0x6;
	s6 =	spop (v2sf);
	v8 =	vld [tilespmem:s16+$0x11010]  }
0x5f2: {  	(v2sf) =	vpush v5, $0x7;
	[tilespmem:s22+$0xFFFFFC00] =	vst.add.f32.msk $0xffff, v10;
	s12 =	spop (v2sf)  }
0x5f3: {  	(v2sf) =	vpush v2, $0x2;
	v9 =	vld [tilespmem:s17+$0x11010];
	s30 =	spop (v2sf)  }
0x5f4: {  	(v2sf) =	vpush v4, $0x7;
	v7 =	vld [tilespmem:s18+$0x11010];
	s29 =	spop (v2sf)  }
0x5f5: {  	(v2sf) =	vpush v3, $0x7;
	[tilespmem:s22+$0x210] =	vst.add.f32.msk $0xffff, v6;
	s10 =	spop (v2sf)  }
0x5f6: {  	(v2sf) =	vpush v5, $0x8;
	v6 =	vld [tilespmem:s10+$0x11000]  }
0x5f7: {  	(v2sf) =	vpush v4, $0x8;
	s18 =	spop (v2sf);
	[tilespmem:s22+$0xFFFFFE10] =	vst.add.f32.msk $0xffff, v8  }
0x5f8: {  	s9 =	spop (v2sf);
	(v2sf) =	vpush v3, $0x8;
	[tilespmem:s22+$0x10] =	vst.add.f32.msk $0xffff, v9  }
0x5f9: {  	v8 =	vld [tilespmem:s1+$0x11000];
	(v2sf) =	vpush v5, $0x9;
	s7 =	spop (v2sf)  }
0x5fa: {  	[tilespmem:s22+$0xFFFFFC10] =	vst.add.f32.msk $0xffff, v7;
	(v2sf) =	vpush v4, $0x9;
	s28 =	spop (v2sf)  }
0x5fb: {  	v9 =	vld [tilespmem:s19+$0x11000];
	s0 =	spop (v2sf);
	(v2sf) =	vpush v3, $0x9  }
0x5fc: {  	[tilespmem:s22+$0x220] =	vst.add.f32.msk $0xffff, v6;
	(v2sf) =	vpush v5, $0xA;
	s21 =	spop (v2sf)  }
0x5fd: {  	v6 =	vld [tilespmem:s10+$0x11010];
	(v2sf) =	vpush v4, $0xA;
	s26 =	spop (v2sf)  }
0x5fe: {  	v7 =	vld [tilespmem:s8+$0x11000];
	s24 =	spop (v2sf);
	(v2sf) =	vpush v3, $0xA  }
0x5ff: {  	[tilespmem:s22+$0xFFFFFE20] =	vst.add.f32.msk $0xffff, v8;
	s15 =	spop (v2sf);
	(v2sf) =	vpush v2, $0x3  }
0x600: {  	[tilespmem:s22+$0x20] =	vst.add.f32.msk $0xffff, v9;
	(v2sf) =	vpush v5, $0xB;
	s25 =	spop (v2sf)  }
0x601: {  	v8 =	vld [tilespmem:s1+$0x11010];
	s23 =	spop (v2sf);
	(v2sf) =	vpush v4, $0xB  }
0x602: {  	[tilespmem:s22+$0x230] =	vst.add.f32.msk $0xffff, v6;
	(v2sf) =	vpush v3, $0xB;
	s11 =	spop (v2sf)  }
0x603: {  	v6 =	vld [tilespmem:s11+$0x11000];
	(v2sf) =	vpush v5, $0xC;
	s4 =	spop (v2sf)  }
0x604: {  	[dreg:$0x6] =	wrdreg s3;
	[tilespmem:s22+$0xFFFFFC20] =	vst.add.f32.msk $0xffff, v7;
	(v2sf) =	vpush v4, $0xC;
	s3 =	spop (v2sf)  }
0x605: {  	v7 =	vld [tilespmem:s8+$0x11010];
	s10 =	spop (v2sf);
	(v2sf) =	vpush v3, $0xC  }
0x606: {  	[dreg:$0x8] =	wrdreg s2;
	v9 =	vld [tilespmem:s19+$0x11010];
	(v2sf) =	vpush v5, $0xD;
	s2 =	spop (v2sf)  }
0x607: {  	[tilespmem:s22+$0xFFFFFE30] =	vst.add.f32.msk $0xffff, v8;
	(v2sf) =	vpush v4, $0xD;
	s16 =	spop (v2sf)  }
0x608: {  	[tilespmem:s22+$0x240] =	vst.add.f32.msk $0xffff, v6;
	s20 =	spop (v2sf);
	(v2sf) =	vpush v3, $0xD  }
0x609: {  	v6 =	vld [tilespmem:s11+$0x11010];
	(v2sf) =	vpush v5, $0xE;
	s17 =	spop (v2sf)  }
0x60a: {  	[tilespmem:s22+$0xFFFFFC30] =	vst.add.f32.msk $0xffff, v7;
	(v2sf) =	vpush v4, $0xE;
	s8 =	spop (v2sf)  }
0x60b: {  	v7 =	vld [tilespmem:s14+$0x11000];
	s11 =	spop (v2sf);
	(v2sf) =	vpush v2, $0x4  }
0x60c: {  	[tilespmem:s22+$0x30] =	vst.add.f32.msk $0xffff, v9;
	s19 =	spop (v2sf);
	(v2sf) =	vpush v3, $0xE  }
0x60d: {  	[smem:$0x7C0] =	sst s11;
	(v2sf) =	vpush v5, $0xF;
	s11 =	spop (v2sf);
	v5 =	vld [tilespmem:s12+$0x11000]  }
0x60e: {  	[smem:$0x7C1] =	sst s19;
	[tilespmem:s22+$0x250] =	vst.add.f32.msk $0xffff, v6;
	s19 =	spop (v2sf)  }
0x60f: {  	(v2sf) =	vpush v4, $0xF;
	v4 =	vld [tilespmem:s19+$0x11000];
	s5 =	spop (v2sf)  }
0x610: {  	[tilespmem:s22+$0xFFFFFC40] =	vst.add.f32.msk $0xffff, v7;
	[smem:$0x7C2] =	sst s5;
	s5 =	spop (v2sf)  }
0x611: {  	(v2sf) =	vpush v3, $0xF;
	v3 =	vld [tilespmem:s6+$0x11000];
	[dreg:$0x1a] =	wrdreg s5;
	s5 =	spop (v2sf)  }
0x612: {  	[dreg:$0x1c] =	wrdreg s5;
	s5 =	spop (v2sf);
	[tilespmem:s22+$0x40] =	vst.add.f32.msk $0xffff, v5  }
0x613: {  	[dreg:$0x18] =	wrdreg s5;
	s5 =	spop (v2sf);
	v6 =	vld [tilespmem:s12+$0x11010]  }
0x614: {  	[dreg:$0x14] =	wrdreg s5;
	[tilespmem:s22+$0x260] =	vst.add.f32.msk $0xffff, v4;
	s5 =	spop (v2sf)  }
0x615: {  	[dreg:$0x16] =	wrdreg s5;
	v4 =	vld [tilespmem:s19+$0x11010];
	s5 =	spop (v2sf)  }
0x616: {  	[tilespmem:s22+$0xFFFFFE40] =	vst.add.f32.msk $0xffff, v3;
	s19 =	spop (v2sf)  }
0x617: {  	v3 =	vld [tilespmem:s14+$0x11010];
	[dreg:$0x12] =	wrdreg s5;
	s5 =	spop (v2sf);
	(v2sf) =	vpush v2, $0x5  }
0x618: {  	v5 =	vld [tilespmem:s6+$0x11010];
	s1 =	spop (v2sf)  }
0x619: {  	[dreg:$0xe] =	wrdreg s19;
	[tilespmem:s22+$0x50] =	vst.add.f32.msk $0xffff, v6;
	s19 =	spop (v2sf)  }
0x61a: {  	[tilespmem:s22+$0x270] =	vst.add.f32.msk $0xffff, v4;
	s14 =	spop (v2sf)  }
0x61b: {  	v4 =	vld [tilespmem:s14+$0x11000]  }
0x61c: {  	[tilespmem:s22+$0xFFFFFC50] =	vst.add.f32.msk $0xffff, v3  }
0x61d: {  	v6 =	vld [tilespmem:s18+$0x11000]  }
0x61e: {  	v3 =	vld [tilespmem:s30+$0x11000]  }
0x61f: {  	[tilespmem:s22+$0xFFFFFE50] =	vst.add.f32.msk $0xffff, v5  }
0x620: {  	[dreg:$0x10] =	wrdreg s5;
	s5 =	spop (v2sf);
	[tilespmem:s22+$0x280] =	vst.add.f32.msk $0xffff, v4  }
0x621: {  	s6 =	spop (v2sf);
	v4 =	vld [tilespmem:s14+$0x11010]  }
0x622: {  	v5 =	vld [tilespmem:s29+$0x11000];
	s12 =	spop (v2sf)  }
0x623: {  	[dreg:$0x1e] =	wrdreg s12;
	s12 =	spop (v2sf);
	(v2sf) =	vpush v2, $0x6;
	[tilespmem:s22+$0x60] =	vst.add.f32.msk $0xffff, v6  }
0x624: {  	[tilespmem:s22+$0xFFFFFC60] =	vst.add.f32.msk $0xffff, v3  }
0x625: {  	v6 =	vld [tilespmem:s18+$0x11010]  }
0x626: {  	[tilespmem:s22+$0x290] =	vst.add.f32.msk $0xffff, v4;
	s14 =	spop (v2sf)  }
0x627: {  	v4 =	vld [tilespmem:s14+$0x11000]  }
0x628: {  	[tilespmem:s22+$0xFFFFFE60] =	vst.add.f32.msk $0xffff, v5  }
0x629: {  	v3 =	vld [tilespmem:s30+$0x11010]  }
0x62a: {  	v5 =	vld [tilespmem:s29+$0x11010]  }
0x62b: {  	[tilespmem:s22+$0x70] =	vst.add.f32.msk $0xffff, v6  }
0x62c: {  	[tilespmem:s22+$0x2A0] =	vst.add.f32.msk $0xffff, v4  }
0x62d: {  	v4 =	vld [tilespmem:s14+$0x11010]  }
0x62e: {  	[tilespmem:s22+$0xFFFFFC70] =	vst.add.f32.msk $0xffff, v3  }
0x62f: {  	v6 =	vld [tilespmem:s28+$0x11000];
	(v2sf) =	vpush v2, $0x7  }
0x630: {  	v3 =	vld [tilespmem:s9+$0x11000]  }
0x631: {  	[tilespmem:s22+$0xFFFFFE70] =	vst.add.f32.msk $0xffff, v5  }
0x632: {  	[dreg:$0x4] =	wrdreg s5;
	s5 =	spop (v2sf);
	[tilespmem:s22+$0x2B0] =	vst.add.f32.msk $0xffff, v4  }
0x633: {  	v4 =	vld [tilespmem:s5+$0x11000]  }
0x634: {  	v5 =	vld [tilespmem:s7+$0x11000]  }
0x635: {  	[tilespmem:s22+$0x80] =	vst.add.f32.msk $0xffff, v6  }
0x636: {  	[tilespmem:s22+$0xFFFFFC80] =	vst.add.f32.msk $0xffff, v3  }
0x637: {  	v6 =	vld [tilespmem:s28+$0x11010]  }
0x638: {  	[tilespmem:s22+$0x2C0] =	vst.add.f32.msk $0xffff, v4  }
0x639: {  	v4 =	vld [tilespmem:s5+$0x11010]  }
0x63a: {  	[tilespmem:s22+$0xFFFFFE80] =	vst.add.f32.msk $0xffff, v5  }
0x63b: {  	v3 =	vld [tilespmem:s9+$0x11010];
	(v2sf) =	vpush v2, $0x8  }
0x63c: {  	v5 =	vld [tilespmem:s7+$0x11010]  }
0x63d: {  	[tilespmem:s22+$0x90] =	vst.add.f32.msk $0xffff, v6  }
0x63e: {  	s14 =	spop (v2sf);
	[tilespmem:s22+$0x2D0] =	vst.add.f32.msk $0xffff, v4  }
0x63f: {  	v4 =	vld [tilespmem:s14+$0x11000]  }
0x640: {  	[tilespmem:s22+$0xFFFFFC90] =	vst.add.f32.msk $0xffff, v3  }
0x641: {  	v6 =	vld [tilespmem:s26+$0x11000]  }
0x642: {  	v3 =	vld [tilespmem:s0+$0x11000]  }
0x643: {  	[tilespmem:s22+$0xFFFFFE90] =	vst.add.f32.msk $0xffff, v5  }
0x644: {  	[tilespmem:s22+$0x2E0] =	vst.add.f32.msk $0xffff, v4  }
0x645: {  	v4 =	vld [tilespmem:s14+$0x11010]  }
0x646: {  	v5 =	vld [tilespmem:s21+$0x11000]  }
0x647: {  	(v2sf) =	vpush v2, $0x9;
	[tilespmem:s22+$0xA0] =	vst.add.f32.msk $0xffff, v6  }
0x648: {  	[tilespmem:s22+$0xFFFFFCA0] =	vst.add.f32.msk $0xffff, v3  }
0x649: {  	v6 =	vld [tilespmem:s26+$0x11010]  }
0x64a: {  	s18 =	spop (v2sf);
	[tilespmem:s22+$0x2F0] =	vst.add.f32.msk $0xffff, v4  }
0x64b: {  	v4 =	vld [tilespmem:s18+$0x11000]  }
0x64c: {  	[tilespmem:s22+$0xFFFFFEA0] =	vst.add.f32.msk $0xffff, v5  }
0x64d: {  	v3 =	vld [tilespmem:s0+$0x11010]  }
0x64e: {  	v5 =	vld [tilespmem:s21+$0x11010]  }
0x64f: {  	[tilespmem:s22+$0xB0] =	vst.add.f32.msk $0xffff, v6  }
0x650: {  	[tilespmem:s22+$0x300] =	vst.add.f32.msk $0xffff, v4  }
0x651: {  	v4 =	vld [tilespmem:s18+$0x11010]  }
0x652: {  	[tilespmem:s22+$0xFFFFFCB0] =	vst.add.f32.msk $0xffff, v3  }
0x653: {  	(v2sf) =	vpush v2, $0xA;
	v6 =	vld [tilespmem:s25+$0x11000]  }
0x654: {  	v3 =	vld [tilespmem:s24+$0x11000]  }
0x655: {  	[tilespmem:s22+$0xFFFFFEB0] =	vst.add.f32.msk $0xffff, v5  }
0x656: {  	s28 =	spop (v2sf);
	[tilespmem:s22+$0x310] =	vst.add.f32.msk $0xffff, v4  }
0x657: {  	v4 =	vld [tilespmem:s28+$0x11000]  }
0x658: {  	v5 =	vld [tilespmem:s15+$0x11000]  }
0x659: {  	[tilespmem:s22+$0xC0] =	vst.add.f32.msk $0xffff, v6  }
0x65a: {  	[tilespmem:s22+$0xFFFFFCC0] =	vst.add.f32.msk $0xffff, v3  }
0x65b: {  	v6 =	vld [tilespmem:s25+$0x11010]  }
0x65c: {  	[tilespmem:s22+$0x320] =	vst.add.f32.msk $0xffff, v4  }
0x65d: {  	v4 =	vld [tilespmem:s28+$0x11010]  }
0x65e: {  	[tilespmem:s22+$0xFFFFFEC0] =	vst.add.f32.msk $0xffff, v5  }
0x65f: {  	(v2sf) =	vpush v2, $0xB;
	v3 =	vld [tilespmem:s24+$0x11010]  }
0x660: {  	v5 =	vld [tilespmem:s15+$0x11010]  }
0x661: {  	[tilespmem:s22+$0xD0] =	vst.add.f32.msk $0xffff, v6  }
0x662: {  	s29 =	spop (v2sf);
	[tilespmem:s22+$0x330] =	vst.add.f32.msk $0xffff, v4  }
0x663: {  	v4 =	vld [tilespmem:s29+$0x11000]  }
0x664: {  	[tilespmem:s22+$0xFFFFFCD0] =	vst.add.f32.msk $0xffff, v3  }
0x665: {  	v6 =	vld [tilespmem:s3+$0x11000]  }
0x666: {  	v3 =	vld [tilespmem:s23+$0x11000]  }
0x667: {  	[tilespmem:s22+$0xFFFFFED0] =	vst.add.f32.msk $0xffff, v5  }
0x668: {  	[tilespmem:s22+$0x340] =	vst.add.f32.msk $0xffff, v4  }
0x669: {  	v4 =	vld [tilespmem:s29+$0x11010]  }
0x66a: {  	v5 =	vld [tilespmem:s4+$0x11000]  }
0x66b: {  	(v2sf) =	vpush v2, $0xC;
	[tilespmem:s22+$0xE0] =	vst.add.f32.msk $0xffff, v6  }
0x66c: {  	[tilespmem:s22+$0xFFFFFCE0] =	vst.add.f32.msk $0xffff, v3  }
0x66d: {  	v6 =	vld [tilespmem:s3+$0x11010]  }
0x66e: {  	s30 =	spop (v2sf);
	[tilespmem:s22+$0x350] =	vst.add.f32.msk $0xffff, v4  }
0x66f: {  	v4 =	vld [tilespmem:s30+$0x11000]  }
0x670: {  	[tilespmem:s22+$0xFFFFFEE0] =	vst.add.f32.msk $0xffff, v5  }
0x671: {  	v3 =	vld [tilespmem:s23+$0x11010]  }
0x672: {  	v5 =	vld [tilespmem:s4+$0x11010]  }
0x673: {  	[tilespmem:s22+$0xF0] =	vst.add.f32.msk $0xffff, v6  }
0x674: {  	[tilespmem:s22+$0x360] =	vst.add.f32.msk $0xffff, v4  }
0x675: {  	v4 =	vld [tilespmem:s30+$0x11010]  }
0x676: {  	[tilespmem:s22+$0xFFFFFCF0] =	vst.add.f32.msk $0xffff, v3  }
0x677: {  	(v2sf) =	vpush v2, $0xD;
	v6 =	vld [tilespmem:s16+$0x11000]  }
0x678: {  	v3 =	vld [tilespmem:s10+$0x11000]  }
0x679: {  	[tilespmem:s22+$0xFFFFFEF0] =	vst.add.f32.msk $0xffff, v5  }
0x67a: {  	s5 =	spop (v2sf);
	[tilespmem:s22+$0x370] =	vst.add.f32.msk $0xffff, v4  }
0x67b: {  	v4 =	vld [tilespmem:s5+$0x11000]  }
0x67c: {  	v5 =	vld [tilespmem:s2+$0x11000]  }
0x67d: {  	[tilespmem:s22+$0x100] =	vst.add.f32.msk $0xffff, v6  }
0x67e: {  	[tilespmem:s22+$0xFFFFFD00] =	vst.add.f32.msk $0xffff, v3  }
0x67f: {  	v6 =	vld [tilespmem:s16+$0x11010]  }
0x680: {  	[tilespmem:s22+$0x380] =	vst.add.f32.msk $0xffff, v4  }
0x681: {  	v4 =	vld [tilespmem:s5+$0x11010]  }
0x682: {  	[tilespmem:s22+$0xFFFFFF00] =	vst.add.f32.msk $0xffff, v5  }
0x683: {  	(v2sf) =	vpush v2, $0xE;
	v3 =	vld [tilespmem:s10+$0x11010]  }
0x684: {  	v5 =	vld [tilespmem:s2+$0x11010]  }
0x685: {  	[tilespmem:s22+$0x110] =	vst.add.f32.msk $0xffff, v6  }
0x686: {  	[smem:$0x7C3] =	sst s6;
	s6 =	spop (v2sf);
	[tilespmem:s22+$0x390] =	vst.add.f32.msk $0xffff, v4  }
0x687: {  	v4 =	vld [tilespmem:s6+$0x11000]  }
0x688: {  	[tilespmem:s22+$0xFFFFFD10] =	vst.add.f32.msk $0xffff, v3  }
0x689: {  	v3 =	vld [tilespmem:s20+$0x11000]  }
0x68a: {  	[tilespmem:s22+$0xFFFFFF10] =	vst.add.f32.msk $0xffff, v5  }
0x68b: {  	v5 =	vld [tilespmem:s8+$0x11000]  }
0x68c: {  	[tilespmem:s22+$0x3A0] =	vst.add.f32.msk $0xffff, v4  }
0x68d: {  	v4 =	vld [tilespmem:s6+$0x11010];
	_ =	sdelay $0x1  }
0x68e: {  	(v2sf) =	vpush v2, $0xF;
	v2 =	vld [tilespmem:s17+$0x11000]  }
0x68f: {  	[tilespmem:s22+$0xFFFFFD20] =	vst.add.f32.msk $0xffff, v3  }
0x690: {  	[tilespmem:s22+$0x120] =	vst.add.f32.msk $0xffff, v5  }
0x691: {  	s7 =	spop (v2sf);
	[tilespmem:s22+$0x3B0] =	vst.add.f32.msk $0xffff, v4  }
0x692: {  	v4 =	vld [tilespmem:s7+$0x11000]  }
0x693: {  	[tilespmem:s22+$0xFFFFFF20] =	vst.add.f32.msk $0xffff, v2  }
0x694: {  	v2 =	vld [tilespmem:s20+$0x11010]  }
0x695: {  	v5 =	vld [tilespmem:s8+$0x11010];
	_ =	sdelay $0x1  }
0x696: {  	[tilespmem:s22+$0x3C0] =	vst.add.f32.msk $0xffff, v4  }
0x697: {  	s8 =	sld [smem:$0x7C0];
	v3 =	vld [tilespmem:s7+$0x11010]  }
0x698: {  	[tilespmem:s22+$0xFFFFFD30] =	vst.add.f32.msk $0xffff, v2  }
0x699: {  	[tilespmem:s22+$0x130] =	vst.add.f32.msk $0xffff, v5  }
0x69a: {  	v2 =	vld [tilespmem:s8+$0x11000]  }
0x69b: {  	v4 =	vld [tilespmem:s17+$0x11010]  }
0x69c: {  	s9 =	spop (v2sf);
	[tilespmem:s22+$0x3D0] =	vst.add.f32.msk $0xffff, v3  }
0x69d: {  	v3 =	vld [tilespmem:s9+$0x11000]  }
0x69e: {  	s10 =	sld [smem:$0x7C1];
	v5 =	vld [tilespmem:s11+$0x11000]  }
0x69f: {  	[tilespmem:s22+$0xFFFFFD40] =	vst.add.f32.msk $0xffff, v2  }
0x6a0: {  	[tilespmem:s22+$0xFFFFFF30] =	vst.add.f32.msk $0xffff, v4  }
0x6a1: {  	v4 =	vld [tilespmem:s10+$0x11000]  }
0x6a2: {  	[tilespmem:s22+$0x3E0] =	vst.add.f32.msk $0xffff, v3  }
0x6a3: {  	v3 =	vld [tilespmem:s9+$0x11010]  }
0x6a4: {  	[tilespmem:s22+$0x140] =	vst.add.f32.msk $0xffff, v5  }
0x6a5: {  	v2 =	vld [tilespmem:s8+$0x11010]  }
0x6a6: {  	[tilespmem:s22+$0xFFFFFF40] =	vst.add.f32.msk $0xffff, v4  }
0x6a7: {  	v4 =	vld [tilespmem:s11+$0x11010]  }
0x6a8: {  	[tilespmem:s22+$0x3F0] =	vst.add.f32.msk $0xffff, v3  }
0x6a9: {  	s14 =	sld [smem:$0x7C2];
	v3 =	vld [tilespmem:s10+$0x11010]  }
0x6aa: {  	s0 =	rddreg [dreg:$0xc];
	[tilespmem:s22+$0xFFFFFD50] =	vst.add.f32.msk $0xffff, v2  }
0x6ab: {  	[tilespmem:s0+$0xFFFFFFE0] =	vst.add.f32.msk $0xffff, v1  }
0x6ac: {  	v1 =	vld [tilespmem:s14+$0x11000]  }
0x6ad: {  	[tilespmem:s22+$0x150] =	vst.add.f32.msk $0xffff, v4  }
0x6ae: {  	s16 =	rddreg [dreg:$0x1c];
	[tilespmem:s22+$0xFFFFFF50] =	vst.add.f32.msk $0xffff, v3  }
0x6af: {  	s15 =	rddreg [dreg:$0x1a];
	v3 =	vld [tilespmem:s16+$0x11000]  }
0x6b0: {  	v2 =	vld [tilespmem:s15+$0x11000]  }
0x6b1: {  	[tilespmem:s22+$0xFFFFFD60] =	vst.add.f32.msk $0xffff, v1  }
0x6b2: {  	[tilespmem:s0+$0x1E0] =	vst.add.f32.msk $0xffff, v0  }
0x6b3: {  	v1 =	vld [tilespmem:s14+$0x11010]  }
0x6b4: {  	[tilespmem:s22+$0x160] =	vst.add.f32.msk $0xffff, v3  }
0x6b5: {  	[tilespmem:s22+$0xFFFFFF60] =	vst.add.f32.msk $0xffff, v2  }
0x6b6: {  	v2 =	vld [tilespmem:s16+$0x11010]  }
0x6b7: {  	v0 =	vld [tilespmem:s15+$0x11010]  }
0x6b8: {  	s17 =	rddreg [dreg:$0x18];
	[tilespmem:s22+$0xFFFFFD70] =	vst.add.f32.msk $0xffff, v1  }
0x6b9: {  	s18 =	rddreg [dreg:$0xa];
	v1 =	vld [tilespmem:s17+$0x11000]  }
0x6ba: {  	v3 =	vld [tilespmem:s18+$0x11010]  }
0x6bb: {  	[tilespmem:s22+$0x170] =	vst.add.f32.msk $0xffff, v2  }
0x6bc: {  	s23 =	rddreg [dreg:$0x16];
	[tilespmem:s22+$0xFFFFFF70] =	vst.add.f32.msk $0xffff, v0  }
0x6bd: {  	s21 =	rddreg [dreg:$0x14];
	v2 =	vld [tilespmem:s23+$0x11000]  }
0x6be: {  	v0 =	vld [tilespmem:s21+$0x11000]  }
0x6bf: {  	[tilespmem:s22+$0xFFFFFD80] =	vst.add.f32.msk $0xffff, v1  }
0x6c0: {  	s24 =	rddreg [dreg:$0x8];
	v1 =	vld [tilespmem:s17+$0x11010]  }
0x6c1: {  	v6 =	vld [tilespmem:s24+$0x11010]  }
0x6c2: {  	[tilespmem:s22+$0x180] =	vst.add.f32.msk $0xffff, v2  }
0x6c3: {  	[tilespmem:s22+$0xFFFFFF80] =	vst.add.f32.msk $0xffff, v0  }
0x6c4: {  	v2 =	vld [tilespmem:s23+$0x11010]  }
0x6c5: {  	v0 =	vld [tilespmem:s21+$0x11010]  }
0x6c6: {  	s28 =	rddreg [dreg:$0x6];
	[tilespmem:s22+$0xFFFFFD90] =	vst.add.f32.msk $0xffff, v1  }
0x6c7: {  	s26 =	rddreg [dreg:$0x12];
	v1 =	vld [tilespmem:s28+$0x11010]  }
0x6c8: {  	v4 =	vld [tilespmem:s26+$0x11000]  }
0x6c9: {  	[tilespmem:s22+$0x190] =	vst.add.f32.msk $0xffff, v2  }
0x6ca: {  	s30 =	rddreg [dreg:$0x10];
	[tilespmem:s22+$0xFFFFFF90] =	vst.add.f32.msk $0xffff, v0  }
0x6cb: {  	s29 =	rddreg [dreg:$0xe];
	v2 =	vld [tilespmem:s30+$0x11000]  }
0x6cc: {  	v0 =	vld [tilespmem:s29+$0x11000]  }
0x6cd: {  	[tilespmem:s22+$0xFFFFFDA0] =	vst.add.f32.msk $0xffff, v4  }
0x6ce: {  	v4 =	vld [tilespmem:s26+$0x11010]  }
0x6cf: {  	s13 =	sadd.s32 $0x4, s13;
	[tilespmem:s0+$0xFFFFFDF0] =	vst.add.f32.msk $0xffff, v3  }
0x6d0: {  	p0 =	slt.u32 s13, $0x3C;
	[tilespmem:s22+$0x1A0] =	vst.add.f32.msk $0xffff, v2  }
.Ltmp1:
0x6d1: {  	[tilespmem:s22+$0xFFFFFFA0] =	vst.add.f32.msk $0xffff, v0;
	(pc) =	sbr.rel @p0 .LBB2_5-.Ltmp1, $4  }
0x6d2: {  	s20 =	sld [smem:$0x7C3];
	v3 =	vld [tilespmem:s30+$0x11010]  }
0x6d3: {  	[tilespmem:s22+$0xFFFFFDB0] =	vst.add.f32.msk $0xffff, v4  }
0x6d4: {  	s31 =	sadd.s32 $0x40, s31;
	s25 =	rddreg [dreg:$0x1e];
	s4 =	smov.u32 s1;
	v2 =	vld [tilespmem:s29+$0x11010]  }
0x6d5: {  	s3 =	smov.u32 s12;
	s2 =	smov.u32 s25;
	s1 =	smov.u32 s20;
	v0 =	vld [tilespmem:s4+$0x11000]  }
0x6d6: {  	_ =	sdelay $0x1  }
0x6d7: {  	[tilespmem:s22+$0x1B0] =	vst.add.f32.msk $0xffff, v3  }
0x6d8: {  	[tilespmem:s22+$0xFFFFFFB0] =	vst.add.f32.msk $0xffff, v2  }
0x6d9: {  	v2 =	vld [tilespmem:s19+$0x11000];
	s5 =	rddreg [dreg:$0x4]  }
0x6da: {  	v3 =	vld [tilespmem:s5+$0x11000];
	_ =	sdelay $0x1  }
0x6db: {  	[tilespmem:s22+$0xFFFFFDC0] =	vst.add.f32.msk $0xffff, v0  }
0x6dc: {  	v0 =	vld [tilespmem:s4+$0x11010]  }
0x6dd: {  	[tilespmem:s22+$0xFFFFFFC0] =	vst.add.f32.msk $0xffff, v2  }
0x6de: {  	[tilespmem:s22+$0x1C0] =	vst.add.f32.msk $0xffff, v3  }
0x6df: {  	v2 =	vld [tilespmem:s19+$0x11010]  }
0x6e0: {  	v3 =	vld [tilespmem:s5+$0x11010];
	_ =	sdelay $0x1  }
0x6e1: {  	[tilespmem:s22+$0xFFFFFDD0] =	vst.add.f32.msk $0xffff, v0  }
0x6e2: {  	v0 =	vld [tilespmem:s1+$0x11000]  }
0x6e3: {  	[tilespmem:s22+$0xFFFFFFD0] =	vst.add.f32.msk $0xffff, v2  }
0x6e4: {  	[tilespmem:s22+$0x1D0] =	vst.add.f32.msk $0xffff, v3  }
0x6e5: {  	v2 =	vld [tilespmem:s2+$0x11000]  }
0x6e6: {  	v3 =	vld [tilespmem:s3+$0x11000];
	_ =	sdelay $0x1  }
0x6e7: {  	[tilespmem:s22+$0xFFFFFDE0] =	vst.add.f32.msk $0xffff, v0  }
0x6e8: {  	v0 =	vld [tilespmem:s1+$0x11010]  }
0x6e9: {  	[tilespmem:s22+$0xFFFFFFE0] =	vst.add.f32.msk $0xffff, v2  }
0x6ea: {  	[tilespmem:s22+$0x1E0] =	vst.add.f32.msk $0xffff, v3  }
0x6eb: {  	v2 =	vld [tilespmem:s2+$0x11010]  }
0x6ec: {  	v3 =	vld [tilespmem:s3+$0x11010]  }
0x6ed: {  	[tilespmem:s0+$0xFFFFFFF0] =	vst.add.f32.msk $0xffff, v6  }
0x6ee: {  	[tilespmem:s0+$0x1F0] =	vst.add.f32.msk $0xffff, v1  }
0x6ef: {  	s0 =	sld [smem:$0x7C4];
	[tilespmem:s22+$0xFFFFFDF0] =	vst.add.f32.msk $0xffff, v0  }
0x6f0: {  	s26 =	sld [smem:$0x7FA];
	[tilespmem:s22+$0xFFFFFFF0] =	vst.add.f32.msk $0xffff, v2  }
0x6f1: {  	[tilespmem:s22+$0x1F0] =	vst.add.f32.msk $0xffff, v3  }
0x6f2: {  	s28 =	sld [smem:$0x7F5]  }
0x6f3: {  	s0 =	sshll.u32 s0, $0xF;
	s4 =	sld [smem:$0x7F3]  }
0x6f4: {  	s0 =	sadd.s32 s26, s0  }
0x6f5: {  	s29 =	simm.s32 $0x0;
	s30 =	simm.s32 $0x9000;
	s0 =	sshrl.u32 s0, $0x3  }
0x6f6: {  	s1 =	sld [smem:$0x7FC];
	s0 =	sadd.s32 s28, s0;
	p0 =	seq.s32 s4, $0x31  }
0x6f7: {  	[hbm4b:s0+s29] =	stream.linear.scatter [tilespmem:s30], [sflag:$0x4], $0x8000, $0x38;
	[tilespmem:$0x12900] =	vst v63  }
0x6f8: {  	s0 =	sshll.u32 @!p0 s4, $0xB  }
0x6f9: {  	s0 =	sadd.s32 @!p0 s0, s1;
	s1 =	sld [smem:$0x7F6];
	_ =	sdelay $0x1  }
0x6fa: {  	s0 =	sshrl.u32 @!p0 s0, $0x3  }
0x6fb: {  	s2 =	simm.s32 @!p0 $0x0;
	s1 =	sadd.s32 @!p0 s1, s0  }
0x6fc: {  	[tilespmem:s2], [sflag:$0x5] =	stream.linear.gather @!p0 [hbm4b:s1+s2], $0x400, $0x38;
	[tilespmem:$0x12900] =	vst v63  }
0x6fd: {  	s1 =	simm.s32 @!p0 $0x5  }
0x6fe: {  	_ =	swait.ge @!p0 [sflag:s1], $0x400  }
0x6ff: {  	s3 =	sld [smem:$0x7F8];
	_ =	sdelay $0x1  }
0x700: {  	[sflag:s1] =	ssyncset.done @!p0 $0x0  }
0x701: {  	[sflag:s1] =	ssyncadd.s32 @!p0 $0xFFFFFC00;
	s0 =	sadd.s32 @!p0 s3, s0;
	s3 =	simm.s32 @!p0 $0x800  }
0x702: {  	[tilespmem:s3], [sflag:$0x5] =	stream.linear.gather @!p0 [hbm4b:s0+s2], $0x400, $0x38;
	[tilespmem:$0x12900] =	vst v63  }
0x703: {  	_ =	swait.ge @!p0 [sflag:s1], $0x400  }
0x704: {  	[sflag:s1] =	ssyncset.done @!p0 $0x0  }
0x705: {  	[sflag:s1] =	ssyncadd.s32 @!p0 $0xFFFFFC00  }
0x706: {  	s0 =	simm.s32 @!p0 $0x80;
	s1 =	simm.s32 @!p0 $0x1000;
	s3 =	rddreg [dreg:$0x1]  }
0x707: {  	[tilespmem:s1], [sflag:$0x1] =	stream.indirect.gather @!p0 [hbm4b:s3+s0], $0x20, s2, s0, $0xb8;
	[tilespmem:$0x12900] =	vst v63  }
0x708: {  	s1 =	simm.s32 @!p0 $0x2000  }
0x709: {  	[tilespmem:s1], [sflag:$0x1] =	stream.indirect.gather @!p0 [hbm4b:s3+s0], $0x20, s0, s0, $0xb8;
	[tilespmem:$0x12900] =	vst v63  }
0x70a: {  	s2 =	simm.s32 @!p0 $0x3000;
	s1 =	simm.s32 @!p0 $0x100  }
0x70b: {  	[tilespmem:s2], [sflag:$0x1] =	stream.indirect.gather @!p0 [hbm4b:s3+s0], $0x20, s1, s0, $0xb8;
	[tilespmem:$0x12900] =	vst v63  }
0x70c: {  	s1 =	simm.s32 @!p0 $0x180;
	s2 =	simm.s32 @!p0 $0x4000  }
0x70d: {  	[tilespmem:s2], [sflag:$0x1] =	stream.indirect.gather @!p0 [hbm4b:s3+s0], $0x20, s1, s0, $0xb8;
	[tilespmem:$0x12900] =	vst v63  }
0x70e: {  	s1 =	simm.s32 @!p0 $0x200;
	s2 =	simm.s32 @!p0 $0x5000  }
0x70f: {  	[tilespmem:s2], [sflag:$0x1] =	stream.indirect.gather @!p0 [hbm4b:s3+s0], $0x20, s1, s0, $0xb8;
	[tilespmem:$0x12900] =	vst v63  }
0x710: {  	s1 =	simm.s32 @!p0 $0x280;
	s2 =	simm.s32 @!p0 $0x6000  }
0x711: {  	[tilespmem:s2], [sflag:$0x1] =	stream.indirect.gather @!p0 [hbm4b:s3+s0], $0x20, s1, s0, $0xb8;
	[tilespmem:$0x12900] =	vst v63  }
0x712: {  	s1 =	simm.s32 @!p0 $0x300;
	s2 =	simm.s32 @!p0 $0x7000  }
0x713: {  	[tilespmem:s2], [sflag:$0x1] =	stream.indirect.gather @!p0 [hbm4b:s3+s0], $0x20, s1, s0, $0xb8;
	[tilespmem:$0x12900] =	vst v63  }
0x714: {  	s4 =	sadd.s32 $0x1, s4;
	s1 =	simm.s32 @!p0 $0x380;
	s2 =	simm.s32 @!p0 $0x8000  }
0x715: {  	[tilespmem:s2], [sflag:$0x1] =	stream.indirect.gather @!p0 [hbm4b:s3+s0], $0x20, s1, s0, $0xb8;
	[tilespmem:$0x12900] =	vst v63  }
0x716: {  	p0 =	sne.s32 s4, $0x32  }
.Ltmp2:
0x717: {  	_ = 	snop;
	(pc) =	sbr.rel @p0 .LBB2_2-.Ltmp2, $4  }
0x718: {  	s31 =	simm.s32 $0x3  }
0x719: {  	_ =	swait.ge [sflag:s31], $0x8000  }
0x71a: {  	[sflag:s31] =	ssyncset.done $0x0  }
0x71b: {  	[smem:$0x7F3] =	sst s4;
	[sflag:s31] =	ssyncadd.s32 $0xFFFF8000  }
0x71c: {  	s1 =	simm.s32 $0x4  }
0x71d: {  	_ =	swait.ge [sflag:s1], $0x8000  }
0x71e: {  	s2 =	sld [smem:$0x7F2]  }
0x71f: {  	s0 =	sld [smem:$0x7FD];
	_ =	sdelay $0x1  }
0x720: {  	s2 =	sadd.s32 $0x1, s2  }
0x721: {  	p0 =	sne.s32 s2, s0  }
.Ltmp3:
0x722: {  	_ = 	snop;
	(pc) =	sbr.rel @p0 .LBB2_1-.Ltmp3, $3  }
0x723: {  	_ =	sdelay $0x1  }
0x724: {  	[sflag:s1] =	ssyncset.done $0x0  }
0x725: {  	[sflag:s1] =	ssyncadd.s32 $0xFFFF8000  }
0x726: {  	_ =	sfence.sel $0x180000  }
0x727: {  	[bflag:$0x0] =	sbarrier.arrive $0xFFFF  }
0x728: {  	_ =	strace $0x90000047  }
0x729: {  	s0 =	stileid.u32;
	[bflag:$0x2] =	sbarrier.arrive $0xFFFF  }
0x72a: {  	p0 =	sne.s32 s0, $0x0;
	s0 =	rddreg [dreg:$0x2]  }
0x72b: {  	s0 =	sadd.s32 @!p0 $0x100000, s0  }
0x72c: {  	[sflag:s0] =	ssyncadd.tile.s32 @!p0 $0x1;
	_ =	shalt  }
.Lfunc_end2:
_tile_overlayer_lowered:
.L_overlay_start_2:
0x72d: {  	(tag) =	ssettag $0x2  }
0x72e: {  	s0 =	rddreg [dreg:$0x0];
	s2 =	stileid.u32  }
0x72f: {  	s1 =	rddreg [dreg:$0x1];
	p0 =	sne.s32 s2, $0x0  }
0x730: {  	s3 =	rddreg [dreg:$0x2];
	[bflag:$0x3] =	sbarrier.arrive $0xFFFF;
	s2 =	simm.s32 @!p0 $0x1C05  }
0x731: {  	[timem:s3], [sflag:s2] =	dma.local @!p0 [hbm:s0], s1  }
0x732: {  	s0 =	simm.s32 @!p0 $0x5  }
0x733: {  	_ =	swait.ge @!p0 [sflag:s0], s1  }
0x734: {  	s1 =	ssub.s32 @!p0 $0x0, s1;
	[sflag:s0] =	ssyncset.done @!p0 $0x0  }
0x735: {  	[sflag:s0] =	ssyncadd.s32 @!p0 s1  }
0x736: {  	[bflag:$0x3] =	sbarrier.arrive $0xFFFF  }
0x737: {  	_ =	shalt  }

</sc_bundles>
